<compile_context>
chip_gen: v7x
topology: tpu7x:2x2x1
jax: 0.10.2.dev20260603
libtpu: 0.0.44.dev20260713+nightly
codegen_flags: <defaults>
</compile_context>

<pallas_src>
import functools

import jax
import jax.numpy as jnp
from jax import lax
from jax.experimental import pallas as pl
from jax.experimental.pallas import tpu as pltpu
from jax.experimental.pallas import tpu_sc as plsc

_NCLS = 21
_B, _P, _NO = 32, 8732, 8
_PPAD = 9216
_S, _L = 8, 1152
_TH = 0.5
_V0, _V1 = 0.1, 0.2
_NEGPOS = 3
_MAXBITS = 0x7F7FFFFF
_NC = 2
_DB = 4


def _one_batch(db, tgt_ref, loc_ref, conf_ref,
               cx, cy, pw, ph, px1, py1, px2, py2, area_p, pg):
    tx1 = [tgt_ref[db, t, 0] for t in range(_NO)]
    ty1 = [tgt_ref[db, t, 1] for t in range(_NO)]
    tx2 = [tgt_ref[db, t, 2] for t in range(_NO)]
    ty2 = [tgt_ref[db, t, 3] for t in range(_NO)]
    tlb = [tgt_ref[db, t, 4] for t in range(_NO)]

    bto = jnp.full((_S, _L), -1.0, dtype=jnp.float32)
    bti = jnp.zeros((_S, _L), dtype=jnp.int32)
    bpi = []
    for t in range(_NO):
        ix1 = jnp.maximum(tx1[t], px1)
        iy1 = jnp.maximum(ty1[t], py1)
        ix2 = jnp.minimum(tx2[t], px2)
        iy2 = jnp.minimum(ty2[t], py2)
        iw = jnp.maximum(ix2 - ix1, 0.0)
        ih = jnp.maximum(iy2 - iy1, 0.0)
        inter = iw * ih
        area_t = (tx2[t] - tx1[t]) * (ty2[t] - ty1[t])
        ov = inter / (area_t + area_p - inter)
        upd = ov > bto
        bti = jnp.where(upd, t, bti)
        bto = jnp.where(upd, ov, bto)
        m = jnp.max(ov)
        bpi.append(jnp.min(jnp.where(ov == m, pg, _PPAD)))

    for t in range(_NO):
        msk = pg == bpi[t]
        bto = jnp.where(msk, 2.0, bto)
        bti = jnp.where(msk, t, bti)

    mx1 = jnp.zeros((_S, _L), jnp.float32)
    my1 = jnp.zeros((_S, _L), jnp.float32)
    mx2 = jnp.zeros((_S, _L), jnp.float32)
    my2 = jnp.zeros((_S, _L), jnp.float32)
    mlb = jnp.zeros((_S, _L), jnp.float32)
    for t in range(_NO):
        sel = bti == t
        mx1 = jnp.where(sel, tx1[t], mx1)
        my1 = jnp.where(sel, ty1[t], my1)
        mx2 = jnp.where(sel, tx2[t], mx2)
        my2 = jnp.where(sel, ty2[t], my2)
        mlb = jnp.where(sel, tlb[t], mlb)

    conf_t = (mlb + 1.0).astype(jnp.int32)
    conf_t = jnp.where(bto < _TH, 0, conf_t)
    pos = conf_t > 0
    posf = pos.astype(jnp.float32)

    g0 = ((mx1 + mx2) * 0.5 - cx) / (_V0 * pw)
    g1 = ((my1 + my2) * 0.5 - cy) / (_V0 * ph)
    g2 = jnp.log((mx2 - mx1) / pw) / _V1
    g3 = jnp.log((my2 - my1) / ph) / _V1
    ll = jnp.float32(0.0)
    for i, g in enumerate((g0, g1, g2, g3)):
        d = loc_ref[db, i] - g
        ad = jnp.abs(d)
        sl1 = jnp.where(ad < 1.0, 0.5 * d * d, ad - 0.5)
        ll = ll + jnp.sum(sl1 * posf)

    x = conf_ref[db]
    s = jnp.sum(jnp.exp(x), axis=0)
    lse = jnp.log(s)
    x0 = x[0]
    valid = pg < _P
    rk = jnp.where(pos | ~valid, 0.0, lse - x0)

    pos_gather = jnp.zeros((_S, _L), jnp.float32)
    for t in range(_NO):
        ct_t = (tlb[t] + 1.0).astype(jnp.int32)
        x_t = conf_ref[db, ct_t]
        pos_gather = jnp.where(pos & (bti == t), x_t, pos_gather)
    pos_r = jnp.sum(jnp.where(pos, lse, 0.0) - pos_gather)

    num_pos = jnp.sum(conf_t > 0, dtype=jnp.int32)
    k = jnp.minimum(_NEGPOS * num_pos, _P - 1)
    return rk, k, ll, pos_r, num_pos


def _mb_kernel(tgt_ref, pri_ref, loc_ref, conf_ref,
               psum_ref, rko_ref, kko_ref,
               ll_ref, pr_ref, np_ref):
    g = pl.program_id(0)

    cx = pri_ref[0]
    cy = pri_ref[1]
    pw = pri_ref[2]
    ph = pri_ref[3]
    px1 = cx - pw * 0.5
    py1 = cy - ph * 0.5
    px2 = cx + pw * 0.5
    py2 = cy + ph * 0.5
    area_p = (px2 - px1) * (py2 - py1)

    pg = (lax.broadcasted_iota(jnp.int32, (_S, _L), 0) * _L
          + lax.broadcasted_iota(jnp.int32, (_S, _L), 1))

    for db in range(_DB):
        rk, k, ll, pos_r, num_pos = _one_batch(
            db, tgt_ref, loc_ref, conf_ref,
            cx, cy, pw, ph, px1, py1, px2, py2, area_p, pg)
        b = g * _DB + db
        rko_ref[db] = rk
        kko_ref[db] = jnp.full((1, 16), k.astype(jnp.float32), jnp.float32)
        ll_ref[pl.ds(b, 1), :] = jnp.full((1, 1), ll, jnp.float32)
        pr_ref[pl.ds(b, 1), :] = jnp.full((1, 1), pos_r, jnp.float32)
        np_ref[pl.ds(b, 1), :] = jnp.full((1, 1), num_pos, jnp.int32)

    @pl.when(g == _B // _DB - 1)
    def _():
        psum_ref[0, 0] = jnp.sum(ll_ref[...])
        psum_ref[0, 1] = jnp.sum(pr_ref[...])
        psum_ref[0, 2] = jnp.sum(np_ref[...].astype(jnp.float32))


def _run_tc(loc, conf, pri, targets, interpret=False):
    return pl.pallas_call(
        _mb_kernel,
        grid=(_B // _DB,),
        in_specs=[
            pl.BlockSpec((_DB, _NO, 5), lambda b: (b, 0, 0),
                         memory_space=pltpu.SMEM),
            pl.BlockSpec((4, _S, _L), lambda b: (0, 0, 0)),
            pl.BlockSpec((_DB, 4, _S, _L), lambda b: (b, 0, 0, 0)),
            pl.BlockSpec((_DB, _NCLS, _S, _L), lambda b: (b, 0, 0, 0)),
        ],
        out_specs=[
            pl.BlockSpec((1, 3), lambda b: (0, 0), memory_space=pltpu.SMEM),
            pl.BlockSpec((_DB, _S, _L), lambda b: (b, 0, 0)),
            pl.BlockSpec((_DB, 1, 16), lambda b: (b, 0, 0)),
        ],
        out_shape=[
            jax.ShapeDtypeStruct((1, 3), jnp.float32),
            jax.ShapeDtypeStruct((_B, _S, _L), jnp.float32),
            jax.ShapeDtypeStruct((_B, 1, 16), jnp.float32),
        ],
        scratch_shapes=[
            pltpu.VMEM((_B, 1), jnp.float32),
            pltpu.VMEM((_B, 1), jnp.float32),
            pltpu.VMEM((_B, 1), jnp.int32),
        ],
        interpret=interpret,
    )(targets, pri, loc, conf)


def _run_sc(rk2, kk):
    mesh = plsc.VectorSubcoreMesh(core_axis_name="c", subcore_axis_name="s")

    @functools.partial(
        pl.kernel, mesh=mesh,
        out_type=jax.ShapeDtypeStruct((_B, 48), jnp.float32),
        scratch_types=[
            pltpu.VMEM((_PPAD,), jnp.float32),
            pltpu.VMEM((16,), jnp.float32),
            pltpu.VMEM((48,), jnp.float32),
            pltpu.VMEM((32,), jnp.int32),
        ],
    )
    def sel(rk_hbm, kk_hbm, out_hbm, row_v, kv_v, res_v, tmp_v):
        w = lax.axis_index("s") * _NC + lax.axis_index("c")
        pltpu.sync_copy(rk_hbm.at[w], row_v)
        pltpu.sync_copy(kk_hbm.at[w], kv_v)
        kk_vi = kv_v[...].astype(jnp.int32)

        def lanesum(vec):
            for stride in (1, 2, 4, 8):
                tmp_v[pl.ds(0, 16)] = vec
                tmp_v[pl.ds(16, 16)] = vec
                vec = vec + tmp_v[pl.ds(stride, 16)]
            return vec

        def cnt_ge(mid):
            def step(i, acc):
                v = lax.bitcast_convert_type(row_v[pl.ds(i * 16, 16)],
                                             jnp.int32)
                return acc + jnp.where(v >= mid, 1, 0)
            acc = lax.fori_loop(0, _PPAD // 16, step,
                                jnp.zeros((16,), jnp.int32), unroll=8)
            return lanesum(acc)

        def bs(_, lohi):
            lo, hi = lohi
            mid = lo + lax.shift_right_logical(hi - lo + 1, 1)
            ok = cnt_ge(mid) >= kk_vi
            return (jnp.where(ok, mid, lo), jnp.where(ok, hi, mid - 1))

        lo, _hi = lax.fori_loop(0, 31, bs,
                                (jnp.zeros((16,), jnp.int32),
                                 jnp.full((16,), _MAXBITS, jnp.int32)))

        def fin(i, carry):
            sgt, cgt = carry
            vv = row_v[pl.ds(i * 16, 16)]
            v = lax.bitcast_convert_type(vv, jnp.int32)
            gt = v > lo
            return (sgt + jnp.where(gt, vv, 0.0),
                    cgt + jnp.where(gt, 1, 0))
        sgt, cgt = lax.fori_loop(0, _PPAD // 16, fin,
                                 (jnp.zeros((16,), jnp.float32),
                                  jnp.zeros((16,), jnp.int32)), unroll=8)

        tf = lax.bitcast_convert_type(lo, jnp.float32)
        tf = jnp.where(kk_vi > 0, tf, 0.0)
        res_v[pl.ds(0, 16)] = sgt
        res_v[pl.ds(16, 16)] = cgt.astype(jnp.float32)
        res_v[pl.ds(32, 16)] = tf
        pltpu.sync_copy(res_v, out_hbm.at[w])

    return sel(rk2, kk)


def _prep(mbd1_loc_data, mbd1_conf_data, priors):
    npad = _PPAD - _P
    pad_rows = jnp.tile(
        jnp.array([[-100.0, -100.0, 1.0, 1.0]], jnp.float32), (npad, 1))
    pri = jnp.concatenate([priors, pad_rows], axis=0)
    pri = pri.T.reshape(4, _S, _L)
    loc = jnp.pad(mbd1_loc_data, ((0, 0), (0, npad), (0, 0)))
    loc = jnp.transpose(loc, (0, 2, 1)).reshape(_B, 4, _S, _L)
    conf = jnp.pad(mbd1_conf_data, ((0, 0), (0, npad), (0, 0)))
    conf = jnp.transpose(conf, (0, 2, 1)).reshape(_B, _NCLS, _S, _L)
    return loc, conf, pri


def kernel(mbd1_loc_data, mbd1_conf_data, mbd2_loc_data, mbd2_conf_data,
           priors, targets):
    del mbd2_loc_data, mbd2_conf_data
    loc, conf, pri = _prep(mbd1_loc_data, mbd1_conf_data, priors)
    psum, rk, kk = _run_tc(loc, conf, pri, targets)
    sc = _run_sc(rk.reshape(_B, _PPAD), kk.reshape(_B, 16))
    k_row = kk.reshape(_B, 16)[:, 0]
    s_gt = jnp.sum(sc[:, 0:16], axis=1)
    cnt_gt = jnp.sum(sc[:, 16:32], axis=1)
    tf = sc[:, 32]
    extra = s_gt + (k_row - cnt_gt) * tf
    n_total = psum[0, 2]
    loss_l = psum[0, 0] / n_total
    loss_c = (psum[0, 1] + jnp.sum(extra)) / n_total
    return loss_l, loss_c

# --- scband reference (transcript-rebuilt; emitter-appended) ---
"""Pipeline reference for scband-dagnet-multi-box-loss-70085276336319 (READ-ONLY COPY).

The authoritative reference and input builder live on the scoring server;
editing this copy changes nothing except your own understanding.
"""

import jax, jax.numpy as jnp
import numpy as np

NUM_CLASSES = 21
THRESHOLD = 0.5
NEGPOS_RATIO = 3
VARIANCES = (0.1, 0.2)
B, P, NO = 32, 8732, 8


def _match_one(truths, labels, priors):
    p_pt = jnp.concatenate([priors[:, :2] - priors[:, 2:] / 2.0, priors[:, :2] + priors[:, 2:] / 2.0], axis=1)
    inter_min = jnp.maximum(truths[:, None, :2], p_pt[None, :, :2])
    inter_max = jnp.minimum(truths[:, None, 2:], p_pt[None, :, 2:])
    wh = jnp.clip(inter_max - inter_min, 0.0, None)
    inter = wh[..., 0] * wh[..., 1]
    area_t = (truths[:, 2] - truths[:, 0]) * (truths[:, 3] - truths[:, 1])
    area_p = (p_pt[:, 2] - p_pt[:, 0]) * (p_pt[:, 3] - p_pt[:, 1])
    overlaps = inter / (area_t[:, None] + area_p[None, :] - inter)
    best_prior_idx = jnp.argmax(overlaps, axis=1)
    best_truth_overlap = jnp.max(overlaps, axis=0)
    best_truth_idx = jnp.argmax(overlaps, axis=0)
    best_truth_overlap = best_truth_overlap.at[best_prior_idx].set(2.0)
    best_truth_idx = best_truth_idx.at[best_prior_idx].set(jnp.arange(truths.shape[0]))
    matches = truths[best_truth_idx]
    conf = (labels[best_truth_idx] + 1.0).astype(jnp.int32)
    conf = jnp.where(best_truth_overlap < THRESHOLD, 0, conf)
    g_cxcy = ((matches[:, :2] + matches[:, 2:]) / 2.0 - priors[:, :2]) / (VARIANCES[0] * priors[:, 2:])
    g_wh = jnp.log((matches[:, 2:] - matches[:, :2]) / priors[:, 2:]) / VARIANCES[1]
    return jnp.concatenate([g_cxcy, g_wh], axis=1), conf


def _forward(mbd1_loc_data, mbd1_conf_data, priors, targets):
    # use_mbd1=False -> loss computed on mbd1 branch
    loc_data, conf_data = mbd1_loc_data, mbd1_conf_data
    num = loc_data.shape[0]
    num_priors = loc_data.shape[1]
    pri = priors[:num_priors]
    loc_t, conf_t = jax.vmap(lambda t: _match_one(t[:, :4], t[:, 4], pri))(targets)
    loc_t = jax.lax.stop_gradient(loc_t)
    conf_t = jax.lax.stop_gradient(conf_t)
    pos = conf_t > 0
    # localization loss: smooth L1, sum over positive priors
    diff = loc_data - loc_t
    ad = jnp.abs(diff)
    sl1 = jnp.where(ad < 1.0, 0.5 * diff * diff, ad - 0.5)
    loss_l = jnp.sum(sl1 * pos[..., None].astype(loc_data.dtype))
    # hard negative mining ranking loss: log_sum_exp(x) - x[class]
    batch_conf = conf_data.reshape(-1, NUM_CLASSES)
    lse = jax.nn.logsumexp(batch_conf, axis=1)
    gathered = jnp.take_along_axis(batch_conf, conf_t.reshape(-1, 1), axis=1)[:, 0]
    loss_c_rank = jnp.where(pos.reshape(-1), 0.0, lse - gathered).reshape(num, -1)
    loss_idx = jnp.argsort(-loss_c_rank, axis=1)
    idx_rank = jnp.argsort(loss_idx, axis=1)
    num_pos = jnp.sum(pos.astype(jnp.int32), axis=1, keepdims=True)
    num_neg = jnp.clip(NEGPOS_RATIO * num_pos, None, num_priors - 1)
    neg = idx_rank < num_neg
    sel = jnp.logical_or(pos, neg)
    # confidence loss: cross entropy summed over pos+neg selected priors
    log_probs = jax.nn.log_softmax(conf_data, axis=2)
    ce = -jnp.take_along_axis(log_probs, conf_t[..., None], axis=2)[..., 0]
    loss_c = jnp.sum(ce * sel.astype(conf_data.dtype))
    N = jnp.sum(num_pos).astype(jnp.float32)
    return loss_l / N, loss_c / N


def setup_inputs(seed: int = 0):
    key = jax.random.key(seed)
    ks = jax.random.split(key, 8)
    mbd1_loc = 0.1 * jax.random.normal(ks[0], (B, P, 4), dtype=jnp.float32)
    mbd1_conf = jax.random.normal(ks[1], (B, P, NUM_CLASSES), dtype=jnp.float32)
    mbd2_loc = 0.1 * jax.random.normal(ks[2], (B, P, 4), dtype=jnp.float32)
    mbd2_conf = jax.random.normal(ks[3], (B, P, NUM_CLASSES), dtype=jnp.float32)
    cxcy = jax.random.uniform(ks[4], (P, 2), minval=0.05, maxval=0.95)
    pwh = jax.random.uniform(ks[5], (P, 2), minval=0.05, maxval=0.4)
    priors = jnp.concatenate([cxcy, pwh], axis=1).astype(jnp.float32)
    tc = jax.random.uniform(ks[6], (B, NO, 2), minval=0.2, maxval=0.8)
    tw = jax.random.uniform(ks[7], (B, NO, 2), minval=0.05, maxval=0.3)
    boxes = jnp.concatenate([tc - tw / 2.0, tc + tw / 2.0], axis=-1)
    labels = jax.random.randint(jax.random.fold_in(key, 99), (B, NO, 1), 0, NUM_CLASSES - 1).astype(jnp.float32)
    targets = jnp.concatenate([boxes, labels], axis=-1).astype(jnp.float32)
    return {"mbd1_loc_data": mbd1_loc, "mbd1_conf_data": mbd1_conf, "mbd2_loc_data": mbd2_loc, "mbd2_conf_data": mbd2_conf, "priors": priors, "targets": targets}


def reference(mbd1_loc_data, mbd1_conf_data, mbd2_loc_data, mbd2_conf_data, priors, targets):
    return _forward(mbd1_loc_data, mbd1_conf_data, priors, targets)

if __name__ == "__main__":
    import jax
    _d = setup_inputs()
    print(jax.jit(kernel)(*tuple(_d.values())))

</pallas_src>

<mosaic_0001>
#map = affine_map<(d0, d1) -> (0, 0)>
module attributes {stable_mosaic.version = 14 : i64} {
  func.func @sel(%arg0: i32, %arg1: i32, %arg2: memref<32x9216xf32, #tpu.memory_space<hbm>>, %arg3: memref<32x16xf32, #tpu.memory_space<hbm>>, %arg4: memref<32x48xf32, #tpu.memory_space<hbm>>, %arg5: memref<9216xf32, #tpu.memory_space<vmem>>, %arg6: memref<16xf32, #tpu.memory_space<vmem>>, %arg7: memref<48xf32, #tpu.memory_space<vmem>>, %arg8: memref<32xi32, #tpu.memory_space<vmem>>) attributes {dimension_semantics = [#tpu.dimension_semantics<core_parallel>, #tpu.dimension_semantics<subcore_parallel>], iteration_bounds = array<i64: 2, 16>, scalar_prefetch = 0 : i64, scratch_operands = 4 : i64, tpu.core_type = #tpu.core_type<sc_vector_subcore>, window_params = [{transform_indices = #map}, {transform_indices = #map}, {transform_indices = #map}]} {
    %mul3A = arith.constant 2 : i32
    %mul3A_0 = arith.muli %arg1, %mul3A : i32
    %add3A = arith.addi %mul3A_0, %arg0 : i32
    "tpu.region"() ({
      %run_scoped3A = tpu.sem_alloc : memref<!tpu.dma_semaphore, #tpu.memory_space<semaphore_mem>>
      %dma_start3A = arith.constant 0 : i32
      %dma_start3A_36 = tpu.memref_slice %arg2[%add3A, %dma_start3A] : memref<32x9216xf32, #tpu.memory_space<hbm>> -> memref<1x9216xf32, #tpu.memory_space<hbm>>
      %dma_start3A_37 = tpu.memref_squeeze %dma_start3A_36 : memref<1x9216xf32, #tpu.memory_space<hbm>> -> memref<9216xf32, #tpu.memory_space<hbm>>
      %dma_start3A_38 = arith.constant 0 : i32
      %dma_start3A_39 = tpu.memref_slice %arg2[%add3A, %dma_start3A_38] : memref<32x9216xf32, #tpu.memory_space<hbm>> -> memref<1x9216xf32, #tpu.memory_space<hbm>>
      %dma_start3A_40 = tpu.memref_squeeze %dma_start3A_39 : memref<1x9216xf32, #tpu.memory_space<hbm>> -> memref<9216xf32, #tpu.memory_space<hbm>>
      tpu.enqueue_dma source(%dma_start3A_40 : memref<9216xf32, #tpu.memory_space<hbm>>) target(%arg5 : memref<9216xf32, #tpu.memory_space<vmem>>) target_semaphore(%run_scoped3A : memref<!tpu.dma_semaphore, #tpu.memory_space<semaphore_mem>>)
      %dma_wait3A = arith.constant 0 : i32
      %dma_wait3A_41 = tpu.memref_slice %arg2[%add3A, %dma_wait3A] : memref<32x9216xf32, #tpu.memory_space<hbm>> -> memref<1x9216xf32, #tpu.memory_space<hbm>>
      %dma_wait3A_42 = tpu.memref_squeeze %dma_wait3A_41 : memref<1x9216xf32, #tpu.memory_space<hbm>> -> memref<9216xf32, #tpu.memory_space<hbm>>
      %dma_wait3A_43 = arith.constant 0 : i32
      %dma_wait3A_44 = tpu.memref_slice %arg2[%add3A, %dma_wait3A_43] : memref<32x9216xf32, #tpu.memory_space<hbm>> -> memref<1x9216xf32, #tpu.memory_space<hbm>>
      %dma_wait3A_45 = tpu.memref_squeeze %dma_wait3A_44 : memref<1x9216xf32, #tpu.memory_space<hbm>> -> memref<9216xf32, #tpu.memory_space<hbm>>
      tpu.wait_dma2 semaphore(%run_scoped3A : memref<!tpu.dma_semaphore, #tpu.memory_space<semaphore_mem>>) src(%dma_wait3A_45 : memref<9216xf32, #tpu.memory_space<hbm>>) dst(%arg5 : memref<9216xf32, #tpu.memory_space<vmem>>)
      tpu.yield
    }) : () -> ()
    "tpu.region"() ({
      %run_scoped3A = tpu.sem_alloc : memref<!tpu.dma_semaphore, #tpu.memory_space<semaphore_mem>>
      %dma_start3A = arith.constant 0 : i32
      %dma_start3A_36 = tpu.memref_slice %arg3[%add3A, %dma_start3A] : memref<32x16xf32, #tpu.memory_space<hbm>> -> memref<1x16xf32, #tpu.memory_space<hbm>>
      %dma_start3A_37 = tpu.memref_squeeze %dma_start3A_36 : memref<1x16xf32, #tpu.memory_space<hbm>> -> memref<16xf32, #tpu.memory_space<hbm>>
      %dma_start3A_38 = arith.constant 0 : i32
      %dma_start3A_39 = tpu.memref_slice %arg3[%add3A, %dma_start3A_38] : memref<32x16xf32, #tpu.memory_space<hbm>> -> memref<1x16xf32, #tpu.memory_space<hbm>>
      %dma_start3A_40 = tpu.memref_squeeze %dma_start3A_39 : memref<1x16xf32, #tpu.memory_space<hbm>> -> memref<16xf32, #tpu.memory_space<hbm>>
      tpu.enqueue_dma source(%dma_start3A_40 : memref<16xf32, #tpu.memory_space<hbm>>) target(%arg6 : memref<16xf32, #tpu.memory_space<vmem>>) target_semaphore(%run_scoped3A : memref<!tpu.dma_semaphore, #tpu.memory_space<semaphore_mem>>)
      %dma_wait3A = arith.constant 0 : i32
      %dma_wait3A_41 = tpu.memref_slice %arg3[%add3A, %dma_wait3A] : memref<32x16xf32, #tpu.memory_space<hbm>> -> memref<1x16xf32, #tpu.memory_space<hbm>>
      %dma_wait3A_42 = tpu.memref_squeeze %dma_wait3A_41 : memref<1x16xf32, #tpu.memory_space<hbm>> -> memref<16xf32, #tpu.memory_space<hbm>>
      %dma_wait3A_43 = arith.constant 0 : i32
      %dma_wait3A_44 = tpu.memref_slice %arg3[%add3A, %dma_wait3A_43] : memref<32x16xf32, #tpu.memory_space<hbm>> -> memref<1x16xf32, #tpu.memory_space<hbm>>
      %dma_wait3A_45 = tpu.memref_squeeze %dma_wait3A_44 : memref<1x16xf32, #tpu.memory_space<hbm>> -> memref<16xf32, #tpu.memory_space<hbm>>
      tpu.wait_dma2 semaphore(%run_scoped3A : memref<!tpu.dma_semaphore, #tpu.memory_space<semaphore_mem>>) src(%dma_wait3A_45 : memref<16xf32, #tpu.memory_space<hbm>>) dst(%arg6 : memref<16xf32, #tpu.memory_space<vmem>>)
      tpu.yield
    }) : () -> ()
    %get3A = arith.constant 0 : index
    %get3A_1 = tpu.vector_load %arg6[%get3A] {strides = array<i32>} : memref<16xf32, #tpu.memory_space<vmem>>, vector<16xf32>,
    %get3A_2 = vector.shape_cast %get3A_1 : vector<16xf32> to vector<16xf32>
    %convert_element_type3A = arith.fptosi %get3A_2 : vector<16xf32> to vector<16xi32>
    %broadcast_in_dim3A = arith.constant 0 : i32
    %broadcast_in_dim3A_3 = vector.broadcast %broadcast_in_dim3A : i32 to vector<16xi32>
    %broadcast_in_dim3A_4 = arith.constant 2139095039 : i32
    %broadcast_in_dim3A_5 = vector.broadcast %broadcast_in_dim3A_4 : i32 to vector<16xi32>
    %scan3A = arith.constant 0 : i32
    %scan3A_6 = arith.constant 31 : i32
    %scan3A_7 = arith.addi %scan3A, %scan3A_6 : i32
    %scan3A_8 = arith.constant 1 : i32
    %scan3A_9:2 = scf.for %scan3A_36 = %scan3A to %scan3A_7 step %scan3A_8 iter_args(%scan3A_37 = %broadcast_in_dim3A_3, %scan3A_38 = %broadcast_in_dim3A_5) -> (vector<16xi32>, vector<16xi32>)  : i32 {
      %sub3A = arith.subi %scan3A_38, %scan3A_37 : vector<16xi32>
      %add3A_39 = arith.constant 1 : i32
      %add3A_40 = vector.broadcast %add3A_39 : i32 to vector<16xi32>
      %add3A_41 = arith.addi %sub3A, %add3A_40 : vector<16xi32>
      %shift_right_logical3A = arith.constant 1 : i32
      %shift_right_logical3A_42 = vector.broadcast %shift_right_logical3A : i32 to vector<16xi32>
      %shift_right_logical3A_43 = arith.shrui %add3A_41, %shift_right_logical3A_42 : vector<16xi32>
      %add3A_44 = arith.addi %scan3A_37, %shift_right_logical3A_43 : vector<16xi32>
      %broadcast_in_dim3A_45 = arith.constant 0 : i32
      %broadcast_in_dim3A_46 = vector.broadcast %broadcast_in_dim3A_45 : i32 to vector<16xi32>
      %scan3A_47 = arith.constant 0 : i32
      %scan3A_48 = arith.constant 576 : i32
      %scan3A_49 = arith.addi %scan3A_47, %scan3A_48 : i32
      %scan3A_50 = arith.constant 8 : i32
      %scan3A_51 = scf.for %scan3A_106 = %scan3A_47 to %scan3A_49 step %scan3A_50 iter_args(%scan3A_107 = %broadcast_in_dim3A_46) -> (vector<16xi32>)  : i32 {
        %mul3A_108 = arith.constant 16 : i32
        %mul3A_109 = arith.muli %scan3A_106, %mul3A_108 : i32
        %get3A_110 = arith.index_cast %mul3A_109 : i32 to index
        %get3A_111 = tpu.vector_load %arg5[%get3A_110] {strides = array<i32>} : memref<9216xf32, #tpu.memory_space<vmem>>, vector<16xf32>,
        %get3A_112 = vector.shape_cast %get3A_111 : vector<16xf32> to vector<16xf32>
        %bitcast_convert_type3A_113 = tpu.bitcast %get3A_112 : vector<16xf32> -> vector<16xi32>
        %ge3A_114 = arith.cmpi sge, %bitcast_convert_type3A_113, %add3A_44 : vector<16xi32>
        %jit3A_115 = arith.constant 1 : i32
        %jit3A_116 = arith.constant 0 : i32
        %broadcast_in_dim3A_117 = vector.broadcast %jit3A_115 : i32 to vector<16xi32>
        %broadcast_in_dim3A_118 = vector.broadcast %jit3A_116 : i32 to vector<16xi32>
        %select_n3A_119 = arith.select %ge3A_114, %broadcast_in_dim3A_117, %broadcast_in_dim3A_118 : vector<16xi1>, vector<16xi32>
        %add3A_120 = arith.addi %scan3A_107, %select_n3A_119 : vector<16xi32>
        %scan3A_121 = arith.constant 1 : i32
        %scan3A_122 = arith.addi %scan3A_106, %scan3A_121 : i32
        %mul3A_123 = arith.constant 16 : i32
        %mul3A_124 = arith.muli %scan3A_122, %mul3A_123 : i32
        %get3A_125 = arith.index_cast %mul3A_124 : i32 to index
        %get3A_126 = tpu.vector_load %arg5[%get3A_125] {strides = array<i32>} : memref<9216xf32, #tpu.memory_space<vmem>>, vector<16xf32>,
        %get3A_127 = vector.shape_cast %get3A_126 : vector<16xf32> to vector<16xf32>
        %bitcast_convert_type3A_128 = tpu.bitcast %get3A_127 : vector<16xf32> -> vector<16xi32>
        %ge3A_129 = arith.cmpi sge, %bitcast_convert_type3A_128, %add3A_44 : vector<16xi32>
        %jit3A_130 = arith.constant 1 : i32
        %jit3A_131 = arith.constant 0 : i32
        %broadcast_in_dim3A_132 = vector.broadcast %jit3A_130 : i32 to vector<16xi32>
        %broadcast_in_dim3A_133 = vector.broadcast %jit3A_131 : i32 to vector<16xi32>
        %select_n3A_134 = arith.select %ge3A_129, %broadcast_in_dim3A_132, %broadcast_in_dim3A_133 : vector<16xi1>, vector<16xi32>
        %add3A_135 = arith.addi %add3A_120, %select_n3A_134 : vector<16xi32>
        %scan3A_136 = arith.constant 2 : i32
        %scan3A_137 = arith.addi %scan3A_106, %scan3A_136 : i32
        %mul3A_138 = arith.constant 16 : i32
        %mul3A_139 = arith.muli %scan3A_137, %mul3A_138 : i32
        %get3A_140 = arith.index_cast %mul3A_139 : i32 to index
        %get3A_141 = tpu.vector_load %arg5[%get3A_140] {strides = array<i32>} : memref<9216xf32, #tpu.memory_space<vmem>>, vector<16xf32>,
        %get3A_142 = vector.shape_cast %get3A_141 : vector<16xf32> to vector<16xf32>
        %bitcast_convert_type3A_143 = tpu.bitcast %get3A_142 : vector<16xf32> -> vector<16xi32>
        %ge3A_144 = arith.cmpi sge, %bitcast_convert_type3A_143, %add3A_44 : vector<16xi32>
        %jit3A_145 = arith.constant 1 : i32
        %jit3A_146 = arith.constant 0 : i32
        %broadcast_in_dim3A_147 = vector.broadcast %jit3A_145 : i32 to vector<16xi32>
        %broadcast_in_dim3A_148 = vector.broadcast %jit3A_146 : i32 to vector<16xi32>
        %select_n3A_149 = arith.select %ge3A_144, %broadcast_in_dim3A_147, %broadcast_in_dim3A_148 : vector<16xi1>, vector<16xi32>
        %add3A_150 = arith.addi %add3A_135, %select_n3A_149 : vector<16xi32>
        %scan3A_151 = arith.constant 3 : i32
        %scan3A_152 = arith.addi %scan3A_106, %scan3A_151 : i32
        %mul3A_153 = arith.constant 16 : i32
        %mul3A_154 = arith.muli %scan3A_152, %mul3A_153 : i32
        %get3A_155 = arith.index_cast %mul3A_154 : i32 to index
        %get3A_156 = tpu.vector_load %arg5[%get3A_155] {strides = array<i32>} : memref<9216xf32, #tpu.memory_space<vmem>>, vector<16xf32>,
        %get3A_157 = vector.shape_cast %get3A_156 : vector<16xf32> to vector<16xf32>
        %bitcast_convert_type3A_158 = tpu.bitcast %get3A_157 : vector<16xf32> -> vector<16xi32>
        %ge3A_159 = arith.cmpi sge, %bitcast_convert_type3A_158, %add3A_44 : vector<16xi32>
        %jit3A_160 = arith.constant 1 : i32
        %jit3A_161 = arith.constant 0 : i32
        %broadcast_in_dim3A_162 = vector.broadcast %jit3A_160 : i32 to vector<16xi32>
        %broadcast_in_dim3A_163 = vector.broadcast %jit3A_161 : i32 to vector<16xi32>
        %select_n3A_164 = arith.select %ge3A_159, %broadcast_in_dim3A_162, %broadcast_in_dim3A_163 : vector<16xi1>, vector<16xi32>
        %add3A_165 = arith.addi %add3A_150, %select_n3A_164 : vector<16xi32>
        %scan3A_166 = arith.constant 4 : i32
        %scan3A_167 = arith.addi %scan3A_106, %scan3A_166 : i32
        %mul3A_168 = arith.constant 16 : i32
        %mul3A_169 = arith.muli %scan3A_167, %mul3A_168 : i32
        %get3A_170 = arith.index_cast %mul3A_169 : i32 to index
        %get3A_171 = tpu.vector_load %arg5[%get3A_170] {strides = array<i32>} : memref<9216xf32, #tpu.memory_space<vmem>>, vector<16xf32>,
        %get3A_172 = vector.shape_cast %get3A_171 : vector<16xf32> to vector<16xf32>
        %bitcast_convert_type3A_173 = tpu.bitcast %get3A_172 : vector<16xf32> -> vector<16xi32>
        %ge3A_174 = arith.cmpi sge, %bitcast_convert_type3A_173, %add3A_44 : vector<16xi32>
        %jit3A_175 = arith.constant 1 : i32
        %jit3A_176 = arith.constant 0 : i32
        %broadcast_in_dim3A_177 = vector.broadcast %jit3A_175 : i32 to vector<16xi32>
        %broadcast_in_dim3A_178 = vector.broadcast %jit3A_176 : i32 to vector<16xi32>
        %select_n3A_179 = arith.select %ge3A_174, %broadcast_in_dim3A_177, %broadcast_in_dim3A_178 : vector<16xi1>, vector<16xi32>
        %add3A_180 = arith.addi %add3A_165, %select_n3A_179 : vector<16xi32>
        %scan3A_181 = arith.constant 5 : i32
        %scan3A_182 = arith.addi %scan3A_106, %scan3A_181 : i32
        %mul3A_183 = arith.constant 16 : i32
        %mul3A_184 = arith.muli %scan3A_182, %mul3A_183 : i32
        %get3A_185 = arith.index_cast %mul3A_184 : i32 to index
        %get3A_186 = tpu.vector_load %arg5[%get3A_185] {strides = array<i32>} : memref<9216xf32, #tpu.memory_space<vmem>>, vector<16xf32>,
        %get3A_187 = vector.shape_cast %get3A_186 : vector<16xf32> to vector<16xf32>
        %bitcast_convert_type3A_188 = tpu.bitcast %get3A_187 : vector<16xf32> -> vector<16xi32>
        %ge3A_189 = arith.cmpi sge, %bitcast_convert_type3A_188, %add3A_44 : vector<16xi32>
        %jit3A_190 = arith.constant 1 : i32
        %jit3A_191 = arith.constant 0 : i32
        %broadcast_in_dim3A_192 = vector.broadcast %jit3A_190 : i32 to vector<16xi32>
        %broadcast_in_dim3A_193 = vector.broadcast %jit3A_191 : i32 to vector<16xi32>
        %select_n3A_194 = arith.select %ge3A_189, %broadcast_in_dim3A_192, %broadcast_in_dim3A_193 : vector<16xi1>, vector<16xi32>
        %add3A_195 = arith.addi %add3A_180, %select_n3A_194 : vector<16xi32>
        %scan3A_196 = arith.constant 6 : i32
        %scan3A_197 = arith.addi %scan3A_106, %scan3A_196 : i32
        %mul3A_198 = arith.constant 16 : i32
        %mul3A_199 = arith.muli %scan3A_197, %mul3A_198 : i32
        %get3A_200 = arith.index_cast %mul3A_199 : i32 to index
        %get3A_201 = tpu.vector_load %arg5[%get3A_200] {strides = array<i32>} : memref<9216xf32, #tpu.memory_space<vmem>>, vector<16xf32>,
        %get3A_202 = vector.shape_cast %get3A_201 : vector<16xf32> to vector<16xf32>
        %bitcast_convert_type3A_203 = tpu.bitcast %get3A_202 : vector<16xf32> -> vector<16xi32>
        %ge3A_204 = arith.cmpi sge, %bitcast_convert_type3A_203, %add3A_44 : vector<16xi32>
        %jit3A_205 = arith.constant 1 : i32
        %jit3A_206 = arith.constant 0 : i32
        %broadcast_in_dim3A_207 = vector.broadcast %jit3A_205 : i32 to vector<16xi32>
        %broadcast_in_dim3A_208 = vector.broadcast %jit3A_206 : i32 to vector<16xi32>
        %select_n3A_209 = arith.select %ge3A_204, %broadcast_in_dim3A_207, %broadcast_in_dim3A_208 : vector<16xi1>, vector<16xi32>
        %add3A_210 = arith.addi %add3A_195, %select_n3A_209 : vector<16xi32>
        %scan3A_211 = arith.constant 7 : i32
        %scan3A_212 = arith.addi %scan3A_106, %scan3A_211 : i32
        %mul3A_213 = arith.constant 16 : i32
        %mul3A_214 = arith.muli %scan3A_212, %mul3A_213 : i32
        %get3A_215 = arith.index_cast %mul3A_214 : i32 to index
        %get3A_216 = tpu.vector_load %arg5[%get3A_215] {strides = array<i32>} : memref<9216xf32, #tpu.memory_space<vmem>>, vector<16xf32>,
        %get3A_217 = vector.shape_cast %get3A_216 : vector<16xf32> to vector<16xf32>
        %bitcast_convert_type3A_218 = tpu.bitcast %get3A_217 : vector<16xf32> -> vector<16xi32>
        %ge3A_219 = arith.cmpi sge, %bitcast_convert_type3A_218, %add3A_44 : vector<16xi32>
        %jit3A_220 = arith.constant 1 : i32
        %jit3A_221 = arith.constant 0 : i32
        %broadcast_in_dim3A_222 = vector.broadcast %jit3A_220 : i32 to vector<16xi32>
        %broadcast_in_dim3A_223 = vector.broadcast %jit3A_221 : i32 to vector<16xi32>
        %select_n3A_224 = arith.select %ge3A_219, %broadcast_in_dim3A_222, %broadcast_in_dim3A_223 : vector<16xi1>, vector<16xi32>
        %add3A_225 = arith.addi %add3A_210, %select_n3A_224 : vector<16xi32>
        scf.yield %add3A_225 : vector<16xi32>
      }
      %scan3A_52 = arith.constant 576 : i32
      %swap3A_53 = arith.constant 0 : index
      %swap3A_54 = tpu.vector_load %arg8[%swap3A_53] {strides = array<i32>} : memref<32xi32, #tpu.memory_space<vmem>>, vector<16xi32>,
      %swap3A_55 = vector.shape_cast %swap3A_54 : vector<16xi32> to vector<16xi32>
      %swap3A_56 = vector.shape_cast %scan3A_51 : vector<16xi32> to vector<16xi32>
      tpu.vector_store %arg8[%swap3A_53], %swap3A_56 {strides = array<i32>} : memref<32xi32, #tpu.memory_space<vmem>>, vector<16xi32>,
      %swap3A_57 = arith.constant 16 : index
      %swap3A_58 = tpu.vector_load %arg8[%swap3A_57] {strides = array<i32>} : memref<32xi32, #tpu.memory_space<vmem>>, vector<16xi32>,
      %swap3A_59 = vector.shape_cast %swap3A_58 : vector<16xi32> to vector<16xi32>
      %swap3A_60 = vector.shape_cast %scan3A_51 : vector<16xi32> to vector<16xi32>
      tpu.vector_store %arg8[%swap3A_57], %swap3A_60 {strides = array<i32>} : memref<32xi32, #tpu.memory_space<vmem>>, vector<16xi32>,
      %get3A_61 = arith.constant 1 : index
      %get3A_62 = tpu.vector_load %arg8[%get3A_61] {strides = array<i32>} : memref<32xi32, #tpu.memory_space<vmem>>, vector<16xi32>,
      %get3A_63 = vector.shape_cast %get3A_62 : vector<16xi32> to vector<16xi32>
      %add3A_64 = arith.addi %scan3A_51, %get3A_63 : vector<16xi32>
      %swap3A_65 = arith.constant 0 : index
      %swap3A_66 = tpu.vector_load %arg8[%swap3A_65] {strides = array<i32>} : memref<32xi32, #tpu.memory_space<vmem>>, vector<16xi32>,
      %swap3A_67 = vector.shape_cast %swap3A_66 : vector<16xi32> to vector<16xi32>
      %swap3A_68 = vector.shape_cast %add3A_64 : vector<16xi32> to vector<16xi32>
      tpu.vector_store %arg8[%swap3A_65], %swap3A_68 {strides = array<i32>} : memref<32xi32, #tpu.memory_space<vmem>>, vector<16xi32>,
      %swap3A_69 = arith.constant 16 : index
      %swap3A_70 = tpu.vector_load %arg8[%swap3A_69] {strides = array<i32>} : memref<32xi32, #tpu.memory_space<vmem>>, vector<16xi32>,
      %swap3A_71 = vector.shape_cast %swap3A_70 : vector<16xi32> to vector<16xi32>
      %swap3A_72 = vector.shape_cast %add3A_64 : vector<16xi32> to vector<16xi32>
      tpu.vector_store %arg8[%swap3A_69], %swap3A_72 {strides = array<i32>} : memref<32xi32, #tpu.memory_space<vmem>>, vector<16xi32>,
      %get3A_73 = arith.constant 2 : index
      %get3A_74 = tpu.vector_load %arg8[%get3A_73] {strides = array<i32>} : memref<32xi32, #tpu.memory_space<vmem>>, vector<16xi32>,
      %get3A_75 = vector.shape_cast %get3A_74 : vector<16xi32> to vector<16xi32>
      %add3A_76 = arith.addi %add3A_64, %get3A_75 : vector<16xi32>
      %swap3A_77 = arith.constant 0 : index
      %swap3A_78 = tpu.vector_load %arg8[%swap3A_77] {strides = array<i32>} : memref<32xi32, #tpu.memory_space<vmem>>, vector<16xi32>,
      %swap3A_79 = vector.shape_cast %swap3A_78 : vector<16xi32> to vector<16xi32>
      %swap3A_80 = vector.shape_cast %add3A_76 : vector<16xi32> to vector<16xi32>
      tpu.vector_store %arg8[%swap3A_77], %swap3A_80 {strides = array<i32>} : memref<32xi32, #tpu.memory_space<vmem>>, vector<16xi32>,
      %swap3A_81 = arith.constant 16 : index
      %swap3A_82 = tpu.vector_load %arg8[%swap3A_81] {strides = array<i32>} : memref<32xi32, #tpu.memory_space<vmem>>, vector<16xi32>,
      %swap3A_83 = vector.shape_cast %swap3A_82 : vector<16xi32> to vector<16xi32>
      %swap3A_84 = vector.shape_cast %add3A_76 : vector<16xi32> to vector<16xi32>
      tpu.vector_store %arg8[%swap3A_81], %swap3A_84 {strides = array<i32>} : memref<32xi32, #tpu.memory_space<vmem>>, vector<16xi32>,
      %get3A_85 = arith.constant 4 : index
      %get3A_86 = tpu.vector_load %arg8[%get3A_85] {strides = array<i32>} : memref<32xi32, #tpu.memory_space<vmem>>, vector<16xi32>,
      %get3A_87 = vector.shape_cast %get3A_86 : vector<16xi32> to vector<16xi32>
      %add3A_88 = arith.addi %add3A_76, %get3A_87 : vector<16xi32>
      %swap3A_89 = arith.constant 0 : index
      %swap3A_90 = tpu.vector_load %arg8[%swap3A_89] {strides = array<i32>} : memref<32xi32, #tpu.memory_space<vmem>>, vector<16xi32>,
      %swap3A_91 = vector.shape_cast %swap3A_90 : vector<16xi32> to vector<16xi32>
      %swap3A_92 = vector.shape_cast %add3A_88 : vector<16xi32> to vector<16xi32>
      tpu.vector_store %arg8[%swap3A_89], %swap3A_92 {strides = array<i32>} : memref<32xi32, #tpu.memory_space<vmem>>, vector<16xi32>,
      %swap3A_93 = arith.constant 16 : index
      %swap3A_94 = tpu.vector_load %arg8[%swap3A_93] {strides = array<i32>} : memref<32xi32, #tpu.memory_space<vmem>>, vector<16xi32>,
      %swap3A_95 = vector.shape_cast %swap3A_94 : vector<16xi32> to vector<16xi32>
      %swap3A_96 = vector.shape_cast %add3A_88 : vector<16xi32> to vector<16xi32>
      tpu.vector_store %arg8[%swap3A_93], %swap3A_96 {strides = array<i32>} : memref<32xi32, #tpu.memory_space<vmem>>, vector<16xi32>,
      %get3A_97 = arith.constant 8 : index
      %get3A_98 = tpu.vector_load %arg8[%get3A_97] {strides = array<i32>} : memref<32xi32, #tpu.memory_space<vmem>>, vector<16xi32>,
      %get3A_99 = vector.shape_cast %get3A_98 : vector<16xi32> to vector<16xi32>
      %add3A_100 = arith.addi %add3A_88, %get3A_99 : vector<16xi32>
      %ge3A = arith.cmpi sge, %add3A_100, %convert_element_type3A : vector<16xi32>
      %select_n3A_101 = arith.select %ge3A, %add3A_44, %scan3A_37 : vector<16xi1>, vector<16xi32>
      %sub3A_102 = arith.constant 1 : i32
      %sub3A_103 = vector.broadcast %sub3A_102 : i32 to vector<16xi32>
      %sub3A_104 = arith.subi %add3A_44, %sub3A_103 : vector<16xi32>
      %select_n3A_105 = arith.select %ge3A, %scan3A_38, %sub3A_104 : vector<16xi1>, vector<16xi32>
      scf.yield %select_n3A_101, %select_n3A_105 : vector<16xi32>, vector<16xi32>
    }
    %scan3A_10 = arith.constant 31 : i32
    %broadcast_in_dim3A_11 = arith.constant 0.000000e+00 : f32
    %broadcast_in_dim3A_12 = vector.broadcast %broadcast_in_dim3A_11 : f32 to vector<16xf32>
    %broadcast_in_dim3A_13 = arith.constant 0 : i32
    %broadcast_in_dim3A_14 = vector.broadcast %broadcast_in_dim3A_13 : i32 to vector<16xi32>
    %scan3A_15 = arith.constant 0 : i32
    %scan3A_16 = arith.constant 576 : i32
    %scan3A_17 = arith.addi %scan3A_15, %scan3A_16 : i32
    %scan3A_18 = arith.constant 8 : i32
    %scan3A_19:2 = scf.for %scan3A_36 = %scan3A_15 to %scan3A_17 step %scan3A_18 iter_args(%scan3A_37 = %broadcast_in_dim3A_12, %scan3A_38 = %broadcast_in_dim3A_14) -> (vector<16xf32>, vector<16xi32>)  : i32 {
      %mul3A_39 = arith.constant 16 : i32
      %mul3A_40 = arith.muli %scan3A_36, %mul3A_39 : i32
      %get3A_41 = arith.index_cast %mul3A_40 : i32 to index
      %get3A_42 = tpu.vector_load %arg5[%get3A_41] {strides = array<i32>} : memref<9216xf32, #tpu.memory_space<vmem>>, vector<16xf32>,
      %get3A_43 = vector.shape_cast %get3A_42 : vector<16xf32> to vector<16xf32>
      %bitcast_convert_type3A_44 = tpu.bitcast %get3A_43 : vector<16xf32> -> vector<16xi32>
      %gt3A_45 = arith.cmpi sgt, %bitcast_convert_type3A_44, %scan3A_9#0 : vector<16xi32>
      %jit3A_46 = arith.constant 0.000000e+00 : f32
      %broadcast_in_dim3A_47 = vector.broadcast %jit3A_46 : f32 to vector<16xf32>
      %select_n3A_48 = arith.select %gt3A_45, %get3A_43, %broadcast_in_dim3A_47 : vector<16xi1>, vector<16xf32>
      %add3A_49 = arith.addf %scan3A_37, %select_n3A_48 : vector<16xf32>
      %jit3A_50 = arith.constant 1 : i32
      %jit3A_51 = arith.constant 0 : i32
      %broadcast_in_dim3A_52 = vector.broadcast %jit3A_50 : i32 to vector<16xi32>
      %broadcast_in_dim3A_53 = vector.broadcast %jit3A_51 : i32 to vector<16xi32>
      %select_n3A_54 = arith.select %gt3A_45, %broadcast_in_dim3A_52, %broadcast_in_dim3A_53 : vector<16xi1>, vector<16xi32>
      %add3A_55 = arith.addi %scan3A_38, %select_n3A_54 : vector<16xi32>
      %scan3A_56 = arith.constant 1 : i32
      %scan3A_57 = arith.addi %scan3A_36, %scan3A_56 : i32
      %mul3A_58 = arith.constant 16 : i32
      %mul3A_59 = arith.muli %scan3A_57, %mul3A_58 : i32
      %get3A_60 = arith.index_cast %mul3A_59 : i32 to index
      %get3A_61 = tpu.vector_load %arg5[%get3A_60] {strides = array<i32>} : memref<9216xf32, #tpu.memory_space<vmem>>, vector<16xf32>,
      %get3A_62 = vector.shape_cast %get3A_61 : vector<16xf32> to vector<16xf32>
      %bitcast_convert_type3A_63 = tpu.bitcast %get3A_62 : vector<16xf32> -> vector<16xi32>
      %gt3A_64 = arith.cmpi sgt, %bitcast_convert_type3A_63, %scan3A_9#0 : vector<16xi32>
      %jit3A_65 = arith.constant 0.000000e+00 : f32
      %broadcast_in_dim3A_66 = vector.broadcast %jit3A_65 : f32 to vector<16xf32>
      %select_n3A_67 = arith.select %gt3A_64, %get3A_62, %broadcast_in_dim3A_66 : vector<16xi1>, vector<16xf32>
      %add3A_68 = arith.addf %add3A_49, %select_n3A_67 : vector<16xf32>
      %jit3A_69 = arith.constant 1 : i32
      %jit3A_70 = arith.constant 0 : i32
      %broadcast_in_dim3A_71 = vector.broadcast %jit3A_69 : i32 to vector<16xi32>
      %broadcast_in_dim3A_72 = vector.broadcast %jit3A_70 : i32 to vector<16xi32>
      %select_n3A_73 = arith.select %gt3A_64, %broadcast_in_dim3A_71, %broadcast_in_dim3A_72 : vector<16xi1>, vector<16xi32>
      %add3A_74 = arith.addi %add3A_55, %select_n3A_73 : vector<16xi32>
      %scan3A_75 = arith.constant 2 : i32
      %scan3A_76 = arith.addi %scan3A_36, %scan3A_75 : i32
      %mul3A_77 = arith.constant 16 : i32
      %mul3A_78 = arith.muli %scan3A_76, %mul3A_77 : i32
      %get3A_79 = arith.index_cast %mul3A_78 : i32 to index
      %get3A_80 = tpu.vector_load %arg5[%get3A_79] {strides = array<i32>} : memref<9216xf32, #tpu.memory_space<vmem>>, vector<16xf32>,
      %get3A_81 = vector.shape_cast %get3A_80 : vector<16xf32> to vector<16xf32>
      %bitcast_convert_type3A_82 = tpu.bitcast %get3A_81 : vector<16xf32> -> vector<16xi32>
      %gt3A_83 = arith.cmpi sgt, %bitcast_convert_type3A_82, %scan3A_9#0 : vector<16xi32>
      %jit3A_84 = arith.constant 0.000000e+00 : f32
      %broadcast_in_dim3A_85 = vector.broadcast %jit3A_84 : f32 to vector<16xf32>
      %select_n3A_86 = arith.select %gt3A_83, %get3A_81, %broadcast_in_dim3A_85 : vector<16xi1>, vector<16xf32>
      %add3A_87 = arith.addf %add3A_68, %select_n3A_86 : vector<16xf32>
      %jit3A_88 = arith.constant 1 : i32
      %jit3A_89 = arith.constant 0 : i32
      %broadcast_in_dim3A_90 = vector.broadcast %jit3A_88 : i32 to vector<16xi32>
      %broadcast_in_dim3A_91 = vector.broadcast %jit3A_89 : i32 to vector<16xi32>
      %select_n3A_92 = arith.select %gt3A_83, %broadcast_in_dim3A_90, %broadcast_in_dim3A_91 : vector<16xi1>, vector<16xi32>
      %add3A_93 = arith.addi %add3A_74, %select_n3A_92 : vector<16xi32>
      %scan3A_94 = arith.constant 3 : i32
      %scan3A_95 = arith.addi %scan3A_36, %scan3A_94 : i32
      %mul3A_96 = arith.constant 16 : i32
      %mul3A_97 = arith.muli %scan3A_95, %mul3A_96 : i32
      %get3A_98 = arith.index_cast %mul3A_97 : i32 to index
      %get3A_99 = tpu.vector_load %arg5[%get3A_98] {strides = array<i32>} : memref<9216xf32, #tpu.memory_space<vmem>>, vector<16xf32>,
      %get3A_100 = vector.shape_cast %get3A_99 : vector<16xf32> to vector<16xf32>
      %bitcast_convert_type3A_101 = tpu.bitcast %get3A_100 : vector<16xf32> -> vector<16xi32>
      %gt3A_102 = arith.cmpi sgt, %bitcast_convert_type3A_101, %scan3A_9#0 : vector<16xi32>
      %jit3A_103 = arith.constant 0.000000e+00 : f32
      %broadcast_in_dim3A_104 = vector.broadcast %jit3A_103 : f32 to vector<16xf32>
      %select_n3A_105 = arith.select %gt3A_102, %get3A_100, %broadcast_in_dim3A_104 : vector<16xi1>, vector<16xf32>
      %add3A_106 = arith.addf %add3A_87, %select_n3A_105 : vector<16xf32>
      %jit3A_107 = arith.constant 1 : i32
      %jit3A_108 = arith.constant 0 : i32
      %broadcast_in_dim3A_109 = vector.broadcast %jit3A_107 : i32 to vector<16xi32>
      %broadcast_in_dim3A_110 = vector.broadcast %jit3A_108 : i32 to vector<16xi32>
      %select_n3A_111 = arith.select %gt3A_102, %broadcast_in_dim3A_109, %broadcast_in_dim3A_110 : vector<16xi1>, vector<16xi32>
      %add3A_112 = arith.addi %add3A_93, %select_n3A_111 : vector<16xi32>
      %scan3A_113 = arith.constant 4 : i32
      %scan3A_114 = arith.addi %scan3A_36, %scan3A_113 : i32
      %mul3A_115 = arith.constant 16 : i32
      %mul3A_116 = arith.muli %scan3A_114, %mul3A_115 : i32
      %get3A_117 = arith.index_cast %mul3A_116 : i32 to index
      %get3A_118 = tpu.vector_load %arg5[%get3A_117] {strides = array<i32>} : memref<9216xf32, #tpu.memory_space<vmem>>, vector<16xf32>,
      %get3A_119 = vector.shape_cast %get3A_118 : vector<16xf32> to vector<16xf32>
      %bitcast_convert_type3A_120 = tpu.bitcast %get3A_119 : vector<16xf32> -> vector<16xi32>
      %gt3A_121 = arith.cmpi sgt, %bitcast_convert_type3A_120, %scan3A_9#0 : vector<16xi32>
      %jit3A_122 = arith.constant 0.000000e+00 : f32
      %broadcast_in_dim3A_123 = vector.broadcast %jit3A_122 : f32 to vector<16xf32>
      %select_n3A_124 = arith.select %gt3A_121, %get3A_119, %broadcast_in_dim3A_123 : vector<16xi1>, vector<16xf32>
      %add3A_125 = arith.addf %add3A_106, %select_n3A_124 : vector<16xf32>
      %jit3A_126 = arith.constant 1 : i32
      %jit3A_127 = arith.constant 0 : i32
      %broadcast_in_dim3A_128 = vector.broadcast %jit3A_126 : i32 to vector<16xi32>
      %broadcast_in_dim3A_129 = vector.broadcast %jit3A_127 : i32 to vector<16xi32>
      %select_n3A_130 = arith.select %gt3A_121, %broadcast_in_dim3A_128, %broadcast_in_dim3A_129 : vector<16xi1>, vector<16xi32>
      %add3A_131 = arith.addi %add3A_112, %select_n3A_130 : vector<16xi32>
      %scan3A_132 = arith.constant 5 : i32
      %scan3A_133 = arith.addi %scan3A_36, %scan3A_132 : i32
      %mul3A_134 = arith.constant 16 : i32
      %mul3A_135 = arith.muli %scan3A_133, %mul3A_134 : i32
      %get3A_136 = arith.index_cast %mul3A_135 : i32 to index
      %get3A_137 = tpu.vector_load %arg5[%get3A_136] {strides = array<i32>} : memref<9216xf32, #tpu.memory_space<vmem>>, vector<16xf32>,
      %get3A_138 = vector.shape_cast %get3A_137 : vector<16xf32> to vector<16xf32>
      %bitcast_convert_type3A_139 = tpu.bitcast %get3A_138 : vector<16xf32> -> vector<16xi32>
      %gt3A_140 = arith.cmpi sgt, %bitcast_convert_type3A_139, %scan3A_9#0 : vector<16xi32>
      %jit3A_141 = arith.constant 0.000000e+00 : f32
      %broadcast_in_dim3A_142 = vector.broadcast %jit3A_141 : f32 to vector<16xf32>
      %select_n3A_143 = arith.select %gt3A_140, %get3A_138, %broadcast_in_dim3A_142 : vector<16xi1>, vector<16xf32>
      %add3A_144 = arith.addf %add3A_125, %select_n3A_143 : vector<16xf32>
      %jit3A_145 = arith.constant 1 : i32
      %jit3A_146 = arith.constant 0 : i32
      %broadcast_in_dim3A_147 = vector.broadcast %jit3A_145 : i32 to vector<16xi32>
      %broadcast_in_dim3A_148 = vector.broadcast %jit3A_146 : i32 to vector<16xi32>
      %select_n3A_149 = arith.select %gt3A_140, %broadcast_in_dim3A_147, %broadcast_in_dim3A_148 : vector<16xi1>, vector<16xi32>
      %add3A_150 = arith.addi %add3A_131, %select_n3A_149 : vector<16xi32>
      %scan3A_151 = arith.constant 6 : i32
      %scan3A_152 = arith.addi %scan3A_36, %scan3A_151 : i32
      %mul3A_153 = arith.constant 16 : i32
      %mul3A_154 = arith.muli %scan3A_152, %mul3A_153 : i32
      %get3A_155 = arith.index_cast %mul3A_154 : i32 to index
      %get3A_156 = tpu.vector_load %arg5[%get3A_155] {strides = array<i32>} : memref<9216xf32, #tpu.memory_space<vmem>>, vector<16xf32>,
      %get3A_157 = vector.shape_cast %get3A_156 : vector<16xf32> to vector<16xf32>
      %bitcast_convert_type3A_158 = tpu.bitcast %get3A_157 : vector<16xf32> -> vector<16xi32>
      %gt3A_159 = arith.cmpi sgt, %bitcast_convert_type3A_158, %scan3A_9#0 : vector<16xi32>
      %jit3A_160 = arith.constant 0.000000e+00 : f32
      %broadcast_in_dim3A_161 = vector.broadcast %jit3A_160 : f32 to vector<16xf32>
      %select_n3A_162 = arith.select %gt3A_159, %get3A_157, %broadcast_in_dim3A_161 : vector<16xi1>, vector<16xf32>
      %add3A_163 = arith.addf %add3A_144, %select_n3A_162 : vector<16xf32>
      %jit3A_164 = arith.constant 1 : i32
      %jit3A_165 = arith.constant 0 : i32
      %broadcast_in_dim3A_166 = vector.broadcast %jit3A_164 : i32 to vector<16xi32>
      %broadcast_in_dim3A_167 = vector.broadcast %jit3A_165 : i32 to vector<16xi32>
      %select_n3A_168 = arith.select %gt3A_159, %broadcast_in_dim3A_166, %broadcast_in_dim3A_167 : vector<16xi1>, vector<16xi32>
      %add3A_169 = arith.addi %add3A_150, %select_n3A_168 : vector<16xi32>
      %scan3A_170 = arith.constant 7 : i32
      %scan3A_171 = arith.addi %scan3A_36, %scan3A_170 : i32
      %mul3A_172 = arith.constant 16 : i32
      %mul3A_173 = arith.muli %scan3A_171, %mul3A_172 : i32
      %get3A_174 = arith.index_cast %mul3A_173 : i32 to index
      %get3A_175 = tpu.vector_load %arg5[%get3A_174] {strides = array<i32>} : memref<9216xf32, #tpu.memory_space<vmem>>, vector<16xf32>,
      %get3A_176 = vector.shape_cast %get3A_175 : vector<16xf32> to vector<16xf32>
      %bitcast_convert_type3A_177 = tpu.bitcast %get3A_176 : vector<16xf32> -> vector<16xi32>
      %gt3A_178 = arith.cmpi sgt, %bitcast_convert_type3A_177, %scan3A_9#0 : vector<16xi32>
      %jit3A_179 = arith.constant 0.000000e+00 : f32
      %broadcast_in_dim3A_180 = vector.broadcast %jit3A_179 : f32 to vector<16xf32>
      %select_n3A_181 = arith.select %gt3A_178, %get3A_176, %broadcast_in_dim3A_180 : vector<16xi1>, vector<16xf32>
      %add3A_182 = arith.addf %add3A_163, %select_n3A_181 : vector<16xf32>
      %jit3A_183 = arith.constant 1 : i32
      %jit3A_184 = arith.constant 0 : i32
      %broadcast_in_dim3A_185 = vector.broadcast %jit3A_183 : i32 to vector<16xi32>
      %broadcast_in_dim3A_186 = vector.broadcast %jit3A_184 : i32 to vector<16xi32>
      %select_n3A_187 = arith.select %gt3A_178, %broadcast_in_dim3A_185, %broadcast_in_dim3A_186 : vector<16xi1>, vector<16xi32>
      %add3A_188 = arith.addi %add3A_169, %select_n3A_187 : vector<16xi32>
      scf.yield %add3A_182, %add3A_188 : vector<16xf32>, vector<16xi32>
    }
    %scan3A_20 = arith.constant 576 : i32
    %bitcast_convert_type3A = tpu.bitcast %scan3A_9#0 : vector<16xi32> -> vector<16xf32>
    %gt3A = arith.constant 0 : i32
    %gt3A_21 = vector.broadcast %gt3A : i32 to vector<16xi32>
    %gt3A_22 = arith.cmpi sgt, %convert_element_type3A, %gt3A_21 : vector<16xi32>
    %jit3A = arith.constant 0.000000e+00 : f32
    %broadcast_in_dim3A_23 = vector.broadcast %jit3A : f32 to vector<16xf32>
    %select_n3A = arith.select %gt3A_22, %bitcast_convert_type3A, %broadcast_in_dim3A_23 : vector<16xi1>, vector<16xf32>
    %swap3A = arith.constant 0 : index
    %swap3A_24 = tpu.vector_load %arg7[%swap3A] {strides = array<i32>} : memref<48xf32, #tpu.memory_space<vmem>>, vector<16xf32>,
    %swap3A_25 = vector.shape_cast %swap3A_24 : vector<16xf32> to vector<16xf32>
    %swap3A_26 = vector.shape_cast %scan3A_19#0 : vector<16xf32> to vector<16xf32>
    tpu.vector_store %arg7[%swap3A], %swap3A_26 {strides = array<i32>} : memref<48xf32, #tpu.memory_space<vmem>>, vector<16xf32>,
    %convert_element_type3A_27 = arith.sitofp %scan3A_19#1 : vector<16xi32> to vector<16xf32>
    %swap3A_28 = arith.constant 16 : index
    %swap3A_29 = tpu.vector_load %arg7[%swap3A_28] {strides = array<i32>} : memref<48xf32, #tpu.memory_space<vmem>>, vector<16xf32>,
    %swap3A_30 = vector.shape_cast %swap3A_29 : vector<16xf32> to vector<16xf32>
    %swap3A_31 = vector.shape_cast %convert_element_type3A_27 : vector<16xf32> to vector<16xf32>
    tpu.vector_store %arg7[%swap3A_28], %swap3A_31 {strides = array<i32>} : memref<48xf32, #tpu.memory_space<vmem>>, vector<16xf32>,
    %swap3A_32 = arith.constant 32 : index
    %swap3A_33 = tpu.vector_load %arg7[%swap3A_32] {strides = array<i32>} : memref<48xf32, #tpu.memory_space<vmem>>, vector<16xf32>,
    %swap3A_34 = vector.shape_cast %swap3A_33 : vector<16xf32> to vector<16xf32>
    %swap3A_35 = vector.shape_cast %select_n3A : vector<16xf32> to vector<16xf32>
    tpu.vector_store %arg7[%swap3A_32], %swap3A_35 {strides = array<i32>} : memref<48xf32, #tpu.memory_space<vmem>>, vector<16xf32>,
    "tpu.region"() ({
      %run_scoped3A = tpu.sem_alloc : memref<!tpu.dma_semaphore, #tpu.memory_space<semaphore_mem>>
      %dma_start3A = arith.constant 0 : i32
      %dma_start3A_36 = tpu.memref_slice %arg4[%add3A, %dma_start3A] : memref<32x48xf32, #tpu.memory_space<hbm>> -> memref<1x48xf32, #tpu.memory_space<hbm>>
      %dma_start3A_37 = tpu.memref_squeeze %dma_start3A_36 : memref<1x48xf32, #tpu.memory_space<hbm>> -> memref<48xf32, #tpu.memory_space<hbm>>
      %dma_start3A_38 = arith.constant 0 : i32
      %dma_start3A_39 = tpu.memref_slice %arg4[%add3A, %dma_start3A_38] : memref<32x48xf32, #tpu.memory_space<hbm>> -> memref<1x48xf32, #tpu.memory_space<hbm>>
      %dma_start3A_40 = tpu.memref_squeeze %dma_start3A_39 : memref<1x48xf32, #tpu.memory_space<hbm>> -> memref<48xf32, #tpu.memory_space<hbm>>
      tpu.enqueue_dma source(%arg7 : memref<48xf32, #tpu.memory_space<vmem>>) target(%dma_start3A_40 : memref<48xf32, #tpu.memory_space<hbm>>) target_semaphore(%run_scoped3A : memref<!tpu.dma_semaphore, #tpu.memory_space<semaphore_mem>>)
      %dma_wait3A = arith.constant 0 : i32
      %dma_wait3A_41 = tpu.memref_slice %arg4[%add3A, %dma_wait3A] : memref<32x48xf32, #tpu.memory_space<hbm>> -> memref<1x48xf32, #tpu.memory_space<hbm>>
      %dma_wait3A_42 = tpu.memref_squeeze %dma_wait3A_41 : memref<1x48xf32, #tpu.memory_space<hbm>> -> memref<48xf32, #tpu.memory_space<hbm>>
      %dma_wait3A_43 = arith.constant 0 : i32
      %dma_wait3A_44 = tpu.memref_slice %arg4[%add3A, %dma_wait3A_43] : memref<32x48xf32, #tpu.memory_space<hbm>> -> memref<1x48xf32, #tpu.memory_space<hbm>>
      %dma_wait3A_45 = tpu.memref_squeeze %dma_wait3A_44 : memref<1x48xf32, #tpu.memory_space<hbm>> -> memref<48xf32, #tpu.memory_space<hbm>>
      tpu.wait_dma2 semaphore(%run_scoped3A : memref<!tpu.dma_semaphore, #tpu.memory_space<semaphore_mem>>) src(%arg7 : memref<48xf32, #tpu.memory_space<vmem>>) dst(%dma_wait3A_45 : memref<48xf32, #tpu.memory_space<hbm>>)
      tpu.yield
    }) : () -> ()
    return
  }
}

module attributes {stable_mosaic.version = 14 : i64} {
  func.func @_mb_kernel(%arg0: i32, %arg1: memref<4x8x5xf32, #tpu.memory_space<smem>>, %arg2: memref<4x8x1152xf32, #tpu.memory_space<vmem>>, %arg3: memref<4x4x8x1152xf32, #tpu.memory_space<vmem>>, %arg4: memref<4x21x8x1152xf32, #tpu.memory_space<vmem>>, %arg5: memref<1x3xf32, #tpu.memory_space<smem>>, %arg6: memref<4x8x1152xf32, #tpu.memory_space<vmem>>, %arg7: memref<4x1x16xf32, #tpu.memory_space<vmem>>, %arg8: memref<32x1xf32, #tpu.memory_space<vmem>>, %arg9: memref<32x1xf32, #tpu.memory_space<vmem>>, %arg10: memref<32x1xi32, #tpu.memory_space<vmem>>) attributes {dimension_semantics = [#tpu.dimension_semantics<arbitrary>], iteration_bounds = array<i64: 8>, scalar_prefetch = 0 : i64, scratch_operands = 3 : i64, tpu.core_type = #tpu.core_type<tc>, window_params = [{transform_indices = @transform_0, window_bounds = array<i64: 4, 8, 5>}, {pipeline_mode = #tpu.pipeline_mode<synchronous>, transform_indices = @transform_1, window_bounds = array<i64: 4, 8, 1152>}, {transform_indices = @transform_2, window_bounds = array<i64: 4, 4, 8, 1152>}, {transform_indices = @transform_3, window_bounds = array<i64: 4, 21, 8, 1152>}, {transform_indices = @transform_4, window_bounds = array<i64: 1, 3>}, {transform_indices = @transform_5, window_bounds = array<i64: 4, 8, 1152>}, {transform_indices = @transform_6, window_bounds = array<i64: 4, 1, 16>}]} {
    %get3A = arith.constant 0 : index
    %get3A_0 = arith.constant 0 : index
    %get3A_1 = arith.constant 0 : index
    %get3A_2 = vector.load %arg2[%get3A, %get3A_0, %get3A_1] : memref<4x8x1152xf32, #tpu.memory_space<vmem>>, vector<1x8x1152xf32>
    %get3A_3 = vector.shape_cast %get3A_2 : vector<1x8x1152xf32> to vector<8x1152xf32>
    %get3A_4 = arith.constant 1 : index
    %get3A_5 = arith.constant 0 : index
    %get3A_6 = arith.constant 0 : index
    %get3A_7 = vector.load %arg2[%get3A_4, %get3A_5, %get3A_6] : memref<4x8x1152xf32, #tpu.memory_space<vmem>>, vector<1x8x1152xf32>
    %get3A_8 = vector.shape_cast %get3A_7 : vector<1x8x1152xf32> to vector<8x1152xf32>
    %get3A_9 = arith.constant 2 : index
    %get3A_10 = arith.constant 0 : index
    %get3A_11 = arith.constant 0 : index
    %get3A_12 = vector.load %arg2[%get3A_9, %get3A_10, %get3A_11] : memref<4x8x1152xf32, #tpu.memory_space<vmem>>, vector<1x8x1152xf32>
    %get3A_13 = vector.shape_cast %get3A_12 : vector<1x8x1152xf32> to vector<8x1152xf32>
    %get3A_14 = arith.constant 3 : index
    %get3A_15 = arith.constant 0 : index
    %get3A_16 = arith.constant 0 : index
    %get3A_17 = vector.load %arg2[%get3A_14, %get3A_15, %get3A_16] : memref<4x8x1152xf32, #tpu.memory_space<vmem>>, vector<1x8x1152xf32>
    %get3A_18 = vector.shape_cast %get3A_17 : vector<1x8x1152xf32> to vector<8x1152xf32>
    %mul3A = arith.constant 5.000000e-01 : f32
    %mul3A_19 = vector.broadcast %mul3A : f32 to vector<8x1152xf32>
    %mul3A_20 = arith.mulf %get3A_13, %mul3A_19 : vector<8x1152xf32>
    %sub3A = arith.subf %get3A_3, %mul3A_20 : vector<8x1152xf32>
    %mul3A_21 = arith.constant 5.000000e-01 : f32
    %mul3A_22 = vector.broadcast %mul3A_21 : f32 to vector<8x1152xf32>
    %mul3A_23 = arith.mulf %get3A_18, %mul3A_22 : vector<8x1152xf32>
    %sub3A_24 = arith.subf %get3A_8, %mul3A_23 : vector<8x1152xf32>
    %mul3A_25 = arith.constant 5.000000e-01 : f32
    %mul3A_26 = vector.broadcast %mul3A_25 : f32 to vector<8x1152xf32>
    %mul3A_27 = arith.mulf %get3A_13, %mul3A_26 : vector<8x1152xf32>
    %add3A = arith.addf %get3A_3, %mul3A_27 : vector<8x1152xf32>
    %mul3A_28 = arith.constant 5.000000e-01 : f32
    %mul3A_29 = vector.broadcast %mul3A_28 : f32 to vector<8x1152xf32>
    %mul3A_30 = arith.mulf %get3A_18, %mul3A_29 : vector<8x1152xf32>
    %add3A_31 = arith.addf %get3A_8, %mul3A_30 : vector<8x1152xf32>
    %sub3A_32 = arith.subf %add3A, %sub3A : vector<8x1152xf32>
    %sub3A_33 = arith.subf %add3A_31, %sub3A_24 : vector<8x1152xf32>
    %mul3A_34 = arith.mulf %sub3A_32, %sub3A_33 : vector<8x1152xf32>
    %iota3A = tpu.iota {dimensions = array<i32: 0>} : vector<8x1152xi32>
    %mul3A_35 = arith.constant 1152 : i32
    %mul3A_36 = vector.broadcast %mul3A_35 : i32 to vector<8x1152xi32>
    %mul3A_37 = arith.muli %iota3A, %mul3A_36 : vector<8x1152xi32>
    %iota3A_38 = tpu.iota {dimensions = array<i32: 1>} : vector<8x1152xi32>
    %add3A_39 = arith.addi %mul3A_37, %iota3A_38 : vector<8x1152xi32>
    %get3A_40 = arith.constant 0 : index
    %get3A_41 = arith.constant 0 : index
    %get3A_42 = arith.constant 0 : index
    %get3A_43 = memref.load %arg1[%get3A_40, %get3A_41, %get3A_42] : memref<4x8x5xf32, #tpu.memory_space<smem>>
    %get3A_44 = arith.constant 0 : index
    %get3A_45 = arith.constant 1 : index
    %get3A_46 = arith.constant 0 : index
    %get3A_47 = memref.load %arg1[%get3A_44, %get3A_45, %get3A_46] : memref<4x8x5xf32, #tpu.memory_space<smem>>
    %get3A_48 = arith.constant 0 : index
    %get3A_49 = arith.constant 2 : index
    %get3A_50 = arith.constant 0 : index
    %get3A_51 = memref.load %arg1[%get3A_48, %get3A_49, %get3A_50] : memref<4x8x5xf32, #tpu.memory_space<smem>>
    %get3A_52 = arith.constant 0 : index
    %get3A_53 = arith.constant 3 : index
    %get3A_54 = arith.constant 0 : index
    %get3A_55 = memref.load %arg1[%get3A_52, %get3A_53, %get3A_54] : memref<4x8x5xf32, #tpu.memory_space<smem>>
    %get3A_56 = arith.constant 0 : index
    %get3A_57 = arith.constant 4 : index
    %get3A_58 = arith.constant 0 : index
    %get3A_59 = memref.load %arg1[%get3A_56, %get3A_57, %get3A_58] : memref<4x8x5xf32, #tpu.memory_space<smem>>
    %get3A_60 = arith.constant 0 : index
    %get3A_61 = arith.constant 5 : index
    %get3A_62 = arith.constant 0 : index
    %get3A_63 = memref.load %arg1[%get3A_60, %get3A_61, %get3A_62] : memref<4x8x5xf32, #tpu.memory_space<smem>>
    %get3A_64 = arith.constant 0 : index
    %get3A_65 = arith.constant 6 : index
    %get3A_66 = arith.constant 0 : index
    %get3A_67 = memref.load %arg1[%get3A_64, %get3A_65, %get3A_66] : memref<4x8x5xf32, #tpu.memory_space<smem>>
    %get3A_68 = arith.constant 0 : index
    %get3A_69 = arith.constant 7 : index
    %get3A_70 = arith.constant 0 : index
    %get3A_71 = memref.load %arg1[%get3A_68, %get3A_69, %get3A_70] : memref<4x8x5xf32, #tpu.memory_space<smem>>
    %get3A_72 = arith.constant 0 : index
    %get3A_73 = arith.constant 0 : index
    %get3A_74 = arith.constant 1 : index
    %get3A_75 = memref.load %arg1[%get3A_72, %get3A_73, %get3A_74] : memref<4x8x5xf32, #tpu.memory_space<smem>>
    %get3A_76 = arith.constant 0 : index
    %get3A_77 = arith.constant 1 : index
    %get3A_78 = arith.constant 1 : index
    %get3A_79 = memref.load %arg1[%get3A_76, %get3A_77, %get3A_78] : memref<4x8x5xf32, #tpu.memory_space<smem>>
    %get3A_80 = arith.constant 0 : index
    %get3A_81 = arith.constant 2 : index
    %get3A_82 = arith.constant 1 : index
    %get3A_83 = memref.load %arg1[%get3A_80, %get3A_81, %get3A_82] : memref<4x8x5xf32, #tpu.memory_space<smem>>
    %get3A_84 = arith.constant 0 : index
    %get3A_85 = arith.constant 3 : index
    %get3A_86 = arith.constant 1 : index
    %get3A_87 = memref.load %arg1[%get3A_84, %get3A_85, %get3A_86] : memref<4x8x5xf32, #tpu.memory_space<smem>>
    %get3A_88 = arith.constant 0 : index
    %get3A_89 = arith.constant 4 : index
    %get3A_90 = arith.constant 1 : index
    %get3A_91 = memref.load %arg1[%get3A_88, %get3A_89, %get3A_90] : memref<4x8x5xf32, #tpu.memory_space<smem>>
    %get3A_92 = arith.constant 0 : index
    %get3A_93 = arith.constant 5 : index
    %get3A_94 = arith.constant 1 : index
    %get3A_95 = memref.load %arg1[%get3A_92, %get3A_93, %get3A_94] : memref<4x8x5xf32, #tpu.memory_space<smem>>
    %get3A_96 = arith.constant 0 : index
    %get3A_97 = arith.constant 6 : index
    %get3A_98 = arith.constant 1 : index
    %get3A_99 = memref.load %arg1[%get3A_96, %get3A_97, %get3A_98] : memref<4x8x5xf32, #tpu.memory_space<smem>>
    %get3A_100 = arith.constant 0 : index
    %get3A_101 = arith.constant 7 : index
    %get3A_102 = arith.constant 1 : index
    %get3A_103 = memref.load %arg1[%get3A_100, %get3A_101, %get3A_102] : memref<4x8x5xf32, #tpu.memory_space<smem>>
    %get3A_104 = arith.constant 0 : index
    %get3A_105 = arith.constant 0 : index
    %get3A_106 = arith.constant 2 : index
    %get3A_107 = memref.load %arg1[%get3A_104, %get3A_105, %get3A_106] : memref<4x8x5xf32, #tpu.memory_space<smem>>
    %get3A_108 = arith.constant 0 : index
    %get3A_109 = arith.constant 1 : index
    %get3A_110 = arith.constant 2 : index
    %get3A_111 = memref.load %arg1[%get3A_108, %get3A_109, %get3A_110] : memref<4x8x5xf32, #tpu.memory_space<smem>>
    %get3A_112 = arith.constant 0 : index
    %get3A_113 = arith.constant 2 : index
    %get3A_114 = arith.constant 2 : index
    %get3A_115 = memref.load %arg1[%get3A_112, %get3A_113, %get3A_114] : memref<4x8x5xf32, #tpu.memory_space<smem>>
    %get3A_116 = arith.constant 0 : index
    %get3A_117 = arith.constant 3 : index
    %get3A_118 = arith.constant 2 : index
    %get3A_119 = memref.load %arg1[%get3A_116, %get3A_117, %get3A_118] : memref<4x8x5xf32, #tpu.memory_space<smem>>
    %get3A_120 = arith.constant 0 : index
    %get3A_121 = arith.constant 4 : index
    %get3A_122 = arith.constant 2 : index
    %get3A_123 = memref.load %arg1[%get3A_120, %get3A_121, %get3A_122] : memref<4x8x5xf32, #tpu.memory_space<smem>>
    %get3A_124 = arith.constant 0 : index
    %get3A_125 = arith.constant 5 : index
    %get3A_126 = arith.constant 2 : index
    %get3A_127 = memref.load %arg1[%get3A_124, %get3A_125, %get3A_126] : memref<4x8x5xf32, #tpu.memory_space<smem>>
    %get3A_128 = arith.constant 0 : index
    %get3A_129 = arith.constant 6 : index
    %get3A_130 = arith.constant 2 : index
    %get3A_131 = memref.load %arg1[%get3A_128, %get3A_129, %get3A_130] : memref<4x8x5xf32, #tpu.memory_space<smem>>
    %get3A_132 = arith.constant 0 : index
    %get3A_133 = arith.constant 7 : index
    %get3A_134 = arith.constant 2 : index
    %get3A_135 = memref.load %arg1[%get3A_132, %get3A_133, %get3A_134] : memref<4x8x5xf32, #tpu.memory_space<smem>>
    %get3A_136 = arith.constant 0 : index
    %get3A_137 = arith.constant 0 : index
    %get3A_138 = arith.constant 3 : index
    %get3A_139 = memref.load %arg1[%get3A_136, %get3A_137, %get3A_138] : memref<4x8x5xf32, #tpu.memory_space<smem>>
    %get3A_140 = arith.constant 0 : index
    %get3A_141 = arith.constant 1 : index
    %get3A_142 = arith.constant 3 : index
    %get3A_143 = memref.load %arg1[%get3A_140, %get3A_141, %get3A_142] : memref<4x8x5xf32, #tpu.memory_space<smem>>
    %get3A_144 = arith.constant 0 : index
    %get3A_145 = arith.constant 2 : index
    %get3A_146 = arith.constant 3 : index
    %get3A_147 = memref.load %arg1[%get3A_144, %get3A_145, %get3A_146] : memref<4x8x5xf32, #tpu.memory_space<smem>>
    %get3A_148 = arith.constant 0 : index
    %get3A_149 = arith.constant 3 : index
    %get3A_150 = arith.constant 3 : index
    %get3A_151 = memref.load %arg1[%get3A_148, %get3A_149, %get3A_150] : memref<4x8x5xf32, #tpu.memory_space<smem>>
    %get3A_152 = arith.constant 0 : index
    %get3A_153 = arith.constant 4 : index
    %get3A_154 = arith.constant 3 : index
    %get3A_155 = memref.load %arg1[%get3A_152, %get3A_153, %get3A_154] : memref<4x8x5xf32, #tpu.memory_space<smem>>
    %get3A_156 = arith.constant 0 : index
    %get3A_157 = arith.constant 5 : index
    %get3A_158 = arith.constant 3 : index
    %get3A_159 = memref.load %arg1[%get3A_156, %get3A_157, %get3A_158] : memref<4x8x5xf32, #tpu.memory_space<smem>>
    %get3A_160 = arith.constant 0 : index
    %get3A_161 = arith.constant 6 : index
    %get3A_162 = arith.constant 3 : index
    %get3A_163 = memref.load %arg1[%get3A_160, %get3A_161, %get3A_162] : memref<4x8x5xf32, #tpu.memory_space<smem>>
    %get3A_164 = arith.constant 0 : index
    %get3A_165 = arith.constant 7 : index
    %get3A_166 = arith.constant 3 : index
    %get3A_167 = memref.load %arg1[%get3A_164, %get3A_165, %get3A_166] : memref<4x8x5xf32, #tpu.memory_space<smem>>
    %get3A_168 = arith.constant 0 : index
    %get3A_169 = arith.constant 0 : index
    %get3A_170 = arith.constant 4 : index
    %get3A_171 = memref.load %arg1[%get3A_168, %get3A_169, %get3A_170] : memref<4x8x5xf32, #tpu.memory_space<smem>>
    %get3A_172 = arith.constant 0 : index
    %get3A_173 = arith.constant 1 : index
    %get3A_174 = arith.constant 4 : index
    %get3A_175 = memref.load %arg1[%get3A_172, %get3A_173, %get3A_174] : memref<4x8x5xf32, #tpu.memory_space<smem>>
    %get3A_176 = arith.constant 0 : index
    %get3A_177 = arith.constant 2 : index
    %get3A_178 = arith.constant 4 : index
    %get3A_179 = memref.load %arg1[%get3A_176, %get3A_177, %get3A_178] : memref<4x8x5xf32, #tpu.memory_space<smem>>
    %get3A_180 = arith.constant 0 : index
    %get3A_181 = arith.constant 3 : index
    %get3A_182 = arith.constant 4 : index
    %get3A_183 = memref.load %arg1[%get3A_180, %get3A_181, %get3A_182] : memref<4x8x5xf32, #tpu.memory_space<smem>>
    %get3A_184 = arith.constant 0 : index
    %get3A_185 = arith.constant 4 : index
    %get3A_186 = arith.constant 4 : index
    %get3A_187 = memref.load %arg1[%get3A_184, %get3A_185, %get3A_186] : memref<4x8x5xf32, #tpu.memory_space<smem>>
    %get3A_188 = arith.constant 0 : index
    %get3A_189 = arith.constant 5 : index
    %get3A_190 = arith.constant 4 : index
    %get3A_191 = memref.load %arg1[%get3A_188, %get3A_189, %get3A_190] : memref<4x8x5xf32, #tpu.memory_space<smem>>
    %get3A_192 = arith.constant 0 : index
    %get3A_193 = arith.constant 6 : index
    %get3A_194 = arith.constant 4 : index
    %get3A_195 = memref.load %arg1[%get3A_192, %get3A_193, %get3A_194] : memref<4x8x5xf32, #tpu.memory_space<smem>>
    %get3A_196 = arith.constant 0 : index
    %get3A_197 = arith.constant 7 : index
    %get3A_198 = arith.constant 4 : index
    %get3A_199 = memref.load %arg1[%get3A_196, %get3A_197, %get3A_198] : memref<4x8x5xf32, #tpu.memory_space<smem>>
    %broadcast_in_dim3A = arith.constant -1.000000e+00 : f32
    %broadcast_in_dim3A_200 = vector.broadcast %broadcast_in_dim3A : f32 to vector<8x1152xf32>
    %broadcast_in_dim3A_201 = arith.constant 0 : i32
    %broadcast_in_dim3A_202 = vector.broadcast %broadcast_in_dim3A_201 : i32 to vector<8x1152xi32>
    %max3A = vector.broadcast %get3A_43 : f32 to vector<8x1152xf32>
    %max3A_203 = arith.maximumf %max3A, %sub3A : vector<8x1152xf32>
    %max3A_204 = vector.broadcast %get3A_75 : f32 to vector<8x1152xf32>
    %max3A_205 = arith.maximumf %max3A_204, %sub3A_24 : vector<8x1152xf32>
    %min3A = vector.broadcast %get3A_107 : f32 to vector<8x1152xf32>
    %min3A_206 = arith.minimumf %min3A, %add3A : vector<8x1152xf32>
    %min3A_207 = vector.broadcast %get3A_139 : f32 to vector<8x1152xf32>
    %min3A_208 = arith.minimumf %min3A_207, %add3A_31 : vector<8x1152xf32>
    %sub3A_209 = arith.subf %min3A_206, %max3A_203 : vector<8x1152xf32>
    %max3A_210 = arith.constant 0.000000e+00 : f32
    %max3A_211 = vector.broadcast %max3A_210 : f32 to vector<8x1152xf32>
    %max3A_212 = arith.maximumf %sub3A_209, %max3A_211 : vector<8x1152xf32>
    %sub3A_213 = arith.subf %min3A_208, %max3A_205 : vector<8x1152xf32>
    %max3A_214 = arith.constant 0.000000e+00 : f32
    %max3A_215 = vector.broadcast %max3A_214 : f32 to vector<8x1152xf32>
    %max3A_216 = arith.maximumf %sub3A_213, %max3A_215 : vector<8x1152xf32>
    %mul3A_217 = arith.mulf %max3A_212, %max3A_216 : vector<8x1152xf32>
    %sub3A_218 = arith.subf %get3A_107, %get3A_43 : f32
    %sub3A_219 = arith.subf %get3A_139, %get3A_75 : f32
    %mul3A_220 = arith.mulf %sub3A_218, %sub3A_219 : f32
    %add3A_221 = vector.broadcast %mul3A_220 : f32 to vector<8x1152xf32>
    %add3A_222 = arith.addf %add3A_221, %mul3A_34 : vector<8x1152xf32>
    %sub3A_223 = arith.subf %add3A_222, %mul3A_217 : vector<8x1152xf32>
    %div3A = arith.divf %mul3A_217, %sub3A_223 : vector<8x1152xf32>
    %gt3A = arith.cmpf ogt, %div3A, %broadcast_in_dim3A_200 : vector<8x1152xf32>
    %jit3A = arith.constant 0 : i32
    %broadcast_in_dim3A_224 = vector.broadcast %jit3A : i32 to vector<8x1152xi32>
    %select_n3A = arith.select %gt3A, %broadcast_in_dim3A_224, %broadcast_in_dim3A_202 : vector<8x1152xi1>, vector<8x1152xi32>
    %select_n3A_225 = arith.select %gt3A, %div3A, %broadcast_in_dim3A_200 : vector<8x1152xi1>, vector<8x1152xf32>
    %reduce_max3A = vector.shape_cast %div3A : vector<8x1152xf32> to vector<1x8x1152xf32>
    %reduce_max3A_226 = arith.constant dense<0xFF800000> : vector<1xf32>
    %reduce_max3A_227 = vector.multi_reduction <maximumf>, %reduce_max3A, %reduce_max3A_226 [1, 2] : vector<1x8x1152xf32> to vector<1xf32>
    %reduce_max3A_228 = vector.shape_cast %reduce_max3A_227 : vector<1xf32> to vector<1x1x1xf32>
    %reduce_max3A_229 = vector.extract %reduce_max3A_228[0, 0, 0] : f32 from vector<1x1x1xf32>
    %eq3A = vector.broadcast %reduce_max3A_229 : f32 to vector<8x1152xf32>
    %eq3A_230 = arith.cmpf oeq, %div3A, %eq3A : vector<8x1152xf32>
    %jit3A_231 = arith.constant 9216 : i32
    %broadcast_in_dim3A_232 = vector.broadcast %jit3A_231 : i32 to vector<8x1152xi32>
    %select_n3A_233 = arith.select %eq3A_230, %add3A_39, %broadcast_in_dim3A_232 : vector<8x1152xi1>, vector<8x1152xi32>
    %reduce_min3A = vector.shape_cast %select_n3A_233 : vector<8x1152xi32> to vector<1x8x1152xi32>
    %reduce_min3A_234 = arith.constant dense<2147483647> : vector<1xi32>
    %reduce_min3A_235 = vector.multi_reduction <minsi>, %reduce_min3A, %reduce_min3A_234 [1, 2] : vector<1x8x1152xi32> to vector<1xi32>
    %reduce_min3A_236 = vector.shape_cast %reduce_min3A_235 : vector<1xi32> to vector<1x1x1xi32>
    %reduce_min3A_237 = vector.extract %reduce_min3A_236[0, 0, 0] : i32 from vector<1x1x1xi32>
    %max3A_238 = vector.broadcast %get3A_47 : f32 to vector<8x1152xf32>
    %max3A_239 = arith.maximumf %max3A_238, %sub3A : vector<8x1152xf32>
    %max3A_240 = vector.broadcast %get3A_79 : f32 to vector<8x1152xf32>
    %max3A_241 = arith.maximumf %max3A_240, %sub3A_24 : vector<8x1152xf32>
    %min3A_242 = vector.broadcast %get3A_111 : f32 to vector<8x1152xf32>
    %min3A_243 = arith.minimumf %min3A_242, %add3A : vector<8x1152xf32>
    %min3A_244 = vector.broadcast %get3A_143 : f32 to vector<8x1152xf32>
    %min3A_245 = arith.minimumf %min3A_244, %add3A_31 : vector<8x1152xf32>
    %sub3A_246 = arith.subf %min3A_243, %max3A_239 : vector<8x1152xf32>
    %max3A_247 = arith.constant 0.000000e+00 : f32
    %max3A_248 = vector.broadcast %max3A_247 : f32 to vector<8x1152xf32>
    %max3A_249 = arith.maximumf %sub3A_246, %max3A_248 : vector<8x1152xf32>
    %sub3A_250 = arith.subf %min3A_245, %max3A_241 : vector<8x1152xf32>
    %max3A_251 = arith.constant 0.000000e+00 : f32
    %max3A_252 = vector.broadcast %max3A_251 : f32 to vector<8x1152xf32>
    %max3A_253 = arith.maximumf %sub3A_250, %max3A_252 : vector<8x1152xf32>
    %mul3A_254 = arith.mulf %max3A_249, %max3A_253 : vector<8x1152xf32>
    %sub3A_255 = arith.subf %get3A_111, %get3A_47 : f32
    %sub3A_256 = arith.subf %get3A_143, %get3A_79 : f32
    %mul3A_257 = arith.mulf %sub3A_255, %sub3A_256 : f32
    %add3A_258 = vector.broadcast %mul3A_257 : f32 to vector<8x1152xf32>
    %add3A_259 = arith.addf %add3A_258, %mul3A_34 : vector<8x1152xf32>
    %sub3A_260 = arith.subf %add3A_259, %mul3A_254 : vector<8x1152xf32>
    %div3A_261 = arith.divf %mul3A_254, %sub3A_260 : vector<8x1152xf32>
    %gt3A_262 = arith.cmpf ogt, %div3A_261, %select_n3A_225 : vector<8x1152xf32>
    %jit3A_263 = arith.constant 1 : i32
    %broadcast_in_dim3A_264 = vector.broadcast %jit3A_263 : i32 to vector<8x1152xi32>
    %select_n3A_265 = arith.select %gt3A_262, %broadcast_in_dim3A_264, %select_n3A : vector<8x1152xi1>, vector<8x1152xi32>
    %select_n3A_266 = arith.select %gt3A_262, %div3A_261, %select_n3A_225 : vector<8x1152xi1>, vector<8x1152xf32>
    %reduce_max3A_267 = vector.shape_cast %div3A_261 : vector<8x1152xf32> to vector<1x8x1152xf32>
    %reduce_max3A_268 = arith.constant dense<0xFF800000> : vector<1xf32>
    %reduce_max3A_269 = vector.multi_reduction <maximumf>, %reduce_max3A_267, %reduce_max3A_268 [1, 2] : vector<1x8x1152xf32> to vector<1xf32>
    %reduce_max3A_270 = vector.shape_cast %reduce_max3A_269 : vector<1xf32> to vector<1x1x1xf32>
    %reduce_max3A_271 = vector.extract %reduce_max3A_270[0, 0, 0] : f32 from vector<1x1x1xf32>
    %eq3A_272 = vector.broadcast %reduce_max3A_271 : f32 to vector<8x1152xf32>
    %eq3A_273 = arith.cmpf oeq, %div3A_261, %eq3A_272 : vector<8x1152xf32>
    %jit3A_274 = arith.constant 9216 : i32
    %broadcast_in_dim3A_275 = vector.broadcast %jit3A_274 : i32 to vector<8x1152xi32>
    %select_n3A_276 = arith.select %eq3A_273, %add3A_39, %broadcast_in_dim3A_275 : vector<8x1152xi1>, vector<8x1152xi32>
    %reduce_min3A_277 = vector.shape_cast %select_n3A_276 : vector<8x1152xi32> to vector<1x8x1152xi32>
    %reduce_min3A_278 = arith.constant dense<2147483647> : vector<1xi32>
    %reduce_min3A_279 = vector.multi_reduction <minsi>, %reduce_min3A_277, %reduce_min3A_278 [1, 2] : vector<1x8x1152xi32> to vector<1xi32>
    %reduce_min3A_280 = vector.shape_cast %reduce_min3A_279 : vector<1xi32> to vector<1x1x1xi32>
    %reduce_min3A_281 = vector.extract %reduce_min3A_280[0, 0, 0] : i32 from vector<1x1x1xi32>
    %max3A_282 = vector.broadcast %get3A_51 : f32 to vector<8x1152xf32>
    %max3A_283 = arith.maximumf %max3A_282, %sub3A : vector<8x1152xf32>
    %max3A_284 = vector.broadcast %get3A_83 : f32 to vector<8x1152xf32>
    %max3A_285 = arith.maximumf %max3A_284, %sub3A_24 : vector<8x1152xf32>
    %min3A_286 = vector.broadcast %get3A_115 : f32 to vector<8x1152xf32>
    %min3A_287 = arith.minimumf %min3A_286, %add3A : vector<8x1152xf32>
    %min3A_288 = vector.broadcast %get3A_147 : f32 to vector<8x1152xf32>
    %min3A_289 = arith.minimumf %min3A_288, %add3A_31 : vector<8x1152xf32>
    %sub3A_290 = arith.subf %min3A_287, %max3A_283 : vector<8x1152xf32>
    %max3A_291 = arith.constant 0.000000e+00 : f32
    %max3A_292 = vector.broadcast %max3A_291 : f32 to vector<8x1152xf32>
    %max3A_293 = arith.maximumf %sub3A_290, %max3A_292 : vector<8x1152xf32>
    %sub3A_294 = arith.subf %min3A_289, %max3A_285 : vector<8x1152xf32>
    %max3A_295 = arith.constant 0.000000e+00 : f32
    %max3A_296 = vector.broadcast %max3A_295 : f32 to vector<8x1152xf32>
    %max3A_297 = arith.maximumf %sub3A_294, %max3A_296 : vector<8x1152xf32>
    %mul3A_298 = arith.mulf %max3A_293, %max3A_297 : vector<8x1152xf32>
    %sub3A_299 = arith.subf %get3A_115, %get3A_51 : f32
    %sub3A_300 = arith.subf %get3A_147, %get3A_83 : f32
    %mul3A_301 = arith.mulf %sub3A_299, %sub3A_300 : f32
    %add3A_302 = vector.broadcast %mul3A_301 : f32 to vector<8x1152xf32>
    %add3A_303 = arith.addf %add3A_302, %mul3A_34 : vector<8x1152xf32>
    %sub3A_304 = arith.subf %add3A_303, %mul3A_298 : vector<8x1152xf32>
    %div3A_305 = arith.divf %mul3A_298, %sub3A_304 : vector<8x1152xf32>
    %gt3A_306 = arith.cmpf ogt, %div3A_305, %select_n3A_266 : vector<8x1152xf32>
    %jit3A_307 = arith.constant 2 : i32
    %broadcast_in_dim3A_308 = vector.broadcast %jit3A_307 : i32 to vector<8x1152xi32>
    %select_n3A_309 = arith.select %gt3A_306, %broadcast_in_dim3A_308, %select_n3A_265 : vector<8x1152xi1>, vector<8x1152xi32>
    %select_n3A_310 = arith.select %gt3A_306, %div3A_305, %select_n3A_266 : vector<8x1152xi1>, vector<8x1152xf32>
    %reduce_max3A_311 = vector.shape_cast %div3A_305 : vector<8x1152xf32> to vector<1x8x1152xf32>
    %reduce_max3A_312 = arith.constant dense<0xFF800000> : vector<1xf32>
    %reduce_max3A_313 = vector.multi_reduction <maximumf>, %reduce_max3A_311, %reduce_max3A_312 [1, 2] : vector<1x8x1152xf32> to vector<1xf32>
    %reduce_max3A_314 = vector.shape_cast %reduce_max3A_313 : vector<1xf32> to vector<1x1x1xf32>
    %reduce_max3A_315 = vector.extract %reduce_max3A_314[0, 0, 0] : f32 from vector<1x1x1xf32>
    %eq3A_316 = vector.broadcast %reduce_max3A_315 : f32 to vector<8x1152xf32>
    %eq3A_317 = arith.cmpf oeq, %div3A_305, %eq3A_316 : vector<8x1152xf32>
    %jit3A_318 = arith.constant 9216 : i32
    %broadcast_in_dim3A_319 = vector.broadcast %jit3A_318 : i32 to vector<8x1152xi32>
    %select_n3A_320 = arith.select %eq3A_317, %add3A_39, %broadcast_in_dim3A_319 : vector<8x1152xi1>, vector<8x1152xi32>
    %reduce_min3A_321 = vector.shape_cast %select_n3A_320 : vector<8x1152xi32> to vector<1x8x1152xi32>
    %reduce_min3A_322 = arith.constant dense<2147483647> : vector<1xi32>
    %reduce_min3A_323 = vector.multi_reduction <minsi>, %reduce_min3A_321, %reduce_min3A_322 [1, 2] : vector<1x8x1152xi32> to vector<1xi32>
    %reduce_min3A_324 = vector.shape_cast %reduce_min3A_323 : vector<1xi32> to vector<1x1x1xi32>
    %reduce_min3A_325 = vector.extract %reduce_min3A_324[0, 0, 0] : i32 from vector<1x1x1xi32>
    %max3A_326 = vector.broadcast %get3A_55 : f32 to vector<8x1152xf32>
    %max3A_327 = arith.maximumf %max3A_326, %sub3A : vector<8x1152xf32>
    %max3A_328 = vector.broadcast %get3A_87 : f32 to vector<8x1152xf32>
    %max3A_329 = arith.maximumf %max3A_328, %sub3A_24 : vector<8x1152xf32>
    %min3A_330 = vector.broadcast %get3A_119 : f32 to vector<8x1152xf32>
    %min3A_331 = arith.minimumf %min3A_330, %add3A : vector<8x1152xf32>
    %min3A_332 = vector.broadcast %get3A_151 : f32 to vector<8x1152xf32>
    %min3A_333 = arith.minimumf %min3A_332, %add3A_31 : vector<8x1152xf32>
    %sub3A_334 = arith.subf %min3A_331, %max3A_327 : vector<8x1152xf32>
    %max3A_335 = arith.constant 0.000000e+00 : f32
    %max3A_336 = vector.broadcast %max3A_335 : f32 to vector<8x1152xf32>
    %max3A_337 = arith.maximumf %sub3A_334, %max3A_336 : vector<8x1152xf32>
    %sub3A_338 = arith.subf %min3A_333, %max3A_329 : vector<8x1152xf32>
    %max3A_339 = arith.constant 0.000000e+00 : f32
    %max3A_340 = vector.broadcast %max3A_339 : f32 to vector<8x1152xf32>
    %max3A_341 = arith.maximumf %sub3A_338, %max3A_340 : vector<8x1152xf32>
    %mul3A_342 = arith.mulf %max3A_337, %max3A_341 : vector<8x1152xf32>
    %sub3A_343 = arith.subf %get3A_119, %get3A_55 : f32
    %sub3A_344 = arith.subf %get3A_151, %get3A_87 : f32
    %mul3A_345 = arith.mulf %sub3A_343, %sub3A_344 : f32
    %add3A_346 = vector.broadcast %mul3A_345 : f32 to vector<8x1152xf32>
    %add3A_347 = arith.addf %add3A_346, %mul3A_34 : vector<8x1152xf32>
    %sub3A_348 = arith.subf %add3A_347, %mul3A_342 : vector<8x1152xf32>
    %div3A_349 = arith.divf %mul3A_342, %sub3A_348 : vector<8x1152xf32>
    %gt3A_350 = arith.cmpf ogt, %div3A_349, %select_n3A_310 : vector<8x1152xf32>
    %jit3A_351 = arith.constant 3 : i32
    %broadcast_in_dim3A_352 = vector.broadcast %jit3A_351 : i32 to vector<8x1152xi32>
    %select_n3A_353 = arith.select %gt3A_350, %broadcast_in_dim3A_352, %select_n3A_309 : vector<8x1152xi1>, vector<8x1152xi32>
    %select_n3A_354 = arith.select %gt3A_350, %div3A_349, %select_n3A_310 : vector<8x1152xi1>, vector<8x1152xf32>
    %reduce_max3A_355 = vector.shape_cast %div3A_349 : vector<8x1152xf32> to vector<1x8x1152xf32>
    %reduce_max3A_356 = arith.constant dense<0xFF800000> : vector<1xf32>
    %reduce_max3A_357 = vector.multi_reduction <maximumf>, %reduce_max3A_355, %reduce_max3A_356 [1, 2] : vector<1x8x1152xf32> to vector<1xf32>
    %reduce_max3A_358 = vector.shape_cast %reduce_max3A_357 : vector<1xf32> to vector<1x1x1xf32>
    %reduce_max3A_359 = vector.extract %reduce_max3A_358[0, 0, 0] : f32 from vector<1x1x1xf32>
    %eq3A_360 = vector.broadcast %reduce_max3A_359 : f32 to vector<8x1152xf32>
    %eq3A_361 = arith.cmpf oeq, %div3A_349, %eq3A_360 : vector<8x1152xf32>
    %jit3A_362 = arith.constant 9216 : i32
    %broadcast_in_dim3A_363 = vector.broadcast %jit3A_362 : i32 to vector<8x1152xi32>
    %select_n3A_364 = arith.select %eq3A_361, %add3A_39, %broadcast_in_dim3A_363 : vector<8x1152xi1>, vector<8x1152xi32>
    %reduce_min3A_365 = vector.shape_cast %select_n3A_364 : vector<8x1152xi32> to vector<1x8x1152xi32>
    %reduce_min3A_366 = arith.constant dense<2147483647> : vector<1xi32>
    %reduce_min3A_367 = vector.multi_reduction <minsi>, %reduce_min3A_365, %reduce_min3A_366 [1, 2] : vector<1x8x1152xi32> to vector<1xi32>
    %reduce_min3A_368 = vector.shape_cast %reduce_min3A_367 : vector<1xi32> to vector<1x1x1xi32>
    %reduce_min3A_369 = vector.extract %reduce_min3A_368[0, 0, 0] : i32 from vector<1x1x1xi32>
    %max3A_370 = vector.broadcast %get3A_59 : f32 to vector<8x1152xf32>
    %max3A_371 = arith.maximumf %max3A_370, %sub3A : vector<8x1152xf32>
    %max3A_372 = vector.broadcast %get3A_91 : f32 to vector<8x1152xf32>
    %max3A_373 = arith.maximumf %max3A_372, %sub3A_24 : vector<8x1152xf32>
    %min3A_374 = vector.broadcast %get3A_123 : f32 to vector<8x1152xf32>
    %min3A_375 = arith.minimumf %min3A_374, %add3A : vector<8x1152xf32>
    %min3A_376 = vector.broadcast %get3A_155 : f32 to vector<8x1152xf32>
    %min3A_377 = arith.minimumf %min3A_376, %add3A_31 : vector<8x1152xf32>
    %sub3A_378 = arith.subf %min3A_375, %max3A_371 : vector<8x1152xf32>
    %max3A_379 = arith.constant 0.000000e+00 : f32
    %max3A_380 = vector.broadcast %max3A_379 : f32 to vector<8x1152xf32>
    %max3A_381 = arith.maximumf %sub3A_378, %max3A_380 : vector<8x1152xf32>
    %sub3A_382 = arith.subf %min3A_377, %max3A_373 : vector<8x1152xf32>
    %max3A_383 = arith.constant 0.000000e+00 : f32
    %max3A_384 = vector.broadcast %max3A_383 : f32 to vector<8x1152xf32>
    %max3A_385 = arith.maximumf %sub3A_382, %max3A_384 : vector<8x1152xf32>
    %mul3A_386 = arith.mulf %max3A_381, %max3A_385 : vector<8x1152xf32>
    %sub3A_387 = arith.subf %get3A_123, %get3A_59 : f32
    %sub3A_388 = arith.subf %get3A_155, %get3A_91 : f32
    %mul3A_389 = arith.mulf %sub3A_387, %sub3A_388 : f32
    %add3A_390 = vector.broadcast %mul3A_389 : f32 to vector<8x1152xf32>
    %add3A_391 = arith.addf %add3A_390, %mul3A_34 : vector<8x1152xf32>
    %sub3A_392 = arith.subf %add3A_391, %mul3A_386 : vector<8x1152xf32>
    %div3A_393 = arith.divf %mul3A_386, %sub3A_392 : vector<8x1152xf32>
    %gt3A_394 = arith.cmpf ogt, %div3A_393, %select_n3A_354 : vector<8x1152xf32>
    %jit3A_395 = arith.constant 4 : i32
    %broadcast_in_dim3A_396 = vector.broadcast %jit3A_395 : i32 to vector<8x1152xi32>
    %select_n3A_397 = arith.select %gt3A_394, %broadcast_in_dim3A_396, %select_n3A_353 : vector<8x1152xi1>, vector<8x1152xi32>
    %select_n3A_398 = arith.select %gt3A_394, %div3A_393, %select_n3A_354 : vector<8x1152xi1>, vector<8x1152xf32>
    %reduce_max3A_399 = vector.shape_cast %div3A_393 : vector<8x1152xf32> to vector<1x8x1152xf32>
    %reduce_max3A_400 = arith.constant dense<0xFF800000> : vector<1xf32>
    %reduce_max3A_401 = vector.multi_reduction <maximumf>, %reduce_max3A_399, %reduce_max3A_400 [1, 2] : vector<1x8x1152xf32> to vector<1xf32>
    %reduce_max3A_402 = vector.shape_cast %reduce_max3A_401 : vector<1xf32> to vector<1x1x1xf32>
    %reduce_max3A_403 = vector.extract %reduce_max3A_402[0, 0, 0] : f32 from vector<1x1x1xf32>
    %eq3A_404 = vector.broadcast %reduce_max3A_403 : f32 to vector<8x1152xf32>
    %eq3A_405 = arith.cmpf oeq, %div3A_393, %eq3A_404 : vector<8x1152xf32>
    %jit3A_406 = arith.constant 9216 : i32
    %broadcast_in_dim3A_407 = vector.broadcast %jit3A_406 : i32 to vector<8x1152xi32>
    %select_n3A_408 = arith.select %eq3A_405, %add3A_39, %broadcast_in_dim3A_407 : vector<8x1152xi1>, vector<8x1152xi32>
    %reduce_min3A_409 = vector.shape_cast %select_n3A_408 : vector<8x1152xi32> to vector<1x8x1152xi32>
    %reduce_min3A_410 = arith.constant dense<2147483647> : vector<1xi32>
    %reduce_min3A_411 = vector.multi_reduction <minsi>, %reduce_min3A_409, %reduce_min3A_410 [1, 2] : vector<1x8x1152xi32> to vector<1xi32>
    %reduce_min3A_412 = vector.shape_cast %reduce_min3A_411 : vector<1xi32> to vector<1x1x1xi32>
    %reduce_min3A_413 = vector.extract %reduce_min3A_412[0, 0, 0] : i32 from vector<1x1x1xi32>
    %max3A_414 = vector.broadcast %get3A_63 : f32 to vector<8x1152xf32>
    %max3A_415 = arith.maximumf %max3A_414, %sub3A : vector<8x1152xf32>
    %max3A_416 = vector.broadcast %get3A_95 : f32 to vector<8x1152xf32>
    %max3A_417 = arith.maximumf %max3A_416, %sub3A_24 : vector<8x1152xf32>
    %min3A_418 = vector.broadcast %get3A_127 : f32 to vector<8x1152xf32>
    %min3A_419 = arith.minimumf %min3A_418, %add3A : vector<8x1152xf32>
    %min3A_420 = vector.broadcast %get3A_159 : f32 to vector<8x1152xf32>
    %min3A_421 = arith.minimumf %min3A_420, %add3A_31 : vector<8x1152xf32>
    %sub3A_422 = arith.subf %min3A_419, %max3A_415 : vector<8x1152xf32>
    %max3A_423 = arith.constant 0.000000e+00 : f32
    %max3A_424 = vector.broadcast %max3A_423 : f32 to vector<8x1152xf32>
    %max3A_425 = arith.maximumf %sub3A_422, %max3A_424 : vector<8x1152xf32>
    %sub3A_426 = arith.subf %min3A_421, %max3A_417 : vector<8x1152xf32>
    %max3A_427 = arith.constant 0.000000e+00 : f32
    %max3A_428 = vector.broadcast %max3A_427 : f32 to vector<8x1152xf32>
    %max3A_429 = arith.maximumf %sub3A_426, %max3A_428 : vector<8x1152xf32>
    %mul3A_430 = arith.mulf %max3A_425, %max3A_429 : vector<8x1152xf32>
    %sub3A_431 = arith.subf %get3A_127, %get3A_63 : f32
    %sub3A_432 = arith.subf %get3A_159, %get3A_95 : f32
    %mul3A_433 = arith.mulf %sub3A_431, %sub3A_432 : f32
    %add3A_434 = vector.broadcast %mul3A_433 : f32 to vector<8x1152xf32>
    %add3A_435 = arith.addf %add3A_434, %mul3A_34 : vector<8x1152xf32>
    %sub3A_436 = arith.subf %add3A_435, %mul3A_430 : vector<8x1152xf32>
    %div3A_437 = arith.divf %mul3A_430, %sub3A_436 : vector<8x1152xf32>
    %gt3A_438 = arith.cmpf ogt, %div3A_437, %select_n3A_398 : vector<8x1152xf32>
    %jit3A_439 = arith.constant 5 : i32
    %broadcast_in_dim3A_440 = vector.broadcast %jit3A_439 : i32 to vector<8x1152xi32>
    %select_n3A_441 = arith.select %gt3A_438, %broadcast_in_dim3A_440, %select_n3A_397 : vector<8x1152xi1>, vector<8x1152xi32>
    %select_n3A_442 = arith.select %gt3A_438, %div3A_437, %select_n3A_398 : vector<8x1152xi1>, vector<8x1152xf32>
    %reduce_max3A_443 = vector.shape_cast %div3A_437 : vector<8x1152xf32> to vector<1x8x1152xf32>
    %reduce_max3A_444 = arith.constant dense<0xFF800000> : vector<1xf32>
    %reduce_max3A_445 = vector.multi_reduction <maximumf>, %reduce_max3A_443, %reduce_max3A_444 [1, 2] : vector<1x8x1152xf32> to vector<1xf32>
    %reduce_max3A_446 = vector.shape_cast %reduce_max3A_445 : vector<1xf32> to vector<1x1x1xf32>
    %reduce_max3A_447 = vector.extract %reduce_max3A_446[0, 0, 0] : f32 from vector<1x1x1xf32>
    %eq3A_448 = vector.broadcast %reduce_max3A_447 : f32 to vector<8x1152xf32>
    %eq3A_449 = arith.cmpf oeq, %div3A_437, %eq3A_448 : vector<8x1152xf32>
    %jit3A_450 = arith.constant 9216 : i32
    %broadcast_in_dim3A_451 = vector.broadcast %jit3A_450 : i32 to vector<8x1152xi32>
    %select_n3A_452 = arith.select %eq3A_449, %add3A_39, %broadcast_in_dim3A_451 : vector<8x1152xi1>, vector<8x1152xi32>
    %reduce_min3A_453 = vector.shape_cast %select_n3A_452 : vector<8x1152xi32> to vector<1x8x1152xi32>
    %reduce_min3A_454 = arith.constant dense<2147483647> : vector<1xi32>
    %reduce_min3A_455 = vector.multi_reduction <minsi>, %reduce_min3A_453, %reduce_min3A_454 [1, 2] : vector<1x8x1152xi32> to vector<1xi32>
    %reduce_min3A_456 = vector.shape_cast %reduce_min3A_455 : vector<1xi32> to vector<1x1x1xi32>
    %reduce_min3A_457 = vector.extract %reduce_min3A_456[0, 0, 0] : i32 from vector<1x1x1xi32>
    %max3A_458 = vector.broadcast %get3A_67 : f32 to vector<8x1152xf32>
    %max3A_459 = arith.maximumf %max3A_458, %sub3A : vector<8x1152xf32>
    %max3A_460 = vector.broadcast %get3A_99 : f32 to vector<8x1152xf32>
    %max3A_461 = arith.maximumf %max3A_460, %sub3A_24 : vector<8x1152xf32>
    %min3A_462 = vector.broadcast %get3A_131 : f32 to vector<8x1152xf32>
    %min3A_463 = arith.minimumf %min3A_462, %add3A : vector<8x1152xf32>
    %min3A_464 = vector.broadcast %get3A_163 : f32 to vector<8x1152xf32>
    %min3A_465 = arith.minimumf %min3A_464, %add3A_31 : vector<8x1152xf32>
    %sub3A_466 = arith.subf %min3A_463, %max3A_459 : vector<8x1152xf32>
    %max3A_467 = arith.constant 0.000000e+00 : f32
    %max3A_468 = vector.broadcast %max3A_467 : f32 to vector<8x1152xf32>
    %max3A_469 = arith.maximumf %sub3A_466, %max3A_468 : vector<8x1152xf32>
    %sub3A_470 = arith.subf %min3A_465, %max3A_461 : vector<8x1152xf32>
    %max3A_471 = arith.constant 0.000000e+00 : f32
    %max3A_472 = vector.broadcast %max3A_471 : f32 to vector<8x1152xf32>
    %max3A_473 = arith.maximumf %sub3A_470, %max3A_472 : vector<8x1152xf32>
    %mul3A_474 = arith.mulf %max3A_469, %max3A_473 : vector<8x1152xf32>
    %sub3A_475 = arith.subf %get3A_131, %get3A_67 : f32
    %sub3A_476 = arith.subf %get3A_163, %get3A_99 : f32
    %mul3A_477 = arith.mulf %sub3A_475, %sub3A_476 : f32
    %add3A_478 = vector.broadcast %mul3A_477 : f32 to vector<8x1152xf32>
    %add3A_479 = arith.addf %add3A_478, %mul3A_34 : vector<8x1152xf32>
    %sub3A_480 = arith.subf %add3A_479, %mul3A_474 : vector<8x1152xf32>
    %div3A_481 = arith.divf %mul3A_474, %sub3A_480 : vector<8x1152xf32>
    %gt3A_482 = arith.cmpf ogt, %div3A_481, %select_n3A_442 : vector<8x1152xf32>
    %jit3A_483 = arith.constant 6 : i32
    %broadcast_in_dim3A_484 = vector.broadcast %jit3A_483 : i32 to vector<8x1152xi32>
    %select_n3A_485 = arith.select %gt3A_482, %broadcast_in_dim3A_484, %select_n3A_441 : vector<8x1152xi1>, vector<8x1152xi32>
    %select_n3A_486 = arith.select %gt3A_482, %div3A_481, %select_n3A_442 : vector<8x1152xi1>, vector<8x1152xf32>
    %reduce_max3A_487 = vector.shape_cast %div3A_481 : vector<8x1152xf32> to vector<1x8x1152xf32>
    %reduce_max3A_488 = arith.constant dense<0xFF800000> : vector<1xf32>
    %reduce_max3A_489 = vector.multi_reduction <maximumf>, %reduce_max3A_487, %reduce_max3A_488 [1, 2] : vector<1x8x1152xf32> to vector<1xf32>
    %reduce_max3A_490 = vector.shape_cast %reduce_max3A_489 : vector<1xf32> to vector<1x1x1xf32>
    %reduce_max3A_491 = vector.extract %reduce_max3A_490[0, 0, 0] : f32 from vector<1x1x1xf32>
    %eq3A_492 = vector.broadcast %reduce_max3A_491 : f32 to vector<8x1152xf32>
    %eq3A_493 = arith.cmpf oeq, %div3A_481, %eq3A_492 : vector<8x1152xf32>
    %jit3A_494 = arith.constant 9216 : i32
    %broadcast_in_dim3A_495 = vector.broadcast %jit3A_494 : i32 to vector<8x1152xi32>
    %select_n3A_496 = arith.select %eq3A_493, %add3A_39, %broadcast_in_dim3A_495 : vector<8x1152xi1>, vector<8x1152xi32>
    %reduce_min3A_497 = vector.shape_cast %select_n3A_496 : vector<8x1152xi32> to vector<1x8x1152xi32>
    %reduce_min3A_498 = arith.constant dense<2147483647> : vector<1xi32>
    %reduce_min3A_499 = vector.multi_reduction <minsi>, %reduce_min3A_497, %reduce_min3A_498 [1, 2] : vector<1x8x1152xi32> to vector<1xi32>
    %reduce_min3A_500 = vector.shape_cast %reduce_min3A_499 : vector<1xi32> to vector<1x1x1xi32>
    %reduce_min3A_501 = vector.extract %reduce_min3A_500[0, 0, 0] : i32 from vector<1x1x1xi32>
    %max3A_502 = vector.broadcast %get3A_71 : f32 to vector<8x1152xf32>
    %max3A_503 = arith.maximumf %max3A_502, %sub3A : vector<8x1152xf32>
    %max3A_504 = vector.broadcast %get3A_103 : f32 to vector<8x1152xf32>
    %max3A_505 = arith.maximumf %max3A_504, %sub3A_24 : vector<8x1152xf32>
    %min3A_506 = vector.broadcast %get3A_135 : f32 to vector<8x1152xf32>
    %min3A_507 = arith.minimumf %min3A_506, %add3A : vector<8x1152xf32>
    %min3A_508 = vector.broadcast %get3A_167 : f32 to vector<8x1152xf32>
    %min3A_509 = arith.minimumf %min3A_508, %add3A_31 : vector<8x1152xf32>
    %sub3A_510 = arith.subf %min3A_507, %max3A_503 : vector<8x1152xf32>
    %max3A_511 = arith.constant 0.000000e+00 : f32
    %max3A_512 = vector.broadcast %max3A_511 : f32 to vector<8x1152xf32>
    %max3A_513 = arith.maximumf %sub3A_510, %max3A_512 : vector<8x1152xf32>
    %sub3A_514 = arith.subf %min3A_509, %max3A_505 : vector<8x1152xf32>
    %max3A_515 = arith.constant 0.000000e+00 : f32
    %max3A_516 = vector.broadcast %max3A_515 : f32 to vector<8x1152xf32>
    %max3A_517 = arith.maximumf %sub3A_514, %max3A_516 : vector<8x1152xf32>
    %mul3A_518 = arith.mulf %max3A_513, %max3A_517 : vector<8x1152xf32>
    %sub3A_519 = arith.subf %get3A_135, %get3A_71 : f32
    %sub3A_520 = arith.subf %get3A_167, %get3A_103 : f32
    %mul3A_521 = arith.mulf %sub3A_519, %sub3A_520 : f32
    %add3A_522 = vector.broadcast %mul3A_521 : f32 to vector<8x1152xf32>
    %add3A_523 = arith.addf %add3A_522, %mul3A_34 : vector<8x1152xf32>
    %sub3A_524 = arith.subf %add3A_523, %mul3A_518 : vector<8x1152xf32>
    %div3A_525 = arith.divf %mul3A_518, %sub3A_524 : vector<8x1152xf32>
    %gt3A_526 = arith.cmpf ogt, %div3A_525, %select_n3A_486 : vector<8x1152xf32>
    %jit3A_527 = arith.constant 7 : i32
    %broadcast_in_dim3A_528 = vector.broadcast %jit3A_527 : i32 to vector<8x1152xi32>
    %select_n3A_529 = arith.select %gt3A_526, %broadcast_in_dim3A_528, %select_n3A_485 : vector<8x1152xi1>, vector<8x1152xi32>
    %select_n3A_530 = arith.select %gt3A_526, %div3A_525, %select_n3A_486 : vector<8x1152xi1>, vector<8x1152xf32>
    %reduce_max3A_531 = vector.shape_cast %div3A_525 : vector<8x1152xf32> to vector<1x8x1152xf32>
    %reduce_max3A_532 = arith.constant dense<0xFF800000> : vector<1xf32>
    %reduce_max3A_533 = vector.multi_reduction <maximumf>, %reduce_max3A_531, %reduce_max3A_532 [1, 2] : vector<1x8x1152xf32> to vector<1xf32>
    %reduce_max3A_534 = vector.shape_cast %reduce_max3A_533 : vector<1xf32> to vector<1x1x1xf32>
    %reduce_max3A_535 = vector.extract %reduce_max3A_534[0, 0, 0] : f32 from vector<1x1x1xf32>
    %eq3A_536 = vector.broadcast %reduce_max3A_535 : f32 to vector<8x1152xf32>
    %eq3A_537 = arith.cmpf oeq, %div3A_525, %eq3A_536 : vector<8x1152xf32>
    %jit3A_538 = arith.constant 9216 : i32
    %broadcast_in_dim3A_539 = vector.broadcast %jit3A_538 : i32 to vector<8x1152xi32>
    %select_n3A_540 = arith.select %eq3A_537, %add3A_39, %broadcast_in_dim3A_539 : vector<8x1152xi1>, vector<8x1152xi32>
    %reduce_min3A_541 = vector.shape_cast %select_n3A_540 : vector<8x1152xi32> to vector<1x8x1152xi32>
    %reduce_min3A_542 = arith.constant dense<2147483647> : vector<1xi32>
    %reduce_min3A_543 = vector.multi_reduction <minsi>, %reduce_min3A_541, %reduce_min3A_542 [1, 2] : vector<1x8x1152xi32> to vector<1xi32>
    %reduce_min3A_544 = vector.shape_cast %reduce_min3A_543 : vector<1xi32> to vector<1x1x1xi32>
    %reduce_min3A_545 = vector.extract %reduce_min3A_544[0, 0, 0] : i32 from vector<1x1x1xi32>
    %eq3A_546 = vector.broadcast %reduce_min3A_237 : i32 to vector<8x1152xi32>
    %eq3A_547 = arith.cmpi eq, %add3A_39, %eq3A_546 : vector<8x1152xi32>
    %jit3A_548 = arith.constant 2.000000e+00 : f32
    %broadcast_in_dim3A_549 = vector.broadcast %jit3A_548 : f32 to vector<8x1152xf32>
    %select_n3A_550 = arith.select %eq3A_547, %broadcast_in_dim3A_549, %select_n3A_530 : vector<8x1152xi1>, vector<8x1152xf32>
    %jit3A_551 = arith.constant 0 : i32
    %broadcast_in_dim3A_552 = vector.broadcast %jit3A_551 : i32 to vector<8x1152xi32>
    %select_n3A_553 = arith.select %eq3A_547, %broadcast_in_dim3A_552, %select_n3A_529 : vector<8x1152xi1>, vector<8x1152xi32>
    %eq3A_554 = vector.broadcast %reduce_min3A_281 : i32 to vector<8x1152xi32>
    %eq3A_555 = arith.cmpi eq, %add3A_39, %eq3A_554 : vector<8x1152xi32>
    %jit3A_556 = arith.constant 2.000000e+00 : f32
    %broadcast_in_dim3A_557 = vector.broadcast %jit3A_556 : f32 to vector<8x1152xf32>
    %select_n3A_558 = arith.select %eq3A_555, %broadcast_in_dim3A_557, %select_n3A_550 : vector<8x1152xi1>, vector<8x1152xf32>
    %jit3A_559 = arith.constant 1 : i32
    %broadcast_in_dim3A_560 = vector.broadcast %jit3A_559 : i32 to vector<8x1152xi32>
    %select_n3A_561 = arith.select %eq3A_555, %broadcast_in_dim3A_560, %select_n3A_553 : vector<8x1152xi1>, vector<8x1152xi32>
    %eq3A_562 = vector.broadcast %reduce_min3A_325 : i32 to vector<8x1152xi32>
    %eq3A_563 = arith.cmpi eq, %add3A_39, %eq3A_562 : vector<8x1152xi32>
    %jit3A_564 = arith.constant 2.000000e+00 : f32
    %broadcast_in_dim3A_565 = vector.broadcast %jit3A_564 : f32 to vector<8x1152xf32>
    %select_n3A_566 = arith.select %eq3A_563, %broadcast_in_dim3A_565, %select_n3A_558 : vector<8x1152xi1>, vector<8x1152xf32>
    %jit3A_567 = arith.constant 2 : i32
    %broadcast_in_dim3A_568 = vector.broadcast %jit3A_567 : i32 to vector<8x1152xi32>
    %select_n3A_569 = arith.select %eq3A_563, %broadcast_in_dim3A_568, %select_n3A_561 : vector<8x1152xi1>, vector<8x1152xi32>
    %eq3A_570 = vector.broadcast %reduce_min3A_369 : i32 to vector<8x1152xi32>
    %eq3A_571 = arith.cmpi eq, %add3A_39, %eq3A_570 : vector<8x1152xi32>
    %jit3A_572 = arith.constant 2.000000e+00 : f32
    %broadcast_in_dim3A_573 = vector.broadcast %jit3A_572 : f32 to vector<8x1152xf32>
    %select_n3A_574 = arith.select %eq3A_571, %broadcast_in_dim3A_573, %select_n3A_566 : vector<8x1152xi1>, vector<8x1152xf32>
    %jit3A_575 = arith.constant 3 : i32
    %broadcast_in_dim3A_576 = vector.broadcast %jit3A_575 : i32 to vector<8x1152xi32>
    %select_n3A_577 = arith.select %eq3A_571, %broadcast_in_dim3A_576, %select_n3A_569 : vector<8x1152xi1>, vector<8x1152xi32>
    %eq3A_578 = vector.broadcast %reduce_min3A_413 : i32 to vector<8x1152xi32>
    %eq3A_579 = arith.cmpi eq, %add3A_39, %eq3A_578 : vector<8x1152xi32>
    %jit3A_580 = arith.constant 2.000000e+00 : f32
    %broadcast_in_dim3A_581 = vector.broadcast %jit3A_580 : f32 to vector<8x1152xf32>
    %select_n3A_582 = arith.select %eq3A_579, %broadcast_in_dim3A_581, %select_n3A_574 : vector<8x1152xi1>, vector<8x1152xf32>
    %jit3A_583 = arith.constant 4 : i32
    %broadcast_in_dim3A_584 = vector.broadcast %jit3A_583 : i32 to vector<8x1152xi32>
    %select_n3A_585 = arith.select %eq3A_579, %broadcast_in_dim3A_584, %select_n3A_577 : vector<8x1152xi1>, vector<8x1152xi32>
    %eq3A_586 = vector.broadcast %reduce_min3A_457 : i32 to vector<8x1152xi32>
    %eq3A_587 = arith.cmpi eq, %add3A_39, %eq3A_586 : vector<8x1152xi32>
    %jit3A_588 = arith.constant 2.000000e+00 : f32
    %broadcast_in_dim3A_589 = vector.broadcast %jit3A_588 : f32 to vector<8x1152xf32>
    %select_n3A_590 = arith.select %eq3A_587, %broadcast_in_dim3A_589, %select_n3A_582 : vector<8x1152xi1>, vector<8x1152xf32>
    %jit3A_591 = arith.constant 5 : i32
    %broadcast_in_dim3A_592 = vector.broadcast %jit3A_591 : i32 to vector<8x1152xi32>
    %select_n3A_593 = arith.select %eq3A_587, %broadcast_in_dim3A_592, %select_n3A_585 : vector<8x1152xi1>, vector<8x1152xi32>
    %eq3A_594 = vector.broadcast %reduce_min3A_501 : i32 to vector<8x1152xi32>
    %eq3A_595 = arith.cmpi eq, %add3A_39, %eq3A_594 : vector<8x1152xi32>
    %jit3A_596 = arith.constant 2.000000e+00 : f32
    %broadcast_in_dim3A_597 = vector.broadcast %jit3A_596 : f32 to vector<8x1152xf32>
    %select_n3A_598 = arith.select %eq3A_595, %broadcast_in_dim3A_597, %select_n3A_590 : vector<8x1152xi1>, vector<8x1152xf32>
    %jit3A_599 = arith.constant 6 : i32
    %broadcast_in_dim3A_600 = vector.broadcast %jit3A_599 : i32 to vector<8x1152xi32>
    %select_n3A_601 = arith.select %eq3A_595, %broadcast_in_dim3A_600, %select_n3A_593 : vector<8x1152xi1>, vector<8x1152xi32>
    %eq3A_602 = vector.broadcast %reduce_min3A_545 : i32 to vector<8x1152xi32>
    %eq3A_603 = arith.cmpi eq, %add3A_39, %eq3A_602 : vector<8x1152xi32>
    %jit3A_604 = arith.constant 2.000000e+00 : f32
    %broadcast_in_dim3A_605 = vector.broadcast %jit3A_604 : f32 to vector<8x1152xf32>
    %select_n3A_606 = arith.select %eq3A_603, %broadcast_in_dim3A_605, %select_n3A_598 : vector<8x1152xi1>, vector<8x1152xf32>
    %jit3A_607 = arith.constant 7 : i32
    %broadcast_in_dim3A_608 = vector.broadcast %jit3A_607 : i32 to vector<8x1152xi32>
    %select_n3A_609 = arith.select %eq3A_603, %broadcast_in_dim3A_608, %select_n3A_601 : vector<8x1152xi1>, vector<8x1152xi32>
    %broadcast_in_dim3A_610 = arith.constant 0.000000e+00 : f32
    %broadcast_in_dim3A_611 = vector.broadcast %broadcast_in_dim3A_610 : f32 to vector<8x1152xf32>
    %broadcast_in_dim3A_612 = arith.constant 0.000000e+00 : f32
    %broadcast_in_dim3A_613 = vector.broadcast %broadcast_in_dim3A_612 : f32 to vector<8x1152xf32>
    %broadcast_in_dim3A_614 = arith.constant 0.000000e+00 : f32
    %broadcast_in_dim3A_615 = vector.broadcast %broadcast_in_dim3A_614 : f32 to vector<8x1152xf32>
    %broadcast_in_dim3A_616 = arith.constant 0.000000e+00 : f32
    %broadcast_in_dim3A_617 = vector.broadcast %broadcast_in_dim3A_616 : f32 to vector<8x1152xf32>
    %broadcast_in_dim3A_618 = arith.constant 0.000000e+00 : f32
    %broadcast_in_dim3A_619 = vector.broadcast %broadcast_in_dim3A_618 : f32 to vector<8x1152xf32>
    %eq3A_620 = arith.constant 0 : i32
    %eq3A_621 = vector.broadcast %eq3A_620 : i32 to vector<8x1152xi32>
    %eq3A_622 = arith.cmpi eq, %select_n3A_609, %eq3A_621 : vector<8x1152xi32>
    %broadcast_in_dim3A_623 = vector.broadcast %get3A_43 : f32 to vector<8x1152xf32>
    %select_n3A_624 = arith.select %eq3A_622, %broadcast_in_dim3A_623, %broadcast_in_dim3A_611 : vector<8x1152xi1>, vector<8x1152xf32>
    %broadcast_in_dim3A_625 = vector.broadcast %get3A_75 : f32 to vector<8x1152xf32>
    %select_n3A_626 = arith.select %eq3A_622, %broadcast_in_dim3A_625, %broadcast_in_dim3A_613 : vector<8x1152xi1>, vector<8x1152xf32>
    %broadcast_in_dim3A_627 = vector.broadcast %get3A_107 : f32 to vector<8x1152xf32>
    %select_n3A_628 = arith.select %eq3A_622, %broadcast_in_dim3A_627, %broadcast_in_dim3A_615 : vector<8x1152xi1>, vector<8x1152xf32>
    %broadcast_in_dim3A_629 = vector.broadcast %get3A_139 : f32 to vector<8x1152xf32>
    %select_n3A_630 = arith.select %eq3A_622, %broadcast_in_dim3A_629, %broadcast_in_dim3A_617 : vector<8x1152xi1>, vector<8x1152xf32>
    %broadcast_in_dim3A_631 = vector.broadcast %get3A_171 : f32 to vector<8x1152xf32>
    %select_n3A_632 = arith.select %eq3A_622, %broadcast_in_dim3A_631, %broadcast_in_dim3A_619 : vector<8x1152xi1>, vector<8x1152xf32>
    %eq3A_633 = arith.constant 1 : i32
    %eq3A_634 = vector.broadcast %eq3A_633 : i32 to vector<8x1152xi32>
    %eq3A_635 = arith.cmpi eq, %select_n3A_609, %eq3A_634 : vector<8x1152xi32>
    %broadcast_in_dim3A_636 = vector.broadcast %get3A_47 : f32 to vector<8x1152xf32>
    %select_n3A_637 = arith.select %eq3A_635, %broadcast_in_dim3A_636, %select_n3A_624 : vector<8x1152xi1>, vector<8x1152xf32>
    %broadcast_in_dim3A_638 = vector.broadcast %get3A_79 : f32 to vector<8x1152xf32>
    %select_n3A_639 = arith.select %eq3A_635, %broadcast_in_dim3A_638, %select_n3A_626 : vector<8x1152xi1>, vector<8x1152xf32>
    %broadcast_in_dim3A_640 = vector.broadcast %get3A_111 : f32 to vector<8x1152xf32>
    %select_n3A_641 = arith.select %eq3A_635, %broadcast_in_dim3A_640, %select_n3A_628 : vector<8x1152xi1>, vector<8x1152xf32>
    %broadcast_in_dim3A_642 = vector.broadcast %get3A_143 : f32 to vector<8x1152xf32>
    %select_n3A_643 = arith.select %eq3A_635, %broadcast_in_dim3A_642, %select_n3A_630 : vector<8x1152xi1>, vector<8x1152xf32>
    %broadcast_in_dim3A_644 = vector.broadcast %get3A_175 : f32 to vector<8x1152xf32>
    %select_n3A_645 = arith.select %eq3A_635, %broadcast_in_dim3A_644, %select_n3A_632 : vector<8x1152xi1>, vector<8x1152xf32>
    %eq3A_646 = arith.constant 2 : i32
    %eq3A_647 = vector.broadcast %eq3A_646 : i32 to vector<8x1152xi32>
    %eq3A_648 = arith.cmpi eq, %select_n3A_609, %eq3A_647 : vector<8x1152xi32>
    %broadcast_in_dim3A_649 = vector.broadcast %get3A_51 : f32 to vector<8x1152xf32>
    %select_n3A_650 = arith.select %eq3A_648, %broadcast_in_dim3A_649, %select_n3A_637 : vector<8x1152xi1>, vector<8x1152xf32>
    %broadcast_in_dim3A_651 = vector.broadcast %get3A_83 : f32 to vector<8x1152xf32>
    %select_n3A_652 = arith.select %eq3A_648, %broadcast_in_dim3A_651, %select_n3A_639 : vector<8x1152xi1>, vector<8x1152xf32>
    %broadcast_in_dim3A_653 = vector.broadcast %get3A_115 : f32 to vector<8x1152xf32>
    %select_n3A_654 = arith.select %eq3A_648, %broadcast_in_dim3A_653, %select_n3A_641 : vector<8x1152xi1>, vector<8x1152xf32>
    %broadcast_in_dim3A_655 = vector.broadcast %get3A_147 : f32 to vector<8x1152xf32>
    %select_n3A_656 = arith.select %eq3A_648, %broadcast_in_dim3A_655, %select_n3A_643 : vector<8x1152xi1>, vector<8x1152xf32>
    %broadcast_in_dim3A_657 = vector.broadcast %get3A_179 : f32 to vector<8x1152xf32>
    %select_n3A_658 = arith.select %eq3A_648, %broadcast_in_dim3A_657, %select_n3A_645 : vector<8x1152xi1>, vector<8x1152xf32>
    %eq3A_659 = arith.constant 3 : i32
    %eq3A_660 = vector.broadcast %eq3A_659 : i32 to vector<8x1152xi32>
    %eq3A_661 = arith.cmpi eq, %select_n3A_609, %eq3A_660 : vector<8x1152xi32>
    %broadcast_in_dim3A_662 = vector.broadcast %get3A_55 : f32 to vector<8x1152xf32>
    %select_n3A_663 = arith.select %eq3A_661, %broadcast_in_dim3A_662, %select_n3A_650 : vector<8x1152xi1>, vector<8x1152xf32>
    %broadcast_in_dim3A_664 = vector.broadcast %get3A_87 : f32 to vector<8x1152xf32>
    %select_n3A_665 = arith.select %eq3A_661, %broadcast_in_dim3A_664, %select_n3A_652 : vector<8x1152xi1>, vector<8x1152xf32>
    %broadcast_in_dim3A_666 = vector.broadcast %get3A_119 : f32 to vector<8x1152xf32>
    %select_n3A_667 = arith.select %eq3A_661, %broadcast_in_dim3A_666, %select_n3A_654 : vector<8x1152xi1>, vector<8x1152xf32>
    %broadcast_in_dim3A_668 = vector.broadcast %get3A_151 : f32 to vector<8x1152xf32>
    %select_n3A_669 = arith.select %eq3A_661, %broadcast_in_dim3A_668, %select_n3A_656 : vector<8x1152xi1>, vector<8x1152xf32>
    %broadcast_in_dim3A_670 = vector.broadcast %get3A_183 : f32 to vector<8x1152xf32>
    %select_n3A_671 = arith.select %eq3A_661, %broadcast_in_dim3A_670, %select_n3A_658 : vector<8x1152xi1>, vector<8x1152xf32>
    %eq3A_672 = arith.constant 4 : i32
    %eq3A_673 = vector.broadcast %eq3A_672 : i32 to vector<8x1152xi32>
    %eq3A_674 = arith.cmpi eq, %select_n3A_609, %eq3A_673 : vector<8x1152xi32>
    %broadcast_in_dim3A_675 = vector.broadcast %get3A_59 : f32 to vector<8x1152xf32>
    %select_n3A_676 = arith.select %eq3A_674, %broadcast_in_dim3A_675, %select_n3A_663 : vector<8x1152xi1>, vector<8x1152xf32>
    %broadcast_in_dim3A_677 = vector.broadcast %get3A_91 : f32 to vector<8x1152xf32>
    %select_n3A_678 = arith.select %eq3A_674, %broadcast_in_dim3A_677, %select_n3A_665 : vector<8x1152xi1>, vector<8x1152xf32>
    %broadcast_in_dim3A_679 = vector.broadcast %get3A_123 : f32 to vector<8x1152xf32>
    %select_n3A_680 = arith.select %eq3A_674, %broadcast_in_dim3A_679, %select_n3A_667 : vector<8x1152xi1>, vector<8x1152xf32>
    %broadcast_in_dim3A_681 = vector.broadcast %get3A_155 : f32 to vector<8x1152xf32>
    %select_n3A_682 = arith.select %eq3A_674, %broadcast_in_dim3A_681, %select_n3A_669 : vector<8x1152xi1>, vector<8x1152xf32>
    %broadcast_in_dim3A_683 = vector.broadcast %get3A_187 : f32 to vector<8x1152xf32>
    %select_n3A_684 = arith.select %eq3A_674, %broadcast_in_dim3A_683, %select_n3A_671 : vector<8x1152xi1>, vector<8x1152xf32>
    %eq3A_685 = arith.constant 5 : i32
    %eq3A_686 = vector.broadcast %eq3A_685 : i32 to vector<8x1152xi32>
    %eq3A_687 = arith.cmpi eq, %select_n3A_609, %eq3A_686 : vector<8x1152xi32>
    %broadcast_in_dim3A_688 = vector.broadcast %get3A_63 : f32 to vector<8x1152xf32>
    %select_n3A_689 = arith.select %eq3A_687, %broadcast_in_dim3A_688, %select_n3A_676 : vector<8x1152xi1>, vector<8x1152xf32>
    %broadcast_in_dim3A_690 = vector.broadcast %get3A_95 : f32 to vector<8x1152xf32>
    %select_n3A_691 = arith.select %eq3A_687, %broadcast_in_dim3A_690, %select_n3A_678 : vector<8x1152xi1>, vector<8x1152xf32>
    %broadcast_in_dim3A_692 = vector.broadcast %get3A_127 : f32 to vector<8x1152xf32>
    %select_n3A_693 = arith.select %eq3A_687, %broadcast_in_dim3A_692, %select_n3A_680 : vector<8x1152xi1>, vector<8x1152xf32>
    %broadcast_in_dim3A_694 = vector.broadcast %get3A_159 : f32 to vector<8x1152xf32>
    %select_n3A_695 = arith.select %eq3A_687, %broadcast_in_dim3A_694, %select_n3A_682 : vector<8x1152xi1>, vector<8x1152xf32>
    %broadcast_in_dim3A_696 = vector.broadcast %get3A_191 : f32 to vector<8x1152xf32>
    %select_n3A_697 = arith.select %eq3A_687, %broadcast_in_dim3A_696, %select_n3A_684 : vector<8x1152xi1>, vector<8x1152xf32>
    %eq3A_698 = arith.constant 6 : i32
    %eq3A_699 = vector.broadcast %eq3A_698 : i32 to vector<8x1152xi32>
    %eq3A_700 = arith.cmpi eq, %select_n3A_609, %eq3A_699 : vector<8x1152xi32>
    %broadcast_in_dim3A_701 = vector.broadcast %get3A_67 : f32 to vector<8x1152xf32>
    %select_n3A_702 = arith.select %eq3A_700, %broadcast_in_dim3A_701, %select_n3A_689 : vector<8x1152xi1>, vector<8x1152xf32>
    %broadcast_in_dim3A_703 = vector.broadcast %get3A_99 : f32 to vector<8x1152xf32>
    %select_n3A_704 = arith.select %eq3A_700, %broadcast_in_dim3A_703, %select_n3A_691 : vector<8x1152xi1>, vector<8x1152xf32>
    %broadcast_in_dim3A_705 = vector.broadcast %get3A_131 : f32 to vector<8x1152xf32>
    %select_n3A_706 = arith.select %eq3A_700, %broadcast_in_dim3A_705, %select_n3A_693 : vector<8x1152xi1>, vector<8x1152xf32>
    %broadcast_in_dim3A_707 = vector.broadcast %get3A_163 : f32 to vector<8x1152xf32>
    %select_n3A_708 = arith.select %eq3A_700, %broadcast_in_dim3A_707, %select_n3A_695 : vector<8x1152xi1>, vector<8x1152xf32>
    %broadcast_in_dim3A_709 = vector.broadcast %get3A_195 : f32 to vector<8x1152xf32>
    %select_n3A_710 = arith.select %eq3A_700, %broadcast_in_dim3A_709, %select_n3A_697 : vector<8x1152xi1>, vector<8x1152xf32>
    %eq3A_711 = arith.constant 7 : i32
    %eq3A_712 = vector.broadcast %eq3A_711 : i32 to vector<8x1152xi32>
    %eq3A_713 = arith.cmpi eq, %select_n3A_609, %eq3A_712 : vector<8x1152xi32>
    %broadcast_in_dim3A_714 = vector.broadcast %get3A_71 : f32 to vector<8x1152xf32>
    %select_n3A_715 = arith.select %eq3A_713, %broadcast_in_dim3A_714, %select_n3A_702 : vector<8x1152xi1>, vector<8x1152xf32>
    %broadcast_in_dim3A_716 = vector.broadcast %get3A_103 : f32 to vector<8x1152xf32>
    %select_n3A_717 = arith.select %eq3A_713, %broadcast_in_dim3A_716, %select_n3A_704 : vector<8x1152xi1>, vector<8x1152xf32>
    %broadcast_in_dim3A_718 = vector.broadcast %get3A_135 : f32 to vector<8x1152xf32>
    %select_n3A_719 = arith.select %eq3A_713, %broadcast_in_dim3A_718, %select_n3A_706 : vector<8x1152xi1>, vector<8x1152xf32>
    %broadcast_in_dim3A_720 = vector.broadcast %get3A_167 : f32 to vector<8x1152xf32>
    %select_n3A_721 = arith.select %eq3A_713, %broadcast_in_dim3A_720, %select_n3A_708 : vector<8x1152xi1>, vector<8x1152xf32>
    %broadcast_in_dim3A_722 = vector.broadcast %get3A_199 : f32 to vector<8x1152xf32>
    %select_n3A_723 = arith.select %eq3A_713, %broadcast_in_dim3A_722, %select_n3A_710 : vector<8x1152xi1>, vector<8x1152xf32>
    %add3A_724 = arith.constant 1.000000e+00 : f32
    %add3A_725 = vector.broadcast %add3A_724 : f32 to vector<8x1152xf32>
    %add3A_726 = arith.addf %select_n3A_723, %add3A_725 : vector<8x1152xf32>
    %convert_element_type3A = arith.fptosi %add3A_726 : vector<8x1152xf32> to vector<8x1152xi32>
    %lt3A = arith.constant 5.000000e-01 : f32
    %lt3A_727 = vector.broadcast %lt3A : f32 to vector<8x1152xf32>
    %lt3A_728 = arith.cmpf olt, %select_n3A_606, %lt3A_727 : vector<8x1152xf32>
    %jit3A_729 = arith.constant 0 : i32
    %broadcast_in_dim3A_730 = vector.broadcast %jit3A_729 : i32 to vector<8x1152xi32>
    %select_n3A_731 = arith.select %lt3A_728, %broadcast_in_dim3A_730, %convert_element_type3A : vector<8x1152xi1>, vector<8x1152xi32>
    %gt3A_732 = arith.constant 0 : i32
    %gt3A_733 = vector.broadcast %gt3A_732 : i32 to vector<8x1152xi32>
    %gt3A_734 = arith.cmpi sgt, %select_n3A_731, %gt3A_733 : vector<8x1152xi32>
    %convert_element_type3A_735 = arith.extui %gt3A_734 : vector<8x1152xi1> to vector<8x1152xi32>
    %convert_element_type3A_736 = arith.sitofp %convert_element_type3A_735 : vector<8x1152xi32> to vector<8x1152xf32>
    %add3A_737 = arith.addf %select_n3A_715, %select_n3A_719 : vector<8x1152xf32>
    %mul3A_738 = arith.constant 5.000000e-01 : f32
    %mul3A_739 = vector.broadcast %mul3A_738 : f32 to vector<8x1152xf32>
    %mul3A_740 = arith.mulf %add3A_737, %mul3A_739 : vector<8x1152xf32>
    %sub3A_741 = arith.subf %mul3A_740, %get3A_3 : vector<8x1152xf32>
    %mul3A_742 = arith.constant 1.000000e-01 : f32
    %mul3A_743 = vector.broadcast %mul3A_742 : f32 to vector<8x1152xf32>
    %mul3A_744 = arith.mulf %mul3A_743, %get3A_13 : vector<8x1152xf32>
    %div3A_745 = arith.divf %sub3A_741, %mul3A_744 : vector<8x1152xf32>
    %add3A_746 = arith.addf %select_n3A_717, %select_n3A_721 : vector<8x1152xf32>
    %mul3A_747 = arith.constant 5.000000e-01 : f32
    %mul3A_748 = vector.broadcast %mul3A_747 : f32 to vector<8x1152xf32>
    %mul3A_749 = arith.mulf %add3A_746, %mul3A_748 : vector<8x1152xf32>
    %sub3A_750 = arith.subf %mul3A_749, %get3A_8 : vector<8x1152xf32>
    %mul3A_751 = arith.constant 1.000000e-01 : f32
    %mul3A_752 = vector.broadcast %mul3A_751 : f32 to vector<8x1152xf32>
    %mul3A_753 = arith.mulf %mul3A_752, %get3A_18 : vector<8x1152xf32>
    %div3A_754 = arith.divf %sub3A_750, %mul3A_753 : vector<8x1152xf32>
    %sub3A_755 = arith.subf %select_n3A_719, %select_n3A_715 : vector<8x1152xf32>
    %div3A_756 = arith.divf %sub3A_755, %get3A_13 : vector<8x1152xf32>
    %log3A = math.log %div3A_756 : vector<8x1152xf32>
    %div3A_757 = arith.constant 2.000000e-01 : f32
    %div3A_758 = vector.broadcast %div3A_757 : f32 to vector<8x1152xf32>
    %div3A_759 = arith.divf %log3A, %div3A_758 : vector<8x1152xf32>
    %sub3A_760 = arith.subf %select_n3A_721, %select_n3A_717 : vector<8x1152xf32>
    %div3A_761 = arith.divf %sub3A_760, %get3A_18 : vector<8x1152xf32>
    %log3A_762 = math.log %div3A_761 : vector<8x1152xf32>
    %div3A_763 = arith.constant 2.000000e-01 : f32
    %div3A_764 = vector.broadcast %div3A_763 : f32 to vector<8x1152xf32>
    %div3A_765 = arith.divf %log3A_762, %div3A_764 : vector<8x1152xf32>
    %get3A_766 = arith.constant 0 : index
    %get3A_767 = arith.constant 0 : index
    %get3A_768 = arith.constant 0 : index
    %get3A_769 = arith.constant 0 : index
    %get3A_770 = vector.load %arg3[%get3A_766, %get3A_767, %get3A_768, %get3A_769] : memref<4x4x8x1152xf32, #tpu.memory_space<vmem>>, vector<1x1x8x1152xf32>
    %get3A_771 = vector.shape_cast %get3A_770 : vector<1x1x8x1152xf32> to vector<8x1152xf32>
    %sub3A_772 = arith.subf %get3A_771, %div3A_745 : vector<8x1152xf32>
    %abs3A = math.absf %sub3A_772 : vector<8x1152xf32>
    %lt3A_773 = arith.constant 1.000000e+00 : f32
    %lt3A_774 = vector.broadcast %lt3A_773 : f32 to vector<8x1152xf32>
    %lt3A_775 = arith.cmpf olt, %abs3A, %lt3A_774 : vector<8x1152xf32>
    %mul3A_776 = arith.constant 5.000000e-01 : f32
    %mul3A_777 = vector.broadcast %mul3A_776 : f32 to vector<8x1152xf32>
    %mul3A_778 = arith.mulf %mul3A_777, %sub3A_772 : vector<8x1152xf32>
    %mul3A_779 = arith.mulf %mul3A_778, %sub3A_772 : vector<8x1152xf32>
    %sub3A_780 = arith.constant 5.000000e-01 : f32
    %sub3A_781 = vector.broadcast %sub3A_780 : f32 to vector<8x1152xf32>
    %sub3A_782 = arith.subf %abs3A, %sub3A_781 : vector<8x1152xf32>
    %select_n3A_783 = arith.select %lt3A_775, %mul3A_779, %sub3A_782 : vector<8x1152xi1>, vector<8x1152xf32>
    %mul3A_784 = arith.mulf %select_n3A_783, %convert_element_type3A_736 : vector<8x1152xf32>
    %reduce_sum3A = vector.shape_cast %mul3A_784 : vector<8x1152xf32> to vector<1x8x1152xf32>
    %reduce_sum3A_785 = arith.constant dense<0.000000e+00> : vector<1xf32>
    %reduce_sum3A_786 = vector.multi_reduction <add>, %reduce_sum3A, %reduce_sum3A_785 [1, 2] : vector<1x8x1152xf32> to vector<1xf32>
    %reduce_sum3A_787 = vector.shape_cast %reduce_sum3A_786 : vector<1xf32> to vector<1x1x1xf32>
    %reduce_sum3A_788 = vector.extract %reduce_sum3A_787[0, 0, 0] : f32 from vector<1x1x1xf32>
    %add3A_789 = arith.constant 0.000000e+00 : f32
    %add3A_790 = arith.addf %add3A_789, %reduce_sum3A_788 : f32
    %get3A_791 = arith.constant 0 : index
    %get3A_792 = arith.constant 1 : index
    %get3A_793 = arith.constant 0 : index
    %get3A_794 = arith.constant 0 : index
    %get3A_795 = vector.load %arg3[%get3A_791, %get3A_792, %get3A_793, %get3A_794] : memref<4x4x8x1152xf32, #tpu.memory_space<vmem>>, vector<1x1x8x1152xf32>
    %get3A_796 = vector.shape_cast %get3A_795 : vector<1x1x8x1152xf32> to vector<8x1152xf32>
    %sub3A_797 = arith.subf %get3A_796, %div3A_754 : vector<8x1152xf32>
    %abs3A_798 = math.absf %sub3A_797 : vector<8x1152xf32>
    %lt3A_799 = arith.constant 1.000000e+00 : f32
    %lt3A_800 = vector.broadcast %lt3A_799 : f32 to vector<8x1152xf32>
    %lt3A_801 = arith.cmpf olt, %abs3A_798, %lt3A_800 : vector<8x1152xf32>
    %mul3A_802 = arith.constant 5.000000e-01 : f32
    %mul3A_803 = vector.broadcast %mul3A_802 : f32 to vector<8x1152xf32>
    %mul3A_804 = arith.mulf %mul3A_803, %sub3A_797 : vector<8x1152xf32>
    %mul3A_805 = arith.mulf %mul3A_804, %sub3A_797 : vector<8x1152xf32>
    %sub3A_806 = arith.constant 5.000000e-01 : f32
    %sub3A_807 = vector.broadcast %sub3A_806 : f32 to vector<8x1152xf32>
    %sub3A_808 = arith.subf %abs3A_798, %sub3A_807 : vector<8x1152xf32>
    %select_n3A_809 = arith.select %lt3A_801, %mul3A_805, %sub3A_808 : vector<8x1152xi1>, vector<8x1152xf32>
    %mul3A_810 = arith.mulf %select_n3A_809, %convert_element_type3A_736 : vector<8x1152xf32>
    %reduce_sum3A_811 = vector.shape_cast %mul3A_810 : vector<8x1152xf32> to vector<1x8x1152xf32>
    %reduce_sum3A_812 = arith.constant dense<0.000000e+00> : vector<1xf32>
    %reduce_sum3A_813 = vector.multi_reduction <add>, %reduce_sum3A_811, %reduce_sum3A_812 [1, 2] : vector<1x8x1152xf32> to vector<1xf32>
    %reduce_sum3A_814 = vector.shape_cast %reduce_sum3A_813 : vector<1xf32> to vector<1x1x1xf32>
    %reduce_sum3A_815 = vector.extract %reduce_sum3A_814[0, 0, 0] : f32 from vector<1x1x1xf32>
    %add3A_816 = arith.addf %add3A_790, %reduce_sum3A_815 : f32
    %get3A_817 = arith.constant 0 : index
    %get3A_818 = arith.constant 2 : index
    %get3A_819 = arith.constant 0 : index
    %get3A_820 = arith.constant 0 : index
    %get3A_821 = vector.load %arg3[%get3A_817, %get3A_818, %get3A_819, %get3A_820] : memref<4x4x8x1152xf32, #tpu.memory_space<vmem>>, vector<1x1x8x1152xf32>
    %get3A_822 = vector.shape_cast %get3A_821 : vector<1x1x8x1152xf32> to vector<8x1152xf32>
    %sub3A_823 = arith.subf %get3A_822, %div3A_759 : vector<8x1152xf32>
    %abs3A_824 = math.absf %sub3A_823 : vector<8x1152xf32>
    %lt3A_825 = arith.constant 1.000000e+00 : f32
    %lt3A_826 = vector.broadcast %lt3A_825 : f32 to vector<8x1152xf32>
    %lt3A_827 = arith.cmpf olt, %abs3A_824, %lt3A_826 : vector<8x1152xf32>
    %mul3A_828 = arith.constant 5.000000e-01 : f32
    %mul3A_829 = vector.broadcast %mul3A_828 : f32 to vector<8x1152xf32>
    %mul3A_830 = arith.mulf %mul3A_829, %sub3A_823 : vector<8x1152xf32>
    %mul3A_831 = arith.mulf %mul3A_830, %sub3A_823 : vector<8x1152xf32>
    %sub3A_832 = arith.constant 5.000000e-01 : f32
    %sub3A_833 = vector.broadcast %sub3A_832 : f32 to vector<8x1152xf32>
    %sub3A_834 = arith.subf %abs3A_824, %sub3A_833 : vector<8x1152xf32>
    %select_n3A_835 = arith.select %lt3A_827, %mul3A_831, %sub3A_834 : vector<8x1152xi1>, vector<8x1152xf32>
    %mul3A_836 = arith.mulf %select_n3A_835, %convert_element_type3A_736 : vector<8x1152xf32>
    %reduce_sum3A_837 = vector.shape_cast %mul3A_836 : vector<8x1152xf32> to vector<1x8x1152xf32>
    %reduce_sum3A_838 = arith.constant dense<0.000000e+00> : vector<1xf32>
    %reduce_sum3A_839 = vector.multi_reduction <add>, %reduce_sum3A_837, %reduce_sum3A_838 [1, 2] : vector<1x8x1152xf32> to vector<1xf32>
    %reduce_sum3A_840 = vector.shape_cast %reduce_sum3A_839 : vector<1xf32> to vector<1x1x1xf32>
    %reduce_sum3A_841 = vector.extract %reduce_sum3A_840[0, 0, 0] : f32 from vector<1x1x1xf32>
    %add3A_842 = arith.addf %add3A_816, %reduce_sum3A_841 : f32
    %get3A_843 = arith.constant 0 : index
    %get3A_844 = arith.constant 3 : index
    %get3A_845 = arith.constant 0 : index
    %get3A_846 = arith.constant 0 : index
    %get3A_847 = vector.load %arg3[%get3A_843, %get3A_844, %get3A_845, %get3A_846] : memref<4x4x8x1152xf32, #tpu.memory_space<vmem>>, vector<1x1x8x1152xf32>
    %get3A_848 = vector.shape_cast %get3A_847 : vector<1x1x8x1152xf32> to vector<8x1152xf32>
    %sub3A_849 = arith.subf %get3A_848, %div3A_765 : vector<8x1152xf32>
    %abs3A_850 = math.absf %sub3A_849 : vector<8x1152xf32>
    %lt3A_851 = arith.constant 1.000000e+00 : f32
    %lt3A_852 = vector.broadcast %lt3A_851 : f32 to vector<8x1152xf32>
    %lt3A_853 = arith.cmpf olt, %abs3A_850, %lt3A_852 : vector<8x1152xf32>
    %mul3A_854 = arith.constant 5.000000e-01 : f32
    %mul3A_855 = vector.broadcast %mul3A_854 : f32 to vector<8x1152xf32>
    %mul3A_856 = arith.mulf %mul3A_855, %sub3A_849 : vector<8x1152xf32>
    %mul3A_857 = arith.mulf %mul3A_856, %sub3A_849 : vector<8x1152xf32>
    %sub3A_858 = arith.constant 5.000000e-01 : f32
    %sub3A_859 = vector.broadcast %sub3A_858 : f32 to vector<8x1152xf32>
    %sub3A_860 = arith.subf %abs3A_850, %sub3A_859 : vector<8x1152xf32>
    %select_n3A_861 = arith.select %lt3A_853, %mul3A_857, %sub3A_860 : vector<8x1152xi1>, vector<8x1152xf32>
    %mul3A_862 = arith.mulf %select_n3A_861, %convert_element_type3A_736 : vector<8x1152xf32>
    %reduce_sum3A_863 = vector.shape_cast %mul3A_862 : vector<8x1152xf32> to vector<1x8x1152xf32>
    %reduce_sum3A_864 = arith.constant dense<0.000000e+00> : vector<1xf32>
    %reduce_sum3A_865 = vector.multi_reduction <add>, %reduce_sum3A_863, %reduce_sum3A_864 [1, 2] : vector<1x8x1152xf32> to vector<1xf32>
    %reduce_sum3A_866 = vector.shape_cast %reduce_sum3A_865 : vector<1xf32> to vector<1x1x1xf32>
    %reduce_sum3A_867 = vector.extract %reduce_sum3A_866[0, 0, 0] : f32 from vector<1x1x1xf32>
    %add3A_868 = arith.addf %add3A_842, %reduce_sum3A_867 : f32
    %get3A_869 = arith.constant 0 : index
    %get3A_870 = arith.constant 0 : index
    %get3A_871 = arith.constant 0 : index
    %get3A_872 = arith.constant 0 : index
    %get3A_873 = vector.load %arg4[%get3A_869, %get3A_870, %get3A_871, %get3A_872] : memref<4x21x8x1152xf32, #tpu.memory_space<vmem>>, vector<1x21x8x1152xf32>
    %get3A_874 = vector.shape_cast %get3A_873 : vector<1x21x8x1152xf32> to vector<21x8x1152xf32>
    %exp3A = math.exp %get3A_874 : vector<21x8x1152xf32>
    %reduce_sum3A_875 = arith.constant dense<0.000000e+00> : vector<8x1152xf32>
    %reduce_sum3A_876 = vector.multi_reduction <add>, %exp3A, %reduce_sum3A_875 [0] : vector<21x8x1152xf32> to vector<8x1152xf32>
    %log3A_877 = math.log %reduce_sum3A_876 : vector<8x1152xf32>
    %slice3A = vector.extract_strided_slice %get3A_874 {offsets = [0, 0, 0], sizes = [1, 8, 1152], strides = [1, 1, 1]} : vector<21x8x1152xf32> to vector<1x8x1152xf32>
    %squeeze3A = vector.shape_cast %slice3A : vector<1x8x1152xf32> to vector<8x1152xf32>
    %lt3A_878 = arith.constant 8732 : i32
    %lt3A_879 = vector.broadcast %lt3A_878 : i32 to vector<8x1152xi32>
    %lt3A_880 = arith.cmpi slt, %add3A_39, %lt3A_879 : vector<8x1152xi32>
    %not3A = arith.constant dense<true> : vector<8x1152xi1>
    %not3A_881 = arith.xori %lt3A_880, %not3A : vector<8x1152xi1>
    %or3A = arith.ori %gt3A_734, %not3A_881 : vector<8x1152xi1>
    %sub3A_882 = arith.subf %log3A_877, %squeeze3A : vector<8x1152xf32>
    %jit3A_883 = arith.constant 0.000000e+00 : f32
    %broadcast_in_dim3A_884 = vector.broadcast %jit3A_883 : f32 to vector<8x1152xf32>
    %select_n3A_885 = arith.select %or3A, %broadcast_in_dim3A_884, %sub3A_882 : vector<8x1152xi1>, vector<8x1152xf32>
    %broadcast_in_dim3A_886 = arith.constant 0.000000e+00 : f32
    %broadcast_in_dim3A_887 = vector.broadcast %broadcast_in_dim3A_886 : f32 to vector<8x1152xf32>
    %add3A_888 = arith.constant 1.000000e+00 : f32
    %add3A_889 = arith.addf %get3A_171, %add3A_888 : f32
    %convert_element_type3A_890 = arith.fptosi %add3A_889 : f32 to i32
    %get3A_891 = arith.constant 0 : index
    %get3A_892 = arith.index_cast %convert_element_type3A_890 : i32 to index
    %get3A_893 = arith.constant 0 : index
    %get3A_894 = arith.constant 0 : index
    %get3A_895 = vector.load %arg4[%get3A_891, %get3A_892, %get3A_893, %get3A_894] : memref<4x21x8x1152xf32, #tpu.memory_space<vmem>>, vector<1x1x8x1152xf32>
    %get3A_896 = vector.shape_cast %get3A_895 : vector<1x1x8x1152xf32> to vector<8x1152xf32>
    %eq3A_897 = arith.constant 0 : i32
    %eq3A_898 = vector.broadcast %eq3A_897 : i32 to vector<8x1152xi32>
    %eq3A_899 = arith.cmpi eq, %select_n3A_609, %eq3A_898 : vector<8x1152xi32>
    %and3A = arith.andi %gt3A_734, %eq3A_899 : vector<8x1152xi1>
    %select_n3A_900 = arith.select %and3A, %get3A_896, %broadcast_in_dim3A_887 : vector<8x1152xi1>, vector<8x1152xf32>
    %add3A_901 = arith.constant 1.000000e+00 : f32
    %add3A_902 = arith.addf %get3A_175, %add3A_901 : f32
    %convert_element_type3A_903 = arith.fptosi %add3A_902 : f32 to i32
    %get3A_904 = arith.constant 0 : index
    %get3A_905 = arith.index_cast %convert_element_type3A_903 : i32 to index
    %get3A_906 = arith.constant 0 : index
    %get3A_907 = arith.constant 0 : index
    %get3A_908 = vector.load %arg4[%get3A_904, %get3A_905, %get3A_906, %get3A_907] : memref<4x21x8x1152xf32, #tpu.memory_space<vmem>>, vector<1x1x8x1152xf32>
    %get3A_909 = vector.shape_cast %get3A_908 : vector<1x1x8x1152xf32> to vector<8x1152xf32>
    %eq3A_910 = arith.constant 1 : i32
    %eq3A_911 = vector.broadcast %eq3A_910 : i32 to vector<8x1152xi32>
    %eq3A_912 = arith.cmpi eq, %select_n3A_609, %eq3A_911 : vector<8x1152xi32>
    %and3A_913 = arith.andi %gt3A_734, %eq3A_912 : vector<8x1152xi1>
    %select_n3A_914 = arith.select %and3A_913, %get3A_909, %select_n3A_900 : vector<8x1152xi1>, vector<8x1152xf32>
    %add3A_915 = arith.constant 1.000000e+00 : f32
    %add3A_916 = arith.addf %get3A_179, %add3A_915 : f32
    %convert_element_type3A_917 = arith.fptosi %add3A_916 : f32 to i32
    %get3A_918 = arith.constant 0 : index
    %get3A_919 = arith.index_cast %convert_element_type3A_917 : i32 to index
    %get3A_920 = arith.constant 0 : index
    %get3A_921 = arith.constant 0 : index
    %get3A_922 = vector.load %arg4[%get3A_918, %get3A_919, %get3A_920, %get3A_921] : memref<4x21x8x1152xf32, #tpu.memory_space<vmem>>, vector<1x1x8x1152xf32>
    %get3A_923 = vector.shape_cast %get3A_922 : vector<1x1x8x1152xf32> to vector<8x1152xf32>
    %eq3A_924 = arith.constant 2 : i32
    %eq3A_925 = vector.broadcast %eq3A_924 : i32 to vector<8x1152xi32>
    %eq3A_926 = arith.cmpi eq, %select_n3A_609, %eq3A_925 : vector<8x1152xi32>
    %and3A_927 = arith.andi %gt3A_734, %eq3A_926 : vector<8x1152xi1>
    %select_n3A_928 = arith.select %and3A_927, %get3A_923, %select_n3A_914 : vector<8x1152xi1>, vector<8x1152xf32>
    %add3A_929 = arith.constant 1.000000e+00 : f32
    %add3A_930 = arith.addf %get3A_183, %add3A_929 : f32
    %convert_element_type3A_931 = arith.fptosi %add3A_930 : f32 to i32
    %get3A_932 = arith.constant 0 : index
    %get3A_933 = arith.index_cast %convert_element_type3A_931 : i32 to index
    %get3A_934 = arith.constant 0 : index
    %get3A_935 = arith.constant 0 : index
    %get3A_936 = vector.load %arg4[%get3A_932, %get3A_933, %get3A_934, %get3A_935] : memref<4x21x8x1152xf32, #tpu.memory_space<vmem>>, vector<1x1x8x1152xf32>
    %get3A_937 = vector.shape_cast %get3A_936 : vector<1x1x8x1152xf32> to vector<8x1152xf32>
    %eq3A_938 = arith.constant 3 : i32
    %eq3A_939 = vector.broadcast %eq3A_938 : i32 to vector<8x1152xi32>
    %eq3A_940 = arith.cmpi eq, %select_n3A_609, %eq3A_939 : vector<8x1152xi32>
    %and3A_941 = arith.andi %gt3A_734, %eq3A_940 : vector<8x1152xi1>
    %select_n3A_942 = arith.select %and3A_941, %get3A_937, %select_n3A_928 : vector<8x1152xi1>, vector<8x1152xf32>
    %add3A_943 = arith.constant 1.000000e+00 : f32
    %add3A_944 = arith.addf %get3A_187, %add3A_943 : f32
    %convert_element_type3A_945 = arith.fptosi %add3A_944 : f32 to i32
    %get3A_946 = arith.constant 0 : index
    %get3A_947 = arith.index_cast %convert_element_type3A_945 : i32 to index
    %get3A_948 = arith.constant 0 : index
    %get3A_949 = arith.constant 0 : index
    %get3A_950 = vector.load %arg4[%get3A_946, %get3A_947, %get3A_948, %get3A_949] : memref<4x21x8x1152xf32, #tpu.memory_space<vmem>>, vector<1x1x8x1152xf32>
    %get3A_951 = vector.shape_cast %get3A_950 : vector<1x1x8x1152xf32> to vector<8x1152xf32>
    %eq3A_952 = arith.constant 4 : i32
    %eq3A_953 = vector.broadcast %eq3A_952 : i32 to vector<8x1152xi32>
    %eq3A_954 = arith.cmpi eq, %select_n3A_609, %eq3A_953 : vector<8x1152xi32>
    %and3A_955 = arith.andi %gt3A_734, %eq3A_954 : vector<8x1152xi1>
    %select_n3A_956 = arith.select %and3A_955, %get3A_951, %select_n3A_942 : vector<8x1152xi1>, vector<8x1152xf32>
    %add3A_957 = arith.constant 1.000000e+00 : f32
    %add3A_958 = arith.addf %get3A_191, %add3A_957 : f32
    %convert_element_type3A_959 = arith.fptosi %add3A_958 : f32 to i32
    %get3A_960 = arith.constant 0 : index
    %get3A_961 = arith.index_cast %convert_element_type3A_959 : i32 to index
    %get3A_962 = arith.constant 0 : index
    %get3A_963 = arith.constant 0 : index
    %get3A_964 = vector.load %arg4[%get3A_960, %get3A_961, %get3A_962, %get3A_963] : memref<4x21x8x1152xf32, #tpu.memory_space<vmem>>, vector<1x1x8x1152xf32>
    %get3A_965 = vector.shape_cast %get3A_964 : vector<1x1x8x1152xf32> to vector<8x1152xf32>
    %eq3A_966 = arith.constant 5 : i32
    %eq3A_967 = vector.broadcast %eq3A_966 : i32 to vector<8x1152xi32>
    %eq3A_968 = arith.cmpi eq, %select_n3A_609, %eq3A_967 : vector<8x1152xi32>
    %and3A_969 = arith.andi %gt3A_734, %eq3A_968 : vector<8x1152xi1>
    %select_n3A_970 = arith.select %and3A_969, %get3A_965, %select_n3A_956 : vector<8x1152xi1>, vector<8x1152xf32>
    %add3A_971 = arith.constant 1.000000e+00 : f32
    %add3A_972 = arith.addf %get3A_195, %add3A_971 : f32
    %convert_element_type3A_973 = arith.fptosi %add3A_972 : f32 to i32
    %get3A_974 = arith.constant 0 : index
    %get3A_975 = arith.index_cast %convert_element_type3A_973 : i32 to index
    %get3A_976 = arith.constant 0 : index
    %get3A_977 = arith.constant 0 : index
    %get3A_978 = vector.load %arg4[%get3A_974, %get3A_975, %get3A_976, %get3A_977] : memref<4x21x8x1152xf32, #tpu.memory_space<vmem>>, vector<1x1x8x1152xf32>
    %get3A_979 = vector.shape_cast %get3A_978 : vector<1x1x8x1152xf32> to vector<8x1152xf32>
    %eq3A_980 = arith.constant 6 : i32
    %eq3A_981 = vector.broadcast %eq3A_980 : i32 to vector<8x1152xi32>
    %eq3A_982 = arith.cmpi eq, %select_n3A_609, %eq3A_981 : vector<8x1152xi32>
    %and3A_983 = arith.andi %gt3A_734, %eq3A_982 : vector<8x1152xi1>
    %select_n3A_984 = arith.select %and3A_983, %get3A_979, %select_n3A_970 : vector<8x1152xi1>, vector<8x1152xf32>
    %add3A_985 = arith.constant 1.000000e+00 : f32
    %add3A_986 = arith.addf %get3A_199, %add3A_985 : f32
    %convert_element_type3A_987 = arith.fptosi %add3A_986 : f32 to i32
    %get3A_988 = arith.constant 0 : index
    %get3A_989 = arith.index_cast %convert_element_type3A_987 : i32 to index
    %get3A_990 = arith.constant 0 : index
    %get3A_991 = arith.constant 0 : index
    %get3A_992 = vector.load %arg4[%get3A_988, %get3A_989, %get3A_990, %get3A_991] : memref<4x21x8x1152xf32, #tpu.memory_space<vmem>>, vector<1x1x8x1152xf32>
    %get3A_993 = vector.shape_cast %get3A_992 : vector<1x1x8x1152xf32> to vector<8x1152xf32>
    %eq3A_994 = arith.constant 7 : i32
    %eq3A_995 = vector.broadcast %eq3A_994 : i32 to vector<8x1152xi32>
    %eq3A_996 = arith.cmpi eq, %select_n3A_609, %eq3A_995 : vector<8x1152xi32>
    %and3A_997 = arith.andi %gt3A_734, %eq3A_996 : vector<8x1152xi1>
    %select_n3A_998 = arith.select %and3A_997, %get3A_993, %select_n3A_984 : vector<8x1152xi1>, vector<8x1152xf32>
    %jit3A_999 = arith.constant 0.000000e+00 : f32
    %broadcast_in_dim3A_1000 = vector.broadcast %jit3A_999 : f32 to vector<8x1152xf32>
    %select_n3A_1001 = arith.select %gt3A_734, %log3A_877, %broadcast_in_dim3A_1000 : vector<8x1152xi1>, vector<8x1152xf32>
    %sub3A_1002 = arith.subf %select_n3A_1001, %select_n3A_998 : vector<8x1152xf32>
    %reduce_sum3A_1003 = vector.shape_cast %sub3A_1002 : vector<8x1152xf32> to vector<1x8x1152xf32>
    %reduce_sum3A_1004 = arith.constant dense<0.000000e+00> : vector<1xf32>
    %reduce_sum3A_1005 = vector.multi_reduction <add>, %reduce_sum3A_1003, %reduce_sum3A_1004 [1, 2] : vector<1x8x1152xf32> to vector<1xf32>
    %reduce_sum3A_1006 = vector.shape_cast %reduce_sum3A_1005 : vector<1xf32> to vector<1x1x1xf32>
    %reduce_sum3A_1007 = vector.extract %reduce_sum3A_1006[0, 0, 0] : f32 from vector<1x1x1xf32>
    %gt3A_1008 = arith.constant 0 : i32
    %gt3A_1009 = vector.broadcast %gt3A_1008 : i32 to vector<8x1152xi32>
    %gt3A_1010 = arith.cmpi sgt, %select_n3A_731, %gt3A_1009 : vector<8x1152xi32>
    %convert_element_type3A_1011 = arith.extui %gt3A_1010 : vector<8x1152xi1> to vector<8x1152xi32>
    %reduce_sum3A_1012 = vector.shape_cast %convert_element_type3A_1011 : vector<8x1152xi32> to vector<1x8x1152xi32>
    %reduce_sum3A_1013 = arith.constant dense<0> : vector<1xi32>
    %reduce_sum3A_1014 = vector.multi_reduction <add>, %reduce_sum3A_1012, %reduce_sum3A_1013 [1, 2] : vector<1x8x1152xi32> to vector<1xi32>
    %reduce_sum3A_1015 = vector.shape_cast %reduce_sum3A_1014 : vector<1xi32> to vector<1x1x1xi32>
    %reduce_sum3A_1016 = vector.extract %reduce_sum3A_1015[0, 0, 0] : i32 from vector<1x1x1xi32>
    %mul3A_1017 = arith.constant 3 : i32
    %mul3A_1018 = arith.muli %mul3A_1017, %reduce_sum3A_1016 : i32
    %min3A_1019 = arith.constant 8731 : i32
    %min3A_1020 = arith.minsi %mul3A_1018, %min3A_1019 : i32
    %mul3A_1021 = arith.constant 4 : i32
    %mul3A_1022 = arith.muli %arg0, %mul3A_1021 : i32
    %add3A_1023 = arith.constant 0 : i32
    %add3A_1024 = arith.addi %mul3A_1022, %add3A_1023 : i32
    %swap3A = arith.constant 0 : index
    %swap3A_1025 = arith.constant 0 : index
    %swap3A_1026 = arith.constant 0 : index
    %swap3A_1027 = vector.load %arg6[%swap3A, %swap3A_1025, %swap3A_1026] : memref<4x8x1152xf32, #tpu.memory_space<vmem>>, vector<1x8x1152xf32>
    %swap3A_1028 = vector.shape_cast %swap3A_1027 : vector<1x8x1152xf32> to vector<8x1152xf32>
    %swap3A_1029 = vector.shape_cast %select_n3A_885 : vector<8x1152xf32> to vector<1x8x1152xf32>
    tpu.vector_store %arg6[%swap3A, %swap3A_1025, %swap3A_1026], %swap3A_1029 {strides = array<i32>} : memref<4x8x1152xf32, #tpu.memory_space<vmem>>, vector<1x8x1152xf32>,
    %convert_element_type3A_1030 = arith.sitofp %min3A_1020 : i32 to f32
    %broadcast_in_dim3A_1031 = vector.broadcast %convert_element_type3A_1030 : f32 to vector<1x16xf32>
    %swap3A_1032 = arith.constant 0 : index
    %swap3A_1033 = arith.constant 0 : index
    %swap3A_1034 = arith.constant 0 : index
    %swap3A_1035 = vector.load %arg7[%swap3A_1032, %swap3A_1033, %swap3A_1034] : memref<4x1x16xf32, #tpu.memory_space<vmem>>, vector<1x1x16xf32>
    %swap3A_1036 = vector.shape_cast %swap3A_1035 : vector<1x1x16xf32> to vector<1x16xf32>
    %swap3A_1037 = vector.shape_cast %broadcast_in_dim3A_1031 : vector<1x16xf32> to vector<1x1x16xf32>
    tpu.vector_store %arg7[%swap3A_1032, %swap3A_1033, %swap3A_1034], %swap3A_1037 {strides = array<i32>} : memref<4x1x16xf32, #tpu.memory_space<vmem>>, vector<1x1x16xf32>,
    %broadcast_in_dim3A_1038 = vector.broadcast %add3A_868 : f32 to vector<1x1xf32>
    %swap3A_1039 = arith.index_cast %add3A_1024 : i32 to index
    %swap3A_1040 = arith.constant 0 : index
    %swap3A_1041 = vector.load %arg8[%swap3A_1039, %swap3A_1040] : memref<32x1xf32, #tpu.memory_space<vmem>>, vector<1x1xf32>
    tpu.vector_store %arg8[%swap3A_1039, %swap3A_1040], %broadcast_in_dim3A_1038 {strides = array<i32>} : memref<32x1xf32, #tpu.memory_space<vmem>>, vector<1x1xf32>,
    %broadcast_in_dim3A_1042 = vector.broadcast %reduce_sum3A_1007 : f32 to vector<1x1xf32>
    %swap3A_1043 = arith.index_cast %add3A_1024 : i32 to index
    %swap3A_1044 = arith.constant 0 : index
    %swap3A_1045 = vector.load %arg9[%swap3A_1043, %swap3A_1044] : memref<32x1xf32, #tpu.memory_space<vmem>>, vector<1x1xf32>
    tpu.vector_store %arg9[%swap3A_1043, %swap3A_1044], %broadcast_in_dim3A_1042 {strides = array<i32>} : memref<32x1xf32, #tpu.memory_space<vmem>>, vector<1x1xf32>,
    %broadcast_in_dim3A_1046 = vector.broadcast %reduce_sum3A_1016 : i32 to vector<1x1xi32>
    %swap3A_1047 = arith.index_cast %add3A_1024 : i32 to index
    %swap3A_1048 = arith.constant 0 : index
    %swap3A_1049 = vector.load %arg10[%swap3A_1047, %swap3A_1048] : memref<32x1xi32, #tpu.memory_space<vmem>>, vector<1x1xi32>
    tpu.vector_store %arg10[%swap3A_1047, %swap3A_1048], %broadcast_in_dim3A_1046 {strides = array<i32>} : memref<32x1xi32, #tpu.memory_space<vmem>>, vector<1x1xi32>,
    %get3A_1050 = arith.constant 1 : index
    %get3A_1051 = arith.constant 0 : index
    %get3A_1052 = arith.constant 0 : index
    %get3A_1053 = memref.load %arg1[%get3A_1050, %get3A_1051, %get3A_1052] : memref<4x8x5xf32, #tpu.memory_space<smem>>
    %get3A_1054 = arith.constant 1 : index
    %get3A_1055 = arith.constant 1 : index
    %get3A_1056 = arith.constant 0 : index
    %get3A_1057 = memref.load %arg1[%get3A_1054, %get3A_1055, %get3A_1056] : memref<4x8x5xf32, #tpu.memory_space<smem>>
    %get3A_1058 = arith.constant 1 : index
    %get3A_1059 = arith.constant 2 : index
    %get3A_1060 = arith.constant 0 : index
    %get3A_1061 = memref.load %arg1[%get3A_1058, %get3A_1059, %get3A_1060] : memref<4x8x5xf32, #tpu.memory_space<smem>>
    %get3A_1062 = arith.constant 1 : index
    %get3A_1063 = arith.constant 3 : index
    %get3A_1064 = arith.constant 0 : index
    %get3A_1065 = memref.load %arg1[%get3A_1062, %get3A_1063, %get3A_1064] : memref<4x8x5xf32, #tpu.memory_space<smem>>
    %get3A_1066 = arith.constant 1 : index
    %get3A_1067 = arith.constant 4 : index
    %get3A_1068 = arith.constant 0 : index
    %get3A_1069 = memref.load %arg1[%get3A_1066, %get3A_1067, %get3A_1068] : memref<4x8x5xf32, #tpu.memory_space<smem>>
    %get3A_1070 = arith.constant 1 : index
    %get3A_1071 = arith.constant 5 : index
    %get3A_1072 = arith.constant 0 : index
    %get3A_1073 = memref.load %arg1[%get3A_1070, %get3A_1071, %get3A_1072] : memref<4x8x5xf32, #tpu.memory_space<smem>>
    %get3A_1074 = arith.constant 1 : index
    %get3A_1075 = arith.constant 6 : index
    %get3A_1076 = arith.constant 0 : index
    %get3A_1077 = memref.load %arg1[%get3A_1074, %get3A_1075, %get3A_1076] : memref<4x8x5xf32, #tpu.memory_space<smem>>
    %get3A_1078 = arith.constant 1 : index
    %get3A_1079 = arith.constant 7 : index
    %get3A_1080 = arith.constant 0 : index
    %get3A_1081 = memref.load %arg1[%get3A_1078, %get3A_1079, %get3A_1080] : memref<4x8x5xf32, #tpu.memory_space<smem>>
    %get3A_1082 = arith.constant 1 : index
    %get3A_1083 = arith.constant 0 : index
    %get3A_1084 = arith.constant 1 : index
    %get3A_1085 = memref.load %arg1[%get3A_1082, %get3A_1083, %get3A_1084] : memref<4x8x5xf32, #tpu.memory_space<smem>>
    %get3A_1086 = arith.constant 1 : index
    %get3A_1087 = arith.constant 1 : index
    %get3A_1088 = arith.constant 1 : index
    %get3A_1089 = memref.load %arg1[%get3A_1086, %get3A_1087, %get3A_1088] : memref<4x8x5xf32, #tpu.memory_space<smem>>
    %get3A_1090 = arith.constant 1 : index
    %get3A_1091 = arith.constant 2 : index
    %get3A_1092 = arith.constant 1 : index
    %get3A_1093 = memref.load %arg1[%get3A_1090, %get3A_1091, %get3A_1092] : memref<4x8x5xf32, #tpu.memory_space<smem>>
    %get3A_1094 = arith.constant 1 : index
    %get3A_1095 = arith.constant 3 : index
    %get3A_1096 = arith.constant 1 : index
    %get3A_1097 = memref.load %arg1[%get3A_1094, %get3A_1095, %get3A_1096] : memref<4x8x5xf32, #tpu.memory_space<smem>>
    %get3A_1098 = arith.constant 1 : index
    %get3A_1099 = arith.constant 4 : index
    %get3A_1100 = arith.constant 1 : index
    %get3A_1101 = memref.load %arg1[%get3A_1098, %get3A_1099, %get3A_1100] : memref<4x8x5xf32, #tpu.memory_space<smem>>
    %get3A_1102 = arith.constant 1 : index
    %get3A_1103 = arith.constant 5 : index
    %get3A_1104 = arith.constant 1 : index
    %get3A_1105 = memref.load %arg1[%get3A_1102, %get3A_1103, %get3A_1104] : memref<4x8x5xf32, #tpu.memory_space<smem>>
    %get3A_1106 = arith.constant 1 : index
    %get3A_1107 = arith.constant 6 : index
    %get3A_1108 = arith.constant 1 : index
    %get3A_1109 = memref.load %arg1[%get3A_1106, %get3A_1107, %get3A_1108] : memref<4x8x5xf32, #tpu.memory_space<smem>>
    %get3A_1110 = arith.constant 1 : index
    %get3A_1111 = arith.constant 7 : index
    %get3A_1112 = arith.constant 1 : index
    %get3A_1113 = memref.load %arg1[%get3A_1110, %get3A_1111, %get3A_1112] : memref<4x8x5xf32, #tpu.memory_space<smem>>
    %get3A_1114 = arith.constant 1 : index
    %get3A_1115 = arith.constant 0 : index
    %get3A_1116 = arith.constant 2 : index
    %get3A_1117 = memref.load %arg1[%get3A_1114, %get3A_1115, %get3A_1116] : memref<4x8x5xf32, #tpu.memory_space<smem>>
    %get3A_1118 = arith.constant 1 : index
    %get3A_1119 = arith.constant 1 : index
    %get3A_1120 = arith.constant 2 : index
    %get3A_1121 = memref.load %arg1[%get3A_1118, %get3A_1119, %get3A_1120] : memref<4x8x5xf32, #tpu.memory_space<smem>>
    %get3A_1122 = arith.constant 1 : index
    %get3A_1123 = arith.constant 2 : index
    %get3A_1124 = arith.constant 2 : index
    %get3A_1125 = memref.load %arg1[%get3A_1122, %get3A_1123, %get3A_1124] : memref<4x8x5xf32, #tpu.memory_space<smem>>
    %get3A_1126 = arith.constant 1 : index
    %get3A_1127 = arith.constant 3 : index
    %get3A_1128 = arith.constant 2 : index
    %get3A_1129 = memref.load %arg1[%get3A_1126, %get3A_1127, %get3A_1128] : memref<4x8x5xf32, #tpu.memory_space<smem>>
    %get3A_1130 = arith.constant 1 : index
    %get3A_1131 = arith.constant 4 : index
    %get3A_1132 = arith.constant 2 : index
    %get3A_1133 = memref.load %arg1[%get3A_1130, %get3A_1131, %get3A_1132] : memref<4x8x5xf32, #tpu.memory_space<smem>>
    %get3A_1134 = arith.constant 1 : index
    %get3A_1135 = arith.constant 5 : index
    %get3A_1136 = arith.constant 2 : index
    %get3A_1137 = memref.load %arg1[%get3A_1134, %get3A_1135, %get3A_1136] : memref<4x8x5xf32, #tpu.memory_space<smem>>
    %get3A_1138 = arith.constant 1 : index
    %get3A_1139 = arith.constant 6 : index
    %get3A_1140 = arith.constant 2 : index
    %get3A_1141 = memref.load %arg1[%get3A_1138, %get3A_1139, %get3A_1140] : memref<4x8x5xf32, #tpu.memory_space<smem>>
    %get3A_1142 = arith.constant 1 : index
    %get3A_1143 = arith.constant 7 : index
    %get3A_1144 = arith.constant 2 : index
    %get3A_1145 = memref.load %arg1[%get3A_1142, %get3A_1143, %get3A_1144] : memref<4x8x5xf32, #tpu.memory_space<smem>>
    %get3A_1146 = arith.constant 1 : index
    %get3A_1147 = arith.constant 0 : index
    %get3A_1148 = arith.constant 3 : index
    %get3A_1149 = memref.load %arg1[%get3A_1146, %get3A_1147, %get3A_1148] : memref<4x8x5xf32, #tpu.memory_space<smem>>
    %get3A_1150 = arith.constant 1 : index
    %get3A_1151 = arith.constant 1 : index
    %get3A_1152 = arith.constant 3 : index
    %get3A_1153 = memref.load %arg1[%get3A_1150, %get3A_1151, %get3A_1152] : memref<4x8x5xf32, #tpu.memory_space<smem>>
    %get3A_1154 = arith.constant 1 : index
    %get3A_1155 = arith.constant 2 : index
    %get3A_1156 = arith.constant 3 : index
    %get3A_1157 = memref.load %arg1[%get3A_1154, %get3A_1155, %get3A_1156] : memref<4x8x5xf32, #tpu.memory_space<smem>>
    %get3A_1158 = arith.constant 1 : index
    %get3A_1159 = arith.constant 3 : index
    %get3A_1160 = arith.constant 3 : index
    %get3A_1161 = memref.load %arg1[%get3A_1158, %get3A_1159, %get3A_1160] : memref<4x8x5xf32, #tpu.memory_space<smem>>
    %get3A_1162 = arith.constant 1 : index
    %get3A_1163 = arith.constant 4 : index
    %get3A_1164 = arith.constant 3 : index
    %get3A_1165 = memref.load %arg1[%get3A_1162, %get3A_1163, %get3A_1164] : memref<4x8x5xf32, #tpu.memory_space<smem>>
    %get3A_1166 = arith.constant 1 : index
    %get3A_1167 = arith.constant 5 : index
    %get3A_1168 = arith.constant 3 : index
    %get3A_1169 = memref.load %arg1[%get3A_1166, %get3A_1167, %get3A_1168] : memref<4x8x5xf32, #tpu.memory_space<smem>>
    %get3A_1170 = arith.constant 1 : index
    %get3A_1171 = arith.constant 6 : index
    %get3A_1172 = arith.constant 3 : index
    %get3A_1173 = memref.load %arg1[%get3A_1170, %get3A_1171, %get3A_1172] : memref<4x8x5xf32, #tpu.memory_space<smem>>
    %get3A_1174 = arith.constant 1 : index
    %get3A_1175 = arith.constant 7 : index
    %get3A_1176 = arith.constant 3 : index
    %get3A_1177 = memref.load %arg1[%get3A_1174, %get3A_1175, %get3A_1176] : memref<4x8x5xf32, #tpu.memory_space<smem>>
    %get3A_1178 = arith.constant 1 : index
    %get3A_1179 = arith.constant 0 : index
    %get3A_1180 = arith.constant 4 : index
    %get3A_1181 = memref.load %arg1[%get3A_1178, %get3A_1179, %get3A_1180] : memref<4x8x5xf32, #tpu.memory_space<smem>>
    %get3A_1182 = arith.constant 1 : index
    %get3A_1183 = arith.constant 1 : index
    %get3A_1184 = arith.constant 4 : index
    %get3A_1185 = memref.load %arg1[%get3A_1182, %get3A_1183, %get3A_1184] : memref<4x8x5xf32, #tpu.memory_space<smem>>
    %get3A_1186 = arith.constant 1 : index
    %get3A_1187 = arith.constant 2 : index
    %get3A_1188 = arith.constant 4 : index
    %get3A_1189 = memref.load %arg1[%get3A_1186, %get3A_1187, %get3A_1188] : memref<4x8x5xf32, #tpu.memory_space<smem>>
    %get3A_1190 = arith.constant 1 : index
    %get3A_1191 = arith.constant 3 : index
    %get3A_1192 = arith.constant 4 : index
    %get3A_1193 = memref.load %arg1[%get3A_1190, %get3A_1191, %get3A_1192] : memref<4x8x5xf32, #tpu.memory_space<smem>>
    %get3A_1194 = arith.constant 1 : index
    %get3A_1195 = arith.constant 4 : index
    %get3A_1196 = arith.constant 4 : index
    %get3A_1197 = memref.load %arg1[%get3A_1194, %get3A_1195, %get3A_1196] : memref<4x8x5xf32, #tpu.memory_space<smem>>
    %get3A_1198 = arith.constant 1 : index
    %get3A_1199 = arith.constant 5 : index
    %get3A_1200 = arith.constant 4 : index
    %get3A_1201 = memref.load %arg1[%get3A_1198, %get3A_1199, %get3A_1200] : memref<4x8x5xf32, #tpu.memory_space<smem>>
    %get3A_1202 = arith.constant 1 : index
    %get3A_1203 = arith.constant 6 : index
    %get3A_1204 = arith.constant 4 : index
    %get3A_1205 = memref.load %arg1[%get3A_1202, %get3A_1203, %get3A_1204] : memref<4x8x5xf32, #tpu.memory_space<smem>>
    %get3A_1206 = arith.constant 1 : index
    %get3A_1207 = arith.constant 7 : index
    %get3A_1208 = arith.constant 4 : index
    %get3A_1209 = memref.load %arg1[%get3A_1206, %get3A_1207, %get3A_1208] : memref<4x8x5xf32, #tpu.memory_space<smem>>
    %broadcast_in_dim3A_1210 = arith.constant -1.000000e+00 : f32
    %broadcast_in_dim3A_1211 = vector.broadcast %broadcast_in_dim3A_1210 : f32 to vector<8x1152xf32>
    %broadcast_in_dim3A_1212 = arith.constant 0 : i32
    %broadcast_in_dim3A_1213 = vector.broadcast %broadcast_in_dim3A_1212 : i32 to vector<8x1152xi32>
    %max3A_1214 = vector.broadcast %get3A_1053 : f32 to vector<8x1152xf32>
    %max3A_1215 = arith.maximumf %max3A_1214, %sub3A : vector<8x1152xf32>
    %max3A_1216 = vector.broadcast %get3A_1085 : f32 to vector<8x1152xf32>
    %max3A_1217 = arith.maximumf %max3A_1216, %sub3A_24 : vector<8x1152xf32>
    %min3A_1218 = vector.broadcast %get3A_1117 : f32 to vector<8x1152xf32>
    %min3A_1219 = arith.minimumf %min3A_1218, %add3A : vector<8x1152xf32>
    %min3A_1220 = vector.broadcast %get3A_1149 : f32 to vector<8x1152xf32>
    %min3A_1221 = arith.minimumf %min3A_1220, %add3A_31 : vector<8x1152xf32>
    %sub3A_1222 = arith.subf %min3A_1219, %max3A_1215 : vector<8x1152xf32>
    %max3A_1223 = arith.constant 0.000000e+00 : f32
    %max3A_1224 = vector.broadcast %max3A_1223 : f32 to vector<8x1152xf32>
    %max3A_1225 = arith.maximumf %sub3A_1222, %max3A_1224 : vector<8x1152xf32>
    %sub3A_1226 = arith.subf %min3A_1221, %max3A_1217 : vector<8x1152xf32>
    %max3A_1227 = arith.constant 0.000000e+00 : f32
    %max3A_1228 = vector.broadcast %max3A_1227 : f32 to vector<8x1152xf32>
    %max3A_1229 = arith.maximumf %sub3A_1226, %max3A_1228 : vector<8x1152xf32>
    %mul3A_1230 = arith.mulf %max3A_1225, %max3A_1229 : vector<8x1152xf32>
    %sub3A_1231 = arith.subf %get3A_1117, %get3A_1053 : f32
    %sub3A_1232 = arith.subf %get3A_1149, %get3A_1085 : f32
    %mul3A_1233 = arith.mulf %sub3A_1231, %sub3A_1232 : f32
    %add3A_1234 = vector.broadcast %mul3A_1233 : f32 to vector<8x1152xf32>
    %add3A_1235 = arith.addf %add3A_1234, %mul3A_34 : vector<8x1152xf32>
    %sub3A_1236 = arith.subf %add3A_1235, %mul3A_1230 : vector<8x1152xf32>
    %div3A_1237 = arith.divf %mul3A_1230, %sub3A_1236 : vector<8x1152xf32>
    %gt3A_1238 = arith.cmpf ogt, %div3A_1237, %broadcast_in_dim3A_1211 : vector<8x1152xf32>
    %jit3A_1239 = arith.constant 0 : i32
    %broadcast_in_dim3A_1240 = vector.broadcast %jit3A_1239 : i32 to vector<8x1152xi32>
    %select_n3A_1241 = arith.select %gt3A_1238, %broadcast_in_dim3A_1240, %broadcast_in_dim3A_1213 : vector<8x1152xi1>, vector<8x1152xi32>
    %select_n3A_1242 = arith.select %gt3A_1238, %div3A_1237, %broadcast_in_dim3A_1211 : vector<8x1152xi1>, vector<8x1152xf32>
    %reduce_max3A_1243 = vector.shape_cast %div3A_1237 : vector<8x1152xf32> to vector<1x8x1152xf32>
    %reduce_max3A_1244 = arith.constant dense<0xFF800000> : vector<1xf32>
    %reduce_max3A_1245 = vector.multi_reduction <maximumf>, %reduce_max3A_1243, %reduce_max3A_1244 [1, 2] : vector<1x8x1152xf32> to vector<1xf32>
    %reduce_max3A_1246 = vector.shape_cast %reduce_max3A_1245 : vector<1xf32> to vector<1x1x1xf32>
    %reduce_max3A_1247 = vector.extract %reduce_max3A_1246[0, 0, 0] : f32 from vector<1x1x1xf32>
    %eq3A_1248 = vector.broadcast %reduce_max3A_1247 : f32 to vector<8x1152xf32>
    %eq3A_1249 = arith.cmpf oeq, %div3A_1237, %eq3A_1248 : vector<8x1152xf32>
    %jit3A_1250 = arith.constant 9216 : i32
    %broadcast_in_dim3A_1251 = vector.broadcast %jit3A_1250 : i32 to vector<8x1152xi32>
    %select_n3A_1252 = arith.select %eq3A_1249, %add3A_39, %broadcast_in_dim3A_1251 : vector<8x1152xi1>, vector<8x1152xi32>
    %reduce_min3A_1253 = vector.shape_cast %select_n3A_1252 : vector<8x1152xi32> to vector<1x8x1152xi32>
    %reduce_min3A_1254 = arith.constant dense<2147483647> : vector<1xi32>
    %reduce_min3A_1255 = vector.multi_reduction <minsi>, %reduce_min3A_1253, %reduce_min3A_1254 [1, 2] : vector<1x8x1152xi32> to vector<1xi32>
    %reduce_min3A_1256 = vector.shape_cast %reduce_min3A_1255 : vector<1xi32> to vector<1x1x1xi32>
    %reduce_min3A_1257 = vector.extract %reduce_min3A_1256[0, 0, 0] : i32 from vector<1x1x1xi32>
    %max3A_1258 = vector.broadcast %get3A_1057 : f32 to vector<8x1152xf32>
    %max3A_1259 = arith.maximumf %max3A_1258, %sub3A : vector<8x1152xf32>
    %max3A_1260 = vector.broadcast %get3A_1089 : f32 to vector<8x1152xf32>
    %max3A_1261 = arith.maximumf %max3A_1260, %sub3A_24 : vector<8x1152xf32>
    %min3A_1262 = vector.broadcast %get3A_1121 : f32 to vector<8x1152xf32>
    %min3A_1263 = arith.minimumf %min3A_1262, %add3A : vector<8x1152xf32>
    %min3A_1264 = vector.broadcast %get3A_1153 : f32 to vector<8x1152xf32>
    %min3A_1265 = arith.minimumf %min3A_1264, %add3A_31 : vector<8x1152xf32>
    %sub3A_1266 = arith.subf %min3A_1263, %max3A_1259 : vector<8x1152xf32>
    %max3A_1267 = arith.constant 0.000000e+00 : f32
    %max3A_1268 = vector.broadcast %max3A_1267 : f32 to vector<8x1152xf32>
    %max3A_1269 = arith.maximumf %sub3A_1266, %max3A_1268 : vector<8x1152xf32>
    %sub3A_1270 = arith.subf %min3A_1265, %max3A_1261 : vector<8x1152xf32>
    %max3A_1271 = arith.constant 0.000000e+00 : f32
    %max3A_1272 = vector.broadcast %max3A_1271 : f32 to vector<8x1152xf32>
    %max3A_1273 = arith.maximumf %sub3A_1270, %max3A_1272 : vector<8x1152xf32>
    %mul3A_1274 = arith.mulf %max3A_1269, %max3A_1273 : vector<8x1152xf32>
    %sub3A_1275 = arith.subf %get3A_1121, %get3A_1057 : f32
    %sub3A_1276 = arith.subf %get3A_1153, %get3A_1089 : f32
    %mul3A_1277 = arith.mulf %sub3A_1275, %sub3A_1276 : f32
    %add3A_1278 = vector.broadcast %mul3A_1277 : f32 to vector<8x1152xf32>
    %add3A_1279 = arith.addf %add3A_1278, %mul3A_34 : vector<8x1152xf32>
    %sub3A_1280 = arith.subf %add3A_1279, %mul3A_1274 : vector<8x1152xf32>
    %div3A_1281 = arith.divf %mul3A_1274, %sub3A_1280 : vector<8x1152xf32>
    %gt3A_1282 = arith.cmpf ogt, %div3A_1281, %select_n3A_1242 : vector<8x1152xf32>
    %jit3A_1283 = arith.constant 1 : i32
    %broadcast_in_dim3A_1284 = vector.broadcast %jit3A_1283 : i32 to vector<8x1152xi32>
    %select_n3A_1285 = arith.select %gt3A_1282, %broadcast_in_dim3A_1284, %select_n3A_1241 : vector<8x1152xi1>, vector<8x1152xi32>
    %select_n3A_1286 = arith.select %gt3A_1282, %div3A_1281, %select_n3A_1242 : vector<8x1152xi1>, vector<8x1152xf32>
    %reduce_max3A_1287 = vector.shape_cast %div3A_1281 : vector<8x1152xf32> to vector<1x8x1152xf32>
    %reduce_max3A_1288 = arith.constant dense<0xFF800000> : vector<1xf32>
    %reduce_max3A_1289 = vector.multi_reduction <maximumf>, %reduce_max3A_1287, %reduce_max3A_1288 [1, 2] : vector<1x8x1152xf32> to vector<1xf32>
    %reduce_max3A_1290 = vector.shape_cast %reduce_max3A_1289 : vector<1xf32> to vector<1x1x1xf32>
    %reduce_max3A_1291 = vector.extract %reduce_max3A_1290[0, 0, 0] : f32 from vector<1x1x1xf32>
    %eq3A_1292 = vector.broadcast %reduce_max3A_1291 : f32 to vector<8x1152xf32>
    %eq3A_1293 = arith.cmpf oeq, %div3A_1281, %eq3A_1292 : vector<8x1152xf32>
    %jit3A_1294 = arith.constant 9216 : i32
    %broadcast_in_dim3A_1295 = vector.broadcast %jit3A_1294 : i32 to vector<8x1152xi32>
    %select_n3A_1296 = arith.select %eq3A_1293, %add3A_39, %broadcast_in_dim3A_1295 : vector<8x1152xi1>, vector<8x1152xi32>
    %reduce_min3A_1297 = vector.shape_cast %select_n3A_1296 : vector<8x1152xi32> to vector<1x8x1152xi32>
    %reduce_min3A_1298 = arith.constant dense<2147483647> : vector<1xi32>
    %reduce_min3A_1299 = vector.multi_reduction <minsi>, %reduce_min3A_1297, %reduce_min3A_1298 [1, 2] : vector<1x8x1152xi32> to vector<1xi32>
    %reduce_min3A_1300 = vector.shape_cast %reduce_min3A_1299 : vector<1xi32> to vector<1x1x1xi32>
    %reduce_min3A_1301 = vector.extract %reduce_min3A_1300[0, 0, 0] : i32 from vector<1x1x1xi32>
    %max3A_1302 = vector.broadcast %get3A_1061 : f32 to vector<8x1152xf32>
    %max3A_1303 = arith.maximumf %max3A_1302, %sub3A : vector<8x1152xf32>
    %max3A_1304 = vector.broadcast %get3A_1093 : f32 to vector<8x1152xf32>
    %max3A_1305 = arith.maximumf %max3A_1304, %sub3A_24 : vector<8x1152xf32>
    %min3A_1306 = vector.broadcast %get3A_1125 : f32 to vector<8x1152xf32>
    %min3A_1307 = arith.minimumf %min3A_1306, %add3A : vector<8x1152xf32>
    %min3A_1308 = vector.broadcast %get3A_1157 : f32 to vector<8x1152xf32>
    %min3A_1309 = arith.minimumf %min3A_1308, %add3A_31 : vector<8x1152xf32>
    %sub3A_1310 = arith.subf %min3A_1307, %max3A_1303 : vector<8x1152xf32>
    %max3A_1311 = arith.constant 0.000000e+00 : f32
    %max3A_1312 = vector.broadcast %max3A_1311 : f32 to vector<8x1152xf32>
    %max3A_1313 = arith.maximumf %sub3A_1310, %max3A_1312 : vector<8x1152xf32>
    %sub3A_1314 = arith.subf %min3A_1309, %max3A_1305 : vector<8x1152xf32>
    %max3A_1315 = arith.constant 0.000000e+00 : f32
    %max3A_1316 = vector.broadcast %max3A_1315 : f32 to vector<8x1152xf32>
    %max3A_1317 = arith.maximumf %sub3A_1314, %max3A_1316 : vector<8x1152xf32>
    %mul3A_1318 = arith.mulf %max3A_1313, %max3A_1317 : vector<8x1152xf32>
    %sub3A_1319 = arith.subf %get3A_1125, %get3A_1061 : f32
    %sub3A_1320 = arith.subf %get3A_1157, %get3A_1093 : f32
    %mul3A_1321 = arith.mulf %sub3A_1319, %sub3A_1320 : f32
    %add3A_1322 = vector.broadcast %mul3A_1321 : f32 to vector<8x1152xf32>
    %add3A_1323 = arith.addf %add3A_1322, %mul3A_34 : vector<8x1152xf32>
    %sub3A_1324 = arith.subf %add3A_1323, %mul3A_1318 : vector<8x1152xf32>
    %div3A_1325 = arith.divf %mul3A_1318, %sub3A_1324 : vector<8x1152xf32>
    %gt3A_1326 = arith.cmpf ogt, %div3A_1325, %select_n3A_1286 : vector<8x1152xf32>
    %jit3A_1327 = arith.constant 2 : i32
    %broadcast_in_dim3A_1328 = vector.broadcast %jit3A_1327 : i32 to vector<8x1152xi32>
    %select_n3A_1329 = arith.select %gt3A_1326, %broadcast_in_dim3A_1328, %select_n3A_1285 : vector<8x1152xi1>, vector<8x1152xi32>
    %select_n3A_1330 = arith.select %gt3A_1326, %div3A_1325, %select_n3A_1286 : vector<8x1152xi1>, vector<8x1152xf32>
    %reduce_max3A_1331 = vector.shape_cast %div3A_1325 : vector<8x1152xf32> to vector<1x8x1152xf32>
    %reduce_max3A_1332 = arith.constant dense<0xFF800000> : vector<1xf32>
    %reduce_max3A_1333 = vector.multi_reduction <maximumf>, %reduce_max3A_1331, %reduce_max3A_1332 [1, 2] : vector<1x8x1152xf32> to vector<1xf32>
    %reduce_max3A_1334 = vector.shape_cast %reduce_max3A_1333 : vector<1xf32> to vector<1x1x1xf32>
    %reduce_max3A_1335 = vector.extract %reduce_max3A_1334[0, 0, 0] : f32 from vector<1x1x1xf32>
    %eq3A_1336 = vector.broadcast %reduce_max3A_1335 : f32 to vector<8x1152xf32>
    %eq3A_1337 = arith.cmpf oeq, %div3A_1325, %eq3A_1336 : vector<8x1152xf32>
    %jit3A_1338 = arith.constant 9216 : i32
    %broadcast_in_dim3A_1339 = vector.broadcast %jit3A_1338 : i32 to vector<8x1152xi32>
    %select_n3A_1340 = arith.select %eq3A_1337, %add3A_39, %broadcast_in_dim3A_1339 : vector<8x1152xi1>, vector<8x1152xi32>
    %reduce_min3A_1341 = vector.shape_cast %select_n3A_1340 : vector<8x1152xi32> to vector<1x8x1152xi32>
    %reduce_min3A_1342 = arith.constant dense<2147483647> : vector<1xi32>
    %reduce_min3A_1343 = vector.multi_reduction <minsi>, %reduce_min3A_1341, %reduce_min3A_1342 [1, 2] : vector<1x8x1152xi32> to vector<1xi32>
    %reduce_min3A_1344 = vector.shape_cast %reduce_min3A_1343 : vector<1xi32> to vector<1x1x1xi32>
    %reduce_min3A_1345 = vector.extract %reduce_min3A_1344[0, 0, 0] : i32 from vector<1x1x1xi32>
    %max3A_1346 = vector.broadcast %get3A_1065 : f32 to vector<8x1152xf32>
    %max3A_1347 = arith.maximumf %max3A_1346, %sub3A : vector<8x1152xf32>
    %max3A_1348 = vector.broadcast %get3A_1097 : f32 to vector<8x1152xf32>
    %max3A_1349 = arith.maximumf %max3A_1348, %sub3A_24 : vector<8x1152xf32>
    %min3A_1350 = vector.broadcast %get3A_1129 : f32 to vector<8x1152xf32>
    %min3A_1351 = arith.minimumf %min3A_1350, %add3A : vector<8x1152xf32>
    %min3A_1352 = vector.broadcast %get3A_1161 : f32 to vector<8x1152xf32>
    %min3A_1353 = arith.minimumf %min3A_1352, %add3A_31 : vector<8x1152xf32>
    %sub3A_1354 = arith.subf %min3A_1351, %max3A_1347 : vector<8x1152xf32>
    %max3A_1355 = arith.constant 0.000000e+00 : f32
    %max3A_1356 = vector.broadcast %max3A_1355 : f32 to vector<8x1152xf32>
    %max3A_1357 = arith.maximumf %sub3A_1354, %max3A_1356 : vector<8x1152xf32>
    %sub3A_1358 = arith.subf %min3A_1353, %max3A_1349 : vector<8x1152xf32>
    %max3A_1359 = arith.constant 0.000000e+00 : f32
    %max3A_1360 = vector.broadcast %max3A_1359 : f32 to vector<8x1152xf32>
    %max3A_1361 = arith.maximumf %sub3A_1358, %max3A_1360 : vector<8x1152xf32>
    %mul3A_1362 = arith.mulf %max3A_1357, %max3A_1361 : vector<8x1152xf32>
    %sub3A_1363 = arith.subf %get3A_1129, %get3A_1065 : f32
    %sub3A_1364 = arith.subf %get3A_1161, %get3A_1097 : f32
    %mul3A_1365 = arith.mulf %sub3A_1363, %sub3A_1364 : f32
    %add3A_1366 = vector.broadcast %mul3A_1365 : f32 to vector<8x1152xf32>
    %add3A_1367 = arith.addf %add3A_1366, %mul3A_34 : vector<8x1152xf32>
    %sub3A_1368 = arith.subf %add3A_1367, %mul3A_1362 : vector<8x1152xf32>
    %div3A_1369 = arith.divf %mul3A_1362, %sub3A_1368 : vector<8x1152xf32>
    %gt3A_1370 = arith.cmpf ogt, %div3A_1369, %select_n3A_1330 : vector<8x1152xf32>
    %jit3A_1371 = arith.constant 3 : i32
    %broadcast_in_dim3A_1372 = vector.broadcast %jit3A_1371 : i32 to vector<8x1152xi32>
    %select_n3A_1373 = arith.select %gt3A_1370, %broadcast_in_dim3A_1372, %select_n3A_1329 : vector<8x1152xi1>, vector<8x1152xi32>
    %select_n3A_1374 = arith.select %gt3A_1370, %div3A_1369, %select_n3A_1330 : vector<8x1152xi1>, vector<8x1152xf32>
    %reduce_max3A_1375 = vector.shape_cast %div3A_1369 : vector<8x1152xf32> to vector<1x8x1152xf32>
    %reduce_max3A_1376 = arith.constant dense<0xFF800000> : vector<1xf32>
    %reduce_max3A_1377 = vector.multi_reduction <maximumf>, %reduce_max3A_1375, %reduce_max3A_1376 [1, 2] : vector<1x8x1152xf32> to vector<1xf32>
    %reduce_max3A_1378 = vector.shape_cast %reduce_max3A_1377 : vector<1xf32> to vector<1x1x1xf32>
    %reduce_max3A_1379 = vector.extract %reduce_max3A_1378[0, 0, 0] : f32 from vector<1x1x1xf32>
    %eq3A_1380 = vector.broadcast %reduce_max3A_1379 : f32 to vector<8x1152xf32>
    %eq3A_1381 = arith.cmpf oeq, %div3A_1369, %eq3A_1380 : vector<8x1152xf32>
    %jit3A_1382 = arith.constant 9216 : i32
    %broadcast_in_dim3A_1383 = vector.broadcast %jit3A_1382 : i32 to vector<8x1152xi32>
    %select_n3A_1384 = arith.select %eq3A_1381, %add3A_39, %broadcast_in_dim3A_1383 : vector<8x1152xi1>, vector<8x1152xi32>
    %reduce_min3A_1385 = vector.shape_cast %select_n3A_1384 : vector<8x1152xi32> to vector<1x8x1152xi32>
    %reduce_min3A_1386 = arith.constant dense<2147483647> : vector<1xi32>
    %reduce_min3A_1387 = vector.multi_reduction <minsi>, %reduce_min3A_1385, %reduce_min3A_1386 [1, 2] : vector<1x8x1152xi32> to vector<1xi32>
    %reduce_min3A_1388 = vector.shape_cast %reduce_min3A_1387 : vector<1xi32> to vector<1x1x1xi32>
    %reduce_min3A_1389 = vector.extract %reduce_min3A_1388[0, 0, 0] : i32 from vector<1x1x1xi32>
    %max3A_1390 = vector.broadcast %get3A_1069 : f32 to vector<8x1152xf32>
    %max3A_1391 = arith.maximumf %max3A_1390, %sub3A : vector<8x1152xf32>
    %max3A_1392 = vector.broadcast %get3A_1101 : f32 to vector<8x1152xf32>
    %max3A_1393 = arith.maximumf %max3A_1392, %sub3A_24 : vector<8x1152xf32>
    %min3A_1394 = vector.broadcast %get3A_1133 : f32 to vector<8x1152xf32>
    %min3A_1395 = arith.minimumf %min3A_1394, %add3A : vector<8x1152xf32>
    %min3A_1396 = vector.broadcast %get3A_1165 : f32 to vector<8x1152xf32>
    %min3A_1397 = arith.minimumf %min3A_1396, %add3A_31 : vector<8x1152xf32>
    %sub3A_1398 = arith.subf %min3A_1395, %max3A_1391 : vector<8x1152xf32>
    %max3A_1399 = arith.constant 0.000000e+00 : f32
    %max3A_1400 = vector.broadcast %max3A_1399 : f32 to vector<8x1152xf32>
    %max3A_1401 = arith.maximumf %sub3A_1398, %max3A_1400 : vector<8x1152xf32>
    %sub3A_1402 = arith.subf %min3A_1397, %max3A_1393 : vector<8x1152xf32>
    %max3A_1403 = arith.constant 0.000000e+00 : f32
    %max3A_1404 = vector.broadcast %max3A_1403 : f32 to vector<8x1152xf32>
    %max3A_1405 = arith.maximumf %sub3A_1402, %max3A_1404 : vector<8x1152xf32>
    %mul3A_1406 = arith.mulf %max3A_1401, %max3A_1405 : vector<8x1152xf32>
    %sub3A_1407 = arith.subf %get3A_1133, %get3A_1069 : f32
    %sub3A_1408 = arith.subf %get3A_1165, %get3A_1101 : f32
    %mul3A_1409 = arith.mulf %sub3A_1407, %sub3A_1408 : f32
    %add3A_1410 = vector.broadcast %mul3A_1409 : f32 to vector<8x1152xf32>
    %add3A_1411 = arith.addf %add3A_1410, %mul3A_34 : vector<8x1152xf32>
    %sub3A_1412 = arith.subf %add3A_1411, %mul3A_1406 : vector<8x1152xf32>
    %div3A_1413 = arith.divf %mul3A_1406, %sub3A_1412 : vector<8x1152xf32>
    %gt3A_1414 = arith.cmpf ogt, %div3A_1413, %select_n3A_1374 : vector<8x1152xf32>
    %jit3A_1415 = arith.constant 4 : i32
    %broadcast_in_dim3A_1416 = vector.broadcast %jit3A_1415 : i32 to vector<8x1152xi32>
    %select_n3A_1417 = arith.select %gt3A_1414, %broadcast_in_dim3A_1416, %select_n3A_1373 : vector<8x1152xi1>, vector<8x1152xi32>
    %select_n3A_1418 = arith.select %gt3A_1414, %div3A_1413, %select_n3A_1374 : vector<8x1152xi1>, vector<8x1152xf32>
    %reduce_max3A_1419 = vector.shape_cast %div3A_1413 : vector<8x1152xf32> to vector<1x8x1152xf32>
    %reduce_max3A_1420 = arith.constant dense<0xFF800000> : vector<1xf32>
    %reduce_max3A_1421 = vector.multi_reduction <maximumf>, %reduce_max3A_1419, %reduce_max3A_1420 [1, 2] : vector<1x8x1152xf32> to vector<1xf32>
    %reduce_max3A_1422 = vector.shape_cast %reduce_max3A_1421 : vector<1xf32> to vector<1x1x1xf32>
    %reduce_max3A_1423 = vector.extract %reduce_max3A_1422[0, 0, 0] : f32 from vector<1x1x1xf32>
    %eq3A_1424 = vector.broadcast %reduce_max3A_1423 : f32 to vector<8x1152xf32>
    %eq3A_1425 = arith.cmpf oeq, %div3A_1413, %eq3A_1424 : vector<8x1152xf32>
    %jit3A_1426 = arith.constant 9216 : i32
    %broadcast_in_dim3A_1427 = vector.broadcast %jit3A_1426 : i32 to vector<8x1152xi32>
    %select_n3A_1428 = arith.select %eq3A_1425, %add3A_39, %broadcast_in_dim3A_1427 : vector<8x1152xi1>, vector<8x1152xi32>
    %reduce_min3A_1429 = vector.shape_cast %select_n3A_1428 : vector<8x1152xi32> to vector<1x8x1152xi32>
    %reduce_min3A_1430 = arith.constant dense<2147483647> : vector<1xi32>
    %reduce_min3A_1431 = vector.multi_reduction <minsi>, %reduce_min3A_1429, %reduce_min3A_1430 [1, 2] : vector<1x8x1152xi32> to vector<1xi32>
    %reduce_min3A_1432 = vector.shape_cast %reduce_min3A_1431 : vector<1xi32> to vector<1x1x1xi32>
    %reduce_min3A_1433 = vector.extract %reduce_min3A_1432[0, 0, 0] : i32 from vector<1x1x1xi32>
    %max3A_1434 = vector.broadcast %get3A_1073 : f32 to vector<8x1152xf32>
    %max3A_1435 = arith.maximumf %max3A_1434, %sub3A : vector<8x1152xf32>
    %max3A_1436 = vector.broadcast %get3A_1105 : f32 to vector<8x1152xf32>
    %max3A_1437 = arith.maximumf %max3A_1436, %sub3A_24 : vector<8x1152xf32>
    %min3A_1438 = vector.broadcast %get3A_1137 : f32 to vector<8x1152xf32>
    %min3A_1439 = arith.minimumf %min3A_1438, %add3A : vector<8x1152xf32>
    %min3A_1440 = vector.broadcast %get3A_1169 : f32 to vector<8x1152xf32>
    %min3A_1441 = arith.minimumf %min3A_1440, %add3A_31 : vector<8x1152xf32>
    %sub3A_1442 = arith.subf %min3A_1439, %max3A_1435 : vector<8x1152xf32>
    %max3A_1443 = arith.constant 0.000000e+00 : f32
    %max3A_1444 = vector.broadcast %max3A_1443 : f32 to vector<8x1152xf32>
    %max3A_1445 = arith.maximumf %sub3A_1442, %max3A_1444 : vector<8x1152xf32>
    %sub3A_1446 = arith.subf %min3A_1441, %max3A_1437 : vector<8x1152xf32>
    %max3A_1447 = arith.constant 0.000000e+00 : f32
    %max3A_1448 = vector.broadcast %max3A_1447 : f32 to vector<8x1152xf32>
    %max3A_1449 = arith.maximumf %sub3A_1446, %max3A_1448 : vector<8x1152xf32>
    %mul3A_1450 = arith.mulf %max3A_1445, %max3A_1449 : vector<8x1152xf32>
    %sub3A_1451 = arith.subf %get3A_1137, %get3A_1073 : f32
    %sub3A_1452 = arith.subf %get3A_1169, %get3A_1105 : f32
    %mul3A_1453 = arith.mulf %sub3A_1451, %sub3A_1452 : f32
    %add3A_1454 = vector.broadcast %mul3A_1453 : f32 to vector<8x1152xf32>
    %add3A_1455 = arith.addf %add3A_1454, %mul3A_34 : vector<8x1152xf32>
    %sub3A_1456 = arith.subf %add3A_1455, %mul3A_1450 : vector<8x1152xf32>
    %div3A_1457 = arith.divf %mul3A_1450, %sub3A_1456 : vector<8x1152xf32>
    %gt3A_1458 = arith.cmpf ogt, %div3A_1457, %select_n3A_1418 : vector<8x1152xf32>
    %jit3A_1459 = arith.constant 5 : i32
    %broadcast_in_dim3A_1460 = vector.broadcast %jit3A_1459 : i32 to vector<8x1152xi32>
    %select_n3A_1461 = arith.select %gt3A_1458, %broadcast_in_dim3A_1460, %select_n3A_1417 : vector<8x1152xi1>, vector<8x1152xi32>
    %select_n3A_1462 = arith.select %gt3A_1458, %div3A_1457, %select_n3A_1418 : vector<8x1152xi1>, vector<8x1152xf32>
    %reduce_max3A_1463 = vector.shape_cast %div3A_1457 : vector<8x1152xf32> to vector<1x8x1152xf32>
    %reduce_max3A_1464 = arith.constant dense<0xFF800000> : vector<1xf32>
    %reduce_max3A_1465 = vector.multi_reduction <maximumf>, %reduce_max3A_1463, %reduce_max3A_1464 [1, 2] : vector<1x8x1152xf32> to vector<1xf32>
    %reduce_max3A_1466 = vector.shape_cast %reduce_max3A_1465 : vector<1xf32> to vector<1x1x1xf32>
    %reduce_max3A_1467 = vector.extract %reduce_max3A_1466[0, 0, 0] : f32 from vector<1x1x1xf32>
    %eq3A_1468 = vector.broadcast %reduce_max3A_1467 : f32 to vector<8x1152xf32>
    %eq3A_1469 = arith.cmpf oeq, %div3A_1457, %eq3A_1468 : vector<8x1152xf32>
    %jit3A_1470 = arith.constant 9216 : i32
    %broadcast_in_dim3A_1471 = vector.broadcast %jit3A_1470 : i32 to vector<8x1152xi32>
    %select_n3A_1472 = arith.select %eq3A_1469, %add3A_39, %broadcast_in_dim3A_1471 : vector<8x1152xi1>, vector<8x1152xi32>
    %reduce_min3A_1473 = vector.shape_cast %select_n3A_1472 : vector<8x1152xi32> to vector<1x8x1152xi32>
    %reduce_min3A_1474 = arith.constant dense<2147483647> : vector<1xi32>
    %reduce_min3A_1475 = vector.multi_reduction <minsi>, %reduce_min3A_1473, %reduce_min3A_1474 [1, 2] : vector<1x8x1152xi32> to vector<1xi32>
    %reduce_min3A_1476 = vector.shape_cast %reduce_min3A_1475 : vector<1xi32> to vector<1x1x1xi32>
    %reduce_min3A_1477 = vector.extract %reduce_min3A_1476[0, 0, 0] : i32 from vector<1x1x1xi32>
    %max3A_1478 = vector.broadcast %get3A_1077 : f32 to vector<8x1152xf32>
    %max3A_1479 = arith.maximumf %max3A_1478, %sub3A : vector<8x1152xf32>
    %max3A_1480 = vector.broadcast %get3A_1109 : f32 to vector<8x1152xf32>
    %max3A_1481 = arith.maximumf %max3A_1480, %sub3A_24 : vector<8x1152xf32>
    %min3A_1482 = vector.broadcast %get3A_1141 : f32 to vector<8x1152xf32>
    %min3A_1483 = arith.minimumf %min3A_1482, %add3A : vector<8x1152xf32>
    %min3A_1484 = vector.broadcast %get3A_1173 : f32 to vector<8x1152xf32>
    %min3A_1485 = arith.minimumf %min3A_1484, %add3A_31 : vector<8x1152xf32>
    %sub3A_1486 = arith.subf %min3A_1483, %max3A_1479 : vector<8x1152xf32>
    %max3A_1487 = arith.constant 0.000000e+00 : f32
    %max3A_1488 = vector.broadcast %max3A_1487 : f32 to vector<8x1152xf32>
    %max3A_1489 = arith.maximumf %sub3A_1486, %max3A_1488 : vector<8x1152xf32>
    %sub3A_1490 = arith.subf %min3A_1485, %max3A_1481 : vector<8x1152xf32>
    %max3A_1491 = arith.constant 0.000000e+00 : f32
    %max3A_1492 = vector.broadcast %max3A_1491 : f32 to vector<8x1152xf32>
    %max3A_1493 = arith.maximumf %sub3A_1490, %max3A_1492 : vector<8x1152xf32>
    %mul3A_1494 = arith.mulf %max3A_1489, %max3A_1493 : vector<8x1152xf32>
    %sub3A_1495 = arith.subf %get3A_1141, %get3A_1077 : f32
    %sub3A_1496 = arith.subf %get3A_1173, %get3A_1109 : f32
    %mul3A_1497 = arith.mulf %sub3A_1495, %sub3A_1496 : f32
    %add3A_1498 = vector.broadcast %mul3A_1497 : f32 to vector<8x1152xf32>
    %add3A_1499 = arith.addf %add3A_1498, %mul3A_34 : vector<8x1152xf32>
    %sub3A_1500 = arith.subf %add3A_1499, %mul3A_1494 : vector<8x1152xf32>
    %div3A_1501 = arith.divf %mul3A_1494, %sub3A_1500 : vector<8x1152xf32>
    %gt3A_1502 = arith.cmpf ogt, %div3A_1501, %select_n3A_1462 : vector<8x1152xf32>
    %jit3A_1503 = arith.constant 6 : i32
    %broadcast_in_dim3A_1504 = vector.broadcast %jit3A_1503 : i32 to vector<8x1152xi32>
    %select_n3A_1505 = arith.select %gt3A_1502, %broadcast_in_dim3A_1504, %select_n3A_1461 : vector<8x1152xi1>, vector<8x1152xi32>
    %select_n3A_1506 = arith.select %gt3A_1502, %div3A_1501, %select_n3A_1462 : vector<8x1152xi1>, vector<8x1152xf32>
    %reduce_max3A_1507 = vector.shape_cast %div3A_1501 : vector<8x1152xf32> to vector<1x8x1152xf32>
    %reduce_max3A_1508 = arith.constant dense<0xFF800000> : vector<1xf32>
    %reduce_max3A_1509 = vector.multi_reduction <maximumf>, %reduce_max3A_1507, %reduce_max3A_1508 [1, 2] : vector<1x8x1152xf32> to vector<1xf32>
    %reduce_max3A_1510 = vector.shape_cast %reduce_max3A_1509 : vector<1xf32> to vector<1x1x1xf32>
    %reduce_max3A_1511 = vector.extract %reduce_max3A_1510[0, 0, 0] : f32 from vector<1x1x1xf32>
    %eq3A_1512 = vector.broadcast %reduce_max3A_1511 : f32 to vector<8x1152xf32>
    %eq3A_1513 = arith.cmpf oeq, %div3A_1501, %eq3A_1512 : vector<8x1152xf32>
    %jit3A_1514 = arith.constant 9216 : i32
    %broadcast_in_dim3A_1515 = vector.broadcast %jit3A_1514 : i32 to vector<8x1152xi32>
    %select_n3A_1516 = arith.select %eq3A_1513, %add3A_39, %broadcast_in_dim3A_1515 : vector<8x1152xi1>, vector<8x1152xi32>
    %reduce_min3A_1517 = vector.shape_cast %select_n3A_1516 : vector<8x1152xi32> to vector<1x8x1152xi32>
    %reduce_min3A_1518 = arith.constant dense<2147483647> : vector<1xi32>
    %reduce_min3A_1519 = vector.multi_reduction <minsi>, %reduce_min3A_1517, %reduce_min3A_1518 [1, 2] : vector<1x8x1152xi32> to vector<1xi32>
    %reduce_min3A_1520 = vector.shape_cast %reduce_min3A_1519 : vector<1xi32> to vector<1x1x1xi32>
    %reduce_min3A_1521 = vector.extract %reduce_min3A_1520[0, 0, 0] : i32 from vector<1x1x1xi32>
    %max3A_1522 = vector.broadcast %get3A_1081 : f32 to vector<8x1152xf32>
    %max3A_1523 = arith.maximumf %max3A_1522, %sub3A : vector<8x1152xf32>
    %max3A_1524 = vector.broadcast %get3A_1113 : f32 to vector<8x1152xf32>
    %max3A_1525 = arith.maximumf %max3A_1524, %sub3A_24 : vector<8x1152xf32>
    %min3A_1526 = vector.broadcast %get3A_1145 : f32 to vector<8x1152xf32>
    %min3A_1527 = arith.minimumf %min3A_1526, %add3A : vector<8x1152xf32>
    %min3A_1528 = vector.broadcast %get3A_1177 : f32 to vector<8x1152xf32>
    %min3A_1529 = arith.minimumf %min3A_1528, %add3A_31 : vector<8x1152xf32>
    %sub3A_1530 = arith.subf %min3A_1527, %max3A_1523 : vector<8x1152xf32>
    %max3A_1531 = arith.constant 0.000000e+00 : f32
    %max3A_1532 = vector.broadcast %max3A_1531 : f32 to vector<8x1152xf32>
    %max3A_1533 = arith.maximumf %sub3A_1530, %max3A_1532 : vector<8x1152xf32>
    %sub3A_1534 = arith.subf %min3A_1529, %max3A_1525 : vector<8x1152xf32>
    %max3A_1535 = arith.constant 0.000000e+00 : f32
    %max3A_1536 = vector.broadcast %max3A_1535 : f32 to vector<8x1152xf32>
    %max3A_1537 = arith.maximumf %sub3A_1534, %max3A_1536 : vector<8x1152xf32>
    %mul3A_1538 = arith.mulf %max3A_1533, %max3A_1537 : vector<8x1152xf32>
    %sub3A_1539 = arith.subf %get3A_1145, %get3A_1081 : f32
    %sub3A_1540 = arith.subf %get3A_1177, %get3A_1113 : f32
    %mul3A_1541 = arith.mulf %sub3A_1539, %sub3A_1540 : f32
    %add3A_1542 = vector.broadcast %mul3A_1541 : f32 to vector<8x1152xf32>
    %add3A_1543 = arith.addf %add3A_1542, %mul3A_34 : vector<8x1152xf32>
    %sub3A_1544 = arith.subf %add3A_1543, %mul3A_1538 : vector<8x1152xf32>
    %div3A_1545 = arith.divf %mul3A_1538, %sub3A_1544 : vector<8x1152xf32>
    %gt3A_1546 = arith.cmpf ogt, %div3A_1545, %select_n3A_1506 : vector<8x1152xf32>
    %jit3A_1547 = arith.constant 7 : i32
    %broadcast_in_dim3A_1548 = vector.broadcast %jit3A_1547 : i32 to vector<8x1152xi32>
    %select_n3A_1549 = arith.select %gt3A_1546, %broadcast_in_dim3A_1548, %select_n3A_1505 : vector<8x1152xi1>, vector<8x1152xi32>
    %select_n3A_1550 = arith.select %gt3A_1546, %div3A_1545, %select_n3A_1506 : vector<8x1152xi1>, vector<8x1152xf32>
    %reduce_max3A_1551 = vector.shape_cast %div3A_1545 : vector<8x1152xf32> to vector<1x8x1152xf32>
    %reduce_max3A_1552 = arith.constant dense<0xFF800000> : vector<1xf32>
    %reduce_max3A_1553 = vector.multi_reduction <maximumf>, %reduce_max3A_1551, %reduce_max3A_1552 [1, 2] : vector<1x8x1152xf32> to vector<1xf32>
    %reduce_max3A_1554 = vector.shape_cast %reduce_max3A_1553 : vector<1xf32> to vector<1x1x1xf32>
    %reduce_max3A_1555 = vector.extract %reduce_max3A_1554[0, 0, 0] : f32 from vector<1x1x1xf32>
    %eq3A_1556 = vector.broadcast %reduce_max3A_1555 : f32 to vector<8x1152xf32>
    %eq3A_1557 = arith.cmpf oeq, %div3A_1545, %eq3A_1556 : vector<8x1152xf32>
    %jit3A_1558 = arith.constant 9216 : i32
    %broadcast_in_dim3A_1559 = vector.broadcast %jit3A_1558 : i32 to vector<8x1152xi32>
    %select_n3A_1560 = arith.select %eq3A_1557, %add3A_39, %broadcast_in_dim3A_1559 : vector<8x1152xi1>, vector<8x1152xi32>
    %reduce_min3A_1561 = vector.shape_cast %select_n3A_1560 : vector<8x1152xi32> to vector<1x8x1152xi32>
    %reduce_min3A_1562 = arith.constant dense<2147483647> : vector<1xi32>
    %reduce_min3A_1563 = vector.multi_reduction <minsi>, %reduce_min3A_1561, %reduce_min3A_1562 [1, 2] : vector<1x8x1152xi32> to vector<1xi32>
    %reduce_min3A_1564 = vector.shape_cast %reduce_min3A_1563 : vector<1xi32> to vector<1x1x1xi32>
    %reduce_min3A_1565 = vector.extract %reduce_min3A_1564[0, 0, 0] : i32 from vector<1x1x1xi32>
    %eq3A_1566 = vector.broadcast %reduce_min3A_1257 : i32 to vector<8x1152xi32>
    %eq3A_1567 = arith.cmpi eq, %add3A_39, %eq3A_1566 : vector<8x1152xi32>
    %jit3A_1568 = arith.constant 2.000000e+00 : f32
    %broadcast_in_dim3A_1569 = vector.broadcast %jit3A_1568 : f32 to vector<8x1152xf32>
    %select_n3A_1570 = arith.select %eq3A_1567, %broadcast_in_dim3A_1569, %select_n3A_1550 : vector<8x1152xi1>, vector<8x1152xf32>
    %jit3A_1571 = arith.constant 0 : i32
    %broadcast_in_dim3A_1572 = vector.broadcast %jit3A_1571 : i32 to vector<8x1152xi32>
    %select_n3A_1573 = arith.select %eq3A_1567, %broadcast_in_dim3A_1572, %select_n3A_1549 : vector<8x1152xi1>, vector<8x1152xi32>
    %eq3A_1574 = vector.broadcast %reduce_min3A_1301 : i32 to vector<8x1152xi32>
    %eq3A_1575 = arith.cmpi eq, %add3A_39, %eq3A_1574 : vector<8x1152xi32>
    %jit3A_1576 = arith.constant 2.000000e+00 : f32
    %broadcast_in_dim3A_1577 = vector.broadcast %jit3A_1576 : f32 to vector<8x1152xf32>
    %select_n3A_1578 = arith.select %eq3A_1575, %broadcast_in_dim3A_1577, %select_n3A_1570 : vector<8x1152xi1>, vector<8x1152xf32>
    %jit3A_1579 = arith.constant 1 : i32
    %broadcast_in_dim3A_1580 = vector.broadcast %jit3A_1579 : i32 to vector<8x1152xi32>
    %select_n3A_1581 = arith.select %eq3A_1575, %broadcast_in_dim3A_1580, %select_n3A_1573 : vector<8x1152xi1>, vector<8x1152xi32>
    %eq3A_1582 = vector.broadcast %reduce_min3A_1345 : i32 to vector<8x1152xi32>
    %eq3A_1583 = arith.cmpi eq, %add3A_39, %eq3A_1582 : vector<8x1152xi32>
    %jit3A_1584 = arith.constant 2.000000e+00 : f32
    %broadcast_in_dim3A_1585 = vector.broadcast %jit3A_1584 : f32 to vector<8x1152xf32>
    %select_n3A_1586 = arith.select %eq3A_1583, %broadcast_in_dim3A_1585, %select_n3A_1578 : vector<8x1152xi1>, vector<8x1152xf32>
    %jit3A_1587 = arith.constant 2 : i32
    %broadcast_in_dim3A_1588 = vector.broadcast %jit3A_1587 : i32 to vector<8x1152xi32>
    %select_n3A_1589 = arith.select %eq3A_1583, %broadcast_in_dim3A_1588, %select_n3A_1581 : vector<8x1152xi1>, vector<8x1152xi32>
    %eq3A_1590 = vector.broadcast %reduce_min3A_1389 : i32 to vector<8x1152xi32>
    %eq3A_1591 = arith.cmpi eq, %add3A_39, %eq3A_1590 : vector<8x1152xi32>
    %jit3A_1592 = arith.constant 2.000000e+00 : f32
    %broadcast_in_dim3A_1593 = vector.broadcast %jit3A_1592 : f32 to vector<8x1152xf32>
    %select_n3A_1594 = arith.select %eq3A_1591, %broadcast_in_dim3A_1593, %select_n3A_1586 : vector<8x1152xi1>, vector<8x1152xf32>
    %jit3A_1595 = arith.constant 3 : i32
    %broadcast_in_dim3A_1596 = vector.broadcast %jit3A_1595 : i32 to vector<8x1152xi32>
    %select_n3A_1597 = arith.select %eq3A_1591, %broadcast_in_dim3A_1596, %select_n3A_1589 : vector<8x1152xi1>, vector<8x1152xi32>
    %eq3A_1598 = vector.broadcast %reduce_min3A_1433 : i32 to vector<8x1152xi32>
    %eq3A_1599 = arith.cmpi eq, %add3A_39, %eq3A_1598 : vector<8x1152xi32>
    %jit3A_1600 = arith.constant 2.000000e+00 : f32
    %broadcast_in_dim3A_1601 = vector.broadcast %jit3A_1600 : f32 to vector<8x1152xf32>
    %select_n3A_1602 = arith.select %eq3A_1599, %broadcast_in_dim3A_1601, %select_n3A_1594 : vector<8x1152xi1>, vector<8x1152xf32>
    %jit3A_1603 = arith.constant 4 : i32
    %broadcast_in_dim3A_1604 = vector.broadcast %jit3A_1603 : i32 to vector<8x1152xi32>
    %select_n3A_1605 = arith.select %eq3A_1599, %broadcast_in_dim3A_1604, %select_n3A_1597 : vector<8x1152xi1>, vector<8x1152xi32>
    %eq3A_1606 = vector.broadcast %reduce_min3A_1477 : i32 to vector<8x1152xi32>
    %eq3A_1607 = arith.cmpi eq, %add3A_39, %eq3A_1606 : vector<8x1152xi32>
    %jit3A_1608 = arith.constant 2.000000e+00 : f32
    %broadcast_in_dim3A_1609 = vector.broadcast %jit3A_1608 : f32 to vector<8x1152xf32>
    %select_n3A_1610 = arith.select %eq3A_1607, %broadcast_in_dim3A_1609, %select_n3A_1602 : vector<8x1152xi1>, vector<8x1152xf32>
    %jit3A_1611 = arith.constant 5 : i32
    %broadcast_in_dim3A_1612 = vector.broadcast %jit3A_1611 : i32 to vector<8x1152xi32>
    %select_n3A_1613 = arith.select %eq3A_1607, %broadcast_in_dim3A_1612, %select_n3A_1605 : vector<8x1152xi1>, vector<8x1152xi32>
    %eq3A_1614 = vector.broadcast %reduce_min3A_1521 : i32 to vector<8x1152xi32>
    %eq3A_1615 = arith.cmpi eq, %add3A_39, %eq3A_1614 : vector<8x1152xi32>
    %jit3A_1616 = arith.constant 2.000000e+00 : f32
    %broadcast_in_dim3A_1617 = vector.broadcast %jit3A_1616 : f32 to vector<8x1152xf32>
    %select_n3A_1618 = arith.select %eq3A_1615, %broadcast_in_dim3A_1617, %select_n3A_1610 : vector<8x1152xi1>, vector<8x1152xf32>
    %jit3A_1619 = arith.constant 6 : i32
    %broadcast_in_dim3A_1620 = vector.broadcast %jit3A_1619 : i32 to vector<8x1152xi32>
    %select_n3A_1621 = arith.select %eq3A_1615, %broadcast_in_dim3A_1620, %select_n3A_1613 : vector<8x1152xi1>, vector<8x1152xi32>
    %eq3A_1622 = vector.broadcast %reduce_min3A_1565 : i32 to vector<8x1152xi32>
    %eq3A_1623 = arith.cmpi eq, %add3A_39, %eq3A_1622 : vector<8x1152xi32>
    %jit3A_1624 = arith.constant 2.000000e+00 : f32
    %broadcast_in_dim3A_1625 = vector.broadcast %jit3A_1624 : f32 to vector<8x1152xf32>
    %select_n3A_1626 = arith.select %eq3A_1623, %broadcast_in_dim3A_1625, %select_n3A_1618 : vector<8x1152xi1>, vector<8x1152xf32>
    %jit3A_1627 = arith.constant 7 : i32
    %broadcast_in_dim3A_1628 = vector.broadcast %jit3A_1627 : i32 to vector<8x1152xi32>
    %select_n3A_1629 = arith.select %eq3A_1623, %broadcast_in_dim3A_1628, %select_n3A_1621 : vector<8x1152xi1>, vector<8x1152xi32>
    %broadcast_in_dim3A_1630 = arith.constant 0.000000e+00 : f32
    %broadcast_in_dim3A_1631 = vector.broadcast %broadcast_in_dim3A_1630 : f32 to vector<8x1152xf32>
    %broadcast_in_dim3A_1632 = arith.constant 0.000000e+00 : f32
    %broadcast_in_dim3A_1633 = vector.broadcast %broadcast_in_dim3A_1632 : f32 to vector<8x1152xf32>
    %broadcast_in_dim3A_1634 = arith.constant 0.000000e+00 : f32
    %broadcast_in_dim3A_1635 = vector.broadcast %broadcast_in_dim3A_1634 : f32 to vector<8x1152xf32>
    %broadcast_in_dim3A_1636 = arith.constant 0.000000e+00 : f32
    %broadcast_in_dim3A_1637 = vector.broadcast %broadcast_in_dim3A_1636 : f32 to vector<8x1152xf32>
    %broadcast_in_dim3A_1638 = arith.constant 0.000000e+00 : f32
    %broadcast_in_dim3A_1639 = vector.broadcast %broadcast_in_dim3A_1638 : f32 to vector<8x1152xf32>
    %eq3A_1640 = arith.constant 0 : i32
    %eq3A_1641 = vector.broadcast %eq3A_1640 : i32 to vector<8x1152xi32>
    %eq3A_1642 = arith.cmpi eq, %select_n3A_1629, %eq3A_1641 : vector<8x1152xi32>
    %broadcast_in_dim3A_1643 = vector.broadcast %get3A_1053 : f32 to vector<8x1152xf32>
    %select_n3A_1644 = arith.select %eq3A_1642, %broadcast_in_dim3A_1643, %broadcast_in_dim3A_1631 : vector<8x1152xi1>, vector<8x1152xf32>
    %broadcast_in_dim3A_1645 = vector.broadcast %get3A_1085 : f32 to vector<8x1152xf32>
    %select_n3A_1646 = arith.select %eq3A_1642, %broadcast_in_dim3A_1645, %broadcast_in_dim3A_1633 : vector<8x1152xi1>, vector<8x1152xf32>
    %broadcast_in_dim3A_1647 = vector.broadcast %get3A_1117 : f32 to vector<8x1152xf32>
    %select_n3A_1648 = arith.select %eq3A_1642, %broadcast_in_dim3A_1647, %broadcast_in_dim3A_1635 : vector<8x1152xi1>, vector<8x1152xf32>
    %broadcast_in_dim3A_1649 = vector.broadcast %get3A_1149 : f32 to vector<8x1152xf32>
    %select_n3A_1650 = arith.select %eq3A_1642, %broadcast_in_dim3A_1649, %broadcast_in_dim3A_1637 : vector<8x1152xi1>, vector<8x1152xf32>
    %broadcast_in_dim3A_1651 = vector.broadcast %get3A_1181 : f32 to vector<8x1152xf32>
    %select_n3A_1652 = arith.select %eq3A_1642, %broadcast_in_dim3A_1651, %broadcast_in_dim3A_1639 : vector<8x1152xi1>, vector<8x1152xf32>
    %eq3A_1653 = arith.constant 1 : i32
    %eq3A_1654 = vector.broadcast %eq3A_1653 : i32 to vector<8x1152xi32>
    %eq3A_1655 = arith.cmpi eq, %select_n3A_1629, %eq3A_1654 : vector<8x1152xi32>
    %broadcast_in_dim3A_1656 = vector.broadcast %get3A_1057 : f32 to vector<8x1152xf32>
    %select_n3A_1657 = arith.select %eq3A_1655, %broadcast_in_dim3A_1656, %select_n3A_1644 : vector<8x1152xi1>, vector<8x1152xf32>
    %broadcast_in_dim3A_1658 = vector.broadcast %get3A_1089 : f32 to vector<8x1152xf32>
    %select_n3A_1659 = arith.select %eq3A_1655, %broadcast_in_dim3A_1658, %select_n3A_1646 : vector<8x1152xi1>, vector<8x1152xf32>
    %broadcast_in_dim3A_1660 = vector.broadcast %get3A_1121 : f32 to vector<8x1152xf32>
    %select_n3A_1661 = arith.select %eq3A_1655, %broadcast_in_dim3A_1660, %select_n3A_1648 : vector<8x1152xi1>, vector<8x1152xf32>
    %broadcast_in_dim3A_1662 = vector.broadcast %get3A_1153 : f32 to vector<8x1152xf32>
    %select_n3A_1663 = arith.select %eq3A_1655, %broadcast_in_dim3A_1662, %select_n3A_1650 : vector<8x1152xi1>, vector<8x1152xf32>
    %broadcast_in_dim3A_1664 = vector.broadcast %get3A_1185 : f32 to vector<8x1152xf32>
    %select_n3A_1665 = arith.select %eq3A_1655, %broadcast_in_dim3A_1664, %select_n3A_1652 : vector<8x1152xi1>, vector<8x1152xf32>
    %eq3A_1666 = arith.constant 2 : i32
    %eq3A_1667 = vector.broadcast %eq3A_1666 : i32 to vector<8x1152xi32>
    %eq3A_1668 = arith.cmpi eq, %select_n3A_1629, %eq3A_1667 : vector<8x1152xi32>
    %broadcast_in_dim3A_1669 = vector.broadcast %get3A_1061 : f32 to vector<8x1152xf32>
    %select_n3A_1670 = arith.select %eq3A_1668, %broadcast_in_dim3A_1669, %select_n3A_1657 : vector<8x1152xi1>, vector<8x1152xf32>
    %broadcast_in_dim3A_1671 = vector.broadcast %get3A_1093 : f32 to vector<8x1152xf32>
    %select_n3A_1672 = arith.select %eq3A_1668, %broadcast_in_dim3A_1671, %select_n3A_1659 : vector<8x1152xi1>, vector<8x1152xf32>
    %broadcast_in_dim3A_1673 = vector.broadcast %get3A_1125 : f32 to vector<8x1152xf32>
    %select_n3A_1674 = arith.select %eq3A_1668, %broadcast_in_dim3A_1673, %select_n3A_1661 : vector<8x1152xi1>, vector<8x1152xf32>
    %broadcast_in_dim3A_1675 = vector.broadcast %get3A_1157 : f32 to vector<8x1152xf32>
    %select_n3A_1676 = arith.select %eq3A_1668, %broadcast_in_dim3A_1675, %select_n3A_1663 : vector<8x1152xi1>, vector<8x1152xf32>
    %broadcast_in_dim3A_1677 = vector.broadcast %get3A_1189 : f32 to vector<8x1152xf32>
    %select_n3A_1678 = arith.select %eq3A_1668, %broadcast_in_dim3A_1677, %select_n3A_1665 : vector<8x1152xi1>, vector<8x1152xf32>
    %eq3A_1679 = arith.constant 3 : i32
    %eq3A_1680 = vector.broadcast %eq3A_1679 : i32 to vector<8x1152xi32>
    %eq3A_1681 = arith.cmpi eq, %select_n3A_1629, %eq3A_1680 : vector<8x1152xi32>
    %broadcast_in_dim3A_1682 = vector.broadcast %get3A_1065 : f32 to vector<8x1152xf32>
    %select_n3A_1683 = arith.select %eq3A_1681, %broadcast_in_dim3A_1682, %select_n3A_1670 : vector<8x1152xi1>, vector<8x1152xf32>
    %broadcast_in_dim3A_1684 = vector.broadcast %get3A_1097 : f32 to vector<8x1152xf32>
    %select_n3A_1685 = arith.select %eq3A_1681, %broadcast_in_dim3A_1684, %select_n3A_1672 : vector<8x1152xi1>, vector<8x1152xf32>
    %broadcast_in_dim3A_1686 = vector.broadcast %get3A_1129 : f32 to vector<8x1152xf32>
    %select_n3A_1687 = arith.select %eq3A_1681, %broadcast_in_dim3A_1686, %select_n3A_1674 : vector<8x1152xi1>, vector<8x1152xf32>
    %broadcast_in_dim3A_1688 = vector.broadcast %get3A_1161 : f32 to vector<8x1152xf32>
    %select_n3A_1689 = arith.select %eq3A_1681, %broadcast_in_dim3A_1688, %select_n3A_1676 : vector<8x1152xi1>, vector<8x1152xf32>
    %broadcast_in_dim3A_1690 = vector.broadcast %get3A_1193 : f32 to vector<8x1152xf32>
    %select_n3A_1691 = arith.select %eq3A_1681, %broadcast_in_dim3A_1690, %select_n3A_1678 : vector<8x1152xi1>, vector<8x1152xf32>
    %eq3A_1692 = arith.constant 4 : i32
    %eq3A_1693 = vector.broadcast %eq3A_1692 : i32 to vector<8x1152xi32>
    %eq3A_1694 = arith.cmpi eq, %select_n3A_1629, %eq3A_1693 : vector<8x1152xi32>
    %broadcast_in_dim3A_1695 = vector.broadcast %get3A_1069 : f32 to vector<8x1152xf32>
    %select_n3A_1696 = arith.select %eq3A_1694, %broadcast_in_dim3A_1695, %select_n3A_1683 : vector<8x1152xi1>, vector<8x1152xf32>
    %broadcast_in_dim3A_1697 = vector.broadcast %get3A_1101 : f32 to vector<8x1152xf32>
    %select_n3A_1698 = arith.select %eq3A_1694, %broadcast_in_dim3A_1697, %select_n3A_1685 : vector<8x1152xi1>, vector<8x1152xf32>
    %broadcast_in_dim3A_1699 = vector.broadcast %get3A_1133 : f32 to vector<8x1152xf32>
    %select_n3A_1700 = arith.select %eq3A_1694, %broadcast_in_dim3A_1699, %select_n3A_1687 : vector<8x1152xi1>, vector<8x1152xf32>
    %broadcast_in_dim3A_1701 = vector.broadcast %get3A_1165 : f32 to vector<8x1152xf32>
    %select_n3A_1702 = arith.select %eq3A_1694, %broadcast_in_dim3A_1701, %select_n3A_1689 : vector<8x1152xi1>, vector<8x1152xf32>
    %broadcast_in_dim3A_1703 = vector.broadcast %get3A_1197 : f32 to vector<8x1152xf32>
    %select_n3A_1704 = arith.select %eq3A_1694, %broadcast_in_dim3A_1703, %select_n3A_1691 : vector<8x1152xi1>, vector<8x1152xf32>
    %eq3A_1705 = arith.constant 5 : i32
    %eq3A_1706 = vector.broadcast %eq3A_1705 : i32 to vector<8x1152xi32>
    %eq3A_1707 = arith.cmpi eq, %select_n3A_1629, %eq3A_1706 : vector<8x1152xi32>
    %broadcast_in_dim3A_1708 = vector.broadcast %get3A_1073 : f32 to vector<8x1152xf32>
    %select_n3A_1709 = arith.select %eq3A_1707, %broadcast_in_dim3A_1708, %select_n3A_1696 : vector<8x1152xi1>, vector<8x1152xf32>
    %broadcast_in_dim3A_1710 = vector.broadcast %get3A_1105 : f32 to vector<8x1152xf32>
    %select_n3A_1711 = arith.select %eq3A_1707, %broadcast_in_dim3A_1710, %select_n3A_1698 : vector<8x1152xi1>, vector<8x1152xf32>
    %broadcast_in_dim3A_1712 = vector.broadcast %get3A_1137 : f32 to vector<8x1152xf32>
    %select_n3A_1713 = arith.select %eq3A_1707, %broadcast_in_dim3A_1712, %select_n3A_1700 : vector<8x1152xi1>, vector<8x1152xf32>
    %broadcast_in_dim3A_1714 = vector.broadcast %get3A_1169 : f32 to vector<8x1152xf32>
    %select_n3A_1715 = arith.select %eq3A_1707, %broadcast_in_dim3A_1714, %select_n3A_1702 : vector<8x1152xi1>, vector<8x1152xf32>
    %broadcast_in_dim3A_1716 = vector.broadcast %get3A_1201 : f32 to vector<8x1152xf32>
    %select_n3A_1717 = arith.select %eq3A_1707, %broadcast_in_dim3A_1716, %select_n3A_1704 : vector<8x1152xi1>, vector<8x1152xf32>
    %eq3A_1718 = arith.constant 6 : i32
    %eq3A_1719 = vector.broadcast %eq3A_1718 : i32 to vector<8x1152xi32>
    %eq3A_1720 = arith.cmpi eq, %select_n3A_1629, %eq3A_1719 : vector<8x1152xi32>
    %broadcast_in_dim3A_1721 = vector.broadcast %get3A_1077 : f32 to vector<8x1152xf32>
    %select_n3A_1722 = arith.select %eq3A_1720, %broadcast_in_dim3A_1721, %select_n3A_1709 : vector<8x1152xi1>, vector<8x1152xf32>
    %broadcast_in_dim3A_1723 = vector.broadcast %get3A_1109 : f32 to vector<8x1152xf32>
    %select_n3A_1724 = arith.select %eq3A_1720, %broadcast_in_dim3A_1723, %select_n3A_1711 : vector<8x1152xi1>, vector<8x1152xf32>
    %broadcast_in_dim3A_1725 = vector.broadcast %get3A_1141 : f32 to vector<8x1152xf32>
    %select_n3A_1726 = arith.select %eq3A_1720, %broadcast_in_dim3A_1725, %select_n3A_1713 : vector<8x1152xi1>, vector<8x1152xf32>
    %broadcast_in_dim3A_1727 = vector.broadcast %get3A_1173 : f32 to vector<8x1152xf32>
    %select_n3A_1728 = arith.select %eq3A_1720, %broadcast_in_dim3A_1727, %select_n3A_1715 : vector<8x1152xi1>, vector<8x1152xf32>
    %broadcast_in_dim3A_1729 = vector.broadcast %get3A_1205 : f32 to vector<8x1152xf32>
    %select_n3A_1730 = arith.select %eq3A_1720, %broadcast_in_dim3A_1729, %select_n3A_1717 : vector<8x1152xi1>, vector<8x1152xf32>
    %eq3A_1731 = arith.constant 7 : i32
    %eq3A_1732 = vector.broadcast %eq3A_1731 : i32 to vector<8x1152xi32>
    %eq3A_1733 = arith.cmpi eq, %select_n3A_1629, %eq3A_1732 : vector<8x1152xi32>
    %broadcast_in_dim3A_1734 = vector.broadcast %get3A_1081 : f32 to vector<8x1152xf32>
    %select_n3A_1735 = arith.select %eq3A_1733, %broadcast_in_dim3A_1734, %select_n3A_1722 : vector<8x1152xi1>, vector<8x1152xf32>
    %broadcast_in_dim3A_1736 = vector.broadcast %get3A_1113 : f32 to vector<8x1152xf32>
    %select_n3A_1737 = arith.select %eq3A_1733, %broadcast_in_dim3A_1736, %select_n3A_1724 : vector<8x1152xi1>, vector<8x1152xf32>
    %broadcast_in_dim3A_1738 = vector.broadcast %get3A_1145 : f32 to vector<8x1152xf32>
    %select_n3A_1739 = arith.select %eq3A_1733, %broadcast_in_dim3A_1738, %select_n3A_1726 : vector<8x1152xi1>, vector<8x1152xf32>
    %broadcast_in_dim3A_1740 = vector.broadcast %get3A_1177 : f32 to vector<8x1152xf32>
    %select_n3A_1741 = arith.select %eq3A_1733, %broadcast_in_dim3A_1740, %select_n3A_1728 : vector<8x1152xi1>, vector<8x1152xf32>
    %broadcast_in_dim3A_1742 = vector.broadcast %get3A_1209 : f32 to vector<8x1152xf32>
    %select_n3A_1743 = arith.select %eq3A_1733, %broadcast_in_dim3A_1742, %select_n3A_1730 : vector<8x1152xi1>, vector<8x1152xf32>
    %add3A_1744 = arith.constant 1.000000e+00 : f32
    %add3A_1745 = vector.broadcast %add3A_1744 : f32 to vector<8x1152xf32>
    %add3A_1746 = arith.addf %select_n3A_1743, %add3A_1745 : vector<8x1152xf32>
    %convert_element_type3A_1747 = arith.fptosi %add3A_1746 : vector<8x1152xf32> to vector<8x1152xi32>
    %lt3A_1748 = arith.constant 5.000000e-01 : f32
    %lt3A_1749 = vector.broadcast %lt3A_1748 : f32 to vector<8x1152xf32>
    %lt3A_1750 = arith.cmpf olt, %select_n3A_1626, %lt3A_1749 : vector<8x1152xf32>
    %jit3A_1751 = arith.constant 0 : i32
    %broadcast_in_dim3A_1752 = vector.broadcast %jit3A_1751 : i32 to vector<8x1152xi32>
    %select_n3A_1753 = arith.select %lt3A_1750, %broadcast_in_dim3A_1752, %convert_element_type3A_1747 : vector<8x1152xi1>, vector<8x1152xi32>
    %gt3A_1754 = arith.constant 0 : i32
    %gt3A_1755 = vector.broadcast %gt3A_1754 : i32 to vector<8x1152xi32>
    %gt3A_1756 = arith.cmpi sgt, %select_n3A_1753, %gt3A_1755 : vector<8x1152xi32>
    %convert_element_type3A_1757 = arith.extui %gt3A_1756 : vector<8x1152xi1> to vector<8x1152xi32>
    %convert_element_type3A_1758 = arith.sitofp %convert_element_type3A_1757 : vector<8x1152xi32> to vector<8x1152xf32>
    %add3A_1759 = arith.addf %select_n3A_1735, %select_n3A_1739 : vector<8x1152xf32>
    %mul3A_1760 = arith.constant 5.000000e-01 : f32
    %mul3A_1761 = vector.broadcast %mul3A_1760 : f32 to vector<8x1152xf32>
    %mul3A_1762 = arith.mulf %add3A_1759, %mul3A_1761 : vector<8x1152xf32>
    %sub3A_1763 = arith.subf %mul3A_1762, %get3A_3 : vector<8x1152xf32>
    %mul3A_1764 = arith.constant 1.000000e-01 : f32
    %mul3A_1765 = vector.broadcast %mul3A_1764 : f32 to vector<8x1152xf32>
    %mul3A_1766 = arith.mulf %mul3A_1765, %get3A_13 : vector<8x1152xf32>
    %div3A_1767 = arith.divf %sub3A_1763, %mul3A_1766 : vector<8x1152xf32>
    %add3A_1768 = arith.addf %select_n3A_1737, %select_n3A_1741 : vector<8x1152xf32>
    %mul3A_1769 = arith.constant 5.000000e-01 : f32
    %mul3A_1770 = vector.broadcast %mul3A_1769 : f32 to vector<8x1152xf32>
    %mul3A_1771 = arith.mulf %add3A_1768, %mul3A_1770 : vector<8x1152xf32>
    %sub3A_1772 = arith.subf %mul3A_1771, %get3A_8 : vector<8x1152xf32>
    %mul3A_1773 = arith.constant 1.000000e-01 : f32
    %mul3A_1774 = vector.broadcast %mul3A_1773 : f32 to vector<8x1152xf32>
    %mul3A_1775 = arith.mulf %mul3A_1774, %get3A_18 : vector<8x1152xf32>
    %div3A_1776 = arith.divf %sub3A_1772, %mul3A_1775 : vector<8x1152xf32>
    %sub3A_1777 = arith.subf %select_n3A_1739, %select_n3A_1735 : vector<8x1152xf32>
    %div3A_1778 = arith.divf %sub3A_1777, %get3A_13 : vector<8x1152xf32>
    %log3A_1779 = math.log %div3A_1778 : vector<8x1152xf32>
    %div3A_1780 = arith.constant 2.000000e-01 : f32
    %div3A_1781 = vector.broadcast %div3A_1780 : f32 to vector<8x1152xf32>
    %div3A_1782 = arith.divf %log3A_1779, %div3A_1781 : vector<8x1152xf32>
    %sub3A_1783 = arith.subf %select_n3A_1741, %select_n3A_1737 : vector<8x1152xf32>
    %div3A_1784 = arith.divf %sub3A_1783, %get3A_18 : vector<8x1152xf32>
    %log3A_1785 = math.log %div3A_1784 : vector<8x1152xf32>
    %div3A_1786 = arith.constant 2.000000e-01 : f32
    %div3A_1787 = vector.broadcast %div3A_1786 : f32 to vector<8x1152xf32>
    %div3A_1788 = arith.divf %log3A_1785, %div3A_1787 : vector<8x1152xf32>
    %get3A_1789 = arith.constant 1 : index
    %get3A_1790 = arith.constant 0 : index
    %get3A_1791 = arith.constant 0 : index
    %get3A_1792 = arith.constant 0 : index
    %get3A_1793 = vector.load %arg3[%get3A_1789, %get3A_1790, %get3A_1791, %get3A_1792] : memref<4x4x8x1152xf32, #tpu.memory_space<vmem>>, vector<1x1x8x1152xf32>
    %get3A_1794 = vector.shape_cast %get3A_1793 : vector<1x1x8x1152xf32> to vector<8x1152xf32>
    %sub3A_1795 = arith.subf %get3A_1794, %div3A_1767 : vector<8x1152xf32>
    %abs3A_1796 = math.absf %sub3A_1795 : vector<8x1152xf32>
    %lt3A_1797 = arith.constant 1.000000e+00 : f32
    %lt3A_1798 = vector.broadcast %lt3A_1797 : f32 to vector<8x1152xf32>
    %lt3A_1799 = arith.cmpf olt, %abs3A_1796, %lt3A_1798 : vector<8x1152xf32>
    %mul3A_1800 = arith.constant 5.000000e-01 : f32
    %mul3A_1801 = vector.broadcast %mul3A_1800 : f32 to vector<8x1152xf32>
    %mul3A_1802 = arith.mulf %mul3A_1801, %sub3A_1795 : vector<8x1152xf32>
    %mul3A_1803 = arith.mulf %mul3A_1802, %sub3A_1795 : vector<8x1152xf32>
    %sub3A_1804 = arith.constant 5.000000e-01 : f32
    %sub3A_1805 = vector.broadcast %sub3A_1804 : f32 to vector<8x1152xf32>
    %sub3A_1806 = arith.subf %abs3A_1796, %sub3A_1805 : vector<8x1152xf32>
    %select_n3A_1807 = arith.select %lt3A_1799, %mul3A_1803, %sub3A_1806 : vector<8x1152xi1>, vector<8x1152xf32>
    %mul3A_1808 = arith.mulf %select_n3A_1807, %convert_element_type3A_1758 : vector<8x1152xf32>
    %reduce_sum3A_1809 = vector.shape_cast %mul3A_1808 : vector<8x1152xf32> to vector<1x8x1152xf32>
    %reduce_sum3A_1810 = arith.constant dense<0.000000e+00> : vector<1xf32>
    %reduce_sum3A_1811 = vector.multi_reduction <add>, %reduce_sum3A_1809, %reduce_sum3A_1810 [1, 2] : vector<1x8x1152xf32> to vector<1xf32>
    %reduce_sum3A_1812 = vector.shape_cast %reduce_sum3A_1811 : vector<1xf32> to vector<1x1x1xf32>
    %reduce_sum3A_1813 = vector.extract %reduce_sum3A_1812[0, 0, 0] : f32 from vector<1x1x1xf32>
    %add3A_1814 = arith.constant 0.000000e+00 : f32
    %add3A_1815 = arith.addf %add3A_1814, %reduce_sum3A_1813 : f32
    %get3A_1816 = arith.constant 1 : index
    %get3A_1817 = arith.constant 1 : index
    %get3A_1818 = arith.constant 0 : index
    %get3A_1819 = arith.constant 0 : index
    %get3A_1820 = vector.load %arg3[%get3A_1816, %get3A_1817, %get3A_1818, %get3A_1819] : memref<4x4x8x1152xf32, #tpu.memory_space<vmem>>, vector<1x1x8x1152xf32>
    %get3A_1821 = vector.shape_cast %get3A_1820 : vector<1x1x8x1152xf32> to vector<8x1152xf32>
    %sub3A_1822 = arith.subf %get3A_1821, %div3A_1776 : vector<8x1152xf32>
    %abs3A_1823 = math.absf %sub3A_1822 : vector<8x1152xf32>
    %lt3A_1824 = arith.constant 1.000000e+00 : f32
    %lt3A_1825 = vector.broadcast %lt3A_1824 : f32 to vector<8x1152xf32>
    %lt3A_1826 = arith.cmpf olt, %abs3A_1823, %lt3A_1825 : vector<8x1152xf32>
    %mul3A_1827 = arith.constant 5.000000e-01 : f32
    %mul3A_1828 = vector.broadcast %mul3A_1827 : f32 to vector<8x1152xf32>
    %mul3A_1829 = arith.mulf %mul3A_1828, %sub3A_1822 : vector<8x1152xf32>
    %mul3A_1830 = arith.mulf %mul3A_1829, %sub3A_1822 : vector<8x1152xf32>
    %sub3A_1831 = arith.constant 5.000000e-01 : f32
    %sub3A_1832 = vector.broadcast %sub3A_1831 : f32 to vector<8x1152xf32>
    %sub3A_1833 = arith.subf %abs3A_1823, %sub3A_1832 : vector<8x1152xf32>
    %select_n3A_1834 = arith.select %lt3A_1826, %mul3A_1830, %sub3A_1833 : vector<8x1152xi1>, vector<8x1152xf32>
    %mul3A_1835 = arith.mulf %select_n3A_1834, %convert_element_type3A_1758 : vector<8x1152xf32>
    %reduce_sum3A_1836 = vector.shape_cast %mul3A_1835 : vector<8x1152xf32> to vector<1x8x1152xf32>
    %reduce_sum3A_1837 = arith.constant dense<0.000000e+00> : vector<1xf32>
    %reduce_sum3A_1838 = vector.multi_reduction <add>, %reduce_sum3A_1836, %reduce_sum3A_1837 [1, 2] : vector<1x8x1152xf32> to vector<1xf32>
    %reduce_sum3A_1839 = vector.shape_cast %reduce_sum3A_1838 : vector<1xf32> to vector<1x1x1xf32>
    %reduce_sum3A_1840 = vector.extract %reduce_sum3A_1839[0, 0, 0] : f32 from vector<1x1x1xf32>
    %add3A_1841 = arith.addf %add3A_1815, %reduce_sum3A_1840 : f32
    %get3A_1842 = arith.constant 1 : index
    %get3A_1843 = arith.constant 2 : index
    %get3A_1844 = arith.constant 0 : index
    %get3A_1845 = arith.constant 0 : index
    %get3A_1846 = vector.load %arg3[%get3A_1842, %get3A_1843, %get3A_1844, %get3A_1845] : memref<4x4x8x1152xf32, #tpu.memory_space<vmem>>, vector<1x1x8x1152xf32>
    %get3A_1847 = vector.shape_cast %get3A_1846 : vector<1x1x8x1152xf32> to vector<8x1152xf32>
    %sub3A_1848 = arith.subf %get3A_1847, %div3A_1782 : vector<8x1152xf32>
    %abs3A_1849 = math.absf %sub3A_1848 : vector<8x1152xf32>
    %lt3A_1850 = arith.constant 1.000000e+00 : f32
    %lt3A_1851 = vector.broadcast %lt3A_1850 : f32 to vector<8x1152xf32>
    %lt3A_1852 = arith.cmpf olt, %abs3A_1849, %lt3A_1851 : vector<8x1152xf32>
    %mul3A_1853 = arith.constant 5.000000e-01 : f32
    %mul3A_1854 = vector.broadcast %mul3A_1853 : f32 to vector<8x1152xf32>
    %mul3A_1855 = arith.mulf %mul3A_1854, %sub3A_1848 : vector<8x1152xf32>
    %mul3A_1856 = arith.mulf %mul3A_1855, %sub3A_1848 : vector<8x1152xf32>
    %sub3A_1857 = arith.constant 5.000000e-01 : f32
    %sub3A_1858 = vector.broadcast %sub3A_1857 : f32 to vector<8x1152xf32>
    %sub3A_1859 = arith.subf %abs3A_1849, %sub3A_1858 : vector<8x1152xf32>
    %select_n3A_1860 = arith.select %lt3A_1852, %mul3A_1856, %sub3A_1859 : vector<8x1152xi1>, vector<8x1152xf32>
    %mul3A_1861 = arith.mulf %select_n3A_1860, %convert_element_type3A_1758 : vector<8x1152xf32>
    %reduce_sum3A_1862 = vector.shape_cast %mul3A_1861 : vector<8x1152xf32> to vector<1x8x1152xf32>
    %reduce_sum3A_1863 = arith.constant dense<0.000000e+00> : vector<1xf32>
    %reduce_sum3A_1864 = vector.multi_reduction <add>, %reduce_sum3A_1862, %reduce_sum3A_1863 [1, 2] : vector<1x8x1152xf32> to vector<1xf32>
    %reduce_sum3A_1865 = vector.shape_cast %reduce_sum3A_1864 : vector<1xf32> to vector<1x1x1xf32>
    %reduce_sum3A_1866 = vector.extract %reduce_sum3A_1865[0, 0, 0] : f32 from vector<1x1x1xf32>
    %add3A_1867 = arith.addf %add3A_1841, %reduce_sum3A_1866 : f32
    %get3A_1868 = arith.constant 1 : index
    %get3A_1869 = arith.constant 3 : index
    %get3A_1870 = arith.constant 0 : index
    %get3A_1871 = arith.constant 0 : index
    %get3A_1872 = vector.load %arg3[%get3A_1868, %get3A_1869, %get3A_1870, %get3A_1871] : memref<4x4x8x1152xf32, #tpu.memory_space<vmem>>, vector<1x1x8x1152xf32>
    %get3A_1873 = vector.shape_cast %get3A_1872 : vector<1x1x8x1152xf32> to vector<8x1152xf32>
    %sub3A_1874 = arith.subf %get3A_1873, %div3A_1788 : vector<8x1152xf32>
    %abs3A_1875 = math.absf %sub3A_1874 : vector<8x1152xf32>
    %lt3A_1876 = arith.constant 1.000000e+00 : f32
    %lt3A_1877 = vector.broadcast %lt3A_1876 : f32 to vector<8x1152xf32>
    %lt3A_1878 = arith.cmpf olt, %abs3A_1875, %lt3A_1877 : vector<8x1152xf32>
    %mul3A_1879 = arith.constant 5.000000e-01 : f32
    %mul3A_1880 = vector.broadcast %mul3A_1879 : f32 to vector<8x1152xf32>
    %mul3A_1881 = arith.mulf %mul3A_1880, %sub3A_1874 : vector<8x1152xf32>
    %mul3A_1882 = arith.mulf %mul3A_1881, %sub3A_1874 : vector<8x1152xf32>
    %sub3A_1883 = arith.constant 5.000000e-01 : f32
    %sub3A_1884 = vector.broadcast %sub3A_1883 : f32 to vector<8x1152xf32>
    %sub3A_1885 = arith.subf %abs3A_1875, %sub3A_1884 : vector<8x1152xf32>
    %select_n3A_1886 = arith.select %lt3A_1878, %mul3A_1882, %sub3A_1885 : vector<8x1152xi1>, vector<8x1152xf32>
    %mul3A_1887 = arith.mulf %select_n3A_1886, %convert_element_type3A_1758 : vector<8x1152xf32>
    %reduce_sum3A_1888 = vector.shape_cast %mul3A_1887 : vector<8x1152xf32> to vector<1x8x1152xf32>
    %reduce_sum3A_1889 = arith.constant dense<0.000000e+00> : vector<1xf32>
    %reduce_sum3A_1890 = vector.multi_reduction <add>, %reduce_sum3A_1888, %reduce_sum3A_1889 [1, 2] : vector<1x8x1152xf32> to vector<1xf32>
    %reduce_sum3A_1891 = vector.shape_cast %reduce_sum3A_1890 : vector<1xf32> to vector<1x1x1xf32>
    %reduce_sum3A_1892 = vector.extract %reduce_sum3A_1891[0, 0, 0] : f32 from vector<1x1x1xf32>
    %add3A_1893 = arith.addf %add3A_1867, %reduce_sum3A_1892 : f32
    %get3A_1894 = arith.constant 1 : index
    %get3A_1895 = arith.constant 0 : index
    %get3A_1896 = arith.constant 0 : index
    %get3A_1897 = arith.constant 0 : index
    %get3A_1898 = vector.load %arg4[%get3A_1894, %get3A_1895, %get3A_1896, %get3A_1897] : memref<4x21x8x1152xf32, #tpu.memory_space<vmem>>, vector<1x21x8x1152xf32>
    %get3A_1899 = vector.shape_cast %get3A_1898 : vector<1x21x8x1152xf32> to vector<21x8x1152xf32>
    %exp3A_1900 = math.exp %get3A_1899 : vector<21x8x1152xf32>
    %reduce_sum3A_1901 = arith.constant dense<0.000000e+00> : vector<8x1152xf32>
    %reduce_sum3A_1902 = vector.multi_reduction <add>, %exp3A_1900, %reduce_sum3A_1901 [0] : vector<21x8x1152xf32> to vector<8x1152xf32>
    %log3A_1903 = math.log %reduce_sum3A_1902 : vector<8x1152xf32>
    %slice3A_1904 = vector.extract_strided_slice %get3A_1899 {offsets = [0, 0, 0], sizes = [1, 8, 1152], strides = [1, 1, 1]} : vector<21x8x1152xf32> to vector<1x8x1152xf32>
    %squeeze3A_1905 = vector.shape_cast %slice3A_1904 : vector<1x8x1152xf32> to vector<8x1152xf32>
    %lt3A_1906 = arith.constant 8732 : i32
    %lt3A_1907 = vector.broadcast %lt3A_1906 : i32 to vector<8x1152xi32>
    %lt3A_1908 = arith.cmpi slt, %add3A_39, %lt3A_1907 : vector<8x1152xi32>
    %not3A_1909 = arith.constant dense<true> : vector<8x1152xi1>
    %not3A_1910 = arith.xori %lt3A_1908, %not3A_1909 : vector<8x1152xi1>
    %or3A_1911 = arith.ori %gt3A_1756, %not3A_1910 : vector<8x1152xi1>
    %sub3A_1912 = arith.subf %log3A_1903, %squeeze3A_1905 : vector<8x1152xf32>
    %jit3A_1913 = arith.constant 0.000000e+00 : f32
    %broadcast_in_dim3A_1914 = vector.broadcast %jit3A_1913 : f32 to vector<8x1152xf32>
    %select_n3A_1915 = arith.select %or3A_1911, %broadcast_in_dim3A_1914, %sub3A_1912 : vector<8x1152xi1>, vector<8x1152xf32>
    %broadcast_in_dim3A_1916 = arith.constant 0.000000e+00 : f32
    %broadcast_in_dim3A_1917 = vector.broadcast %broadcast_in_dim3A_1916 : f32 to vector<8x1152xf32>
    %add3A_1918 = arith.constant 1.000000e+00 : f32
    %add3A_1919 = arith.addf %get3A_1181, %add3A_1918 : f32
    %convert_element_type3A_1920 = arith.fptosi %add3A_1919 : f32 to i32
    %get3A_1921 = arith.constant 1 : index
    %get3A_1922 = arith.index_cast %convert_element_type3A_1920 : i32 to index
    %get3A_1923 = arith.constant 0 : index
    %get3A_1924 = arith.constant 0 : index
    %get3A_1925 = vector.load %arg4[%get3A_1921, %get3A_1922, %get3A_1923, %get3A_1924] : memref<4x21x8x1152xf32, #tpu.memory_space<vmem>>, vector<1x1x8x1152xf32>
    %get3A_1926 = vector.shape_cast %get3A_1925 : vector<1x1x8x1152xf32> to vector<8x1152xf32>
    %eq3A_1927 = arith.constant 0 : i32
    %eq3A_1928 = vector.broadcast %eq3A_1927 : i32 to vector<8x1152xi32>
    %eq3A_1929 = arith.cmpi eq, %select_n3A_1629, %eq3A_1928 : vector<8x1152xi32>
    %and3A_1930 = arith.andi %gt3A_1756, %eq3A_1929 : vector<8x1152xi1>
    %select_n3A_1931 = arith.select %and3A_1930, %get3A_1926, %broadcast_in_dim3A_1917 : vector<8x1152xi1>, vector<8x1152xf32>
    %add3A_1932 = arith.constant 1.000000e+00 : f32
    %add3A_1933 = arith.addf %get3A_1185, %add3A_1932 : f32
    %convert_element_type3A_1934 = arith.fptosi %add3A_1933 : f32 to i32
    %get3A_1935 = arith.constant 1 : index
    %get3A_1936 = arith.index_cast %convert_element_type3A_1934 : i32 to index
    %get3A_1937 = arith.constant 0 : index
    %get3A_1938 = arith.constant 0 : index
    %get3A_1939 = vector.load %arg4[%get3A_1935, %get3A_1936, %get3A_1937, %get3A_1938] : memref<4x21x8x1152xf32, #tpu.memory_space<vmem>>, vector<1x1x8x1152xf32>
    %get3A_1940 = vector.shape_cast %get3A_1939 : vector<1x1x8x1152xf32> to vector<8x1152xf32>
    %eq3A_1941 = arith.constant 1 : i32
    %eq3A_1942 = vector.broadcast %eq3A_1941 : i32 to vector<8x1152xi32>
    %eq3A_1943 = arith.cmpi eq, %select_n3A_1629, %eq3A_1942 : vector<8x1152xi32>
    %and3A_1944 = arith.andi %gt3A_1756, %eq3A_1943 : vector<8x1152xi1>
    %select_n3A_1945 = arith.select %and3A_1944, %get3A_1940, %select_n3A_1931 : vector<8x1152xi1>, vector<8x1152xf32>
    %add3A_1946 = arith.constant 1.000000e+00 : f32
    %add3A_1947 = arith.addf %get3A_1189, %add3A_1946 : f32
    %convert_element_type3A_1948 = arith.fptosi %add3A_1947 : f32 to i32
    %get3A_1949 = arith.constant 1 : index
    %get3A_1950 = arith.index_cast %convert_element_type3A_1948 : i32 to index
    %get3A_1951 = arith.constant 0 : index
    %get3A_1952 = arith.constant 0 : index
    %get3A_1953 = vector.load %arg4[%get3A_1949, %get3A_1950, %get3A_1951, %get3A_1952] : memref<4x21x8x1152xf32, #tpu.memory_space<vmem>>, vector<1x1x8x1152xf32>
    %get3A_1954 = vector.shape_cast %get3A_1953 : vector<1x1x8x1152xf32> to vector<8x1152xf32>
    %eq3A_1955 = arith.constant 2 : i32
    %eq3A_1956 = vector.broadcast %eq3A_1955 : i32 to vector<8x1152xi32>
    %eq3A_1957 = arith.cmpi eq, %select_n3A_1629, %eq3A_1956 : vector<8x1152xi32>
    %and3A_1958 = arith.andi %gt3A_1756, %eq3A_1957 : vector<8x1152xi1>
    %select_n3A_1959 = arith.select %and3A_1958, %get3A_1954, %select_n3A_1945 : vector<8x1152xi1>, vector<8x1152xf32>
    %add3A_1960 = arith.constant 1.000000e+00 : f32
    %add3A_1961 = arith.addf %get3A_1193, %add3A_1960 : f32
    %convert_element_type3A_1962 = arith.fptosi %add3A_1961 : f32 to i32
    %get3A_1963 = arith.constant 1 : index
    %get3A_1964 = arith.index_cast %convert_element_type3A_1962 : i32 to index
    %get3A_1965 = arith.constant 0 : index
    %get3A_1966 = arith.constant 0 : index
    %get3A_1967 = vector.load %arg4[%get3A_1963, %get3A_1964, %get3A_1965, %get3A_1966] : memref<4x21x8x1152xf32, #tpu.memory_space<vmem>>, vector<1x1x8x1152xf32>
    %get3A_1968 = vector.shape_cast %get3A_1967 : vector<1x1x8x1152xf32> to vector<8x1152xf32>
    %eq3A_1969 = arith.constant 3 : i32
    %eq3A_1970 = vector.broadcast %eq3A_1969 : i32 to vector<8x1152xi32>
    %eq3A_1971 = arith.cmpi eq, %select_n3A_1629, %eq3A_1970 : vector<8x1152xi32>
    %and3A_1972 = arith.andi %gt3A_1756, %eq3A_1971 : vector<8x1152xi1>
    %select_n3A_1973 = arith.select %and3A_1972, %get3A_1968, %select_n3A_1959 : vector<8x1152xi1>, vector<8x1152xf32>
    %add3A_1974 = arith.constant 1.000000e+00 : f32
    %add3A_1975 = arith.addf %get3A_1197, %add3A_1974 : f32
    %convert_element_type3A_1976 = arith.fptosi %add3A_1975 : f32 to i32
    %get3A_1977 = arith.constant 1 : index
    %get3A_1978 = arith.index_cast %convert_element_type3A_1976 : i32 to index
    %get3A_1979 = arith.constant 0 : index
    %get3A_1980 = arith.constant 0 : index
    %get3A_1981 = vector.load %arg4[%get3A_1977, %get3A_1978, %get3A_1979, %get3A_1980] : memref<4x21x8x1152xf32, #tpu.memory_space<vmem>>, vector<1x1x8x1152xf32>
    %get3A_1982 = vector.shape_cast %get3A_1981 : vector<1x1x8x1152xf32> to vector<8x1152xf32>
    %eq3A_1983 = arith.constant 4 : i32
    %eq3A_1984 = vector.broadcast %eq3A_1983 : i32 to vector<8x1152xi32>
    %eq3A_1985 = arith.cmpi eq, %select_n3A_1629, %eq3A_1984 : vector<8x1152xi32>
    %and3A_1986 = arith.andi %gt3A_1756, %eq3A_1985 : vector<8x1152xi1>
    %select_n3A_1987 = arith.select %and3A_1986, %get3A_1982, %select_n3A_1973 : vector<8x1152xi1>, vector<8x1152xf32>
    %add3A_1988 = arith.constant 1.000000e+00 : f32
    %add3A_1989 = arith.addf %get3A_1201, %add3A_1988 : f32
    %convert_element_type3A_1990 = arith.fptosi %add3A_1989 : f32 to i32
    %get3A_1991 = arith.constant 1 : index
    %get3A_1992 = arith.index_cast %convert_element_type3A_1990 : i32 to index
    %get3A_1993 = arith.constant 0 : index
    %get3A_1994 = arith.constant 0 : index
    %get3A_1995 = vector.load %arg4[%get3A_1991, %get3A_1992, %get3A_1993, %get3A_1994] : memref<4x21x8x1152xf32, #tpu.memory_space<vmem>>, vector<1x1x8x1152xf32>
    %get3A_1996 = vector.shape_cast %get3A_1995 : vector<1x1x8x1152xf32> to vector<8x1152xf32>
    %eq3A_1997 = arith.constant 5 : i32
    %eq3A_1998 = vector.broadcast %eq3A_1997 : i32 to vector<8x1152xi32>
    %eq3A_1999 = arith.cmpi eq, %select_n3A_1629, %eq3A_1998 : vector<8x1152xi32>
    %and3A_2000 = arith.andi %gt3A_1756, %eq3A_1999 : vector<8x1152xi1>
    %select_n3A_2001 = arith.select %and3A_2000, %get3A_1996, %select_n3A_1987 : vector<8x1152xi1>, vector<8x1152xf32>
    %add3A_2002 = arith.constant 1.000000e+00 : f32
    %add3A_2003 = arith.addf %get3A_1205, %add3A_2002 : f32
    %convert_element_type3A_2004 = arith.fptosi %add3A_2003 : f32 to i32
    %get3A_2005 = arith.constant 1 : index
    %get3A_2006 = arith.index_cast %convert_element_type3A_2004 : i32 to index
    %get3A_2007 = arith.constant 0 : index
    %get3A_2008 = arith.constant 0 : index
    %get3A_2009 = vector.load %arg4[%get3A_2005, %get3A_2006, %get3A_2007, %get3A_2008] : memref<4x21x8x1152xf32, #tpu.memory_space<vmem>>, vector<1x1x8x1152xf32>
    %get3A_2010 = vector.shape_cast %get3A_2009 : vector<1x1x8x1152xf32> to vector<8x1152xf32>
    %eq3A_2011 = arith.constant 6 : i32
    %eq3A_2012 = vector.broadcast %eq3A_2011 : i32 to vector<8x1152xi32>
    %eq3A_2013 = arith.cmpi eq, %select_n3A_1629, %eq3A_2012 : vector<8x1152xi32>
    %and3A_2014 = arith.andi %gt3A_1756, %eq3A_2013 : vector<8x1152xi1>
    %select_n3A_2015 = arith.select %and3A_2014, %get3A_2010, %select_n3A_2001 : vector<8x1152xi1>, vector<8x1152xf32>
    %add3A_2016 = arith.constant 1.000000e+00 : f32
    %add3A_2017 = arith.addf %get3A_1209, %add3A_2016 : f32
    %convert_element_type3A_2018 = arith.fptosi %add3A_2017 : f32 to i32
    %get3A_2019 = arith.constant 1 : index
    %get3A_2020 = arith.index_cast %convert_element_type3A_2018 : i32 to index
    %get3A_2021 = arith.constant 0 : index
    %get3A_2022 = arith.constant 0 : index
    %get3A_2023 = vector.load %arg4[%get3A_2019, %get3A_2020, %get3A_2021, %get3A_2022] : memref<4x21x8x1152xf32, #tpu.memory_space<vmem>>, vector<1x1x8x1152xf32>
    %get3A_2024 = vector.shape_cast %get3A_2023 : vector<1x1x8x1152xf32> to vector<8x1152xf32>
    %eq3A_2025 = arith.constant 7 : i32
    %eq3A_2026 = vector.broadcast %eq3A_2025 : i32 to vector<8x1152xi32>
    %eq3A_2027 = arith.cmpi eq, %select_n3A_1629, %eq3A_2026 : vector<8x1152xi32>
    %and3A_2028 = arith.andi %gt3A_1756, %eq3A_2027 : vector<8x1152xi1>
    %select_n3A_2029 = arith.select %and3A_2028, %get3A_2024, %select_n3A_2015 : vector<8x1152xi1>, vector<8x1152xf32>
    %jit3A_2030 = arith.constant 0.000000e+00 : f32
    %broadcast_in_dim3A_2031 = vector.broadcast %jit3A_2030 : f32 to vector<8x1152xf32>
    %select_n3A_2032 = arith.select %gt3A_1756, %log3A_1903, %broadcast_in_dim3A_2031 : vector<8x1152xi1>, vector<8x1152xf32>
    %sub3A_2033 = arith.subf %select_n3A_2032, %select_n3A_2029 : vector<8x1152xf32>
    %reduce_sum3A_2034 = vector.shape_cast %sub3A_2033 : vector<8x1152xf32> to vector<1x8x1152xf32>
    %reduce_sum3A_2035 = arith.constant dense<0.000000e+00> : vector<1xf32>
    %reduce_sum3A_2036 = vector.multi_reduction <add>, %reduce_sum3A_2034, %reduce_sum3A_2035 [1, 2] : vector<1x8x1152xf32> to vector<1xf32>
    %reduce_sum3A_2037 = vector.shape_cast %reduce_sum3A_2036 : vector<1xf32> to vector<1x1x1xf32>
    %reduce_sum3A_2038 = vector.extract %reduce_sum3A_2037[0, 0, 0] : f32 from vector<1x1x1xf32>
    %gt3A_2039 = arith.constant 0 : i32
    %gt3A_2040 = vector.broadcast %gt3A_2039 : i32 to vector<8x1152xi32>
    %gt3A_2041 = arith.cmpi sgt, %select_n3A_1753, %gt3A_2040 : vector<8x1152xi32>
    %convert_element_type3A_2042 = arith.extui %gt3A_2041 : vector<8x1152xi1> to vector<8x1152xi32>
    %reduce_sum3A_2043 = vector.shape_cast %convert_element_type3A_2042 : vector<8x1152xi32> to vector<1x8x1152xi32>
    %reduce_sum3A_2044 = arith.constant dense<0> : vector<1xi32>
    %reduce_sum3A_2045 = vector.multi_reduction <add>, %reduce_sum3A_2043, %reduce_sum3A_2044 [1, 2] : vector<1x8x1152xi32> to vector<1xi32>
    %reduce_sum3A_2046 = vector.shape_cast %reduce_sum3A_2045 : vector<1xi32> to vector<1x1x1xi32>
    %reduce_sum3A_2047 = vector.extract %reduce_sum3A_2046[0, 0, 0] : i32 from vector<1x1x1xi32>
    %mul3A_2048 = arith.constant 3 : i32
    %mul3A_2049 = arith.muli %mul3A_2048, %reduce_sum3A_2047 : i32
    %min3A_2050 = arith.constant 8731 : i32
    %min3A_2051 = arith.minsi %mul3A_2049, %min3A_2050 : i32
    %mul3A_2052 = arith.constant 4 : i32
    %mul3A_2053 = arith.muli %arg0, %mul3A_2052 : i32
    %add3A_2054 = arith.constant 1 : i32
    %add3A_2055 = arith.addi %mul3A_2053, %add3A_2054 : i32
    %swap3A_2056 = arith.constant 1 : index
    %swap3A_2057 = arith.constant 0 : index
    %swap3A_2058 = arith.constant 0 : index
    %swap3A_2059 = vector.load %arg6[%swap3A_2056, %swap3A_2057, %swap3A_2058] : memref<4x8x1152xf32, #tpu.memory_space<vmem>>, vector<1x8x1152xf32>
    %swap3A_2060 = vector.shape_cast %swap3A_2059 : vector<1x8x1152xf32> to vector<8x1152xf32>
    %swap3A_2061 = vector.shape_cast %select_n3A_1915 : vector<8x1152xf32> to vector<1x8x1152xf32>
    tpu.vector_store %arg6[%swap3A_2056, %swap3A_2057, %swap3A_2058], %swap3A_2061 {strides = array<i32>} : memref<4x8x1152xf32, #tpu.memory_space<vmem>>, vector<1x8x1152xf32>,
    %convert_element_type3A_2062 = arith.sitofp %min3A_2051 : i32 to f32
    %broadcast_in_dim3A_2063 = vector.broadcast %convert_element_type3A_2062 : f32 to vector<1x16xf32>
    %swap3A_2064 = arith.constant 1 : index
    %swap3A_2065 = arith.constant 0 : index
    %swap3A_2066 = arith.constant 0 : index
    %swap3A_2067 = vector.load %arg7[%swap3A_2064, %swap3A_2065, %swap3A_2066] : memref<4x1x16xf32, #tpu.memory_space<vmem>>, vector<1x1x16xf32>
    %swap3A_2068 = vector.shape_cast %swap3A_2067 : vector<1x1x16xf32> to vector<1x16xf32>
    %swap3A_2069 = vector.shape_cast %broadcast_in_dim3A_2063 : vector<1x16xf32> to vector<1x1x16xf32>
    tpu.vector_store %arg7[%swap3A_2064, %swap3A_2065, %swap3A_2066], %swap3A_2069 {strides = array<i32>} : memref<4x1x16xf32, #tpu.memory_space<vmem>>, vector<1x1x16xf32>,
    %broadcast_in_dim3A_2070 = vector.broadcast %add3A_1893 : f32 to vector<1x1xf32>
    %swap3A_2071 = arith.index_cast %add3A_2055 : i32 to index
    %swap3A_2072 = arith.constant 0 : index
    %swap3A_2073 = vector.load %arg8[%swap3A_2071, %swap3A_2072] : memref<32x1xf32, #tpu.memory_space<vmem>>, vector<1x1xf32>
    tpu.vector_store %arg8[%swap3A_2071, %swap3A_2072], %broadcast_in_dim3A_2070 {strides = array<i32>} : memref<32x1xf32, #tpu.memory_space<vmem>>, vector<1x1xf32>,
    %broadcast_in_dim3A_2074 = vector.broadcast %reduce_sum3A_2038 : f32 to vector<1x1xf32>
    %swap3A_2075 = arith.index_cast %add3A_2055 : i32 to index
    %swap3A_2076 = arith.constant 0 : index
    %swap3A_2077 = vector.load %arg9[%swap3A_2075, %swap3A_2076] : memref<32x1xf32, #tpu.memory_space<vmem>>, vector<1x1xf32>
    tpu.vector_store %arg9[%swap3A_2075, %swap3A_2076], %broadcast_in_dim3A_2074 {strides = array<i32>} : memref<32x1xf32, #tpu.memory_space<vmem>>, vector<1x1xf32>,
    %broadcast_in_dim3A_2078 = vector.broadcast %reduce_sum3A_2047 : i32 to vector<1x1xi32>
    %swap3A_2079 = arith.index_cast %add3A_2055 : i32 to index
    %swap3A_2080 = arith.constant 0 : index
    %swap3A_2081 = vector.load %arg10[%swap3A_2079, %swap3A_2080] : memref<32x1xi32, #tpu.memory_space<vmem>>, vector<1x1xi32>
    tpu.vector_store %arg10[%swap3A_2079, %swap3A_2080], %broadcast_in_dim3A_2078 {strides = array<i32>} : memref<32x1xi32, #tpu.memory_space<vmem>>, vector<1x1xi32>,
    %get3A_2082 = arith.constant 2 : index
    %get3A_2083 = arith.constant 0 : index
    %get3A_2084 = arith.constant 0 : index
    %get3A_2085 = memref.load %arg1[%get3A_2082, %get3A_2083, %get3A_2084] : memref<4x8x5xf32, #tpu.memory_space<smem>>
    %get3A_2086 = arith.constant 2 : index
    %get3A_2087 = arith.constant 1 : index
    %get3A_2088 = arith.constant 0 : index
    %get3A_2089 = memref.load %arg1[%get3A_2086, %get3A_2087, %get3A_2088] : memref<4x8x5xf32, #tpu.memory_space<smem>>
    %get3A_2090 = arith.constant 2 : index
    %get3A_2091 = arith.constant 2 : index
    %get3A_2092 = arith.constant 0 : index
    %get3A_2093 = memref.load %arg1[%get3A_2090, %get3A_2091, %get3A_2092] : memref<4x8x5xf32, #tpu.memory_space<smem>>
    %get3A_2094 = arith.constant 2 : index
    %get3A_2095 = arith.constant 3 : index
    %get3A_2096 = arith.constant 0 : index
    %get3A_2097 = memref.load %arg1[%get3A_2094, %get3A_2095, %get3A_2096] : memref<4x8x5xf32, #tpu.memory_space<smem>>
    %get3A_2098 = arith.constant 2 : index
    %get3A_2099 = arith.constant 4 : index
    %get3A_2100 = arith.constant 0 : index
    %get3A_2101 = memref.load %arg1[%get3A_2098, %get3A_2099, %get3A_2100] : memref<4x8x5xf32, #tpu.memory_space<smem>>
    %get3A_2102 = arith.constant 2 : index
    %get3A_2103 = arith.constant 5 : index
    %get3A_2104 = arith.constant 0 : index
    %get3A_2105 = memref.load %arg1[%get3A_2102, %get3A_2103, %get3A_2104] : memref<4x8x5xf32, #tpu.memory_space<smem>>
    %get3A_2106 = arith.constant 2 : index
    %get3A_2107 = arith.constant 6 : index
    %get3A_2108 = arith.constant 0 : index
    %get3A_2109 = memref.load %arg1[%get3A_2106, %get3A_2107, %get3A_2108] : memref<4x8x5xf32, #tpu.memory_space<smem>>
    %get3A_2110 = arith.constant 2 : index
    %get3A_2111 = arith.constant 7 : index
    %get3A_2112 = arith.constant 0 : index
    %get3A_2113 = memref.load %arg1[%get3A_2110, %get3A_2111, %get3A_2112] : memref<4x8x5xf32, #tpu.memory_space<smem>>
    %get3A_2114 = arith.constant 2 : index
    %get3A_2115 = arith.constant 0 : index
    %get3A_2116 = arith.constant 1 : index
    %get3A_2117 = memref.load %arg1[%get3A_2114, %get3A_2115, %get3A_2116] : memref<4x8x5xf32, #tpu.memory_space<smem>>
    %get3A_2118 = arith.constant 2 : index
    %get3A_2119 = arith.constant 1 : index
    %get3A_2120 = arith.constant 1 : index
    %get3A_2121 = memref.load %arg1[%get3A_2118, %get3A_2119, %get3A_2120] : memref<4x8x5xf32, #tpu.memory_space<smem>>
    %get3A_2122 = arith.constant 2 : index
    %get3A_2123 = arith.constant 2 : index
    %get3A_2124 = arith.constant 1 : index
    %get3A_2125 = memref.load %arg1[%get3A_2122, %get3A_2123, %get3A_2124] : memref<4x8x5xf32, #tpu.memory_space<smem>>
    %get3A_2126 = arith.constant 2 : index
    %get3A_2127 = arith.constant 3 : index
    %get3A_2128 = arith.constant 1 : index
    %get3A_2129 = memref.load %arg1[%get3A_2126, %get3A_2127, %get3A_2128] : memref<4x8x5xf32, #tpu.memory_space<smem>>
    %get3A_2130 = arith.constant 2 : index
    %get3A_2131 = arith.constant 4 : index
    %get3A_2132 = arith.constant 1 : index
    %get3A_2133 = memref.load %arg1[%get3A_2130, %get3A_2131, %get3A_2132] : memref<4x8x5xf32, #tpu.memory_space<smem>>
    %get3A_2134 = arith.constant 2 : index
    %get3A_2135 = arith.constant 5 : index
    %get3A_2136 = arith.constant 1 : index
    %get3A_2137 = memref.load %arg1[%get3A_2134, %get3A_2135, %get3A_2136] : memref<4x8x5xf32, #tpu.memory_space<smem>>
    %get3A_2138 = arith.constant 2 : index
    %get3A_2139 = arith.constant 6 : index
    %get3A_2140 = arith.constant 1 : index
    %get3A_2141 = memref.load %arg1[%get3A_2138, %get3A_2139, %get3A_2140] : memref<4x8x5xf32, #tpu.memory_space<smem>>
    %get3A_2142 = arith.constant 2 : index
    %get3A_2143 = arith.constant 7 : index
    %get3A_2144 = arith.constant 1 : index
    %get3A_2145 = memref.load %arg1[%get3A_2142, %get3A_2143, %get3A_2144] : memref<4x8x5xf32, #tpu.memory_space<smem>>
    %get3A_2146 = arith.constant 2 : index
    %get3A_2147 = arith.constant 0 : index
    %get3A_2148 = arith.constant 2 : index
    %get3A_2149 = memref.load %arg1[%get3A_2146, %get3A_2147, %get3A_2148] : memref<4x8x5xf32, #tpu.memory_space<smem>>
    %get3A_2150 = arith.constant 2 : index
    %get3A_2151 = arith.constant 1 : index
    %get3A_2152 = arith.constant 2 : index
    %get3A_2153 = memref.load %arg1[%get3A_2150, %get3A_2151, %get3A_2152] : memref<4x8x5xf32, #tpu.memory_space<smem>>
    %get3A_2154 = arith.constant 2 : index
    %get3A_2155 = arith.constant 2 : index
    %get3A_2156 = arith.constant 2 : index
    %get3A_2157 = memref.load %arg1[%get3A_2154, %get3A_2155, %get3A_2156] : memref<4x8x5xf32, #tpu.memory_space<smem>>
    %get3A_2158 = arith.constant 2 : index
    %get3A_2159 = arith.constant 3 : index
    %get3A_2160 = arith.constant 2 : index
    %get3A_2161 = memref.load %arg1[%get3A_2158, %get3A_2159, %get3A_2160] : memref<4x8x5xf32, #tpu.memory_space<smem>>
    %get3A_2162 = arith.constant 2 : index
    %get3A_2163 = arith.constant 4 : index
    %get3A_2164 = arith.constant 2 : index
    %get3A_2165 = memref.load %arg1[%get3A_2162, %get3A_2163, %get3A_2164] : memref<4x8x5xf32, #tpu.memory_space<smem>>
    %get3A_2166 = arith.constant 2 : index
    %get3A_2167 = arith.constant 5 : index
    %get3A_2168 = arith.constant 2 : index
    %get3A_2169 = memref.load %arg1[%get3A_2166, %get3A_2167, %get3A_2168] : memref<4x8x5xf32, #tpu.memory_space<smem>>
    %get3A_2170 = arith.constant 2 : index
    %get3A_2171 = arith.constant 6 : index
    %get3A_2172 = arith.constant 2 : index
    %get3A_2173 = memref.load %arg1[%get3A_2170, %get3A_2171, %get3A_2172] : memref<4x8x5xf32, #tpu.memory_space<smem>>
    %get3A_2174 = arith.constant 2 : index
    %get3A_2175 = arith.constant 7 : index
    %get3A_2176 = arith.constant 2 : index
    %get3A_2177 = memref.load %arg1[%get3A_2174, %get3A_2175, %get3A_2176] : memref<4x8x5xf32, #tpu.memory_space<smem>>
    %get3A_2178 = arith.constant 2 : index
    %get3A_2179 = arith.constant 0 : index
    %get3A_2180 = arith.constant 3 : index
    %get3A_2181 = memref.load %arg1[%get3A_2178, %get3A_2179, %get3A_2180] : memref<4x8x5xf32, #tpu.memory_space<smem>>
    %get3A_2182 = arith.constant 2 : index
    %get3A_2183 = arith.constant 1 : index
    %get3A_2184 = arith.constant 3 : index
    %get3A_2185 = memref.load %arg1[%get3A_2182, %get3A_2183, %get3A_2184] : memref<4x8x5xf32, #tpu.memory_space<smem>>
    %get3A_2186 = arith.constant 2 : index
    %get3A_2187 = arith.constant 2 : index
    %get3A_2188 = arith.constant 3 : index
    %get3A_2189 = memref.load %arg1[%get3A_2186, %get3A_2187, %get3A_2188] : memref<4x8x5xf32, #tpu.memory_space<smem>>
    %get3A_2190 = arith.constant 2 : index
    %get3A_2191 = arith.constant 3 : index
    %get3A_2192 = arith.constant 3 : index
    %get3A_2193 = memref.load %arg1[%get3A_2190, %get3A_2191, %get3A_2192] : memref<4x8x5xf32, #tpu.memory_space<smem>>
    %get3A_2194 = arith.constant 2 : index
    %get3A_2195 = arith.constant 4 : index
    %get3A_2196 = arith.constant 3 : index
    %get3A_2197 = memref.load %arg1[%get3A_2194, %get3A_2195, %get3A_2196] : memref<4x8x5xf32, #tpu.memory_space<smem>>
    %get3A_2198 = arith.constant 2 : index
    %get3A_2199 = arith.constant 5 : index
    %get3A_2200 = arith.constant 3 : index
    %get3A_2201 = memref.load %arg1[%get3A_2198, %get3A_2199, %get3A_2200] : memref<4x8x5xf32, #tpu.memory_space<smem>>
    %get3A_2202 = arith.constant 2 : index
    %get3A_2203 = arith.constant 6 : index
    %get3A_2204 = arith.constant 3 : index
    %get3A_2205 = memref.load %arg1[%get3A_2202, %get3A_2203, %get3A_2204] : memref<4x8x5xf32, #tpu.memory_space<smem>>
    %get3A_2206 = arith.constant 2 : index
    %get3A_2207 = arith.constant 7 : index
    %get3A_2208 = arith.constant 3 : index
    %get3A_2209 = memref.load %arg1[%get3A_2206, %get3A_2207, %get3A_2208] : memref<4x8x5xf32, #tpu.memory_space<smem>>
    %get3A_2210 = arith.constant 2 : index
    %get3A_2211 = arith.constant 0 : index
    %get3A_2212 = arith.constant 4 : index
    %get3A_2213 = memref.load %arg1[%get3A_2210, %get3A_2211, %get3A_2212] : memref<4x8x5xf32, #tpu.memory_space<smem>>
    %get3A_2214 = arith.constant 2 : index
    %get3A_2215 = arith.constant 1 : index
    %get3A_2216 = arith.constant 4 : index
    %get3A_2217 = memref.load %arg1[%get3A_2214, %get3A_2215, %get3A_2216] : memref<4x8x5xf32, #tpu.memory_space<smem>>
    %get3A_2218 = arith.constant 2 : index
    %get3A_2219 = arith.constant 2 : index
    %get3A_2220 = arith.constant 4 : index
    %get3A_2221 = memref.load %arg1[%get3A_2218, %get3A_2219, %get3A_2220] : memref<4x8x5xf32, #tpu.memory_space<smem>>
    %get3A_2222 = arith.constant 2 : index
    %get3A_2223 = arith.constant 3 : index
    %get3A_2224 = arith.constant 4 : index
    %get3A_2225 = memref.load %arg1[%get3A_2222, %get3A_2223, %get3A_2224] : memref<4x8x5xf32, #tpu.memory_space<smem>>
    %get3A_2226 = arith.constant 2 : index
    %get3A_2227 = arith.constant 4 : index
    %get3A_2228 = arith.constant 4 : index
    %get3A_2229 = memref.load %arg1[%get3A_2226, %get3A_2227, %get3A_2228] : memref<4x8x5xf32, #tpu.memory_space<smem>>
    %get3A_2230 = arith.constant 2 : index
    %get3A_2231 = arith.constant 5 : index
    %get3A_2232 = arith.constant 4 : index
    %get3A_2233 = memref.load %arg1[%get3A_2230, %get3A_2231, %get3A_2232] : memref<4x8x5xf32, #tpu.memory_space<smem>>
    %get3A_2234 = arith.constant 2 : index
    %get3A_2235 = arith.constant 6 : index
    %get3A_2236 = arith.constant 4 : index
    %get3A_2237 = memref.load %arg1[%get3A_2234, %get3A_2235, %get3A_2236] : memref<4x8x5xf32, #tpu.memory_space<smem>>
    %get3A_2238 = arith.constant 2 : index
    %get3A_2239 = arith.constant 7 : index
    %get3A_2240 = arith.constant 4 : index
    %get3A_2241 = memref.load %arg1[%get3A_2238, %get3A_2239, %get3A_2240] : memref<4x8x5xf32, #tpu.memory_space<smem>>
    %broadcast_in_dim3A_2242 = arith.constant -1.000000e+00 : f32
    %broadcast_in_dim3A_2243 = vector.broadcast %broadcast_in_dim3A_2242 : f32 to vector<8x1152xf32>
    %broadcast_in_dim3A_2244 = arith.constant 0 : i32
    %broadcast_in_dim3A_2245 = vector.broadcast %broadcast_in_dim3A_2244 : i32 to vector<8x1152xi32>
    %max3A_2246 = vector.broadcast %get3A_2085 : f32 to vector<8x1152xf32>
    %max3A_2247 = arith.maximumf %max3A_2246, %sub3A : vector<8x1152xf32>
    %max3A_2248 = vector.broadcast %get3A_2117 : f32 to vector<8x1152xf32>
    %max3A_2249 = arith.maximumf %max3A_2248, %sub3A_24 : vector<8x1152xf32>
    %min3A_2250 = vector.broadcast %get3A_2149 : f32 to vector<8x1152xf32>
    %min3A_2251 = arith.minimumf %min3A_2250, %add3A : vector<8x1152xf32>
    %min3A_2252 = vector.broadcast %get3A_2181 : f32 to vector<8x1152xf32>
    %min3A_2253 = arith.minimumf %min3A_2252, %add3A_31 : vector<8x1152xf32>
    %sub3A_2254 = arith.subf %min3A_2251, %max3A_2247 : vector<8x1152xf32>
    %max3A_2255 = arith.constant 0.000000e+00 : f32
    %max3A_2256 = vector.broadcast %max3A_2255 : f32 to vector<8x1152xf32>
    %max3A_2257 = arith.maximumf %sub3A_2254, %max3A_2256 : vector<8x1152xf32>
    %sub3A_2258 = arith.subf %min3A_2253, %max3A_2249 : vector<8x1152xf32>
    %max3A_2259 = arith.constant 0.000000e+00 : f32
    %max3A_2260 = vector.broadcast %max3A_2259 : f32 to vector<8x1152xf32>
    %max3A_2261 = arith.maximumf %sub3A_2258, %max3A_2260 : vector<8x1152xf32>
    %mul3A_2262 = arith.mulf %max3A_2257, %max3A_2261 : vector<8x1152xf32>
    %sub3A_2263 = arith.subf %get3A_2149, %get3A_2085 : f32
    %sub3A_2264 = arith.subf %get3A_2181, %get3A_2117 : f32
    %mul3A_2265 = arith.mulf %sub3A_2263, %sub3A_2264 : f32
    %add3A_2266 = vector.broadcast %mul3A_2265 : f32 to vector<8x1152xf32>
    %add3A_2267 = arith.addf %add3A_2266, %mul3A_34 : vector<8x1152xf32>
    %sub3A_2268 = arith.subf %add3A_2267, %mul3A_2262 : vector<8x1152xf32>
    %div3A_2269 = arith.divf %mul3A_2262, %sub3A_2268 : vector<8x1152xf32>
    %gt3A_2270 = arith.cmpf ogt, %div3A_2269, %broadcast_in_dim3A_2243 : vector<8x1152xf32>
    %jit3A_2271 = arith.constant 0 : i32
    %broadcast_in_dim3A_2272 = vector.broadcast %jit3A_2271 : i32 to vector<8x1152xi32>
    %select_n3A_2273 = arith.select %gt3A_2270, %broadcast_in_dim3A_2272, %broadcast_in_dim3A_2245 : vector<8x1152xi1>, vector<8x1152xi32>
    %select_n3A_2274 = arith.select %gt3A_2270, %div3A_2269, %broadcast_in_dim3A_2243 : vector<8x1152xi1>, vector<8x1152xf32>
    %reduce_max3A_2275 = vector.shape_cast %div3A_2269 : vector<8x1152xf32> to vector<1x8x1152xf32>
    %reduce_max3A_2276 = arith.constant dense<0xFF800000> : vector<1xf32>
    %reduce_max3A_2277 = vector.multi_reduction <maximumf>, %reduce_max3A_2275, %reduce_max3A_2276 [1, 2] : vector<1x8x1152xf32> to vector<1xf32>
    %reduce_max3A_2278 = vector.shape_cast %reduce_max3A_2277 : vector<1xf32> to vector<1x1x1xf32>
    %reduce_max3A_2279 = vector.extract %reduce_max3A_2278[0, 0, 0] : f32 from vector<1x1x1xf32>
    %eq3A_2280 = vector.broadcast %reduce_max3A_2279 : f32 to vector<8x1152xf32>
    %eq3A_2281 = arith.cmpf oeq, %div3A_2269, %eq3A_2280 : vector<8x1152xf32>
    %jit3A_2282 = arith.constant 9216 : i32
    %broadcast_in_dim3A_2283 = vector.broadcast %jit3A_2282 : i32 to vector<8x1152xi32>
    %select_n3A_2284 = arith.select %eq3A_2281, %add3A_39, %broadcast_in_dim3A_2283 : vector<8x1152xi1>, vector<8x1152xi32>
    %reduce_min3A_2285 = vector.shape_cast %select_n3A_2284 : vector<8x1152xi32> to vector<1x8x1152xi32>
    %reduce_min3A_2286 = arith.constant dense<2147483647> : vector<1xi32>
    %reduce_min3A_2287 = vector.multi_reduction <minsi>, %reduce_min3A_2285, %reduce_min3A_2286 [1, 2] : vector<1x8x1152xi32> to vector<1xi32>
    %reduce_min3A_2288 = vector.shape_cast %reduce_min3A_2287 : vector<1xi32> to vector<1x1x1xi32>
    %reduce_min3A_2289 = vector.extract %reduce_min3A_2288[0, 0, 0] : i32 from vector<1x1x1xi32>
    %max3A_2290 = vector.broadcast %get3A_2089 : f32 to vector<8x1152xf32>
    %max3A_2291 = arith.maximumf %max3A_2290, %sub3A : vector<8x1152xf32>
    %max3A_2292 = vector.broadcast %get3A_2121 : f32 to vector<8x1152xf32>
    %max3A_2293 = arith.maximumf %max3A_2292, %sub3A_24 : vector<8x1152xf32>
    %min3A_2294 = vector.broadcast %get3A_2153 : f32 to vector<8x1152xf32>
    %min3A_2295 = arith.minimumf %min3A_2294, %add3A : vector<8x1152xf32>
    %min3A_2296 = vector.broadcast %get3A_2185 : f32 to vector<8x1152xf32>
    %min3A_2297 = arith.minimumf %min3A_2296, %add3A_31 : vector<8x1152xf32>
    %sub3A_2298 = arith.subf %min3A_2295, %max3A_2291 : vector<8x1152xf32>
    %max3A_2299 = arith.constant 0.000000e+00 : f32
    %max3A_2300 = vector.broadcast %max3A_2299 : f32 to vector<8x1152xf32>
    %max3A_2301 = arith.maximumf %sub3A_2298, %max3A_2300 : vector<8x1152xf32>
    %sub3A_2302 = arith.subf %min3A_2297, %max3A_2293 : vector<8x1152xf32>
    %max3A_2303 = arith.constant 0.000000e+00 : f32
    %max3A_2304 = vector.broadcast %max3A_2303 : f32 to vector<8x1152xf32>
    %max3A_2305 = arith.maximumf %sub3A_2302, %max3A_2304 : vector<8x1152xf32>
    %mul3A_2306 = arith.mulf %max3A_2301, %max3A_2305 : vector<8x1152xf32>
    %sub3A_2307 = arith.subf %get3A_2153, %get3A_2089 : f32
    %sub3A_2308 = arith.subf %get3A_2185, %get3A_2121 : f32
    %mul3A_2309 = arith.mulf %sub3A_2307, %sub3A_2308 : f32
    %add3A_2310 = vector.broadcast %mul3A_2309 : f32 to vector<8x1152xf32>
    %add3A_2311 = arith.addf %add3A_2310, %mul3A_34 : vector<8x1152xf32>
    %sub3A_2312 = arith.subf %add3A_2311, %mul3A_2306 : vector<8x1152xf32>
    %div3A_2313 = arith.divf %mul3A_2306, %sub3A_2312 : vector<8x1152xf32>
    %gt3A_2314 = arith.cmpf ogt, %div3A_2313, %select_n3A_2274 : vector<8x1152xf32>
    %jit3A_2315 = arith.constant 1 : i32
    %broadcast_in_dim3A_2316 = vector.broadcast %jit3A_2315 : i32 to vector<8x1152xi32>
    %select_n3A_2317 = arith.select %gt3A_2314, %broadcast_in_dim3A_2316, %select_n3A_2273 : vector<8x1152xi1>, vector<8x1152xi32>
    %select_n3A_2318 = arith.select %gt3A_2314, %div3A_2313, %select_n3A_2274 : vector<8x1152xi1>, vector<8x1152xf32>
    %reduce_max3A_2319 = vector.shape_cast %div3A_2313 : vector<8x1152xf32> to vector<1x8x1152xf32>
    %reduce_max3A_2320 = arith.constant dense<0xFF800000> : vector<1xf32>
    %reduce_max3A_2321 = vector.multi_reduction <maximumf>, %reduce_max3A_2319, %reduce_max3A_2320 [1, 2] : vector<1x8x1152xf32> to vector<1xf32>
    %reduce_max3A_2322 = vector.shape_cast %reduce_max3A_2321 : vector<1xf32> to vector<1x1x1xf32>
    %reduce_max3A_2323 = vector.extract %reduce_max3A_2322[0, 0, 0] : f32 from vector<1x1x1xf32>
    %eq3A_2324 = vector.broadcast %reduce_max3A_2323 : f32 to vector<8x1152xf32>
    %eq3A_2325 = arith.cmpf oeq, %div3A_2313, %eq3A_2324 : vector<8x1152xf32>
    %jit3A_2326 = arith.constant 9216 : i32
    %broadcast_in_dim3A_2327 = vector.broadcast %jit3A_2326 : i32 to vector<8x1152xi32>
    %select_n3A_2328 = arith.select %eq3A_2325, %add3A_39, %broadcast_in_dim3A_2327 : vector<8x1152xi1>, vector<8x1152xi32>
    %reduce_min3A_2329 = vector.shape_cast %select_n3A_2328 : vector<8x1152xi32> to vector<1x8x1152xi32>
    %reduce_min3A_2330 = arith.constant dense<2147483647> : vector<1xi32>
    %reduce_min3A_2331 = vector.multi_reduction <minsi>, %reduce_min3A_2329, %reduce_min3A_2330 [1, 2] : vector<1x8x1152xi32> to vector<1xi32>
    %reduce_min3A_2332 = vector.shape_cast %reduce_min3A_2331 : vector<1xi32> to vector<1x1x1xi32>
    %reduce_min3A_2333 = vector.extract %reduce_min3A_2332[0, 0, 0] : i32 from vector<1x1x1xi32>
    %max3A_2334 = vector.broadcast %get3A_2093 : f32 to vector<8x1152xf32>
    %max3A_2335 = arith.maximumf %max3A_2334, %sub3A : vector<8x1152xf32>
    %max3A_2336 = vector.broadcast %get3A_2125 : f32 to vector<8x1152xf32>
    %max3A_2337 = arith.maximumf %max3A_2336, %sub3A_24 : vector<8x1152xf32>
    %min3A_2338 = vector.broadcast %get3A_2157 : f32 to vector<8x1152xf32>
    %min3A_2339 = arith.minimumf %min3A_2338, %add3A : vector<8x1152xf32>
    %min3A_2340 = vector.broadcast %get3A_2189 : f32 to vector<8x1152xf32>
    %min3A_2341 = arith.minimumf %min3A_2340, %add3A_31 : vector<8x1152xf32>
    %sub3A_2342 = arith.subf %min3A_2339, %max3A_2335 : vector<8x1152xf32>
    %max3A_2343 = arith.constant 0.000000e+00 : f32
    %max3A_2344 = vector.broadcast %max3A_2343 : f32 to vector<8x1152xf32>
    %max3A_2345 = arith.maximumf %sub3A_2342, %max3A_2344 : vector<8x1152xf32>
    %sub3A_2346 = arith.subf %min3A_2341, %max3A_2337 : vector<8x1152xf32>
    %max3A_2347 = arith.constant 0.000000e+00 : f32
    %max3A_2348 = vector.broadcast %max3A_2347 : f32 to vector<8x1152xf32>
    %max3A_2349 = arith.maximumf %sub3A_2346, %max3A_2348 : vector<8x1152xf32>
    %mul3A_2350 = arith.mulf %max3A_2345, %max3A_2349 : vector<8x1152xf32>
    %sub3A_2351 = arith.subf %get3A_2157, %get3A_2093 : f32
    %sub3A_2352 = arith.subf %get3A_2189, %get3A_2125 : f32
    %mul3A_2353 = arith.mulf %sub3A_2351, %sub3A_2352 : f32
    %add3A_2354 = vector.broadcast %mul3A_2353 : f32 to vector<8x1152xf32>
    %add3A_2355 = arith.addf %add3A_2354, %mul3A_34 : vector<8x1152xf32>
    %sub3A_2356 = arith.subf %add3A_2355, %mul3A_2350 : vector<8x1152xf32>
    %div3A_2357 = arith.divf %mul3A_2350, %sub3A_2356 : vector<8x1152xf32>
    %gt3A_2358 = arith.cmpf ogt, %div3A_2357, %select_n3A_2318 : vector<8x1152xf32>
    %jit3A_2359 = arith.constant 2 : i32
    %broadcast_in_dim3A_2360 = vector.broadcast %jit3A_2359 : i32 to vector<8x1152xi32>
    %select_n3A_2361 = arith.select %gt3A_2358, %broadcast_in_dim3A_2360, %select_n3A_2317 : vector<8x1152xi1>, vector<8x1152xi32>
    %select_n3A_2362 = arith.select %gt3A_2358, %div3A_2357, %select_n3A_2318 : vector<8x1152xi1>, vector<8x1152xf32>
    %reduce_max3A_2363 = vector.shape_cast %div3A_2357 : vector<8x1152xf32> to vector<1x8x1152xf32>
    %reduce_max3A_2364 = arith.constant dense<0xFF800000> : vector<1xf32>
    %reduce_max3A_2365 = vector.multi_reduction <maximumf>, %reduce_max3A_2363, %reduce_max3A_2364 [1, 2] : vector<1x8x1152xf32> to vector<1xf32>
    %reduce_max3A_2366 = vector.shape_cast %reduce_max3A_2365 : vector<1xf32> to vector<1x1x1xf32>
    %reduce_max3A_2367 = vector.extract %reduce_max3A_2366[0, 0, 0] : f32 from vector<1x1x1xf32>
    %eq3A_2368 = vector.broadcast %reduce_max3A_2367 : f32 to vector<8x1152xf32>
    %eq3A_2369 = arith.cmpf oeq, %div3A_2357, %eq3A_2368 : vector<8x1152xf32>
    %jit3A_2370 = arith.constant 9216 : i32
    %broadcast_in_dim3A_2371 = vector.broadcast %jit3A_2370 : i32 to vector<8x1152xi32>
    %select_n3A_2372 = arith.select %eq3A_2369, %add3A_39, %broadcast_in_dim3A_2371 : vector<8x1152xi1>, vector<8x1152xi32>
    %reduce_min3A_2373 = vector.shape_cast %select_n3A_2372 : vector<8x1152xi32> to vector<1x8x1152xi32>
    %reduce_min3A_2374 = arith.constant dense<2147483647> : vector<1xi32>
    %reduce_min3A_2375 = vector.multi_reduction <minsi>, %reduce_min3A_2373, %reduce_min3A_2374 [1, 2] : vector<1x8x1152xi32> to vector<1xi32>
    %reduce_min3A_2376 = vector.shape_cast %reduce_min3A_2375 : vector<1xi32> to vector<1x1x1xi32>
    %reduce_min3A_2377 = vector.extract %reduce_min3A_2376[0, 0, 0] : i32 from vector<1x1x1xi32>
    %max3A_2378 = vector.broadcast %get3A_2097 : f32 to vector<8x1152xf32>
    %max3A_2379 = arith.maximumf %max3A_2378, %sub3A : vector<8x1152xf32>
    %max3A_2380 = vector.broadcast %get3A_2129 : f32 to vector<8x1152xf32>
    %max3A_2381 = arith.maximumf %max3A_2380, %sub3A_24 : vector<8x1152xf32>
    %min3A_2382 = vector.broadcast %get3A_2161 : f32 to vector<8x1152xf32>
    %min3A_2383 = arith.minimumf %min3A_2382, %add3A : vector<8x1152xf32>
    %min3A_2384 = vector.broadcast %get3A_2193 : f32 to vector<8x1152xf32>
    %min3A_2385 = arith.minimumf %min3A_2384, %add3A_31 : vector<8x1152xf32>
    %sub3A_2386 = arith.subf %min3A_2383, %max3A_2379 : vector<8x1152xf32>
    %max3A_2387 = arith.constant 0.000000e+00 : f32
    %max3A_2388 = vector.broadcast %max3A_2387 : f32 to vector<8x1152xf32>
    %max3A_2389 = arith.maximumf %sub3A_2386, %max3A_2388 : vector<8x1152xf32>
    %sub3A_2390 = arith.subf %min3A_2385, %max3A_2381 : vector<8x1152xf32>
    %max3A_2391 = arith.constant 0.000000e+00 : f32
    %max3A_2392 = vector.broadcast %max3A_2391 : f32 to vector<8x1152xf32>
    %max3A_2393 = arith.maximumf %sub3A_2390, %max3A_2392 : vector<8x1152xf32>
    %mul3A_2394 = arith.mulf %max3A_2389, %max3A_2393 : vector<8x1152xf32>
    %sub3A_2395 = arith.subf %get3A_2161, %get3A_2097 : f32
    %sub3A_2396 = arith.subf %get3A_2193, %get3A_2129 : f32
    %mul3A_2397 = arith.mulf %sub3A_2395, %sub3A_2396 : f32
    %add3A_2398 = vector.broadcast %mul3A_2397 : f32 to vector<8x1152xf32>
    %add3A_2399 = arith.addf %add3A_2398, %mul3A_34 : vector<8x1152xf32>
    %sub3A_2400 = arith.subf %add3A_2399, %mul3A_2394 : vector<8x1152xf32>
    %div3A_2401 = arith.divf %mul3A_2394, %sub3A_2400 : vector<8x1152xf32>
    %gt3A_2402 = arith.cmpf ogt, %div3A_2401, %select_n3A_2362 : vector<8x1152xf32>
    %jit3A_2403 = arith.constant 3 : i32
    %broadcast_in_dim3A_2404 = vector.broadcast %jit3A_2403 : i32 to vector<8x1152xi32>
    %select_n3A_2405 = arith.select %gt3A_2402, %broadcast_in_dim3A_2404, %select_n3A_2361 : vector<8x1152xi1>, vector<8x1152xi32>
    %select_n3A_2406 = arith.select %gt3A_2402, %div3A_2401, %select_n3A_2362 : vector<8x1152xi1>, vector<8x1152xf32>
    %reduce_max3A_2407 = vector.shape_cast %div3A_2401 : vector<8x1152xf32> to vector<1x8x1152xf32>
    %reduce_max3A_2408 = arith.constant dense<0xFF800000> : vector<1xf32>
    %reduce_max3A_2409 = vector.multi_reduction <maximumf>, %reduce_max3A_2407, %reduce_max3A_2408 [1, 2] : vector<1x8x1152xf32> to vector<1xf32>
    %reduce_max3A_2410 = vector.shape_cast %reduce_max3A_2409 : vector<1xf32> to vector<1x1x1xf32>
    %reduce_max3A_2411 = vector.extract %reduce_max3A_2410[0, 0, 0] : f32 from vector<1x1x1xf32>
    %eq3A_2412 = vector.broadcast %reduce_max3A_2411 : f32 to vector<8x1152xf32>
    %eq3A_2413 = arith.cmpf oeq, %div3A_2401, %eq3A_2412 : vector<8x1152xf32>
    %jit3A_2414 = arith.constant 9216 : i32
    %broadcast_in_dim3A_2415 = vector.broadcast %jit3A_2414 : i32 to vector<8x1152xi32>
    %select_n3A_2416 = arith.select %eq3A_2413, %add3A_39, %broadcast_in_dim3A_2415 : vector<8x1152xi1>, vector<8x1152xi32>
    %reduce_min3A_2417 = vector.shape_cast %select_n3A_2416 : vector<8x1152xi32> to vector<1x8x1152xi32>
    %reduce_min3A_2418 = arith.constant dense<2147483647> : vector<1xi32>
    %reduce_min3A_2419 = vector.multi_reduction <minsi>, %reduce_min3A_2417, %reduce_min3A_2418 [1, 2] : vector<1x8x1152xi32> to vector<1xi32>
    %reduce_min3A_2420 = vector.shape_cast %reduce_min3A_2419 : vector<1xi32> to vector<1x1x1xi32>
    %reduce_min3A_2421 = vector.extract %reduce_min3A_2420[0, 0, 0] : i32 from vector<1x1x1xi32>
    %max3A_2422 = vector.broadcast %get3A_2101 : f32 to vector<8x1152xf32>
    %max3A_2423 = arith.maximumf %max3A_2422, %sub3A : vector<8x1152xf32>
    %max3A_2424 = vector.broadcast %get3A_2133 : f32 to vector<8x1152xf32>
    %max3A_2425 = arith.maximumf %max3A_2424, %sub3A_24 : vector<8x1152xf32>
    %min3A_2426 = vector.broadcast %get3A_2165 : f32 to vector<8x1152xf32>
    %min3A_2427 = arith.minimumf %min3A_2426, %add3A : vector<8x1152xf32>
    %min3A_2428 = vector.broadcast %get3A_2197 : f32 to vector<8x1152xf32>
    %min3A_2429 = arith.minimumf %min3A_2428, %add3A_31 : vector<8x1152xf32>
    %sub3A_2430 = arith.subf %min3A_2427, %max3A_2423 : vector<8x1152xf32>
    %max3A_2431 = arith.constant 0.000000e+00 : f32
    %max3A_2432 = vector.broadcast %max3A_2431 : f32 to vector<8x1152xf32>
    %max3A_2433 = arith.maximumf %sub3A_2430, %max3A_2432 : vector<8x1152xf32>
    %sub3A_2434 = arith.subf %min3A_2429, %max3A_2425 : vector<8x1152xf32>
    %max3A_2435 = arith.constant 0.000000e+00 : f32
    %max3A_2436 = vector.broadcast %max3A_2435 : f32 to vector<8x1152xf32>
    %max3A_2437 = arith.maximumf %sub3A_2434, %max3A_2436 : vector<8x1152xf32>
    %mul3A_2438 = arith.mulf %max3A_2433, %max3A_2437 : vector<8x1152xf32>
    %sub3A_2439 = arith.subf %get3A_2165, %get3A_2101 : f32
    %sub3A_2440 = arith.subf %get3A_2197, %get3A_2133 : f32
    %mul3A_2441 = arith.mulf %sub3A_2439, %sub3A_2440 : f32
    %add3A_2442 = vector.broadcast %mul3A_2441 : f32 to vector<8x1152xf32>
    %add3A_2443 = arith.addf %add3A_2442, %mul3A_34 : vector<8x1152xf32>
    %sub3A_2444 = arith.subf %add3A_2443, %mul3A_2438 : vector<8x1152xf32>
    %div3A_2445 = arith.divf %mul3A_2438, %sub3A_2444 : vector<8x1152xf32>
    %gt3A_2446 = arith.cmpf ogt, %div3A_2445, %select_n3A_2406 : vector<8x1152xf32>
    %jit3A_2447 = arith.constant 4 : i32
    %broadcast_in_dim3A_2448 = vector.broadcast %jit3A_2447 : i32 to vector<8x1152xi32>
    %select_n3A_2449 = arith.select %gt3A_2446, %broadcast_in_dim3A_2448, %select_n3A_2405 : vector<8x1152xi1>, vector<8x1152xi32>
    %select_n3A_2450 = arith.select %gt3A_2446, %div3A_2445, %select_n3A_2406 : vector<8x1152xi1>, vector<8x1152xf32>
    %reduce_max3A_2451 = vector.shape_cast %div3A_2445 : vector<8x1152xf32> to vector<1x8x1152xf32>
    %reduce_max3A_2452 = arith.constant dense<0xFF800000> : vector<1xf32>
    %reduce_max3A_2453 = vector.multi_reduction <maximumf>, %reduce_max3A_2451, %reduce_max3A_2452 [1, 2] : vector<1x8x1152xf32> to vector<1xf32>
    %reduce_max3A_2454 = vector.shape_cast %reduce_max3A_2453 : vector<1xf32> to vector<1x1x1xf32>
    %reduce_max3A_2455 = vector.extract %reduce_max3A_2454[0, 0, 0] : f32 from vector<1x1x1xf32>
    %eq3A_2456 = vector.broadcast %reduce_max3A_2455 : f32 to vector<8x1152xf32>
    %eq3A_2457 = arith.cmpf oeq, %div3A_2445, %eq3A_2456 : vector<8x1152xf32>
    %jit3A_2458 = arith.constant 9216 : i32
    %broadcast_in_dim3A_2459 = vector.broadcast %jit3A_2458 : i32 to vector<8x1152xi32>
    %select_n3A_2460 = arith.select %eq3A_2457, %add3A_39, %broadcast_in_dim3A_2459 : vector<8x1152xi1>, vector<8x1152xi32>
    %reduce_min3A_2461 = vector.shape_cast %select_n3A_2460 : vector<8x1152xi32> to vector<1x8x1152xi32>
    %reduce_min3A_2462 = arith.constant dense<2147483647> : vector<1xi32>
    %reduce_min3A_2463 = vector.multi_reduction <minsi>, %reduce_min3A_2461, %reduce_min3A_2462 [1, 2] : vector<1x8x1152xi32> to vector<1xi32>
    %reduce_min3A_2464 = vector.shape_cast %reduce_min3A_2463 : vector<1xi32> to vector<1x1x1xi32>
    %reduce_min3A_2465 = vector.extract %reduce_min3A_2464[0, 0, 0] : i32 from vector<1x1x1xi32>
    %max3A_2466 = vector.broadcast %get3A_2105 : f32 to vector<8x1152xf32>
    %max3A_2467 = arith.maximumf %max3A_2466, %sub3A : vector<8x1152xf32>
    %max3A_2468 = vector.broadcast %get3A_2137 : f32 to vector<8x1152xf32>
    %max3A_2469 = arith.maximumf %max3A_2468, %sub3A_24 : vector<8x1152xf32>
    %min3A_2470 = vector.broadcast %get3A_2169 : f32 to vector<8x1152xf32>
    %min3A_2471 = arith.minimumf %min3A_2470, %add3A : vector<8x1152xf32>
    %min3A_2472 = vector.broadcast %get3A_2201 : f32 to vector<8x1152xf32>
    %min3A_2473 = arith.minimumf %min3A_2472, %add3A_31 : vector<8x1152xf32>
    %sub3A_2474 = arith.subf %min3A_2471, %max3A_2467 : vector<8x1152xf32>
    %max3A_2475 = arith.constant 0.000000e+00 : f32
    %max3A_2476 = vector.broadcast %max3A_2475 : f32 to vector<8x1152xf32>
    %max3A_2477 = arith.maximumf %sub3A_2474, %max3A_2476 : vector<8x1152xf32>
    %sub3A_2478 = arith.subf %min3A_2473, %max3A_2469 : vector<8x1152xf32>
    %max3A_2479 = arith.constant 0.000000e+00 : f32
    %max3A_2480 = vector.broadcast %max3A_2479 : f32 to vector<8x1152xf32>
    %max3A_2481 = arith.maximumf %sub3A_2478, %max3A_2480 : vector<8x1152xf32>
    %mul3A_2482 = arith.mulf %max3A_2477, %max3A_2481 : vector<8x1152xf32>
    %sub3A_2483 = arith.subf %get3A_2169, %get3A_2105 : f32
    %sub3A_2484 = arith.subf %get3A_2201, %get3A_2137 : f32
    %mul3A_2485 = arith.mulf %sub3A_2483, %sub3A_2484 : f32
    %add3A_2486 = vector.broadcast %mul3A_2485 : f32 to vector<8x1152xf32>
    %add3A_2487 = arith.addf %add3A_2486, %mul3A_34 : vector<8x1152xf32>
    %sub3A_2488 = arith.subf %add3A_2487, %mul3A_2482 : vector<8x1152xf32>
    %div3A_2489 = arith.divf %mul3A_2482, %sub3A_2488 : vector<8x1152xf32>
    %gt3A_2490 = arith.cmpf ogt, %div3A_2489, %select_n3A_2450 : vector<8x1152xf32>
    %jit3A_2491 = arith.constant 5 : i32
    %broadcast_in_dim3A_2492 = vector.broadcast %jit3A_2491 : i32 to vector<8x1152xi32>
    %select_n3A_2493 = arith.select %gt3A_2490, %broadcast_in_dim3A_2492, %select_n3A_2449 : vector<8x1152xi1>, vector<8x1152xi32>
    %select_n3A_2494 = arith.select %gt3A_2490, %div3A_2489, %select_n3A_2450 : vector<8x1152xi1>, vector<8x1152xf32>
    %reduce_max3A_2495 = vector.shape_cast %div3A_2489 : vector<8x1152xf32> to vector<1x8x1152xf32>
    %reduce_max3A_2496 = arith.constant dense<0xFF800000> : vector<1xf32>
    %reduce_max3A_2497 = vector.multi_reduction <maximumf>, %reduce_max3A_2495, %reduce_max3A_2496 [1, 2] : vector<1x8x1152xf32> to vector<1xf32>
    %reduce_max3A_2498 = vector.shape_cast %reduce_max3A_2497 : vector<1xf32> to vector<1x1x1xf32>
    %reduce_max3A_2499 = vector.extract %reduce_max3A_2498[0, 0, 0] : f32 from vector<1x1x1xf32>
    %eq3A_2500 = vector.broadcast %reduce_max3A_2499 : f32 to vector<8x1152xf32>
    %eq3A_2501 = arith.cmpf oeq, %div3A_2489, %eq3A_2500 : vector<8x1152xf32>
    %jit3A_2502 = arith.constant 9216 : i32
    %broadcast_in_dim3A_2503 = vector.broadcast %jit3A_2502 : i32 to vector<8x1152xi32>
    %select_n3A_2504 = arith.select %eq3A_2501, %add3A_39, %broadcast_in_dim3A_2503 : vector<8x1152xi1>, vector<8x1152xi32>
    %reduce_min3A_2505 = vector.shape_cast %select_n3A_2504 : vector<8x1152xi32> to vector<1x8x1152xi32>
    %reduce_min3A_2506 = arith.constant dense<2147483647> : vector<1xi32>
    %reduce_min3A_2507 = vector.multi_reduction <minsi>, %reduce_min3A_2505, %reduce_min3A_2506 [1, 2] : vector<1x8x1152xi32> to vector<1xi32>
    %reduce_min3A_2508 = vector.shape_cast %reduce_min3A_2507 : vector<1xi32> to vector<1x1x1xi32>
    %reduce_min3A_2509 = vector.extract %reduce_min3A_2508[0, 0, 0] : i32 from vector<1x1x1xi32>
    %max3A_2510 = vector.broadcast %get3A_2109 : f32 to vector<8x1152xf32>
    %max3A_2511 = arith.maximumf %max3A_2510, %sub3A : vector<8x1152xf32>
    %max3A_2512 = vector.broadcast %get3A_2141 : f32 to vector<8x1152xf32>
    %max3A_2513 = arith.maximumf %max3A_2512, %sub3A_24 : vector<8x1152xf32>
    %min3A_2514 = vector.broadcast %get3A_2173 : f32 to vector<8x1152xf32>
    %min3A_2515 = arith.minimumf %min3A_2514, %add3A : vector<8x1152xf32>
    %min3A_2516 = vector.broadcast %get3A_2205 : f32 to vector<8x1152xf32>
    %min3A_2517 = arith.minimumf %min3A_2516, %add3A_31 : vector<8x1152xf32>
    %sub3A_2518 = arith.subf %min3A_2515, %max3A_2511 : vector<8x1152xf32>
    %max3A_2519 = arith.constant 0.000000e+00 : f32
    %max3A_2520 = vector.broadcast %max3A_2519 : f32 to vector<8x1152xf32>
    %max3A_2521 = arith.maximumf %sub3A_2518, %max3A_2520 : vector<8x1152xf32>
    %sub3A_2522 = arith.subf %min3A_2517, %max3A_2513 : vector<8x1152xf32>
    %max3A_2523 = arith.constant 0.000000e+00 : f32
    %max3A_2524 = vector.broadcast %max3A_2523 : f32 to vector<8x1152xf32>
    %max3A_2525 = arith.maximumf %sub3A_2522, %max3A_2524 : vector<8x1152xf32>
    %mul3A_2526 = arith.mulf %max3A_2521, %max3A_2525 : vector<8x1152xf32>
    %sub3A_2527 = arith.subf %get3A_2173, %get3A_2109 : f32
    %sub3A_2528 = arith.subf %get3A_2205, %get3A_2141 : f32
    %mul3A_2529 = arith.mulf %sub3A_2527, %sub3A_2528 : f32
    %add3A_2530 = vector.broadcast %mul3A_2529 : f32 to vector<8x1152xf32>
    %add3A_2531 = arith.addf %add3A_2530, %mul3A_34 : vector<8x1152xf32>
    %sub3A_2532 = arith.subf %add3A_2531, %mul3A_2526 : vector<8x1152xf32>
    %div3A_2533 = arith.divf %mul3A_2526, %sub3A_2532 : vector<8x1152xf32>
    %gt3A_2534 = arith.cmpf ogt, %div3A_2533, %select_n3A_2494 : vector<8x1152xf32>
    %jit3A_2535 = arith.constant 6 : i32
    %broadcast_in_dim3A_2536 = vector.broadcast %jit3A_2535 : i32 to vector<8x1152xi32>
    %select_n3A_2537 = arith.select %gt3A_2534, %broadcast_in_dim3A_2536, %select_n3A_2493 : vector<8x1152xi1>, vector<8x1152xi32>
    %select_n3A_2538 = arith.select %gt3A_2534, %div3A_2533, %select_n3A_2494 : vector<8x1152xi1>, vector<8x1152xf32>
    %reduce_max3A_2539 = vector.shape_cast %div3A_2533 : vector<8x1152xf32> to vector<1x8x1152xf32>
    %reduce_max3A_2540 = arith.constant dense<0xFF800000> : vector<1xf32>
    %reduce_max3A_2541 = vector.multi_reduction <maximumf>, %reduce_max3A_2539, %reduce_max3A_2540 [1, 2] : vector<1x8x1152xf32> to vector<1xf32>
    %reduce_max3A_2542 = vector.shape_cast %reduce_max3A_2541 : vector<1xf32> to vector<1x1x1xf32>
    %reduce_max3A_2543 = vector.extract %reduce_max3A_2542[0, 0, 0] : f32 from vector<1x1x1xf32>
    %eq3A_2544 = vector.broadcast %reduce_max3A_2543 : f32 to vector<8x1152xf32>
    %eq3A_2545 = arith.cmpf oeq, %div3A_2533, %eq3A_2544 : vector<8x1152xf32>
    %jit3A_2546 = arith.constant 9216 : i32
    %broadcast_in_dim3A_2547 = vector.broadcast %jit3A_2546 : i32 to vector<8x1152xi32>
    %select_n3A_2548 = arith.select %eq3A_2545, %add3A_39, %broadcast_in_dim3A_2547 : vector<8x1152xi1>, vector<8x1152xi32>
    %reduce_min3A_2549 = vector.shape_cast %select_n3A_2548 : vector<8x1152xi32> to vector<1x8x1152xi32>
    %reduce_min3A_2550 = arith.constant dense<2147483647> : vector<1xi32>
    %reduce_min3A_2551 = vector.multi_reduction <minsi>, %reduce_min3A_2549, %reduce_min3A_2550 [1, 2] : vector<1x8x1152xi32> to vector<1xi32>
    %reduce_min3A_2552 = vector.shape_cast %reduce_min3A_2551 : vector<1xi32> to vector<1x1x1xi32>
    %reduce_min3A_2553 = vector.extract %reduce_min3A_2552[0, 0, 0] : i32 from vector<1x1x1xi32>
    %max3A_2554 = vector.broadcast %get3A_2113 : f32 to vector<8x1152xf32>
    %max3A_2555 = arith.maximumf %max3A_2554, %sub3A : vector<8x1152xf32>
    %max3A_2556 = vector.broadcast %get3A_2145 : f32 to vector<8x1152xf32>
    %max3A_2557 = arith.maximumf %max3A_2556, %sub3A_24 : vector<8x1152xf32>
    %min3A_2558 = vector.broadcast %get3A_2177 : f32 to vector<8x1152xf32>
    %min3A_2559 = arith.minimumf %min3A_2558, %add3A : vector<8x1152xf32>
    %min3A_2560 = vector.broadcast %get3A_2209 : f32 to vector<8x1152xf32>
    %min3A_2561 = arith.minimumf %min3A_2560, %add3A_31 : vector<8x1152xf32>
    %sub3A_2562 = arith.subf %min3A_2559, %max3A_2555 : vector<8x1152xf32>
    %max3A_2563 = arith.constant 0.000000e+00 : f32
    %max3A_2564 = vector.broadcast %max3A_2563 : f32 to vector<8x1152xf32>
    %max3A_2565 = arith.maximumf %sub3A_2562, %max3A_2564 : vector<8x1152xf32>
    %sub3A_2566 = arith.subf %min3A_2561, %max3A_2557 : vector<8x1152xf32>
    %max3A_2567 = arith.constant 0.000000e+00 : f32
    %max3A_2568 = vector.broadcast %max3A_2567 : f32 to vector<8x1152xf32>
    %max3A_2569 = arith.maximumf %sub3A_2566, %max3A_2568 : vector<8x1152xf32>
    %mul3A_2570 = arith.mulf %max3A_2565, %max3A_2569 : vector<8x1152xf32>
    %sub3A_2571 = arith.subf %get3A_2177, %get3A_2113 : f32
    %sub3A_2572 = arith.subf %get3A_2209, %get3A_2145 : f32
    %mul3A_2573 = arith.mulf %sub3A_2571, %sub3A_2572 : f32
    %add3A_2574 = vector.broadcast %mul3A_2573 : f32 to vector<8x1152xf32>
    %add3A_2575 = arith.addf %add3A_2574, %mul3A_34 : vector<8x1152xf32>
    %sub3A_2576 = arith.subf %add3A_2575, %mul3A_2570 : vector<8x1152xf32>
    %div3A_2577 = arith.divf %mul3A_2570, %sub3A_2576 : vector<8x1152xf32>
    %gt3A_2578 = arith.cmpf ogt, %div3A_2577, %select_n3A_2538 : vector<8x1152xf32>
    %jit3A_2579 = arith.constant 7 : i32
    %broadcast_in_dim3A_2580 = vector.broadcast %jit3A_2579 : i32 to vector<8x1152xi32>
    %select_n3A_2581 = arith.select %gt3A_2578, %broadcast_in_dim3A_2580, %select_n3A_2537 : vector<8x1152xi1>, vector<8x1152xi32>
    %select_n3A_2582 = arith.select %gt3A_2578, %div3A_2577, %select_n3A_2538 : vector<8x1152xi1>, vector<8x1152xf32>
    %reduce_max3A_2583 = vector.shape_cast %div3A_2577 : vector<8x1152xf32> to vector<1x8x1152xf32>
    %reduce_max3A_2584 = arith.constant dense<0xFF800000> : vector<1xf32>
    %reduce_max3A_2585 = vector.multi_reduction <maximumf>, %reduce_max3A_2583, %reduce_max3A_2584 [1, 2] : vector<1x8x1152xf32> to vector<1xf32>
    %reduce_max3A_2586 = vector.shape_cast %reduce_max3A_2585 : vector<1xf32> to vector<1x1x1xf32>
    %reduce_max3A_2587 = vector.extract %reduce_max3A_2586[0, 0, 0] : f32 from vector<1x1x1xf32>
    %eq3A_2588 = vector.broadcast %reduce_max3A_2587 : f32 to vector<8x1152xf32>
    %eq3A_2589 = arith.cmpf oeq, %div3A_2577, %eq3A_2588 : vector<8x1152xf32>
    %jit3A_2590 = arith.constant 9216 : i32
    %broadcast_in_dim3A_2591 = vector.broadcast %jit3A_2590 : i32 to vector<8x1152xi32>
    %select_n3A_2592 = arith.select %eq3A_2589, %add3A_39, %broadcast_in_dim3A_2591 : vector<8x1152xi1>, vector<8x1152xi32>
    %reduce_min3A_2593 = vector.shape_cast %select_n3A_2592 : vector<8x1152xi32> to vector<1x8x1152xi32>
    %reduce_min3A_2594 = arith.constant dense<2147483647> : vector<1xi32>
    %reduce_min3A_2595 = vector.multi_reduction <minsi>, %reduce_min3A_2593, %reduce_min3A_2594 [1, 2] : vector<1x8x1152xi32> to vector<1xi32>
    %reduce_min3A_2596 = vector.shape_cast %reduce_min3A_2595 : vector<1xi32> to vector<1x1x1xi32>
    %reduce_min3A_2597 = vector.extract %reduce_min3A_2596[0, 0, 0] : i32 from vector<1x1x1xi32>
    %eq3A_2598 = vector.broadcast %reduce_min3A_2289 : i32 to vector<8x1152xi32>
    %eq3A_2599 = arith.cmpi eq, %add3A_39, %eq3A_2598 : vector<8x1152xi32>
    %jit3A_2600 = arith.constant 2.000000e+00 : f32
    %broadcast_in_dim3A_2601 = vector.broadcast %jit3A_2600 : f32 to vector<8x1152xf32>
    %select_n3A_2602 = arith.select %eq3A_2599, %broadcast_in_dim3A_2601, %select_n3A_2582 : vector<8x1152xi1>, vector<8x1152xf32>
    %jit3A_2603 = arith.constant 0 : i32
    %broadcast_in_dim3A_2604 = vector.broadcast %jit3A_2603 : i32 to vector<8x1152xi32>
    %select_n3A_2605 = arith.select %eq3A_2599, %broadcast_in_dim3A_2604, %select_n3A_2581 : vector<8x1152xi1>, vector<8x1152xi32>
    %eq3A_2606 = vector.broadcast %reduce_min3A_2333 : i32 to vector<8x1152xi32>
    %eq3A_2607 = arith.cmpi eq, %add3A_39, %eq3A_2606 : vector<8x1152xi32>
    %jit3A_2608 = arith.constant 2.000000e+00 : f32
    %broadcast_in_dim3A_2609 = vector.broadcast %jit3A_2608 : f32 to vector<8x1152xf32>
    %select_n3A_2610 = arith.select %eq3A_2607, %broadcast_in_dim3A_2609, %select_n3A_2602 : vector<8x1152xi1>, vector<8x1152xf32>
    %jit3A_2611 = arith.constant 1 : i32
    %broadcast_in_dim3A_2612 = vector.broadcast %jit3A_2611 : i32 to vector<8x1152xi32>
    %select_n3A_2613 = arith.select %eq3A_2607, %broadcast_in_dim3A_2612, %select_n3A_2605 : vector<8x1152xi1>, vector<8x1152xi32>
    %eq3A_2614 = vector.broadcast %reduce_min3A_2377 : i32 to vector<8x1152xi32>
    %eq3A_2615 = arith.cmpi eq, %add3A_39, %eq3A_2614 : vector<8x1152xi32>
    %jit3A_2616 = arith.constant 2.000000e+00 : f32
    %broadcast_in_dim3A_2617 = vector.broadcast %jit3A_2616 : f32 to vector<8x1152xf32>
    %select_n3A_2618 = arith.select %eq3A_2615, %broadcast_in_dim3A_2617, %select_n3A_2610 : vector<8x1152xi1>, vector<8x1152xf32>
    %jit3A_2619 = arith.constant 2 : i32
    %broadcast_in_dim3A_2620 = vector.broadcast %jit3A_2619 : i32 to vector<8x1152xi32>
    %select_n3A_2621 = arith.select %eq3A_2615, %broadcast_in_dim3A_2620, %select_n3A_2613 : vector<8x1152xi1>, vector<8x1152xi32>
    %eq3A_2622 = vector.broadcast %reduce_min3A_2421 : i32 to vector<8x1152xi32>
    %eq3A_2623 = arith.cmpi eq, %add3A_39, %eq3A_2622 : vector<8x1152xi32>
    %jit3A_2624 = arith.constant 2.000000e+00 : f32
    %broadcast_in_dim3A_2625 = vector.broadcast %jit3A_2624 : f32 to vector<8x1152xf32>
    %select_n3A_2626 = arith.select %eq3A_2623, %broadcast_in_dim3A_2625, %select_n3A_2618 : vector<8x1152xi1>, vector<8x1152xf32>
    %jit3A_2627 = arith.constant 3 : i32
    %broadcast_in_dim3A_2628 = vector.broadcast %jit3A_2627 : i32 to vector<8x1152xi32>
    %select_n3A_2629 = arith.select %eq3A_2623, %broadcast_in_dim3A_2628, %select_n3A_2621 : vector<8x1152xi1>, vector<8x1152xi32>
    %eq3A_2630 = vector.broadcast %reduce_min3A_2465 : i32 to vector<8x1152xi32>
    %eq3A_2631 = arith.cmpi eq, %add3A_39, %eq3A_2630 : vector<8x1152xi32>
    %jit3A_2632 = arith.constant 2.000000e+00 : f32
    %broadcast_in_dim3A_2633 = vector.broadcast %jit3A_2632 : f32 to vector<8x1152xf32>
    %select_n3A_2634 = arith.select %eq3A_2631, %broadcast_in_dim3A_2633, %select_n3A_2626 : vector<8x1152xi1>, vector<8x1152xf32>
    %jit3A_2635 = arith.constant 4 : i32
    %broadcast_in_dim3A_2636 = vector.broadcast %jit3A_2635 : i32 to vector<8x1152xi32>
    %select_n3A_2637 = arith.select %eq3A_2631, %broadcast_in_dim3A_2636, %select_n3A_2629 : vector<8x1152xi1>, vector<8x1152xi32>
    %eq3A_2638 = vector.broadcast %reduce_min3A_2509 : i32 to vector<8x1152xi32>
    %eq3A_2639 = arith.cmpi eq, %add3A_39, %eq3A_2638 : vector<8x1152xi32>
    %jit3A_2640 = arith.constant 2.000000e+00 : f32
    %broadcast_in_dim3A_2641 = vector.broadcast %jit3A_2640 : f32 to vector<8x1152xf32>
    %select_n3A_2642 = arith.select %eq3A_2639, %broadcast_in_dim3A_2641, %select_n3A_2634 : vector<8x1152xi1>, vector<8x1152xf32>
    %jit3A_2643 = arith.constant 5 : i32
    %broadcast_in_dim3A_2644 = vector.broadcast %jit3A_2643 : i32 to vector<8x1152xi32>
    %select_n3A_2645 = arith.select %eq3A_2639, %broadcast_in_dim3A_2644, %select_n3A_2637 : vector<8x1152xi1>, vector<8x1152xi32>
    %eq3A_2646 = vector.broadcast %reduce_min3A_2553 : i32 to vector<8x1152xi32>
    %eq3A_2647 = arith.cmpi eq, %add3A_39, %eq3A_2646 : vector<8x1152xi32>
    %jit3A_2648 = arith.constant 2.000000e+00 : f32
    %broadcast_in_dim3A_2649 = vector.broadcast %jit3A_2648 : f32 to vector<8x1152xf32>
    %select_n3A_2650 = arith.select %eq3A_2647, %broadcast_in_dim3A_2649, %select_n3A_2642 : vector<8x1152xi1>, vector<8x1152xf32>
    %jit3A_2651 = arith.constant 6 : i32
    %broadcast_in_dim3A_2652 = vector.broadcast %jit3A_2651 : i32 to vector<8x1152xi32>
    %select_n3A_2653 = arith.select %eq3A_2647, %broadcast_in_dim3A_2652, %select_n3A_2645 : vector<8x1152xi1>, vector<8x1152xi32>
    %eq3A_2654 = vector.broadcast %reduce_min3A_2597 : i32 to vector<8x1152xi32>
    %eq3A_2655 = arith.cmpi eq, %add3A_39, %eq3A_2654 : vector<8x1152xi32>
    %jit3A_2656 = arith.constant 2.000000e+00 : f32
    %broadcast_in_dim3A_2657 = vector.broadcast %jit3A_2656 : f32 to vector<8x1152xf32>
    %select_n3A_2658 = arith.select %eq3A_2655, %broadcast_in_dim3A_2657, %select_n3A_2650 : vector<8x1152xi1>, vector<8x1152xf32>
    %jit3A_2659 = arith.constant 7 : i32
    %broadcast_in_dim3A_2660 = vector.broadcast %jit3A_2659 : i32 to vector<8x1152xi32>
    %select_n3A_2661 = arith.select %eq3A_2655, %broadcast_in_dim3A_2660, %select_n3A_2653 : vector<8x1152xi1>, vector<8x1152xi32>
    %broadcast_in_dim3A_2662 = arith.constant 0.000000e+00 : f32
    %broadcast_in_dim3A_2663 = vector.broadcast %broadcast_in_dim3A_2662 : f32 to vector<8x1152xf32>
    %broadcast_in_dim3A_2664 = arith.constant 0.000000e+00 : f32
    %broadcast_in_dim3A_2665 = vector.broadcast %broadcast_in_dim3A_2664 : f32 to vector<8x1152xf32>
    %broadcast_in_dim3A_2666 = arith.constant 0.000000e+00 : f32
    %broadcast_in_dim3A_2667 = vector.broadcast %broadcast_in_dim3A_2666 : f32 to vector<8x1152xf32>
    %broadcast_in_dim3A_2668 = arith.constant 0.000000e+00 : f32
    %broadcast_in_dim3A_2669 = vector.broadcast %broadcast_in_dim3A_2668 : f32 to vector<8x1152xf32>
    %broadcast_in_dim3A_2670 = arith.constant 0.000000e+00 : f32
    %broadcast_in_dim3A_2671 = vector.broadcast %broadcast_in_dim3A_2670 : f32 to vector<8x1152xf32>
    %eq3A_2672 = arith.constant 0 : i32
    %eq3A_2673 = vector.broadcast %eq3A_2672 : i32 to vector<8x1152xi32>
    %eq3A_2674 = arith.cmpi eq, %select_n3A_2661, %eq3A_2673 : vector<8x1152xi32>
    %broadcast_in_dim3A_2675 = vector.broadcast %get3A_2085 : f32 to vector<8x1152xf32>
    %select_n3A_2676 = arith.select %eq3A_2674, %broadcast_in_dim3A_2675, %broadcast_in_dim3A_2663 : vector<8x1152xi1>, vector<8x1152xf32>
    %broadcast_in_dim3A_2677 = vector.broadcast %get3A_2117 : f32 to vector<8x1152xf32>
    %select_n3A_2678 = arith.select %eq3A_2674, %broadcast_in_dim3A_2677, %broadcast_in_dim3A_2665 : vector<8x1152xi1>, vector<8x1152xf32>
    %broadcast_in_dim3A_2679 = vector.broadcast %get3A_2149 : f32 to vector<8x1152xf32>
    %select_n3A_2680 = arith.select %eq3A_2674, %broadcast_in_dim3A_2679, %broadcast_in_dim3A_2667 : vector<8x1152xi1>, vector<8x1152xf32>
    %broadcast_in_dim3A_2681 = vector.broadcast %get3A_2181 : f32 to vector<8x1152xf32>
    %select_n3A_2682 = arith.select %eq3A_2674, %broadcast_in_dim3A_2681, %broadcast_in_dim3A_2669 : vector<8x1152xi1>, vector<8x1152xf32>
    %broadcast_in_dim3A_2683 = vector.broadcast %get3A_2213 : f32 to vector<8x1152xf32>
    %select_n3A_2684 = arith.select %eq3A_2674, %broadcast_in_dim3A_2683, %broadcast_in_dim3A_2671 : vector<8x1152xi1>, vector<8x1152xf32>
    %eq3A_2685 = arith.constant 1 : i32
    %eq3A_2686 = vector.broadcast %eq3A_2685 : i32 to vector<8x1152xi32>
    %eq3A_2687 = arith.cmpi eq, %select_n3A_2661, %eq3A_2686 : vector<8x1152xi32>
    %broadcast_in_dim3A_2688 = vector.broadcast %get3A_2089 : f32 to vector<8x1152xf32>
    %select_n3A_2689 = arith.select %eq3A_2687, %broadcast_in_dim3A_2688, %select_n3A_2676 : vector<8x1152xi1>, vector<8x1152xf32>
    %broadcast_in_dim3A_2690 = vector.broadcast %get3A_2121 : f32 to vector<8x1152xf32>
    %select_n3A_2691 = arith.select %eq3A_2687, %broadcast_in_dim3A_2690, %select_n3A_2678 : vector<8x1152xi1>, vector<8x1152xf32>
    %broadcast_in_dim3A_2692 = vector.broadcast %get3A_2153 : f32 to vector<8x1152xf32>
    %select_n3A_2693 = arith.select %eq3A_2687, %broadcast_in_dim3A_2692, %select_n3A_2680 : vector<8x1152xi1>, vector<8x1152xf32>
    %broadcast_in_dim3A_2694 = vector.broadcast %get3A_2185 : f32 to vector<8x1152xf32>
    %select_n3A_2695 = arith.select %eq3A_2687, %broadcast_in_dim3A_2694, %select_n3A_2682 : vector<8x1152xi1>, vector<8x1152xf32>
    %broadcast_in_dim3A_2696 = vector.broadcast %get3A_2217 : f32 to vector<8x1152xf32>
    %select_n3A_2697 = arith.select %eq3A_2687, %broadcast_in_dim3A_2696, %select_n3A_2684 : vector<8x1152xi1>, vector<8x1152xf32>
    %eq3A_2698 = arith.constant 2 : i32
    %eq3A_2699 = vector.broadcast %eq3A_2698 : i32 to vector<8x1152xi32>
    %eq3A_2700 = arith.cmpi eq, %select_n3A_2661, %eq3A_2699 : vector<8x1152xi32>
    %broadcast_in_dim3A_2701 = vector.broadcast %get3A_2093 : f32 to vector<8x1152xf32>
    %select_n3A_2702 = arith.select %eq3A_2700, %broadcast_in_dim3A_2701, %select_n3A_2689 : vector<8x1152xi1>, vector<8x1152xf32>
    %broadcast_in_dim3A_2703 = vector.broadcast %get3A_2125 : f32 to vector<8x1152xf32>
    %select_n3A_2704 = arith.select %eq3A_2700, %broadcast_in_dim3A_2703, %select_n3A_2691 : vector<8x1152xi1>, vector<8x1152xf32>
    %broadcast_in_dim3A_2705 = vector.broadcast %get3A_2157 : f32 to vector<8x1152xf32>
    %select_n3A_2706 = arith.select %eq3A_2700, %broadcast_in_dim3A_2705, %select_n3A_2693 : vector<8x1152xi1>, vector<8x1152xf32>
    %broadcast_in_dim3A_2707 = vector.broadcast %get3A_2189 : f32 to vector<8x1152xf32>
    %select_n3A_2708 = arith.select %eq3A_2700, %broadcast_in_dim3A_2707, %select_n3A_2695 : vector<8x1152xi1>, vector<8x1152xf32>
    %broadcast_in_dim3A_2709 = vector.broadcast %get3A_2221 : f32 to vector<8x1152xf32>
    %select_n3A_2710 = arith.select %eq3A_2700, %broadcast_in_dim3A_2709, %select_n3A_2697 : vector<8x1152xi1>, vector<8x1152xf32>
    %eq3A_2711 = arith.constant 3 : i32
    %eq3A_2712 = vector.broadcast %eq3A_2711 : i32 to vector<8x1152xi32>
    %eq3A_2713 = arith.cmpi eq, %select_n3A_2661, %eq3A_2712 : vector<8x1152xi32>
    %broadcast_in_dim3A_2714 = vector.broadcast %get3A_2097 : f32 to vector<8x1152xf32>
    %select_n3A_2715 = arith.select %eq3A_2713, %broadcast_in_dim3A_2714, %select_n3A_2702 : vector<8x1152xi1>, vector<8x1152xf32>
    %broadcast_in_dim3A_2716 = vector.broadcast %get3A_2129 : f32 to vector<8x1152xf32>
    %select_n3A_2717 = arith.select %eq3A_2713, %broadcast_in_dim3A_2716, %select_n3A_2704 : vector<8x1152xi1>, vector<8x1152xf32>
    %broadcast_in_dim3A_2718 = vector.broadcast %get3A_2161 : f32 to vector<8x1152xf32>
    %select_n3A_2719 = arith.select %eq3A_2713, %broadcast_in_dim3A_2718, %select_n3A_2706 : vector<8x1152xi1>, vector<8x1152xf32>
    %broadcast_in_dim3A_2720 = vector.broadcast %get3A_2193 : f32 to vector<8x1152xf32>
    %select_n3A_2721 = arith.select %eq3A_2713, %broadcast_in_dim3A_2720, %select_n3A_2708 : vector<8x1152xi1>, vector<8x1152xf32>
    %broadcast_in_dim3A_2722 = vector.broadcast %get3A_2225 : f32 to vector<8x1152xf32>
    %select_n3A_2723 = arith.select %eq3A_2713, %broadcast_in_dim3A_2722, %select_n3A_2710 : vector<8x1152xi1>, vector<8x1152xf32>
    %eq3A_2724 = arith.constant 4 : i32
    %eq3A_2725 = vector.broadcast %eq3A_2724 : i32 to vector<8x1152xi32>
    %eq3A_2726 = arith.cmpi eq, %select_n3A_2661, %eq3A_2725 : vector<8x1152xi32>
    %broadcast_in_dim3A_2727 = vector.broadcast %get3A_2101 : f32 to vector<8x1152xf32>
    %select_n3A_2728 = arith.select %eq3A_2726, %broadcast_in_dim3A_2727, %select_n3A_2715 : vector<8x1152xi1>, vector<8x1152xf32>
    %broadcast_in_dim3A_2729 = vector.broadcast %get3A_2133 : f32 to vector<8x1152xf32>
    %select_n3A_2730 = arith.select %eq3A_2726, %broadcast_in_dim3A_2729, %select_n3A_2717 : vector<8x1152xi1>, vector<8x1152xf32>
    %broadcast_in_dim3A_2731 = vector.broadcast %get3A_2165 : f32 to vector<8x1152xf32>
    %select_n3A_2732 = arith.select %eq3A_2726, %broadcast_in_dim3A_2731, %select_n3A_2719 : vector<8x1152xi1>, vector<8x1152xf32>
    %broadcast_in_dim3A_2733 = vector.broadcast %get3A_2197 : f32 to vector<8x1152xf32>
    %select_n3A_2734 = arith.select %eq3A_2726, %broadcast_in_dim3A_2733, %select_n3A_2721 : vector<8x1152xi1>, vector<8x1152xf32>
    %broadcast_in_dim3A_2735 = vector.broadcast %get3A_2229 : f32 to vector<8x1152xf32>
    %select_n3A_2736 = arith.select %eq3A_2726, %broadcast_in_dim3A_2735, %select_n3A_2723 : vector<8x1152xi1>, vector<8x1152xf32>
    %eq3A_2737 = arith.constant 5 : i32
    %eq3A_2738 = vector.broadcast %eq3A_2737 : i32 to vector<8x1152xi32>
    %eq3A_2739 = arith.cmpi eq, %select_n3A_2661, %eq3A_2738 : vector<8x1152xi32>
    %broadcast_in_dim3A_2740 = vector.broadcast %get3A_2105 : f32 to vector<8x1152xf32>
    %select_n3A_2741 = arith.select %eq3A_2739, %broadcast_in_dim3A_2740, %select_n3A_2728 : vector<8x1152xi1>, vector<8x1152xf32>
    %broadcast_in_dim3A_2742 = vector.broadcast %get3A_2137 : f32 to vector<8x1152xf32>
    %select_n3A_2743 = arith.select %eq3A_2739, %broadcast_in_dim3A_2742, %select_n3A_2730 : vector<8x1152xi1>, vector<8x1152xf32>
    %broadcast_in_dim3A_2744 = vector.broadcast %get3A_2169 : f32 to vector<8x1152xf32>
    %select_n3A_2745 = arith.select %eq3A_2739, %broadcast_in_dim3A_2744, %select_n3A_2732 : vector<8x1152xi1>, vector<8x1152xf32>
    %broadcast_in_dim3A_2746 = vector.broadcast %get3A_2201 : f32 to vector<8x1152xf32>
    %select_n3A_2747 = arith.select %eq3A_2739, %broadcast_in_dim3A_2746, %select_n3A_2734 : vector<8x1152xi1>, vector<8x1152xf32>
    %broadcast_in_dim3A_2748 = vector.broadcast %get3A_2233 : f32 to vector<8x1152xf32>
    %select_n3A_2749 = arith.select %eq3A_2739, %broadcast_in_dim3A_2748, %select_n3A_2736 : vector<8x1152xi1>, vector<8x1152xf32>
    %eq3A_2750 = arith.constant 6 : i32
    %eq3A_2751 = vector.broadcast %eq3A_2750 : i32 to vector<8x1152xi32>
    %eq3A_2752 = arith.cmpi eq, %select_n3A_2661, %eq3A_2751 : vector<8x1152xi32>
    %broadcast_in_dim3A_2753 = vector.broadcast %get3A_2109 : f32 to vector<8x1152xf32>
    %select_n3A_2754 = arith.select %eq3A_2752, %broadcast_in_dim3A_2753, %select_n3A_2741 : vector<8x1152xi1>, vector<8x1152xf32>
    %broadcast_in_dim3A_2755 = vector.broadcast %get3A_2141 : f32 to vector<8x1152xf32>
    %select_n3A_2756 = arith.select %eq3A_2752, %broadcast_in_dim3A_2755, %select_n3A_2743 : vector<8x1152xi1>, vector<8x1152xf32>
    %broadcast_in_dim3A_2757 = vector.broadcast %get3A_2173 : f32 to vector<8x1152xf32>
    %select_n3A_2758 = arith.select %eq3A_2752, %broadcast_in_dim3A_2757, %select_n3A_2745 : vector<8x1152xi1>, vector<8x1152xf32>
    %broadcast_in_dim3A_2759 = vector.broadcast %get3A_2205 : f32 to vector<8x1152xf32>
    %select_n3A_2760 = arith.select %eq3A_2752, %broadcast_in_dim3A_2759, %select_n3A_2747 : vector<8x1152xi1>, vector<8x1152xf32>
    %broadcast_in_dim3A_2761 = vector.broadcast %get3A_2237 : f32 to vector<8x1152xf32>
    %select_n3A_2762 = arith.select %eq3A_2752, %broadcast_in_dim3A_2761, %select_n3A_2749 : vector<8x1152xi1>, vector<8x1152xf32>
    %eq3A_2763 = arith.constant 7 : i32
    %eq3A_2764 = vector.broadcast %eq3A_2763 : i32 to vector<8x1152xi32>
    %eq3A_2765 = arith.cmpi eq, %select_n3A_2661, %eq3A_2764 : vector<8x1152xi32>
    %broadcast_in_dim3A_2766 = vector.broadcast %get3A_2113 : f32 to vector<8x1152xf32>
    %select_n3A_2767 = arith.select %eq3A_2765, %broadcast_in_dim3A_2766, %select_n3A_2754 : vector<8x1152xi1>, vector<8x1152xf32>
    %broadcast_in_dim3A_2768 = vector.broadcast %get3A_2145 : f32 to vector<8x1152xf32>
    %select_n3A_2769 = arith.select %eq3A_2765, %broadcast_in_dim3A_2768, %select_n3A_2756 : vector<8x1152xi1>, vector<8x1152xf32>
    %broadcast_in_dim3A_2770 = vector.broadcast %get3A_2177 : f32 to vector<8x1152xf32>
    %select_n3A_2771 = arith.select %eq3A_2765, %broadcast_in_dim3A_2770, %select_n3A_2758 : vector<8x1152xi1>, vector<8x1152xf32>
    %broadcast_in_dim3A_2772 = vector.broadcast %get3A_2209 : f32 to vector<8x1152xf32>
    %select_n3A_2773 = arith.select %eq3A_2765, %broadcast_in_dim3A_2772, %select_n3A_2760 : vector<8x1152xi1>, vector<8x1152xf32>
    %broadcast_in_dim3A_2774 = vector.broadcast %get3A_2241 : f32 to vector<8x1152xf32>
    %select_n3A_2775 = arith.select %eq3A_2765, %broadcast_in_dim3A_2774, %select_n3A_2762 : vector<8x1152xi1>, vector<8x1152xf32>
    %add3A_2776 = arith.constant 1.000000e+00 : f32
    %add3A_2777 = vector.broadcast %add3A_2776 : f32 to vector<8x1152xf32>
    %add3A_2778 = arith.addf %select_n3A_2775, %add3A_2777 : vector<8x1152xf32>
    %convert_element_type3A_2779 = arith.fptosi %add3A_2778 : vector<8x1152xf32> to vector<8x1152xi32>
    %lt3A_2780 = arith.constant 5.000000e-01 : f32
    %lt3A_2781 = vector.broadcast %lt3A_2780 : f32 to vector<8x1152xf32>
    %lt3A_2782 = arith.cmpf olt, %select_n3A_2658, %lt3A_2781 : vector<8x1152xf32>
    %jit3A_2783 = arith.constant 0 : i32
    %broadcast_in_dim3A_2784 = vector.broadcast %jit3A_2783 : i32 to vector<8x1152xi32>
    %select_n3A_2785 = arith.select %lt3A_2782, %broadcast_in_dim3A_2784, %convert_element_type3A_2779 : vector<8x1152xi1>, vector<8x1152xi32>
    %gt3A_2786 = arith.constant 0 : i32
    %gt3A_2787 = vector.broadcast %gt3A_2786 : i32 to vector<8x1152xi32>
    %gt3A_2788 = arith.cmpi sgt, %select_n3A_2785, %gt3A_2787 : vector<8x1152xi32>
    %convert_element_type3A_2789 = arith.extui %gt3A_2788 : vector<8x1152xi1> to vector<8x1152xi32>
    %convert_element_type3A_2790 = arith.sitofp %convert_element_type3A_2789 : vector<8x1152xi32> to vector<8x1152xf32>
    %add3A_2791 = arith.addf %select_n3A_2767, %select_n3A_2771 : vector<8x1152xf32>
    %mul3A_2792 = arith.constant 5.000000e-01 : f32
    %mul3A_2793 = vector.broadcast %mul3A_2792 : f32 to vector<8x1152xf32>
    %mul3A_2794 = arith.mulf %add3A_2791, %mul3A_2793 : vector<8x1152xf32>
    %sub3A_2795 = arith.subf %mul3A_2794, %get3A_3 : vector<8x1152xf32>
    %mul3A_2796 = arith.constant 1.000000e-01 : f32
    %mul3A_2797 = vector.broadcast %mul3A_2796 : f32 to vector<8x1152xf32>
    %mul3A_2798 = arith.mulf %mul3A_2797, %get3A_13 : vector<8x1152xf32>
    %div3A_2799 = arith.divf %sub3A_2795, %mul3A_2798 : vector<8x1152xf32>
    %add3A_2800 = arith.addf %select_n3A_2769, %select_n3A_2773 : vector<8x1152xf32>
    %mul3A_2801 = arith.constant 5.000000e-01 : f32
    %mul3A_2802 = vector.broadcast %mul3A_2801 : f32 to vector<8x1152xf32>
    %mul3A_2803 = arith.mulf %add3A_2800, %mul3A_2802 : vector<8x1152xf32>
    %sub3A_2804 = arith.subf %mul3A_2803, %get3A_8 : vector<8x1152xf32>
    %mul3A_2805 = arith.constant 1.000000e-01 : f32
    %mul3A_2806 = vector.broadcast %mul3A_2805 : f32 to vector<8x1152xf32>
    %mul3A_2807 = arith.mulf %mul3A_2806, %get3A_18 : vector<8x1152xf32>
    %div3A_2808 = arith.divf %sub3A_2804, %mul3A_2807 : vector<8x1152xf32>
    %sub3A_2809 = arith.subf %select_n3A_2771, %select_n3A_2767 : vector<8x1152xf32>
    %div3A_2810 = arith.divf %sub3A_2809, %get3A_13 : vector<8x1152xf32>
    %log3A_2811 = math.log %div3A_2810 : vector<8x1152xf32>
    %div3A_2812 = arith.constant 2.000000e-01 : f32
    %div3A_2813 = vector.broadcast %div3A_2812 : f32 to vector<8x1152xf32>
    %div3A_2814 = arith.divf %log3A_2811, %div3A_2813 : vector<8x1152xf32>
    %sub3A_2815 = arith.subf %select_n3A_2773, %select_n3A_2769 : vector<8x1152xf32>
    %div3A_2816 = arith.divf %sub3A_2815, %get3A_18 : vector<8x1152xf32>
    %log3A_2817 = math.log %div3A_2816 : vector<8x1152xf32>
    %div3A_2818 = arith.constant 2.000000e-01 : f32
    %div3A_2819 = vector.broadcast %div3A_2818 : f32 to vector<8x1152xf32>
    %div3A_2820 = arith.divf %log3A_2817, %div3A_2819 : vector<8x1152xf32>
    %get3A_2821 = arith.constant 2 : index
    %get3A_2822 = arith.constant 0 : index
    %get3A_2823 = arith.constant 0 : index
    %get3A_2824 = arith.constant 0 : index
    %get3A_2825 = vector.load %arg3[%get3A_2821, %get3A_2822, %get3A_2823, %get3A_2824] : memref<4x4x8x1152xf32, #tpu.memory_space<vmem>>, vector<1x1x8x1152xf32>
    %get3A_2826 = vector.shape_cast %get3A_2825 : vector<1x1x8x1152xf32> to vector<8x1152xf32>
    %sub3A_2827 = arith.subf %get3A_2826, %div3A_2799 : vector<8x1152xf32>
    %abs3A_2828 = math.absf %sub3A_2827 : vector<8x1152xf32>
    %lt3A_2829 = arith.constant 1.000000e+00 : f32
    %lt3A_2830 = vector.broadcast %lt3A_2829 : f32 to vector<8x1152xf32>
    %lt3A_2831 = arith.cmpf olt, %abs3A_2828, %lt3A_2830 : vector<8x1152xf32>
    %mul3A_2832 = arith.constant 5.000000e-01 : f32
    %mul3A_2833 = vector.broadcast %mul3A_2832 : f32 to vector<8x1152xf32>
    %mul3A_2834 = arith.mulf %mul3A_2833, %sub3A_2827 : vector<8x1152xf32>
    %mul3A_2835 = arith.mulf %mul3A_2834, %sub3A_2827 : vector<8x1152xf32>
    %sub3A_2836 = arith.constant 5.000000e-01 : f32
    %sub3A_2837 = vector.broadcast %sub3A_2836 : f32 to vector<8x1152xf32>
    %sub3A_2838 = arith.subf %abs3A_2828, %sub3A_2837 : vector<8x1152xf32>
    %select_n3A_2839 = arith.select %lt3A_2831, %mul3A_2835, %sub3A_2838 : vector<8x1152xi1>, vector<8x1152xf32>
    %mul3A_2840 = arith.mulf %select_n3A_2839, %convert_element_type3A_2790 : vector<8x1152xf32>
    %reduce_sum3A_2841 = vector.shape_cast %mul3A_2840 : vector<8x1152xf32> to vector<1x8x1152xf32>
    %reduce_sum3A_2842 = arith.constant dense<0.000000e+00> : vector<1xf32>
    %reduce_sum3A_2843 = vector.multi_reduction <add>, %reduce_sum3A_2841, %reduce_sum3A_2842 [1, 2] : vector<1x8x1152xf32> to vector<1xf32>
    %reduce_sum3A_2844 = vector.shape_cast %reduce_sum3A_2843 : vector<1xf32> to vector<1x1x1xf32>
    %reduce_sum3A_2845 = vector.extract %reduce_sum3A_2844[0, 0, 0] : f32 from vector<1x1x1xf32>
    %add3A_2846 = arith.constant 0.000000e+00 : f32
    %add3A_2847 = arith.addf %add3A_2846, %reduce_sum3A_2845 : f32
    %get3A_2848 = arith.constant 2 : index
    %get3A_2849 = arith.constant 1 : index
    %get3A_2850 = arith.constant 0 : index
    %get3A_2851 = arith.constant 0 : index
    %get3A_2852 = vector.load %arg3[%get3A_2848, %get3A_2849, %get3A_2850, %get3A_2851] : memref<4x4x8x1152xf32, #tpu.memory_space<vmem>>, vector<1x1x8x1152xf32>
    %get3A_2853 = vector.shape_cast %get3A_2852 : vector<1x1x8x1152xf32> to vector<8x1152xf32>
    %sub3A_2854 = arith.subf %get3A_2853, %div3A_2808 : vector<8x1152xf32>
    %abs3A_2855 = math.absf %sub3A_2854 : vector<8x1152xf32>
    %lt3A_2856 = arith.constant 1.000000e+00 : f32
    %lt3A_2857 = vector.broadcast %lt3A_2856 : f32 to vector<8x1152xf32>
    %lt3A_2858 = arith.cmpf olt, %abs3A_2855, %lt3A_2857 : vector<8x1152xf32>
    %mul3A_2859 = arith.constant 5.000000e-01 : f32
    %mul3A_2860 = vector.broadcast %mul3A_2859 : f32 to vector<8x1152xf32>
    %mul3A_2861 = arith.mulf %mul3A_2860, %sub3A_2854 : vector<8x1152xf32>
    %mul3A_2862 = arith.mulf %mul3A_2861, %sub3A_2854 : vector<8x1152xf32>
    %sub3A_2863 = arith.constant 5.000000e-01 : f32
    %sub3A_2864 = vector.broadcast %sub3A_2863 : f32 to vector<8x1152xf32>
    %sub3A_2865 = arith.subf %abs3A_2855, %sub3A_2864 : vector<8x1152xf32>
    %select_n3A_2866 = arith.select %lt3A_2858, %mul3A_2862, %sub3A_2865 : vector<8x1152xi1>, vector<8x1152xf32>
    %mul3A_2867 = arith.mulf %select_n3A_2866, %convert_element_type3A_2790 : vector<8x1152xf32>
    %reduce_sum3A_2868 = vector.shape_cast %mul3A_2867 : vector<8x1152xf32> to vector<1x8x1152xf32>
    %reduce_sum3A_2869 = arith.constant dense<0.000000e+00> : vector<1xf32>
    %reduce_sum3A_2870 = vector.multi_reduction <add>, %reduce_sum3A_2868, %reduce_sum3A_2869 [1, 2] : vector<1x8x1152xf32> to vector<1xf32>
    %reduce_sum3A_2871 = vector.shape_cast %reduce_sum3A_2870 : vector<1xf32> to vector<1x1x1xf32>
    %reduce_sum3A_2872 = vector.extract %reduce_sum3A_2871[0, 0, 0] : f32 from vector<1x1x1xf32>
    %add3A_2873 = arith.addf %add3A_2847, %reduce_sum3A_2872 : f32
    %get3A_2874 = arith.constant 2 : index
    %get3A_2875 = arith.constant 2 : index
    %get3A_2876 = arith.constant 0 : index
    %get3A_2877 = arith.constant 0 : index
    %get3A_2878 = vector.load %arg3[%get3A_2874, %get3A_2875, %get3A_2876, %get3A_2877] : memref<4x4x8x1152xf32, #tpu.memory_space<vmem>>, vector<1x1x8x1152xf32>
    %get3A_2879 = vector.shape_cast %get3A_2878 : vector<1x1x8x1152xf32> to vector<8x1152xf32>
    %sub3A_2880 = arith.subf %get3A_2879, %div3A_2814 : vector<8x1152xf32>
    %abs3A_2881 = math.absf %sub3A_2880 : vector<8x1152xf32>
    %lt3A_2882 = arith.constant 1.000000e+00 : f32
    %lt3A_2883 = vector.broadcast %lt3A_2882 : f32 to vector<8x1152xf32>
    %lt3A_2884 = arith.cmpf olt, %abs3A_2881, %lt3A_2883 : vector<8x1152xf32>
    %mul3A_2885 = arith.constant 5.000000e-01 : f32
    %mul3A_2886 = vector.broadcast %mul3A_2885 : f32 to vector<8x1152xf32>
    %mul3A_2887 = arith.mulf %mul3A_2886, %sub3A_2880 : vector<8x1152xf32>
    %mul3A_2888 = arith.mulf %mul3A_2887, %sub3A_2880 : vector<8x1152xf32>
    %sub3A_2889 = arith.constant 5.000000e-01 : f32
    %sub3A_2890 = vector.broadcast %sub3A_2889 : f32 to vector<8x1152xf32>
    %sub3A_2891 = arith.subf %abs3A_2881, %sub3A_2890 : vector<8x1152xf32>
    %select_n3A_2892 = arith.select %lt3A_2884, %mul3A_2888, %sub3A_2891 : vector<8x1152xi1>, vector<8x1152xf32>
    %mul3A_2893 = arith.mulf %select_n3A_2892, %convert_element_type3A_2790 : vector<8x1152xf32>
    %reduce_sum3A_2894 = vector.shape_cast %mul3A_2893 : vector<8x1152xf32> to vector<1x8x1152xf32>
    %reduce_sum3A_2895 = arith.constant dense<0.000000e+00> : vector<1xf32>
    %reduce_sum3A_2896 = vector.multi_reduction <add>, %reduce_sum3A_2894, %reduce_sum3A_2895 [1, 2] : vector<1x8x1152xf32> to vector<1xf32>
    %reduce_sum3A_2897 = vector.shape_cast %reduce_sum3A_2896 : vector<1xf32> to vector<1x1x1xf32>
    %reduce_sum3A_2898 = vector.extract %reduce_sum3A_2897[0, 0, 0] : f32 from vector<1x1x1xf32>
    %add3A_2899 = arith.addf %add3A_2873, %reduce_sum3A_2898 : f32
    %get3A_2900 = arith.constant 2 : index
    %get3A_2901 = arith.constant 3 : index
    %get3A_2902 = arith.constant 0 : index
    %get3A_2903 = arith.constant 0 : index
    %get3A_2904 = vector.load %arg3[%get3A_2900, %get3A_2901, %get3A_2902, %get3A_2903] : memref<4x4x8x1152xf32, #tpu.memory_space<vmem>>, vector<1x1x8x1152xf32>
    %get3A_2905 = vector.shape_cast %get3A_2904 : vector<1x1x8x1152xf32> to vector<8x1152xf32>
    %sub3A_2906 = arith.subf %get3A_2905, %div3A_2820 : vector<8x1152xf32>
    %abs3A_2907 = math.absf %sub3A_2906 : vector<8x1152xf32>
    %lt3A_2908 = arith.constant 1.000000e+00 : f32
    %lt3A_2909 = vector.broadcast %lt3A_2908 : f32 to vector<8x1152xf32>
    %lt3A_2910 = arith.cmpf olt, %abs3A_2907, %lt3A_2909 : vector<8x1152xf32>
    %mul3A_2911 = arith.constant 5.000000e-01 : f32
    %mul3A_2912 = vector.broadcast %mul3A_2911 : f32 to vector<8x1152xf32>
    %mul3A_2913 = arith.mulf %mul3A_2912, %sub3A_2906 : vector<8x1152xf32>
    %mul3A_2914 = arith.mulf %mul3A_2913, %sub3A_2906 : vector<8x1152xf32>
    %sub3A_2915 = arith.constant 5.000000e-01 : f32
    %sub3A_2916 = vector.broadcast %sub3A_2915 : f32 to vector<8x1152xf32>
    %sub3A_2917 = arith.subf %abs3A_2907, %sub3A_2916 : vector<8x1152xf32>
    %select_n3A_2918 = arith.select %lt3A_2910, %mul3A_2914, %sub3A_2917 : vector<8x1152xi1>, vector<8x1152xf32>
    %mul3A_2919 = arith.mulf %select_n3A_2918, %convert_element_type3A_2790 : vector<8x1152xf32>
    %reduce_sum3A_2920 = vector.shape_cast %mul3A_2919 : vector<8x1152xf32> to vector<1x8x1152xf32>
    %reduce_sum3A_2921 = arith.constant dense<0.000000e+00> : vector<1xf32>
    %reduce_sum3A_2922 = vector.multi_reduction <add>, %reduce_sum3A_2920, %reduce_sum3A_2921 [1, 2] : vector<1x8x1152xf32> to vector<1xf32>
    %reduce_sum3A_2923 = vector.shape_cast %reduce_sum3A_2922 : vector<1xf32> to vector<1x1x1xf32>
    %reduce_sum3A_2924 = vector.extract %reduce_sum3A_2923[0, 0, 0] : f32 from vector<1x1x1xf32>
    %add3A_2925 = arith.addf %add3A_2899, %reduce_sum3A_2924 : f32
    %get3A_2926 = arith.constant 2 : index
    %get3A_2927 = arith.constant 0 : index
    %get3A_2928 = arith.constant 0 : index
    %get3A_2929 = arith.constant 0 : index
    %get3A_2930 = vector.load %arg4[%get3A_2926, %get3A_2927, %get3A_2928, %get3A_2929] : memref<4x21x8x1152xf32, #tpu.memory_space<vmem>>, vector<1x21x8x1152xf32>
    %get3A_2931 = vector.shape_cast %get3A_2930 : vector<1x21x8x1152xf32> to vector<21x8x1152xf32>
    %exp3A_2932 = math.exp %get3A_2931 : vector<21x8x1152xf32>
    %reduce_sum3A_2933 = arith.constant dense<0.000000e+00> : vector<8x1152xf32>
    %reduce_sum3A_2934 = vector.multi_reduction <add>, %exp3A_2932, %reduce_sum3A_2933 [0] : vector<21x8x1152xf32> to vector<8x1152xf32>
    %log3A_2935 = math.log %reduce_sum3A_2934 : vector<8x1152xf32>
    %slice3A_2936 = vector.extract_strided_slice %get3A_2931 {offsets = [0, 0, 0], sizes = [1, 8, 1152], strides = [1, 1, 1]} : vector<21x8x1152xf32> to vector<1x8x1152xf32>
    %squeeze3A_2937 = vector.shape_cast %slice3A_2936 : vector<1x8x1152xf32> to vector<8x1152xf32>
    %lt3A_2938 = arith.constant 8732 : i32
    %lt3A_2939 = vector.broadcast %lt3A_2938 : i32 to vector<8x1152xi32>
    %lt3A_2940 = arith.cmpi slt, %add3A_39, %lt3A_2939 : vector<8x1152xi32>
    %not3A_2941 = arith.constant dense<true> : vector<8x1152xi1>
    %not3A_2942 = arith.xori %lt3A_2940, %not3A_2941 : vector<8x1152xi1>
    %or3A_2943 = arith.ori %gt3A_2788, %not3A_2942 : vector<8x1152xi1>
    %sub3A_2944 = arith.subf %log3A_2935, %squeeze3A_2937 : vector<8x1152xf32>
    %jit3A_2945 = arith.constant 0.000000e+00 : f32
    %broadcast_in_dim3A_2946 = vector.broadcast %jit3A_2945 : f32 to vector<8x1152xf32>
    %select_n3A_2947 = arith.select %or3A_2943, %broadcast_in_dim3A_2946, %sub3A_2944 : vector<8x1152xi1>, vector<8x1152xf32>
    %broadcast_in_dim3A_2948 = arith.constant 0.000000e+00 : f32
    %broadcast_in_dim3A_2949 = vector.broadcast %broadcast_in_dim3A_2948 : f32 to vector<8x1152xf32>
    %add3A_2950 = arith.constant 1.000000e+00 : f32
    %add3A_2951 = arith.addf %get3A_2213, %add3A_2950 : f32
    %convert_element_type3A_2952 = arith.fptosi %add3A_2951 : f32 to i32
    %get3A_2953 = arith.constant 2 : index
    %get3A_2954 = arith.index_cast %convert_element_type3A_2952 : i32 to index
    %get3A_2955 = arith.constant 0 : index
    %get3A_2956 = arith.constant 0 : index
    %get3A_2957 = vector.load %arg4[%get3A_2953, %get3A_2954, %get3A_2955, %get3A_2956] : memref<4x21x8x1152xf32, #tpu.memory_space<vmem>>, vector<1x1x8x1152xf32>
    %get3A_2958 = vector.shape_cast %get3A_2957 : vector<1x1x8x1152xf32> to vector<8x1152xf32>
    %eq3A_2959 = arith.constant 0 : i32
    %eq3A_2960 = vector.broadcast %eq3A_2959 : i32 to vector<8x1152xi32>
    %eq3A_2961 = arith.cmpi eq, %select_n3A_2661, %eq3A_2960 : vector<8x1152xi32>
    %and3A_2962 = arith.andi %gt3A_2788, %eq3A_2961 : vector<8x1152xi1>
    %select_n3A_2963 = arith.select %and3A_2962, %get3A_2958, %broadcast_in_dim3A_2949 : vector<8x1152xi1>, vector<8x1152xf32>
    %add3A_2964 = arith.constant 1.000000e+00 : f32
    %add3A_2965 = arith.addf %get3A_2217, %add3A_2964 : f32
    %convert_element_type3A_2966 = arith.fptosi %add3A_2965 : f32 to i32
    %get3A_2967 = arith.constant 2 : index
    %get3A_2968 = arith.index_cast %convert_element_type3A_2966 : i32 to index
    %get3A_2969 = arith.constant 0 : index
    %get3A_2970 = arith.constant 0 : index
    %get3A_2971 = vector.load %arg4[%get3A_2967, %get3A_2968, %get3A_2969, %get3A_2970] : memref<4x21x8x1152xf32, #tpu.memory_space<vmem>>, vector<1x1x8x1152xf32>
    %get3A_2972 = vector.shape_cast %get3A_2971 : vector<1x1x8x1152xf32> to vector<8x1152xf32>
    %eq3A_2973 = arith.constant 1 : i32
    %eq3A_2974 = vector.broadcast %eq3A_2973 : i32 to vector<8x1152xi32>
    %eq3A_2975 = arith.cmpi eq, %select_n3A_2661, %eq3A_2974 : vector<8x1152xi32>
    %and3A_2976 = arith.andi %gt3A_2788, %eq3A_2975 : vector<8x1152xi1>
    %select_n3A_2977 = arith.select %and3A_2976, %get3A_2972, %select_n3A_2963 : vector<8x1152xi1>, vector<8x1152xf32>
    %add3A_2978 = arith.constant 1.000000e+00 : f32
    %add3A_2979 = arith.addf %get3A_2221, %add3A_2978 : f32
    %convert_element_type3A_2980 = arith.fptosi %add3A_2979 : f32 to i32
    %get3A_2981 = arith.constant 2 : index
    %get3A_2982 = arith.index_cast %convert_element_type3A_2980 : i32 to index
    %get3A_2983 = arith.constant 0 : index
    %get3A_2984 = arith.constant 0 : index
    %get3A_2985 = vector.load %arg4[%get3A_2981, %get3A_2982, %get3A_2983, %get3A_2984] : memref<4x21x8x1152xf32, #tpu.memory_space<vmem>>, vector<1x1x8x1152xf32>
    %get3A_2986 = vector.shape_cast %get3A_2985 : vector<1x1x8x1152xf32> to vector<8x1152xf32>
    %eq3A_2987 = arith.constant 2 : i32
    %eq3A_2988 = vector.broadcast %eq3A_2987 : i32 to vector<8x1152xi32>
    %eq3A_2989 = arith.cmpi eq, %select_n3A_2661, %eq3A_2988 : vector<8x1152xi32>
    %and3A_2990 = arith.andi %gt3A_2788, %eq3A_2989 : vector<8x1152xi1>
    %select_n3A_2991 = arith.select %and3A_2990, %get3A_2986, %select_n3A_2977 : vector<8x1152xi1>, vector<8x1152xf32>
    %add3A_2992 = arith.constant 1.000000e+00 : f32
    %add3A_2993 = arith.addf %get3A_2225, %add3A_2992 : f32
    %convert_element_type3A_2994 = arith.fptosi %add3A_2993 : f32 to i32
    %get3A_2995 = arith.constant 2 : index
    %get3A_2996 = arith.index_cast %convert_element_type3A_2994 : i32 to index
    %get3A_2997 = arith.constant 0 : index
    %get3A_2998 = arith.constant 0 : index
    %get3A_2999 = vector.load %arg4[%get3A_2995, %get3A_2996, %get3A_2997, %get3A_2998] : memref<4x21x8x1152xf32, #tpu.memory_space<vmem>>, vector<1x1x8x1152xf32>
    %get3A_3000 = vector.shape_cast %get3A_2999 : vector<1x1x8x1152xf32> to vector<8x1152xf32>
    %eq3A_3001 = arith.constant 3 : i32
    %eq3A_3002 = vector.broadcast %eq3A_3001 : i32 to vector<8x1152xi32>
    %eq3A_3003 = arith.cmpi eq, %select_n3A_2661, %eq3A_3002 : vector<8x1152xi32>
    %and3A_3004 = arith.andi %gt3A_2788, %eq3A_3003 : vector<8x1152xi1>
    %select_n3A_3005 = arith.select %and3A_3004, %get3A_3000, %select_n3A_2991 : vector<8x1152xi1>, vector<8x1152xf32>
    %add3A_3006 = arith.constant 1.000000e+00 : f32
    %add3A_3007 = arith.addf %get3A_2229, %add3A_3006 : f32
    %convert_element_type3A_3008 = arith.fptosi %add3A_3007 : f32 to i32
    %get3A_3009 = arith.constant 2 : index
    %get3A_3010 = arith.index_cast %convert_element_type3A_3008 : i32 to index
    %get3A_3011 = arith.constant 0 : index
    %get3A_3012 = arith.constant 0 : index
    %get3A_3013 = vector.load %arg4[%get3A_3009, %get3A_3010, %get3A_3011, %get3A_3012] : memref<4x21x8x1152xf32, #tpu.memory_space<vmem>>, vector<1x1x8x1152xf32>
    %get3A_3014 = vector.shape_cast %get3A_3013 : vector<1x1x8x1152xf32> to vector<8x1152xf32>
    %eq3A_3015 = arith.constant 4 : i32
    %eq3A_3016 = vector.broadcast %eq3A_3015 : i32 to vector<8x1152xi32>
    %eq3A_3017 = arith.cmpi eq, %select_n3A_2661, %eq3A_3016 : vector<8x1152xi32>
    %and3A_3018 = arith.andi %gt3A_2788, %eq3A_3017 : vector<8x1152xi1>
    %select_n3A_3019 = arith.select %and3A_3018, %get3A_3014, %select_n3A_3005 : vector<8x1152xi1>, vector<8x1152xf32>
    %add3A_3020 = arith.constant 1.000000e+00 : f32
    %add3A_3021 = arith.addf %get3A_2233, %add3A_3020 : f32
    %convert_element_type3A_3022 = arith.fptosi %add3A_3021 : f32 to i32
    %get3A_3023 = arith.constant 2 : index
    %get3A_3024 = arith.index_cast %convert_element_type3A_3022 : i32 to index
    %get3A_3025 = arith.constant 0 : index
    %get3A_3026 = arith.constant 0 : index
    %get3A_3027 = vector.load %arg4[%get3A_3023, %get3A_3024, %get3A_3025, %get3A_3026] : memref<4x21x8x1152xf32, #tpu.memory_space<vmem>>, vector<1x1x8x1152xf32>
    %get3A_3028 = vector.shape_cast %get3A_3027 : vector<1x1x8x1152xf32> to vector<8x1152xf32>
    %eq3A_3029 = arith.constant 5 : i32
    %eq3A_3030 = vector.broadcast %eq3A_3029 : i32 to vector<8x1152xi32>
    %eq3A_3031 = arith.cmpi eq, %select_n3A_2661, %eq3A_3030 : vector<8x1152xi32>
    %and3A_3032 = arith.andi %gt3A_2788, %eq3A_3031 : vector<8x1152xi1>
    %select_n3A_3033 = arith.select %and3A_3032, %get3A_3028, %select_n3A_3019 : vector<8x1152xi1>, vector<8x1152xf32>
    %add3A_3034 = arith.constant 1.000000e+00 : f32
    %add3A_3035 = arith.addf %get3A_2237, %add3A_3034 : f32
    %convert_element_type3A_3036 = arith.fptosi %add3A_3035 : f32 to i32
    %get3A_3037 = arith.constant 2 : index
    %get3A_3038 = arith.index_cast %convert_element_type3A_3036 : i32 to index
    %get3A_3039 = arith.constant 0 : index
    %get3A_3040 = arith.constant 0 : index
    %get3A_3041 = vector.load %arg4[%get3A_3037, %get3A_3038, %get3A_3039, %get3A_3040] : memref<4x21x8x1152xf32, #tpu.memory_space<vmem>>, vector<1x1x8x1152xf32>
    %get3A_3042 = vector.shape_cast %get3A_3041 : vector<1x1x8x1152xf32> to vector<8x1152xf32>
    %eq3A_3043 = arith.constant 6 : i32
    %eq3A_3044 = vector.broadcast %eq3A_3043 : i32 to vector<8x1152xi32>
    %eq3A_3045 = arith.cmpi eq, %select_n3A_2661, %eq3A_3044 : vector<8x1152xi32>
    %and3A_3046 = arith.andi %gt3A_2788, %eq3A_3045 : vector<8x1152xi1>
    %select_n3A_3047 = arith.select %and3A_3046, %get3A_3042, %select_n3A_3033 : vector<8x1152xi1>, vector<8x1152xf32>
    %add3A_3048 = arith.constant 1.000000e+00 : f32
    %add3A_3049 = arith.addf %get3A_2241, %add3A_3048 : f32
    %convert_element_type3A_3050 = arith.fptosi %add3A_3049 : f32 to i32
    %get3A_3051 = arith.constant 2 : index
    %get3A_3052 = arith.index_cast %convert_element_type3A_3050 : i32 to index
    %get3A_3053 = arith.constant 0 : index
    %get3A_3054 = arith.constant 0 : index
    %get3A_3055 = vector.load %arg4[%get3A_3051, %get3A_3052, %get3A_3053, %get3A_3054] : memref<4x21x8x1152xf32, #tpu.memory_space<vmem>>, vector<1x1x8x1152xf32>
    %get3A_3056 = vector.shape_cast %get3A_3055 : vector<1x1x8x1152xf32> to vector<8x1152xf32>
    %eq3A_3057 = arith.constant 7 : i32
    %eq3A_3058 = vector.broadcast %eq3A_3057 : i32 to vector<8x1152xi32>
    %eq3A_3059 = arith.cmpi eq, %select_n3A_2661, %eq3A_3058 : vector<8x1152xi32>
    %and3A_3060 = arith.andi %gt3A_2788, %eq3A_3059 : vector<8x1152xi1>
    %select_n3A_3061 = arith.select %and3A_3060, %get3A_3056, %select_n3A_3047 : vector<8x1152xi1>, vector<8x1152xf32>
    %jit3A_3062 = arith.constant 0.000000e+00 : f32
    %broadcast_in_dim3A_3063 = vector.broadcast %jit3A_3062 : f32 to vector<8x1152xf32>
    %select_n3A_3064 = arith.select %gt3A_2788, %log3A_2935, %broadcast_in_dim3A_3063 : vector<8x1152xi1>, vector<8x1152xf32>
    %sub3A_3065 = arith.subf %select_n3A_3064, %select_n3A_3061 : vector<8x1152xf32>
    %reduce_sum3A_3066 = vector.shape_cast %sub3A_3065 : vector<8x1152xf32> to vector<1x8x1152xf32>
    %reduce_sum3A_3067 = arith.constant dense<0.000000e+00> : vector<1xf32>
    %reduce_sum3A_3068 = vector.multi_reduction <add>, %reduce_sum3A_3066, %reduce_sum3A_3067 [1, 2] : vector<1x8x1152xf32> to vector<1xf32>
    %reduce_sum3A_3069 = vector.shape_cast %reduce_sum3A_3068 : vector<1xf32> to vector<1x1x1xf32>
    %reduce_sum3A_3070 = vector.extract %reduce_sum3A_3069[0, 0, 0] : f32 from vector<1x1x1xf32>
    %gt3A_3071 = arith.constant 0 : i32
    %gt3A_3072 = vector.broadcast %gt3A_3071 : i32 to vector<8x1152xi32>
    %gt3A_3073 = arith.cmpi sgt, %select_n3A_2785, %gt3A_3072 : vector<8x1152xi32>
    %convert_element_type3A_3074 = arith.extui %gt3A_3073 : vector<8x1152xi1> to vector<8x1152xi32>
    %reduce_sum3A_3075 = vector.shape_cast %convert_element_type3A_3074 : vector<8x1152xi32> to vector<1x8x1152xi32>
    %reduce_sum3A_3076 = arith.constant dense<0> : vector<1xi32>
    %reduce_sum3A_3077 = vector.multi_reduction <add>, %reduce_sum3A_3075, %reduce_sum3A_3076 [1, 2] : vector<1x8x1152xi32> to vector<1xi32>
    %reduce_sum3A_3078 = vector.shape_cast %reduce_sum3A_3077 : vector<1xi32> to vector<1x1x1xi32>
    %reduce_sum3A_3079 = vector.extract %reduce_sum3A_3078[0, 0, 0] : i32 from vector<1x1x1xi32>
    %mul3A_3080 = arith.constant 3 : i32
    %mul3A_3081 = arith.muli %mul3A_3080, %reduce_sum3A_3079 : i32
    %min3A_3082 = arith.constant 8731 : i32
    %min3A_3083 = arith.minsi %mul3A_3081, %min3A_3082 : i32
    %mul3A_3084 = arith.constant 4 : i32
    %mul3A_3085 = arith.muli %arg0, %mul3A_3084 : i32
    %add3A_3086 = arith.constant 2 : i32
    %add3A_3087 = arith.addi %mul3A_3085, %add3A_3086 : i32
    %swap3A_3088 = arith.constant 2 : index
    %swap3A_3089 = arith.constant 0 : index
    %swap3A_3090 = arith.constant 0 : index
    %swap3A_3091 = vector.load %arg6[%swap3A_3088, %swap3A_3089, %swap3A_3090] : memref<4x8x1152xf32, #tpu.memory_space<vmem>>, vector<1x8x1152xf32>
    %swap3A_3092 = vector.shape_cast %swap3A_3091 : vector<1x8x1152xf32> to vector<8x1152xf32>
    %swap3A_3093 = vector.shape_cast %select_n3A_2947 : vector<8x1152xf32> to vector<1x8x1152xf32>
    tpu.vector_store %arg6[%swap3A_3088, %swap3A_3089, %swap3A_3090], %swap3A_3093 {strides = array<i32>} : memref<4x8x1152xf32, #tpu.memory_space<vmem>>, vector<1x8x1152xf32>,
    %convert_element_type3A_3094 = arith.sitofp %min3A_3083 : i32 to f32
    %broadcast_in_dim3A_3095 = vector.broadcast %convert_element_type3A_3094 : f32 to vector<1x16xf32>
    %swap3A_3096 = arith.constant 2 : index
    %swap3A_3097 = arith.constant 0 : index
    %swap3A_3098 = arith.constant 0 : index
    %swap3A_3099 = vector.load %arg7[%swap3A_3096, %swap3A_3097, %swap3A_3098] : memref<4x1x16xf32, #tpu.memory_space<vmem>>, vector<1x1x16xf32>
    %swap3A_3100 = vector.shape_cast %swap3A_3099 : vector<1x1x16xf32> to vector<1x16xf32>
    %swap3A_3101 = vector.shape_cast %broadcast_in_dim3A_3095 : vector<1x16xf32> to vector<1x1x16xf32>
    tpu.vector_store %arg7[%swap3A_3096, %swap3A_3097, %swap3A_3098], %swap3A_3101 {strides = array<i32>} : memref<4x1x16xf32, #tpu.memory_space<vmem>>, vector<1x1x16xf32>,
    %broadcast_in_dim3A_3102 = vector.broadcast %add3A_2925 : f32 to vector<1x1xf32>
    %swap3A_3103 = arith.index_cast %add3A_3087 : i32 to index
    %swap3A_3104 = arith.constant 0 : index
    %swap3A_3105 = vector.load %arg8[%swap3A_3103, %swap3A_3104] : memref<32x1xf32, #tpu.memory_space<vmem>>, vector<1x1xf32>
    tpu.vector_store %arg8[%swap3A_3103, %swap3A_3104], %broadcast_in_dim3A_3102 {strides = array<i32>} : memref<32x1xf32, #tpu.memory_space<vmem>>, vector<1x1xf32>,
    %broadcast_in_dim3A_3106 = vector.broadcast %reduce_sum3A_3070 : f32 to vector<1x1xf32>
    %swap3A_3107 = arith.index_cast %add3A_3087 : i32 to index
    %swap3A_3108 = arith.constant 0 : index
    %swap3A_3109 = vector.load %arg9[%swap3A_3107, %swap3A_3108] : memref<32x1xf32, #tpu.memory_space<vmem>>, vector<1x1xf32>
    tpu.vector_store %arg9[%swap3A_3107, %swap3A_3108], %broadcast_in_dim3A_3106 {strides = array<i32>} : memref<32x1xf32, #tpu.memory_space<vmem>>, vector<1x1xf32>,
    %broadcast_in_dim3A_3110 = vector.broadcast %reduce_sum3A_3079 : i32 to vector<1x1xi32>
    %swap3A_3111 = arith.index_cast %add3A_3087 : i32 to index
    %swap3A_3112 = arith.constant 0 : index
    %swap3A_3113 = vector.load %arg10[%swap3A_3111, %swap3A_3112] : memref<32x1xi32, #tpu.memory_space<vmem>>, vector<1x1xi32>
    tpu.vector_store %arg10[%swap3A_3111, %swap3A_3112], %broadcast_in_dim3A_3110 {strides = array<i32>} : memref<32x1xi32, #tpu.memory_space<vmem>>, vector<1x1xi32>,
    %get3A_3114 = arith.constant 3 : index
    %get3A_3115 = arith.constant 0 : index
    %get3A_3116 = arith.constant 0 : index
    %get3A_3117 = memref.load %arg1[%get3A_3114, %get3A_3115, %get3A_3116] : memref<4x8x5xf32, #tpu.memory_space<smem>>
    %get3A_3118 = arith.constant 3 : index
    %get3A_3119 = arith.constant 1 : index
    %get3A_3120 = arith.constant 0 : index
    %get3A_3121 = memref.load %arg1[%get3A_3118, %get3A_3119, %get3A_3120] : memref<4x8x5xf32, #tpu.memory_space<smem>>
    %get3A_3122 = arith.constant 3 : index
    %get3A_3123 = arith.constant 2 : index
    %get3A_3124 = arith.constant 0 : index
    %get3A_3125 = memref.load %arg1[%get3A_3122, %get3A_3123, %get3A_3124] : memref<4x8x5xf32, #tpu.memory_space<smem>>
    %get3A_3126 = arith.constant 3 : index
    %get3A_3127 = arith.constant 3 : index
    %get3A_3128 = arith.constant 0 : index
    %get3A_3129 = memref.load %arg1[%get3A_3126, %get3A_3127, %get3A_3128] : memref<4x8x5xf32, #tpu.memory_space<smem>>
    %get3A_3130 = arith.constant 3 : index
    %get3A_3131 = arith.constant 4 : index
    %get3A_3132 = arith.constant 0 : index
    %get3A_3133 = memref.load %arg1[%get3A_3130, %get3A_3131, %get3A_3132] : memref<4x8x5xf32, #tpu.memory_space<smem>>
    %get3A_3134 = arith.constant 3 : index
    %get3A_3135 = arith.constant 5 : index
    %get3A_3136 = arith.constant 0 : index
    %get3A_3137 = memref.load %arg1[%get3A_3134, %get3A_3135, %get3A_3136] : memref<4x8x5xf32, #tpu.memory_space<smem>>
    %get3A_3138 = arith.constant 3 : index
    %get3A_3139 = arith.constant 6 : index
    %get3A_3140 = arith.constant 0 : index
    %get3A_3141 = memref.load %arg1[%get3A_3138, %get3A_3139, %get3A_3140] : memref<4x8x5xf32, #tpu.memory_space<smem>>
    %get3A_3142 = arith.constant 3 : index
    %get3A_3143 = arith.constant 7 : index
    %get3A_3144 = arith.constant 0 : index
    %get3A_3145 = memref.load %arg1[%get3A_3142, %get3A_3143, %get3A_3144] : memref<4x8x5xf32, #tpu.memory_space<smem>>
    %get3A_3146 = arith.constant 3 : index
    %get3A_3147 = arith.constant 0 : index
    %get3A_3148 = arith.constant 1 : index
    %get3A_3149 = memref.load %arg1[%get3A_3146, %get3A_3147, %get3A_3148] : memref<4x8x5xf32, #tpu.memory_space<smem>>
    %get3A_3150 = arith.constant 3 : index
    %get3A_3151 = arith.constant 1 : index
    %get3A_3152 = arith.constant 1 : index
    %get3A_3153 = memref.load %arg1[%get3A_3150, %get3A_3151, %get3A_3152] : memref<4x8x5xf32, #tpu.memory_space<smem>>
    %get3A_3154 = arith.constant 3 : index
    %get3A_3155 = arith.constant 2 : index
    %get3A_3156 = arith.constant 1 : index
    %get3A_3157 = memref.load %arg1[%get3A_3154, %get3A_3155, %get3A_3156] : memref<4x8x5xf32, #tpu.memory_space<smem>>
    %get3A_3158 = arith.constant 3 : index
    %get3A_3159 = arith.constant 3 : index
    %get3A_3160 = arith.constant 1 : index
    %get3A_3161 = memref.load %arg1[%get3A_3158, %get3A_3159, %get3A_3160] : memref<4x8x5xf32, #tpu.memory_space<smem>>
    %get3A_3162 = arith.constant 3 : index
    %get3A_3163 = arith.constant 4 : index
    %get3A_3164 = arith.constant 1 : index
    %get3A_3165 = memref.load %arg1[%get3A_3162, %get3A_3163, %get3A_3164] : memref<4x8x5xf32, #tpu.memory_space<smem>>
    %get3A_3166 = arith.constant 3 : index
    %get3A_3167 = arith.constant 5 : index
    %get3A_3168 = arith.constant 1 : index
    %get3A_3169 = memref.load %arg1[%get3A_3166, %get3A_3167, %get3A_3168] : memref<4x8x5xf32, #tpu.memory_space<smem>>
    %get3A_3170 = arith.constant 3 : index
    %get3A_3171 = arith.constant 6 : index
    %get3A_3172 = arith.constant 1 : index
    %get3A_3173 = memref.load %arg1[%get3A_3170, %get3A_3171, %get3A_3172] : memref<4x8x5xf32, #tpu.memory_space<smem>>
    %get3A_3174 = arith.constant 3 : index
    %get3A_3175 = arith.constant 7 : index
    %get3A_3176 = arith.constant 1 : index
    %get3A_3177 = memref.load %arg1[%get3A_3174, %get3A_3175, %get3A_3176] : memref<4x8x5xf32, #tpu.memory_space<smem>>
    %get3A_3178 = arith.constant 3 : index
    %get3A_3179 = arith.constant 0 : index
    %get3A_3180 = arith.constant 2 : index
    %get3A_3181 = memref.load %arg1[%get3A_3178, %get3A_3179, %get3A_3180] : memref<4x8x5xf32, #tpu.memory_space<smem>>
    %get3A_3182 = arith.constant 3 : index
    %get3A_3183 = arith.constant 1 : index
    %get3A_3184 = arith.constant 2 : index
    %get3A_3185 = memref.load %arg1[%get3A_3182, %get3A_3183, %get3A_3184] : memref<4x8x5xf32, #tpu.memory_space<smem>>
    %get3A_3186 = arith.constant 3 : index
    %get3A_3187 = arith.constant 2 : index
    %get3A_3188 = arith.constant 2 : index
    %get3A_3189 = memref.load %arg1[%get3A_3186, %get3A_3187, %get3A_3188] : memref<4x8x5xf32, #tpu.memory_space<smem>>
    %get3A_3190 = arith.constant 3 : index
    %get3A_3191 = arith.constant 3 : index
    %get3A_3192 = arith.constant 2 : index
    %get3A_3193 = memref.load %arg1[%get3A_3190, %get3A_3191, %get3A_3192] : memref<4x8x5xf32, #tpu.memory_space<smem>>
    %get3A_3194 = arith.constant 3 : index
    %get3A_3195 = arith.constant 4 : index
    %get3A_3196 = arith.constant 2 : index
    %get3A_3197 = memref.load %arg1[%get3A_3194, %get3A_3195, %get3A_3196] : memref<4x8x5xf32, #tpu.memory_space<smem>>
    %get3A_3198 = arith.constant 3 : index
    %get3A_3199 = arith.constant 5 : index
    %get3A_3200 = arith.constant 2 : index
    %get3A_3201 = memref.load %arg1[%get3A_3198, %get3A_3199, %get3A_3200] : memref<4x8x5xf32, #tpu.memory_space<smem>>
    %get3A_3202 = arith.constant 3 : index
    %get3A_3203 = arith.constant 6 : index
    %get3A_3204 = arith.constant 2 : index
    %get3A_3205 = memref.load %arg1[%get3A_3202, %get3A_3203, %get3A_3204] : memref<4x8x5xf32, #tpu.memory_space<smem>>
    %get3A_3206 = arith.constant 3 : index
    %get3A_3207 = arith.constant 7 : index
    %get3A_3208 = arith.constant 2 : index
    %get3A_3209 = memref.load %arg1[%get3A_3206, %get3A_3207, %get3A_3208] : memref<4x8x5xf32, #tpu.memory_space<smem>>
    %get3A_3210 = arith.constant 3 : index
    %get3A_3211 = arith.constant 0 : index
    %get3A_3212 = arith.constant 3 : index
    %get3A_3213 = memref.load %arg1[%get3A_3210, %get3A_3211, %get3A_3212] : memref<4x8x5xf32, #tpu.memory_space<smem>>
    %get3A_3214 = arith.constant 3 : index
    %get3A_3215 = arith.constant 1 : index
    %get3A_3216 = arith.constant 3 : index
    %get3A_3217 = memref.load %arg1[%get3A_3214, %get3A_3215, %get3A_3216] : memref<4x8x5xf32, #tpu.memory_space<smem>>
    %get3A_3218 = arith.constant 3 : index
    %get3A_3219 = arith.constant 2 : index
    %get3A_3220 = arith.constant 3 : index
    %get3A_3221 = memref.load %arg1[%get3A_3218, %get3A_3219, %get3A_3220] : memref<4x8x5xf32, #tpu.memory_space<smem>>
    %get3A_3222 = arith.constant 3 : index
    %get3A_3223 = arith.constant 3 : index
    %get3A_3224 = arith.constant 3 : index
    %get3A_3225 = memref.load %arg1[%get3A_3222, %get3A_3223, %get3A_3224] : memref<4x8x5xf32, #tpu.memory_space<smem>>
    %get3A_3226 = arith.constant 3 : index
    %get3A_3227 = arith.constant 4 : index
    %get3A_3228 = arith.constant 3 : index
    %get3A_3229 = memref.load %arg1[%get3A_3226, %get3A_3227, %get3A_3228] : memref<4x8x5xf32, #tpu.memory_space<smem>>
    %get3A_3230 = arith.constant 3 : index
    %get3A_3231 = arith.constant 5 : index
    %get3A_3232 = arith.constant 3 : index
    %get3A_3233 = memref.load %arg1[%get3A_3230, %get3A_3231, %get3A_3232] : memref<4x8x5xf32, #tpu.memory_space<smem>>
    %get3A_3234 = arith.constant 3 : index
    %get3A_3235 = arith.constant 6 : index
    %get3A_3236 = arith.constant 3 : index
    %get3A_3237 = memref.load %arg1[%get3A_3234, %get3A_3235, %get3A_3236] : memref<4x8x5xf32, #tpu.memory_space<smem>>
    %get3A_3238 = arith.constant 3 : index
    %get3A_3239 = arith.constant 7 : index
    %get3A_3240 = arith.constant 3 : index
    %get3A_3241 = memref.load %arg1[%get3A_3238, %get3A_3239, %get3A_3240] : memref<4x8x5xf32, #tpu.memory_space<smem>>
    %get3A_3242 = arith.constant 3 : index
    %get3A_3243 = arith.constant 0 : index
    %get3A_3244 = arith.constant 4 : index
    %get3A_3245 = memref.load %arg1[%get3A_3242, %get3A_3243, %get3A_3244] : memref<4x8x5xf32, #tpu.memory_space<smem>>
    %get3A_3246 = arith.constant 3 : index
    %get3A_3247 = arith.constant 1 : index
    %get3A_3248 = arith.constant 4 : index
    %get3A_3249 = memref.load %arg1[%get3A_3246, %get3A_3247, %get3A_3248] : memref<4x8x5xf32, #tpu.memory_space<smem>>
    %get3A_3250 = arith.constant 3 : index
    %get3A_3251 = arith.constant 2 : index
    %get3A_3252 = arith.constant 4 : index
    %get3A_3253 = memref.load %arg1[%get3A_3250, %get3A_3251, %get3A_3252] : memref<4x8x5xf32, #tpu.memory_space<smem>>
    %get3A_3254 = arith.constant 3 : index
    %get3A_3255 = arith.constant 3 : index
    %get3A_3256 = arith.constant 4 : index
    %get3A_3257 = memref.load %arg1[%get3A_3254, %get3A_3255, %get3A_3256] : memref<4x8x5xf32, #tpu.memory_space<smem>>
    %get3A_3258 = arith.constant 3 : index
    %get3A_3259 = arith.constant 4 : index
    %get3A_3260 = arith.constant 4 : index
    %get3A_3261 = memref.load %arg1[%get3A_3258, %get3A_3259, %get3A_3260] : memref<4x8x5xf32, #tpu.memory_space<smem>>
    %get3A_3262 = arith.constant 3 : index
    %get3A_3263 = arith.constant 5 : index
    %get3A_3264 = arith.constant 4 : index
    %get3A_3265 = memref.load %arg1[%get3A_3262, %get3A_3263, %get3A_3264] : memref<4x8x5xf32, #tpu.memory_space<smem>>
    %get3A_3266 = arith.constant 3 : index
    %get3A_3267 = arith.constant 6 : index
    %get3A_3268 = arith.constant 4 : index
    %get3A_3269 = memref.load %arg1[%get3A_3266, %get3A_3267, %get3A_3268] : memref<4x8x5xf32, #tpu.memory_space<smem>>
    %get3A_3270 = arith.constant 3 : index
    %get3A_3271 = arith.constant 7 : index
    %get3A_3272 = arith.constant 4 : index
    %get3A_3273 = memref.load %arg1[%get3A_3270, %get3A_3271, %get3A_3272] : memref<4x8x5xf32, #tpu.memory_space<smem>>
    %broadcast_in_dim3A_3274 = arith.constant -1.000000e+00 : f32
    %broadcast_in_dim3A_3275 = vector.broadcast %broadcast_in_dim3A_3274 : f32 to vector<8x1152xf32>
    %broadcast_in_dim3A_3276 = arith.constant 0 : i32
    %broadcast_in_dim3A_3277 = vector.broadcast %broadcast_in_dim3A_3276 : i32 to vector<8x1152xi32>
    %max3A_3278 = vector.broadcast %get3A_3117 : f32 to vector<8x1152xf32>
    %max3A_3279 = arith.maximumf %max3A_3278, %sub3A : vector<8x1152xf32>
    %max3A_3280 = vector.broadcast %get3A_3149 : f32 to vector<8x1152xf32>
    %max3A_3281 = arith.maximumf %max3A_3280, %sub3A_24 : vector<8x1152xf32>
    %min3A_3282 = vector.broadcast %get3A_3181 : f32 to vector<8x1152xf32>
    %min3A_3283 = arith.minimumf %min3A_3282, %add3A : vector<8x1152xf32>
    %min3A_3284 = vector.broadcast %get3A_3213 : f32 to vector<8x1152xf32>
    %min3A_3285 = arith.minimumf %min3A_3284, %add3A_31 : vector<8x1152xf32>
    %sub3A_3286 = arith.subf %min3A_3283, %max3A_3279 : vector<8x1152xf32>
    %max3A_3287 = arith.constant 0.000000e+00 : f32
    %max3A_3288 = vector.broadcast %max3A_3287 : f32 to vector<8x1152xf32>
    %max3A_3289 = arith.maximumf %sub3A_3286, %max3A_3288 : vector<8x1152xf32>
    %sub3A_3290 = arith.subf %min3A_3285, %max3A_3281 : vector<8x1152xf32>
    %max3A_3291 = arith.constant 0.000000e+00 : f32
    %max3A_3292 = vector.broadcast %max3A_3291 : f32 to vector<8x1152xf32>
    %max3A_3293 = arith.maximumf %sub3A_3290, %max3A_3292 : vector<8x1152xf32>
    %mul3A_3294 = arith.mulf %max3A_3289, %max3A_3293 : vector<8x1152xf32>
    %sub3A_3295 = arith.subf %get3A_3181, %get3A_3117 : f32
    %sub3A_3296 = arith.subf %get3A_3213, %get3A_3149 : f32
    %mul3A_3297 = arith.mulf %sub3A_3295, %sub3A_3296 : f32
    %add3A_3298 = vector.broadcast %mul3A_3297 : f32 to vector<8x1152xf32>
    %add3A_3299 = arith.addf %add3A_3298, %mul3A_34 : vector<8x1152xf32>
    %sub3A_3300 = arith.subf %add3A_3299, %mul3A_3294 : vector<8x1152xf32>
    %div3A_3301 = arith.divf %mul3A_3294, %sub3A_3300 : vector<8x1152xf32>
    %gt3A_3302 = arith.cmpf ogt, %div3A_3301, %broadcast_in_dim3A_3275 : vector<8x1152xf32>
    %jit3A_3303 = arith.constant 0 : i32
    %broadcast_in_dim3A_3304 = vector.broadcast %jit3A_3303 : i32 to vector<8x1152xi32>
    %select_n3A_3305 = arith.select %gt3A_3302, %broadcast_in_dim3A_3304, %broadcast_in_dim3A_3277 : vector<8x1152xi1>, vector<8x1152xi32>
    %select_n3A_3306 = arith.select %gt3A_3302, %div3A_3301, %broadcast_in_dim3A_3275 : vector<8x1152xi1>, vector<8x1152xf32>
    %reduce_max3A_3307 = vector.shape_cast %div3A_3301 : vector<8x1152xf32> to vector<1x8x1152xf32>
    %reduce_max3A_3308 = arith.constant dense<0xFF800000> : vector<1xf32>
    %reduce_max3A_3309 = vector.multi_reduction <maximumf>, %reduce_max3A_3307, %reduce_max3A_3308 [1, 2] : vector<1x8x1152xf32> to vector<1xf32>
    %reduce_max3A_3310 = vector.shape_cast %reduce_max3A_3309 : vector<1xf32> to vector<1x1x1xf32>
    %reduce_max3A_3311 = vector.extract %reduce_max3A_3310[0, 0, 0] : f32 from vector<1x1x1xf32>
    %eq3A_3312 = vector.broadcast %reduce_max3A_3311 : f32 to vector<8x1152xf32>
    %eq3A_3313 = arith.cmpf oeq, %div3A_3301, %eq3A_3312 : vector<8x1152xf32>
    %jit3A_3314 = arith.constant 9216 : i32
    %broadcast_in_dim3A_3315 = vector.broadcast %jit3A_3314 : i32 to vector<8x1152xi32>
    %select_n3A_3316 = arith.select %eq3A_3313, %add3A_39, %broadcast_in_dim3A_3315 : vector<8x1152xi1>, vector<8x1152xi32>
    %reduce_min3A_3317 = vector.shape_cast %select_n3A_3316 : vector<8x1152xi32> to vector<1x8x1152xi32>
    %reduce_min3A_3318 = arith.constant dense<2147483647> : vector<1xi32>
    %reduce_min3A_3319 = vector.multi_reduction <minsi>, %reduce_min3A_3317, %reduce_min3A_3318 [1, 2] : vector<1x8x1152xi32> to vector<1xi32>
    %reduce_min3A_3320 = vector.shape_cast %reduce_min3A_3319 : vector<1xi32> to vector<1x1x1xi32>
    %reduce_min3A_3321 = vector.extract %reduce_min3A_3320[0, 0, 0] : i32 from vector<1x1x1xi32>
    %max3A_3322 = vector.broadcast %get3A_3121 : f32 to vector<8x1152xf32>
    %max3A_3323 = arith.maximumf %max3A_3322, %sub3A : vector<8x1152xf32>
    %max3A_3324 = vector.broadcast %get3A_3153 : f32 to vector<8x1152xf32>
    %max3A_3325 = arith.maximumf %max3A_3324, %sub3A_24 : vector<8x1152xf32>
    %min3A_3326 = vector.broadcast %get3A_3185 : f32 to vector<8x1152xf32>
    %min3A_3327 = arith.minimumf %min3A_3326, %add3A : vector<8x1152xf32>
    %min3A_3328 = vector.broadcast %get3A_3217 : f32 to vector<8x1152xf32>
    %min3A_3329 = arith.minimumf %min3A_3328, %add3A_31 : vector<8x1152xf32>
    %sub3A_3330 = arith.subf %min3A_3327, %max3A_3323 : vector<8x1152xf32>
    %max3A_3331 = arith.constant 0.000000e+00 : f32
    %max3A_3332 = vector.broadcast %max3A_3331 : f32 to vector<8x1152xf32>
    %max3A_3333 = arith.maximumf %sub3A_3330, %max3A_3332 : vector<8x1152xf32>
    %sub3A_3334 = arith.subf %min3A_3329, %max3A_3325 : vector<8x1152xf32>
    %max3A_3335 = arith.constant 0.000000e+00 : f32
    %max3A_3336 = vector.broadcast %max3A_3335 : f32 to vector<8x1152xf32>
    %max3A_3337 = arith.maximumf %sub3A_3334, %max3A_3336 : vector<8x1152xf32>
    %mul3A_3338 = arith.mulf %max3A_3333, %max3A_3337 : vector<8x1152xf32>
    %sub3A_3339 = arith.subf %get3A_3185, %get3A_3121 : f32
    %sub3A_3340 = arith.subf %get3A_3217, %get3A_3153 : f32
    %mul3A_3341 = arith.mulf %sub3A_3339, %sub3A_3340 : f32
    %add3A_3342 = vector.broadcast %mul3A_3341 : f32 to vector<8x1152xf32>
    %add3A_3343 = arith.addf %add3A_3342, %mul3A_34 : vector<8x1152xf32>
    %sub3A_3344 = arith.subf %add3A_3343, %mul3A_3338 : vector<8x1152xf32>
    %div3A_3345 = arith.divf %mul3A_3338, %sub3A_3344 : vector<8x1152xf32>
    %gt3A_3346 = arith.cmpf ogt, %div3A_3345, %select_n3A_3306 : vector<8x1152xf32>
    %jit3A_3347 = arith.constant 1 : i32
    %broadcast_in_dim3A_3348 = vector.broadcast %jit3A_3347 : i32 to vector<8x1152xi32>
    %select_n3A_3349 = arith.select %gt3A_3346, %broadcast_in_dim3A_3348, %select_n3A_3305 : vector<8x1152xi1>, vector<8x1152xi32>
    %select_n3A_3350 = arith.select %gt3A_3346, %div3A_3345, %select_n3A_3306 : vector<8x1152xi1>, vector<8x1152xf32>
    %reduce_max3A_3351 = vector.shape_cast %div3A_3345 : vector<8x1152xf32> to vector<1x8x1152xf32>
    %reduce_max3A_3352 = arith.constant dense<0xFF800000> : vector<1xf32>
    %reduce_max3A_3353 = vector.multi_reduction <maximumf>, %reduce_max3A_3351, %reduce_max3A_3352 [1, 2] : vector<1x8x1152xf32> to vector<1xf32>
    %reduce_max3A_3354 = vector.shape_cast %reduce_max3A_3353 : vector<1xf32> to vector<1x1x1xf32>
    %reduce_max3A_3355 = vector.extract %reduce_max3A_3354[0, 0, 0] : f32 from vector<1x1x1xf32>
    %eq3A_3356 = vector.broadcast %reduce_max3A_3355 : f32 to vector<8x1152xf32>
    %eq3A_3357 = arith.cmpf oeq, %div3A_3345, %eq3A_3356 : vector<8x1152xf32>
    %jit3A_3358 = arith.constant 9216 : i32
    %broadcast_in_dim3A_3359 = vector.broadcast %jit3A_3358 : i32 to vector<8x1152xi32>
    %select_n3A_3360 = arith.select %eq3A_3357, %add3A_39, %broadcast_in_dim3A_3359 : vector<8x1152xi1>, vector<8x1152xi32>
    %reduce_min3A_3361 = vector.shape_cast %select_n3A_3360 : vector<8x1152xi32> to vector<1x8x1152xi32>
    %reduce_min3A_3362 = arith.constant dense<2147483647> : vector<1xi32>
    %reduce_min3A_3363 = vector.multi_reduction <minsi>, %reduce_min3A_3361, %reduce_min3A_3362 [1, 2] : vector<1x8x1152xi32> to vector<1xi32>
    %reduce_min3A_3364 = vector.shape_cast %reduce_min3A_3363 : vector<1xi32> to vector<1x1x1xi32>
    %reduce_min3A_3365 = vector.extract %reduce_min3A_3364[0, 0, 0] : i32 from vector<1x1x1xi32>
    %max3A_3366 = vector.broadcast %get3A_3125 : f32 to vector<8x1152xf32>
    %max3A_3367 = arith.maximumf %max3A_3366, %sub3A : vector<8x1152xf32>
    %max3A_3368 = vector.broadcast %get3A_3157 : f32 to vector<8x1152xf32>
    %max3A_3369 = arith.maximumf %max3A_3368, %sub3A_24 : vector<8x1152xf32>
    %min3A_3370 = vector.broadcast %get3A_3189 : f32 to vector<8x1152xf32>
    %min3A_3371 = arith.minimumf %min3A_3370, %add3A : vector<8x1152xf32>
    %min3A_3372 = vector.broadcast %get3A_3221 : f32 to vector<8x1152xf32>
    %min3A_3373 = arith.minimumf %min3A_3372, %add3A_31 : vector<8x1152xf32>
    %sub3A_3374 = arith.subf %min3A_3371, %max3A_3367 : vector<8x1152xf32>
    %max3A_3375 = arith.constant 0.000000e+00 : f32
    %max3A_3376 = vector.broadcast %max3A_3375 : f32 to vector<8x1152xf32>
    %max3A_3377 = arith.maximumf %sub3A_3374, %max3A_3376 : vector<8x1152xf32>
    %sub3A_3378 = arith.subf %min3A_3373, %max3A_3369 : vector<8x1152xf32>
    %max3A_3379 = arith.constant 0.000000e+00 : f32
    %max3A_3380 = vector.broadcast %max3A_3379 : f32 to vector<8x1152xf32>
    %max3A_3381 = arith.maximumf %sub3A_3378, %max3A_3380 : vector<8x1152xf32>
    %mul3A_3382 = arith.mulf %max3A_3377, %max3A_3381 : vector<8x1152xf32>
    %sub3A_3383 = arith.subf %get3A_3189, %get3A_3125 : f32
    %sub3A_3384 = arith.subf %get3A_3221, %get3A_3157 : f32
    %mul3A_3385 = arith.mulf %sub3A_3383, %sub3A_3384 : f32
    %add3A_3386 = vector.broadcast %mul3A_3385 : f32 to vector<8x1152xf32>
    %add3A_3387 = arith.addf %add3A_3386, %mul3A_34 : vector<8x1152xf32>
    %sub3A_3388 = arith.subf %add3A_3387, %mul3A_3382 : vector<8x1152xf32>
    %div3A_3389 = arith.divf %mul3A_3382, %sub3A_3388 : vector<8x1152xf32>
    %gt3A_3390 = arith.cmpf ogt, %div3A_3389, %select_n3A_3350 : vector<8x1152xf32>
    %jit3A_3391 = arith.constant 2 : i32
    %broadcast_in_dim3A_3392 = vector.broadcast %jit3A_3391 : i32 to vector<8x1152xi32>
    %select_n3A_3393 = arith.select %gt3A_3390, %broadcast_in_dim3A_3392, %select_n3A_3349 : vector<8x1152xi1>, vector<8x1152xi32>
    %select_n3A_3394 = arith.select %gt3A_3390, %div3A_3389, %select_n3A_3350 : vector<8x1152xi1>, vector<8x1152xf32>
    %reduce_max3A_3395 = vector.shape_cast %div3A_3389 : vector<8x1152xf32> to vector<1x8x1152xf32>
    %reduce_max3A_3396 = arith.constant dense<0xFF800000> : vector<1xf32>
    %reduce_max3A_3397 = vector.multi_reduction <maximumf>, %reduce_max3A_3395, %reduce_max3A_3396 [1, 2] : vector<1x8x1152xf32> to vector<1xf32>
    %reduce_max3A_3398 = vector.shape_cast %reduce_max3A_3397 : vector<1xf32> to vector<1x1x1xf32>
    %reduce_max3A_3399 = vector.extract %reduce_max3A_3398[0, 0, 0] : f32 from vector<1x1x1xf32>
    %eq3A_3400 = vector.broadcast %reduce_max3A_3399 : f32 to vector<8x1152xf32>
    %eq3A_3401 = arith.cmpf oeq, %div3A_3389, %eq3A_3400 : vector<8x1152xf32>
    %jit3A_3402 = arith.constant 9216 : i32
    %broadcast_in_dim3A_3403 = vector.broadcast %jit3A_3402 : i32 to vector<8x1152xi32>
    %select_n3A_3404 = arith.select %eq3A_3401, %add3A_39, %broadcast_in_dim3A_3403 : vector<8x1152xi1>, vector<8x1152xi32>
    %reduce_min3A_3405 = vector.shape_cast %select_n3A_3404 : vector<8x1152xi32> to vector<1x8x1152xi32>
    %reduce_min3A_3406 = arith.constant dense<2147483647> : vector<1xi32>
    %reduce_min3A_3407 = vector.multi_reduction <minsi>, %reduce_min3A_3405, %reduce_min3A_3406 [1, 2] : vector<1x8x1152xi32> to vector<1xi32>
    %reduce_min3A_3408 = vector.shape_cast %reduce_min3A_3407 : vector<1xi32> to vector<1x1x1xi32>
    %reduce_min3A_3409 = vector.extract %reduce_min3A_3408[0, 0, 0] : i32 from vector<1x1x1xi32>
    %max3A_3410 = vector.broadcast %get3A_3129 : f32 to vector<8x1152xf32>
    %max3A_3411 = arith.maximumf %max3A_3410, %sub3A : vector<8x1152xf32>
    %max3A_3412 = vector.broadcast %get3A_3161 : f32 to vector<8x1152xf32>
    %max3A_3413 = arith.maximumf %max3A_3412, %sub3A_24 : vector<8x1152xf32>
    %min3A_3414 = vector.broadcast %get3A_3193 : f32 to vector<8x1152xf32>
    %min3A_3415 = arith.minimumf %min3A_3414, %add3A : vector<8x1152xf32>
    %min3A_3416 = vector.broadcast %get3A_3225 : f32 to vector<8x1152xf32>
    %min3A_3417 = arith.minimumf %min3A_3416, %add3A_31 : vector<8x1152xf32>
    %sub3A_3418 = arith.subf %min3A_3415, %max3A_3411 : vector<8x1152xf32>
    %max3A_3419 = arith.constant 0.000000e+00 : f32
    %max3A_3420 = vector.broadcast %max3A_3419 : f32 to vector<8x1152xf32>
    %max3A_3421 = arith.maximumf %sub3A_3418, %max3A_3420 : vector<8x1152xf32>
    %sub3A_3422 = arith.subf %min3A_3417, %max3A_3413 : vector<8x1152xf32>
    %max3A_3423 = arith.constant 0.000000e+00 : f32
    %max3A_3424 = vector.broadcast %max3A_3423 : f32 to vector<8x1152xf32>
    %max3A_3425 = arith.maximumf %sub3A_3422, %max3A_3424 : vector<8x1152xf32>
    %mul3A_3426 = arith.mulf %max3A_3421, %max3A_3425 : vector<8x1152xf32>
    %sub3A_3427 = arith.subf %get3A_3193, %get3A_3129 : f32
    %sub3A_3428 = arith.subf %get3A_3225, %get3A_3161 : f32
    %mul3A_3429 = arith.mulf %sub3A_3427, %sub3A_3428 : f32
    %add3A_3430 = vector.broadcast %mul3A_3429 : f32 to vector<8x1152xf32>
    %add3A_3431 = arith.addf %add3A_3430, %mul3A_34 : vector<8x1152xf32>
    %sub3A_3432 = arith.subf %add3A_3431, %mul3A_3426 : vector<8x1152xf32>
    %div3A_3433 = arith.divf %mul3A_3426, %sub3A_3432 : vector<8x1152xf32>
    %gt3A_3434 = arith.cmpf ogt, %div3A_3433, %select_n3A_3394 : vector<8x1152xf32>
    %jit3A_3435 = arith.constant 3 : i32
    %broadcast_in_dim3A_3436 = vector.broadcast %jit3A_3435 : i32 to vector<8x1152xi32>
    %select_n3A_3437 = arith.select %gt3A_3434, %broadcast_in_dim3A_3436, %select_n3A_3393 : vector<8x1152xi1>, vector<8x1152xi32>
    %select_n3A_3438 = arith.select %gt3A_3434, %div3A_3433, %select_n3A_3394 : vector<8x1152xi1>, vector<8x1152xf32>
    %reduce_max3A_3439 = vector.shape_cast %div3A_3433 : vector<8x1152xf32> to vector<1x8x1152xf32>
    %reduce_max3A_3440 = arith.constant dense<0xFF800000> : vector<1xf32>
    %reduce_max3A_3441 = vector.multi_reduction <maximumf>, %reduce_max3A_3439, %reduce_max3A_3440 [1, 2] : vector<1x8x1152xf32> to vector<1xf32>
    %reduce_max3A_3442 = vector.shape_cast %reduce_max3A_3441 : vector<1xf32> to vector<1x1x1xf32>
    %reduce_max3A_3443 = vector.extract %reduce_max3A_3442[0, 0, 0] : f32 from vector<1x1x1xf32>
    %eq3A_3444 = vector.broadcast %reduce_max3A_3443 : f32 to vector<8x1152xf32>
    %eq3A_3445 = arith.cmpf oeq, %div3A_3433, %eq3A_3444 : vector<8x1152xf32>
    %jit3A_3446 = arith.constant 9216 : i32
    %broadcast_in_dim3A_3447 = vector.broadcast %jit3A_3446 : i32 to vector<8x1152xi32>
    %select_n3A_3448 = arith.select %eq3A_3445, %add3A_39, %broadcast_in_dim3A_3447 : vector<8x1152xi1>, vector<8x1152xi32>
    %reduce_min3A_3449 = vector.shape_cast %select_n3A_3448 : vector<8x1152xi32> to vector<1x8x1152xi32>
    %reduce_min3A_3450 = arith.constant dense<2147483647> : vector<1xi32>
    %reduce_min3A_3451 = vector.multi_reduction <minsi>, %reduce_min3A_3449, %reduce_min3A_3450 [1, 2] : vector<1x8x1152xi32> to vector<1xi32>
    %reduce_min3A_3452 = vector.shape_cast %reduce_min3A_3451 : vector<1xi32> to vector<1x1x1xi32>
    %reduce_min3A_3453 = vector.extract %reduce_min3A_3452[0, 0, 0] : i32 from vector<1x1x1xi32>
    %max3A_3454 = vector.broadcast %get3A_3133 : f32 to vector<8x1152xf32>
    %max3A_3455 = arith.maximumf %max3A_3454, %sub3A : vector<8x1152xf32>
    %max3A_3456 = vector.broadcast %get3A_3165 : f32 to vector<8x1152xf32>
    %max3A_3457 = arith.maximumf %max3A_3456, %sub3A_24 : vector<8x1152xf32>
    %min3A_3458 = vector.broadcast %get3A_3197 : f32 to vector<8x1152xf32>
    %min3A_3459 = arith.minimumf %min3A_3458, %add3A : vector<8x1152xf32>
    %min3A_3460 = vector.broadcast %get3A_3229 : f32 to vector<8x1152xf32>
    %min3A_3461 = arith.minimumf %min3A_3460, %add3A_31 : vector<8x1152xf32>
    %sub3A_3462 = arith.subf %min3A_3459, %max3A_3455 : vector<8x1152xf32>
    %max3A_3463 = arith.constant 0.000000e+00 : f32
    %max3A_3464 = vector.broadcast %max3A_3463 : f32 to vector<8x1152xf32>
    %max3A_3465 = arith.maximumf %sub3A_3462, %max3A_3464 : vector<8x1152xf32>
    %sub3A_3466 = arith.subf %min3A_3461, %max3A_3457 : vector<8x1152xf32>
    %max3A_3467 = arith.constant 0.000000e+00 : f32
    %max3A_3468 = vector.broadcast %max3A_3467 : f32 to vector<8x1152xf32>
    %max3A_3469 = arith.maximumf %sub3A_3466, %max3A_3468 : vector<8x1152xf32>
    %mul3A_3470 = arith.mulf %max3A_3465, %max3A_3469 : vector<8x1152xf32>
    %sub3A_3471 = arith.subf %get3A_3197, %get3A_3133 : f32
    %sub3A_3472 = arith.subf %get3A_3229, %get3A_3165 : f32
    %mul3A_3473 = arith.mulf %sub3A_3471, %sub3A_3472 : f32
    %add3A_3474 = vector.broadcast %mul3A_3473 : f32 to vector<8x1152xf32>
    %add3A_3475 = arith.addf %add3A_3474, %mul3A_34 : vector<8x1152xf32>
    %sub3A_3476 = arith.subf %add3A_3475, %mul3A_3470 : vector<8x1152xf32>
    %div3A_3477 = arith.divf %mul3A_3470, %sub3A_3476 : vector<8x1152xf32>
    %gt3A_3478 = arith.cmpf ogt, %div3A_3477, %select_n3A_3438 : vector<8x1152xf32>
    %jit3A_3479 = arith.constant 4 : i32
    %broadcast_in_dim3A_3480 = vector.broadcast %jit3A_3479 : i32 to vector<8x1152xi32>
    %select_n3A_3481 = arith.select %gt3A_3478, %broadcast_in_dim3A_3480, %select_n3A_3437 : vector<8x1152xi1>, vector<8x1152xi32>
    %select_n3A_3482 = arith.select %gt3A_3478, %div3A_3477, %select_n3A_3438 : vector<8x1152xi1>, vector<8x1152xf32>
    %reduce_max3A_3483 = vector.shape_cast %div3A_3477 : vector<8x1152xf32> to vector<1x8x1152xf32>
    %reduce_max3A_3484 = arith.constant dense<0xFF800000> : vector<1xf32>
    %reduce_max3A_3485 = vector.multi_reduction <maximumf>, %reduce_max3A_3483, %reduce_max3A_3484 [1, 2] : vector<1x8x1152xf32> to vector<1xf32>
    %reduce_max3A_3486 = vector.shape_cast %reduce_max3A_3485 : vector<1xf32> to vector<1x1x1xf32>
    %reduce_max3A_3487 = vector.extract %reduce_max3A_3486[0, 0, 0] : f32 from vector<1x1x1xf32>
    %eq3A_3488 = vector.broadcast %reduce_max3A_3487 : f32 to vector<8x1152xf32>
    %eq3A_3489 = arith.cmpf oeq, %div3A_3477, %eq3A_3488 : vector<8x1152xf32>
    %jit3A_3490 = arith.constant 9216 : i32
    %broadcast_in_dim3A_3491 = vector.broadcast %jit3A_3490 : i32 to vector<8x1152xi32>
    %select_n3A_3492 = arith.select %eq3A_3489, %add3A_39, %broadcast_in_dim3A_3491 : vector<8x1152xi1>, vector<8x1152xi32>
    %reduce_min3A_3493 = vector.shape_cast %select_n3A_3492 : vector<8x1152xi32> to vector<1x8x1152xi32>
    %reduce_min3A_3494 = arith.constant dense<2147483647> : vector<1xi32>
    %reduce_min3A_3495 = vector.multi_reduction <minsi>, %reduce_min3A_3493, %reduce_min3A_3494 [1, 2] : vector<1x8x1152xi32> to vector<1xi32>
    %reduce_min3A_3496 = vector.shape_cast %reduce_min3A_3495 : vector<1xi32> to vector<1x1x1xi32>
    %reduce_min3A_3497 = vector.extract %reduce_min3A_3496[0, 0, 0] : i32 from vector<1x1x1xi32>
    %max3A_3498 = vector.broadcast %get3A_3137 : f32 to vector<8x1152xf32>
    %max3A_3499 = arith.maximumf %max3A_3498, %sub3A : vector<8x1152xf32>
    %max3A_3500 = vector.broadcast %get3A_3169 : f32 to vector<8x1152xf32>
    %max3A_3501 = arith.maximumf %max3A_3500, %sub3A_24 : vector<8x1152xf32>
    %min3A_3502 = vector.broadcast %get3A_3201 : f32 to vector<8x1152xf32>
    %min3A_3503 = arith.minimumf %min3A_3502, %add3A : vector<8x1152xf32>
    %min3A_3504 = vector.broadcast %get3A_3233 : f32 to vector<8x1152xf32>
    %min3A_3505 = arith.minimumf %min3A_3504, %add3A_31 : vector<8x1152xf32>
    %sub3A_3506 = arith.subf %min3A_3503, %max3A_3499 : vector<8x1152xf32>
    %max3A_3507 = arith.constant 0.000000e+00 : f32
    %max3A_3508 = vector.broadcast %max3A_3507 : f32 to vector<8x1152xf32>
    %max3A_3509 = arith.maximumf %sub3A_3506, %max3A_3508 : vector<8x1152xf32>
    %sub3A_3510 = arith.subf %min3A_3505, %max3A_3501 : vector<8x1152xf32>
    %max3A_3511 = arith.constant 0.000000e+00 : f32
    %max3A_3512 = vector.broadcast %max3A_3511 : f32 to vector<8x1152xf32>
    %max3A_3513 = arith.maximumf %sub3A_3510, %max3A_3512 : vector<8x1152xf32>
    %mul3A_3514 = arith.mulf %max3A_3509, %max3A_3513 : vector<8x1152xf32>
    %sub3A_3515 = arith.subf %get3A_3201, %get3A_3137 : f32
    %sub3A_3516 = arith.subf %get3A_3233, %get3A_3169 : f32
    %mul3A_3517 = arith.mulf %sub3A_3515, %sub3A_3516 : f32
    %add3A_3518 = vector.broadcast %mul3A_3517 : f32 to vector<8x1152xf32>
    %add3A_3519 = arith.addf %add3A_3518, %mul3A_34 : vector<8x1152xf32>
    %sub3A_3520 = arith.subf %add3A_3519, %mul3A_3514 : vector<8x1152xf32>
    %div3A_3521 = arith.divf %mul3A_3514, %sub3A_3520 : vector<8x1152xf32>
    %gt3A_3522 = arith.cmpf ogt, %div3A_3521, %select_n3A_3482 : vector<8x1152xf32>
    %jit3A_3523 = arith.constant 5 : i32
    %broadcast_in_dim3A_3524 = vector.broadcast %jit3A_3523 : i32 to vector<8x1152xi32>
    %select_n3A_3525 = arith.select %gt3A_3522, %broadcast_in_dim3A_3524, %select_n3A_3481 : vector<8x1152xi1>, vector<8x1152xi32>
    %select_n3A_3526 = arith.select %gt3A_3522, %div3A_3521, %select_n3A_3482 : vector<8x1152xi1>, vector<8x1152xf32>
    %reduce_max3A_3527 = vector.shape_cast %div3A_3521 : vector<8x1152xf32> to vector<1x8x1152xf32>
    %reduce_max3A_3528 = arith.constant dense<0xFF800000> : vector<1xf32>
    %reduce_max3A_3529 = vector.multi_reduction <maximumf>, %reduce_max3A_3527, %reduce_max3A_3528 [1, 2] : vector<1x8x1152xf32> to vector<1xf32>
    %reduce_max3A_3530 = vector.shape_cast %reduce_max3A_3529 : vector<1xf32> to vector<1x1x1xf32>
    %reduce_max3A_3531 = vector.extract %reduce_max3A_3530[0, 0, 0] : f32 from vector<1x1x1xf32>
    %eq3A_3532 = vector.broadcast %reduce_max3A_3531 : f32 to vector<8x1152xf32>
    %eq3A_3533 = arith.cmpf oeq, %div3A_3521, %eq3A_3532 : vector<8x1152xf32>
    %jit3A_3534 = arith.constant 9216 : i32
    %broadcast_in_dim3A_3535 = vector.broadcast %jit3A_3534 : i32 to vector<8x1152xi32>
    %select_n3A_3536 = arith.select %eq3A_3533, %add3A_39, %broadcast_in_dim3A_3535 : vector<8x1152xi1>, vector<8x1152xi32>
    %reduce_min3A_3537 = vector.shape_cast %select_n3A_3536 : vector<8x1152xi32> to vector<1x8x1152xi32>
    %reduce_min3A_3538 = arith.constant dense<2147483647> : vector<1xi32>
    %reduce_min3A_3539 = vector.multi_reduction <minsi>, %reduce_min3A_3537, %reduce_min3A_3538 [1, 2] : vector<1x8x1152xi32> to vector<1xi32>
    %reduce_min3A_3540 = vector.shape_cast %reduce_min3A_3539 : vector<1xi32> to vector<1x1x1xi32>
    %reduce_min3A_3541 = vector.extract %reduce_min3A_3540[0, 0, 0] : i32 from vector<1x1x1xi32>
    %max3A_3542 = vector.broadcast %get3A_3141 : f32 to vector<8x1152xf32>
    %max3A_3543 = arith.maximumf %max3A_3542, %sub3A : vector<8x1152xf32>
    %max3A_3544 = vector.broadcast %get3A_3173 : f32 to vector<8x1152xf32>
    %max3A_3545 = arith.maximumf %max3A_3544, %sub3A_24 : vector<8x1152xf32>
    %min3A_3546 = vector.broadcast %get3A_3205 : f32 to vector<8x1152xf32>
    %min3A_3547 = arith.minimumf %min3A_3546, %add3A : vector<8x1152xf32>
    %min3A_3548 = vector.broadcast %get3A_3237 : f32 to vector<8x1152xf32>
    %min3A_3549 = arith.minimumf %min3A_3548, %add3A_31 : vector<8x1152xf32>
    %sub3A_3550 = arith.subf %min3A_3547, %max3A_3543 : vector<8x1152xf32>
    %max3A_3551 = arith.constant 0.000000e+00 : f32
    %max3A_3552 = vector.broadcast %max3A_3551 : f32 to vector<8x1152xf32>
    %max3A_3553 = arith.maximumf %sub3A_3550, %max3A_3552 : vector<8x1152xf32>
    %sub3A_3554 = arith.subf %min3A_3549, %max3A_3545 : vector<8x1152xf32>
    %max3A_3555 = arith.constant 0.000000e+00 : f32
    %max3A_3556 = vector.broadcast %max3A_3555 : f32 to vector<8x1152xf32>
    %max3A_3557 = arith.maximumf %sub3A_3554, %max3A_3556 : vector<8x1152xf32>
    %mul3A_3558 = arith.mulf %max3A_3553, %max3A_3557 : vector<8x1152xf32>
    %sub3A_3559 = arith.subf %get3A_3205, %get3A_3141 : f32
    %sub3A_3560 = arith.subf %get3A_3237, %get3A_3173 : f32
    %mul3A_3561 = arith.mulf %sub3A_3559, %sub3A_3560 : f32
    %add3A_3562 = vector.broadcast %mul3A_3561 : f32 to vector<8x1152xf32>
    %add3A_3563 = arith.addf %add3A_3562, %mul3A_34 : vector<8x1152xf32>
    %sub3A_3564 = arith.subf %add3A_3563, %mul3A_3558 : vector<8x1152xf32>
    %div3A_3565 = arith.divf %mul3A_3558, %sub3A_3564 : vector<8x1152xf32>
    %gt3A_3566 = arith.cmpf ogt, %div3A_3565, %select_n3A_3526 : vector<8x1152xf32>
    %jit3A_3567 = arith.constant 6 : i32
    %broadcast_in_dim3A_3568 = vector.broadcast %jit3A_3567 : i32 to vector<8x1152xi32>
    %select_n3A_3569 = arith.select %gt3A_3566, %broadcast_in_dim3A_3568, %select_n3A_3525 : vector<8x1152xi1>, vector<8x1152xi32>
    %select_n3A_3570 = arith.select %gt3A_3566, %div3A_3565, %select_n3A_3526 : vector<8x1152xi1>, vector<8x1152xf32>
    %reduce_max3A_3571 = vector.shape_cast %div3A_3565 : vector<8x1152xf32> to vector<1x8x1152xf32>
    %reduce_max3A_3572 = arith.constant dense<0xFF800000> : vector<1xf32>
    %reduce_max3A_3573 = vector.multi_reduction <maximumf>, %reduce_max3A_3571, %reduce_max3A_3572 [1, 2] : vector<1x8x1152xf32> to vector<1xf32>
    %reduce_max3A_3574 = vector.shape_cast %reduce_max3A_3573 : vector<1xf32> to vector<1x1x1xf32>
    %reduce_max3A_3575 = vector.extract %reduce_max3A_3574[0, 0, 0] : f32 from vector<1x1x1xf32>
    %eq3A_3576 = vector.broadcast %reduce_max3A_3575 : f32 to vector<8x1152xf32>
    %eq3A_3577 = arith.cmpf oeq, %div3A_3565, %eq3A_3576 : vector<8x1152xf32>
    %jit3A_3578 = arith.constant 9216 : i32
    %broadcast_in_dim3A_3579 = vector.broadcast %jit3A_3578 : i32 to vector<8x1152xi32>
    %select_n3A_3580 = arith.select %eq3A_3577, %add3A_39, %broadcast_in_dim3A_3579 : vector<8x1152xi1>, vector<8x1152xi32>
    %reduce_min3A_3581 = vector.shape_cast %select_n3A_3580 : vector<8x1152xi32> to vector<1x8x1152xi32>
    %reduce_min3A_3582 = arith.constant dense<2147483647> : vector<1xi32>
    %reduce_min3A_3583 = vector.multi_reduction <minsi>, %reduce_min3A_3581, %reduce_min3A_3582 [1, 2] : vector<1x8x1152xi32> to vector<1xi32>
    %reduce_min3A_3584 = vector.shape_cast %reduce_min3A_3583 : vector<1xi32> to vector<1x1x1xi32>
    %reduce_min3A_3585 = vector.extract %reduce_min3A_3584[0, 0, 0] : i32 from vector<1x1x1xi32>
    %max3A_3586 = vector.broadcast %get3A_3145 : f32 to vector<8x1152xf32>
    %max3A_3587 = arith.maximumf %max3A_3586, %sub3A : vector<8x1152xf32>
    %max3A_3588 = vector.broadcast %get3A_3177 : f32 to vector<8x1152xf32>
    %max3A_3589 = arith.maximumf %max3A_3588, %sub3A_24 : vector<8x1152xf32>
    %min3A_3590 = vector.broadcast %get3A_3209 : f32 to vector<8x1152xf32>
    %min3A_3591 = arith.minimumf %min3A_3590, %add3A : vector<8x1152xf32>
    %min3A_3592 = vector.broadcast %get3A_3241 : f32 to vector<8x1152xf32>
    %min3A_3593 = arith.minimumf %min3A_3592, %add3A_31 : vector<8x1152xf32>
    %sub3A_3594 = arith.subf %min3A_3591, %max3A_3587 : vector<8x1152xf32>
    %max3A_3595 = arith.constant 0.000000e+00 : f32
    %max3A_3596 = vector.broadcast %max3A_3595 : f32 to vector<8x1152xf32>
    %max3A_3597 = arith.maximumf %sub3A_3594, %max3A_3596 : vector<8x1152xf32>
    %sub3A_3598 = arith.subf %min3A_3593, %max3A_3589 : vector<8x1152xf32>
    %max3A_3599 = arith.constant 0.000000e+00 : f32
    %max3A_3600 = vector.broadcast %max3A_3599 : f32 to vector<8x1152xf32>
    %max3A_3601 = arith.maximumf %sub3A_3598, %max3A_3600 : vector<8x1152xf32>
    %mul3A_3602 = arith.mulf %max3A_3597, %max3A_3601 : vector<8x1152xf32>
    %sub3A_3603 = arith.subf %get3A_3209, %get3A_3145 : f32
    %sub3A_3604 = arith.subf %get3A_3241, %get3A_3177 : f32
    %mul3A_3605 = arith.mulf %sub3A_3603, %sub3A_3604 : f32
    %add3A_3606 = vector.broadcast %mul3A_3605 : f32 to vector<8x1152xf32>
    %add3A_3607 = arith.addf %add3A_3606, %mul3A_34 : vector<8x1152xf32>
    %sub3A_3608 = arith.subf %add3A_3607, %mul3A_3602 : vector<8x1152xf32>
    %div3A_3609 = arith.divf %mul3A_3602, %sub3A_3608 : vector<8x1152xf32>
    %gt3A_3610 = arith.cmpf ogt, %div3A_3609, %select_n3A_3570 : vector<8x1152xf32>
    %jit3A_3611 = arith.constant 7 : i32
    %broadcast_in_dim3A_3612 = vector.broadcast %jit3A_3611 : i32 to vector<8x1152xi32>
    %select_n3A_3613 = arith.select %gt3A_3610, %broadcast_in_dim3A_3612, %select_n3A_3569 : vector<8x1152xi1>, vector<8x1152xi32>
    %select_n3A_3614 = arith.select %gt3A_3610, %div3A_3609, %select_n3A_3570 : vector<8x1152xi1>, vector<8x1152xf32>
    %reduce_max3A_3615 = vector.shape_cast %div3A_3609 : vector<8x1152xf32> to vector<1x8x1152xf32>
    %reduce_max3A_3616 = arith.constant dense<0xFF800000> : vector<1xf32>
    %reduce_max3A_3617 = vector.multi_reduction <maximumf>, %reduce_max3A_3615, %reduce_max3A_3616 [1, 2] : vector<1x8x1152xf32> to vector<1xf32>
    %reduce_max3A_3618 = vector.shape_cast %reduce_max3A_3617 : vector<1xf32> to vector<1x1x1xf32>
    %reduce_max3A_3619 = vector.extract %reduce_max3A_3618[0, 0, 0] : f32 from vector<1x1x1xf32>
    %eq3A_3620 = vector.broadcast %reduce_max3A_3619 : f32 to vector<8x1152xf32>
    %eq3A_3621 = arith.cmpf oeq, %div3A_3609, %eq3A_3620 : vector<8x1152xf32>
    %jit3A_3622 = arith.constant 9216 : i32
    %broadcast_in_dim3A_3623 = vector.broadcast %jit3A_3622 : i32 to vector<8x1152xi32>
    %select_n3A_3624 = arith.select %eq3A_3621, %add3A_39, %broadcast_in_dim3A_3623 : vector<8x1152xi1>, vector<8x1152xi32>
    %reduce_min3A_3625 = vector.shape_cast %select_n3A_3624 : vector<8x1152xi32> to vector<1x8x1152xi32>
    %reduce_min3A_3626 = arith.constant dense<2147483647> : vector<1xi32>
    %reduce_min3A_3627 = vector.multi_reduction <minsi>, %reduce_min3A_3625, %reduce_min3A_3626 [1, 2] : vector<1x8x1152xi32> to vector<1xi32>
    %reduce_min3A_3628 = vector.shape_cast %reduce_min3A_3627 : vector<1xi32> to vector<1x1x1xi32>
    %reduce_min3A_3629 = vector.extract %reduce_min3A_3628[0, 0, 0] : i32 from vector<1x1x1xi32>
    %eq3A_3630 = vector.broadcast %reduce_min3A_3321 : i32 to vector<8x1152xi32>
    %eq3A_3631 = arith.cmpi eq, %add3A_39, %eq3A_3630 : vector<8x1152xi32>
    %jit3A_3632 = arith.constant 2.000000e+00 : f32
    %broadcast_in_dim3A_3633 = vector.broadcast %jit3A_3632 : f32 to vector<8x1152xf32>
    %select_n3A_3634 = arith.select %eq3A_3631, %broadcast_in_dim3A_3633, %select_n3A_3614 : vector<8x1152xi1>, vector<8x1152xf32>
    %jit3A_3635 = arith.constant 0 : i32
    %broadcast_in_dim3A_3636 = vector.broadcast %jit3A_3635 : i32 to vector<8x1152xi32>
    %select_n3A_3637 = arith.select %eq3A_3631, %broadcast_in_dim3A_3636, %select_n3A_3613 : vector<8x1152xi1>, vector<8x1152xi32>
    %eq3A_3638 = vector.broadcast %reduce_min3A_3365 : i32 to vector<8x1152xi32>
    %eq3A_3639 = arith.cmpi eq, %add3A_39, %eq3A_3638 : vector<8x1152xi32>
    %jit3A_3640 = arith.constant 2.000000e+00 : f32
    %broadcast_in_dim3A_3641 = vector.broadcast %jit3A_3640 : f32 to vector<8x1152xf32>
    %select_n3A_3642 = arith.select %eq3A_3639, %broadcast_in_dim3A_3641, %select_n3A_3634 : vector<8x1152xi1>, vector<8x1152xf32>
    %jit3A_3643 = arith.constant 1 : i32
    %broadcast_in_dim3A_3644 = vector.broadcast %jit3A_3643 : i32 to vector<8x1152xi32>
    %select_n3A_3645 = arith.select %eq3A_3639, %broadcast_in_dim3A_3644, %select_n3A_3637 : vector<8x1152xi1>, vector<8x1152xi32>
    %eq3A_3646 = vector.broadcast %reduce_min3A_3409 : i32 to vector<8x1152xi32>
    %eq3A_3647 = arith.cmpi eq, %add3A_39, %eq3A_3646 : vector<8x1152xi32>
    %jit3A_3648 = arith.constant 2.000000e+00 : f32
    %broadcast_in_dim3A_3649 = vector.broadcast %jit3A_3648 : f32 to vector<8x1152xf32>
    %select_n3A_3650 = arith.select %eq3A_3647, %broadcast_in_dim3A_3649, %select_n3A_3642 : vector<8x1152xi1>, vector<8x1152xf32>
    %jit3A_3651 = arith.constant 2 : i32
    %broadcast_in_dim3A_3652 = vector.broadcast %jit3A_3651 : i32 to vector<8x1152xi32>
    %select_n3A_3653 = arith.select %eq3A_3647, %broadcast_in_dim3A_3652, %select_n3A_3645 : vector<8x1152xi1>, vector<8x1152xi32>
    %eq3A_3654 = vector.broadcast %reduce_min3A_3453 : i32 to vector<8x1152xi32>
    %eq3A_3655 = arith.cmpi eq, %add3A_39, %eq3A_3654 : vector<8x1152xi32>
    %jit3A_3656 = arith.constant 2.000000e+00 : f32
    %broadcast_in_dim3A_3657 = vector.broadcast %jit3A_3656 : f32 to vector<8x1152xf32>
    %select_n3A_3658 = arith.select %eq3A_3655, %broadcast_in_dim3A_3657, %select_n3A_3650 : vector<8x1152xi1>, vector<8x1152xf32>
    %jit3A_3659 = arith.constant 3 : i32
    %broadcast_in_dim3A_3660 = vector.broadcast %jit3A_3659 : i32 to vector<8x1152xi32>
    %select_n3A_3661 = arith.select %eq3A_3655, %broadcast_in_dim3A_3660, %select_n3A_3653 : vector<8x1152xi1>, vector<8x1152xi32>
    %eq3A_3662 = vector.broadcast %reduce_min3A_3497 : i32 to vector<8x1152xi32>
    %eq3A_3663 = arith.cmpi eq, %add3A_39, %eq3A_3662 : vector<8x1152xi32>
    %jit3A_3664 = arith.constant 2.000000e+00 : f32
    %broadcast_in_dim3A_3665 = vector.broadcast %jit3A_3664 : f32 to vector<8x1152xf32>
    %select_n3A_3666 = arith.select %eq3A_3663, %broadcast_in_dim3A_3665, %select_n3A_3658 : vector<8x1152xi1>, vector<8x1152xf32>
    %jit3A_3667 = arith.constant 4 : i32
    %broadcast_in_dim3A_3668 = vector.broadcast %jit3A_3667 : i32 to vector<8x1152xi32>
    %select_n3A_3669 = arith.select %eq3A_3663, %broadcast_in_dim3A_3668, %select_n3A_3661 : vector<8x1152xi1>, vector<8x1152xi32>
    %eq3A_3670 = vector.broadcast %reduce_min3A_3541 : i32 to vector<8x1152xi32>
    %eq3A_3671 = arith.cmpi eq, %add3A_39, %eq3A_3670 : vector<8x1152xi32>
    %jit3A_3672 = arith.constant 2.000000e+00 : f32
    %broadcast_in_dim3A_3673 = vector.broadcast %jit3A_3672 : f32 to vector<8x1152xf32>
    %select_n3A_3674 = arith.select %eq3A_3671, %broadcast_in_dim3A_3673, %select_n3A_3666 : vector<8x1152xi1>, vector<8x1152xf32>
    %jit3A_3675 = arith.constant 5 : i32
    %broadcast_in_dim3A_3676 = vector.broadcast %jit3A_3675 : i32 to vector<8x1152xi32>
    %select_n3A_3677 = arith.select %eq3A_3671, %broadcast_in_dim3A_3676, %select_n3A_3669 : vector<8x1152xi1>, vector<8x1152xi32>
    %eq3A_3678 = vector.broadcast %reduce_min3A_3585 : i32 to vector<8x1152xi32>
    %eq3A_3679 = arith.cmpi eq, %add3A_39, %eq3A_3678 : vector<8x1152xi32>
    %jit3A_3680 = arith.constant 2.000000e+00 : f32
    %broadcast_in_dim3A_3681 = vector.broadcast %jit3A_3680 : f32 to vector<8x1152xf32>
    %select_n3A_3682 = arith.select %eq3A_3679, %broadcast_in_dim3A_3681, %select_n3A_3674 : vector<8x1152xi1>, vector<8x1152xf32>
    %jit3A_3683 = arith.constant 6 : i32
    %broadcast_in_dim3A_3684 = vector.broadcast %jit3A_3683 : i32 to vector<8x1152xi32>
    %select_n3A_3685 = arith.select %eq3A_3679, %broadcast_in_dim3A_3684, %select_n3A_3677 : vector<8x1152xi1>, vector<8x1152xi32>
    %eq3A_3686 = vector.broadcast %reduce_min3A_3629 : i32 to vector<8x1152xi32>
    %eq3A_3687 = arith.cmpi eq, %add3A_39, %eq3A_3686 : vector<8x1152xi32>
    %jit3A_3688 = arith.constant 2.000000e+00 : f32
    %broadcast_in_dim3A_3689 = vector.broadcast %jit3A_3688 : f32 to vector<8x1152xf32>
    %select_n3A_3690 = arith.select %eq3A_3687, %broadcast_in_dim3A_3689, %select_n3A_3682 : vector<8x1152xi1>, vector<8x1152xf32>
    %jit3A_3691 = arith.constant 7 : i32
    %broadcast_in_dim3A_3692 = vector.broadcast %jit3A_3691 : i32 to vector<8x1152xi32>
    %select_n3A_3693 = arith.select %eq3A_3687, %broadcast_in_dim3A_3692, %select_n3A_3685 : vector<8x1152xi1>, vector<8x1152xi32>
    %broadcast_in_dim3A_3694 = arith.constant 0.000000e+00 : f32
    %broadcast_in_dim3A_3695 = vector.broadcast %broadcast_in_dim3A_3694 : f32 to vector<8x1152xf32>
    %broadcast_in_dim3A_3696 = arith.constant 0.000000e+00 : f32
    %broadcast_in_dim3A_3697 = vector.broadcast %broadcast_in_dim3A_3696 : f32 to vector<8x1152xf32>
    %broadcast_in_dim3A_3698 = arith.constant 0.000000e+00 : f32
    %broadcast_in_dim3A_3699 = vector.broadcast %broadcast_in_dim3A_3698 : f32 to vector<8x1152xf32>
    %broadcast_in_dim3A_3700 = arith.constant 0.000000e+00 : f32
    %broadcast_in_dim3A_3701 = vector.broadcast %broadcast_in_dim3A_3700 : f32 to vector<8x1152xf32>
    %broadcast_in_dim3A_3702 = arith.constant 0.000000e+00 : f32
    %broadcast_in_dim3A_3703 = vector.broadcast %broadcast_in_dim3A_3702 : f32 to vector<8x1152xf32>
    %eq3A_3704 = arith.constant 0 : i32
    %eq3A_3705 = vector.broadcast %eq3A_3704 : i32 to vector<8x1152xi32>
    %eq3A_3706 = arith.cmpi eq, %select_n3A_3693, %eq3A_3705 : vector<8x1152xi32>
    %broadcast_in_dim3A_3707 = vector.broadcast %get3A_3117 : f32 to vector<8x1152xf32>
    %select_n3A_3708 = arith.select %eq3A_3706, %broadcast_in_dim3A_3707, %broadcast_in_dim3A_3695 : vector<8x1152xi1>, vector<8x1152xf32>
    %broadcast_in_dim3A_3709 = vector.broadcast %get3A_3149 : f32 to vector<8x1152xf32>
    %select_n3A_3710 = arith.select %eq3A_3706, %broadcast_in_dim3A_3709, %broadcast_in_dim3A_3697 : vector<8x1152xi1>, vector<8x1152xf32>
    %broadcast_in_dim3A_3711 = vector.broadcast %get3A_3181 : f32 to vector<8x1152xf32>
    %select_n3A_3712 = arith.select %eq3A_3706, %broadcast_in_dim3A_3711, %broadcast_in_dim3A_3699 : vector<8x1152xi1>, vector<8x1152xf32>
    %broadcast_in_dim3A_3713 = vector.broadcast %get3A_3213 : f32 to vector<8x1152xf32>
    %select_n3A_3714 = arith.select %eq3A_3706, %broadcast_in_dim3A_3713, %broadcast_in_dim3A_3701 : vector<8x1152xi1>, vector<8x1152xf32>
    %broadcast_in_dim3A_3715 = vector.broadcast %get3A_3245 : f32 to vector<8x1152xf32>
    %select_n3A_3716 = arith.select %eq3A_3706, %broadcast_in_dim3A_3715, %broadcast_in_dim3A_3703 : vector<8x1152xi1>, vector<8x1152xf32>
    %eq3A_3717 = arith.constant 1 : i32
    %eq3A_3718 = vector.broadcast %eq3A_3717 : i32 to vector<8x1152xi32>
    %eq3A_3719 = arith.cmpi eq, %select_n3A_3693, %eq3A_3718 : vector<8x1152xi32>
    %broadcast_in_dim3A_3720 = vector.broadcast %get3A_3121 : f32 to vector<8x1152xf32>
    %select_n3A_3721 = arith.select %eq3A_3719, %broadcast_in_dim3A_3720, %select_n3A_3708 : vector<8x1152xi1>, vector<8x1152xf32>
    %broadcast_in_dim3A_3722 = vector.broadcast %get3A_3153 : f32 to vector<8x1152xf32>
    %select_n3A_3723 = arith.select %eq3A_3719, %broadcast_in_dim3A_3722, %select_n3A_3710 : vector<8x1152xi1>, vector<8x1152xf32>
    %broadcast_in_dim3A_3724 = vector.broadcast %get3A_3185 : f32 to vector<8x1152xf32>
    %select_n3A_3725 = arith.select %eq3A_3719, %broadcast_in_dim3A_3724, %select_n3A_3712 : vector<8x1152xi1>, vector<8x1152xf32>
    %broadcast_in_dim3A_3726 = vector.broadcast %get3A_3217 : f32 to vector<8x1152xf32>
    %select_n3A_3727 = arith.select %eq3A_3719, %broadcast_in_dim3A_3726, %select_n3A_3714 : vector<8x1152xi1>, vector<8x1152xf32>
    %broadcast_in_dim3A_3728 = vector.broadcast %get3A_3249 : f32 to vector<8x1152xf32>
    %select_n3A_3729 = arith.select %eq3A_3719, %broadcast_in_dim3A_3728, %select_n3A_3716 : vector<8x1152xi1>, vector<8x1152xf32>
    %eq3A_3730 = arith.constant 2 : i32
    %eq3A_3731 = vector.broadcast %eq3A_3730 : i32 to vector<8x1152xi32>
    %eq3A_3732 = arith.cmpi eq, %select_n3A_3693, %eq3A_3731 : vector<8x1152xi32>
    %broadcast_in_dim3A_3733 = vector.broadcast %get3A_3125 : f32 to vector<8x1152xf32>
    %select_n3A_3734 = arith.select %eq3A_3732, %broadcast_in_dim3A_3733, %select_n3A_3721 : vector<8x1152xi1>, vector<8x1152xf32>
    %broadcast_in_dim3A_3735 = vector.broadcast %get3A_3157 : f32 to vector<8x1152xf32>
    %select_n3A_3736 = arith.select %eq3A_3732, %broadcast_in_dim3A_3735, %select_n3A_3723 : vector<8x1152xi1>, vector<8x1152xf32>
    %broadcast_in_dim3A_3737 = vector.broadcast %get3A_3189 : f32 to vector<8x1152xf32>
    %select_n3A_3738 = arith.select %eq3A_3732, %broadcast_in_dim3A_3737, %select_n3A_3725 : vector<8x1152xi1>, vector<8x1152xf32>
    %broadcast_in_dim3A_3739 = vector.broadcast %get3A_3221 : f32 to vector<8x1152xf32>
    %select_n3A_3740 = arith.select %eq3A_3732, %broadcast_in_dim3A_3739, %select_n3A_3727 : vector<8x1152xi1>, vector<8x1152xf32>
    %broadcast_in_dim3A_3741 = vector.broadcast %get3A_3253 : f32 to vector<8x1152xf32>
    %select_n3A_3742 = arith.select %eq3A_3732, %broadcast_in_dim3A_3741, %select_n3A_3729 : vector<8x1152xi1>, vector<8x1152xf32>
    %eq3A_3743 = arith.constant 3 : i32
    %eq3A_3744 = vector.broadcast %eq3A_3743 : i32 to vector<8x1152xi32>
    %eq3A_3745 = arith.cmpi eq, %select_n3A_3693, %eq3A_3744 : vector<8x1152xi32>
    %broadcast_in_dim3A_3746 = vector.broadcast %get3A_3129 : f32 to vector<8x1152xf32>
    %select_n3A_3747 = arith.select %eq3A_3745, %broadcast_in_dim3A_3746, %select_n3A_3734 : vector<8x1152xi1>, vector<8x1152xf32>
    %broadcast_in_dim3A_3748 = vector.broadcast %get3A_3161 : f32 to vector<8x1152xf32>
    %select_n3A_3749 = arith.select %eq3A_3745, %broadcast_in_dim3A_3748, %select_n3A_3736 : vector<8x1152xi1>, vector<8x1152xf32>
    %broadcast_in_dim3A_3750 = vector.broadcast %get3A_3193 : f32 to vector<8x1152xf32>
    %select_n3A_3751 = arith.select %eq3A_3745, %broadcast_in_dim3A_3750, %select_n3A_3738 : vector<8x1152xi1>, vector<8x1152xf32>
    %broadcast_in_dim3A_3752 = vector.broadcast %get3A_3225 : f32 to vector<8x1152xf32>
    %select_n3A_3753 = arith.select %eq3A_3745, %broadcast_in_dim3A_3752, %select_n3A_3740 : vector<8x1152xi1>, vector<8x1152xf32>
    %broadcast_in_dim3A_3754 = vector.broadcast %get3A_3257 : f32 to vector<8x1152xf32>
    %select_n3A_3755 = arith.select %eq3A_3745, %broadcast_in_dim3A_3754, %select_n3A_3742 : vector<8x1152xi1>, vector<8x1152xf32>
    %eq3A_3756 = arith.constant 4 : i32
    %eq3A_3757 = vector.broadcast %eq3A_3756 : i32 to vector<8x1152xi32>
    %eq3A_3758 = arith.cmpi eq, %select_n3A_3693, %eq3A_3757 : vector<8x1152xi32>
    %broadcast_in_dim3A_3759 = vector.broadcast %get3A_3133 : f32 to vector<8x1152xf32>
    %select_n3A_3760 = arith.select %eq3A_3758, %broadcast_in_dim3A_3759, %select_n3A_3747 : vector<8x1152xi1>, vector<8x1152xf32>
    %broadcast_in_dim3A_3761 = vector.broadcast %get3A_3165 : f32 to vector<8x1152xf32>
    %select_n3A_3762 = arith.select %eq3A_3758, %broadcast_in_dim3A_3761, %select_n3A_3749 : vector<8x1152xi1>, vector<8x1152xf32>
    %broadcast_in_dim3A_3763 = vector.broadcast %get3A_3197 : f32 to vector<8x1152xf32>
    %select_n3A_3764 = arith.select %eq3A_3758, %broadcast_in_dim3A_3763, %select_n3A_3751 : vector<8x1152xi1>, vector<8x1152xf32>
    %broadcast_in_dim3A_3765 = vector.broadcast %get3A_3229 : f32 to vector<8x1152xf32>
    %select_n3A_3766 = arith.select %eq3A_3758, %broadcast_in_dim3A_3765, %select_n3A_3753 : vector<8x1152xi1>, vector<8x1152xf32>
    %broadcast_in_dim3A_3767 = vector.broadcast %get3A_3261 : f32 to vector<8x1152xf32>
    %select_n3A_3768 = arith.select %eq3A_3758, %broadcast_in_dim3A_3767, %select_n3A_3755 : vector<8x1152xi1>, vector<8x1152xf32>
    %eq3A_3769 = arith.constant 5 : i32
    %eq3A_3770 = vector.broadcast %eq3A_3769 : i32 to vector<8x1152xi32>
    %eq3A_3771 = arith.cmpi eq, %select_n3A_3693, %eq3A_3770 : vector<8x1152xi32>
    %broadcast_in_dim3A_3772 = vector.broadcast %get3A_3137 : f32 to vector<8x1152xf32>
    %select_n3A_3773 = arith.select %eq3A_3771, %broadcast_in_dim3A_3772, %select_n3A_3760 : vector<8x1152xi1>, vector<8x1152xf32>
    %broadcast_in_dim3A_3774 = vector.broadcast %get3A_3169 : f32 to vector<8x1152xf32>
    %select_n3A_3775 = arith.select %eq3A_3771, %broadcast_in_dim3A_3774, %select_n3A_3762 : vector<8x1152xi1>, vector<8x1152xf32>
    %broadcast_in_dim3A_3776 = vector.broadcast %get3A_3201 : f32 to vector<8x1152xf32>
    %select_n3A_3777 = arith.select %eq3A_3771, %broadcast_in_dim3A_3776, %select_n3A_3764 : vector<8x1152xi1>, vector<8x1152xf32>
    %broadcast_in_dim3A_3778 = vector.broadcast %get3A_3233 : f32 to vector<8x1152xf32>
    %select_n3A_3779 = arith.select %eq3A_3771, %broadcast_in_dim3A_3778, %select_n3A_3766 : vector<8x1152xi1>, vector<8x1152xf32>
    %broadcast_in_dim3A_3780 = vector.broadcast %get3A_3265 : f32 to vector<8x1152xf32>
    %select_n3A_3781 = arith.select %eq3A_3771, %broadcast_in_dim3A_3780, %select_n3A_3768 : vector<8x1152xi1>, vector<8x1152xf32>
    %eq3A_3782 = arith.constant 6 : i32
    %eq3A_3783 = vector.broadcast %eq3A_3782 : i32 to vector<8x1152xi32>
    %eq3A_3784 = arith.cmpi eq, %select_n3A_3693, %eq3A_3783 : vector<8x1152xi32>
    %broadcast_in_dim3A_3785 = vector.broadcast %get3A_3141 : f32 to vector<8x1152xf32>
    %select_n3A_3786 = arith.select %eq3A_3784, %broadcast_in_dim3A_3785, %select_n3A_3773 : vector<8x1152xi1>, vector<8x1152xf32>
    %broadcast_in_dim3A_3787 = vector.broadcast %get3A_3173 : f32 to vector<8x1152xf32>
    %select_n3A_3788 = arith.select %eq3A_3784, %broadcast_in_dim3A_3787, %select_n3A_3775 : vector<8x1152xi1>, vector<8x1152xf32>
    %broadcast_in_dim3A_3789 = vector.broadcast %get3A_3205 : f32 to vector<8x1152xf32>
    %select_n3A_3790 = arith.select %eq3A_3784, %broadcast_in_dim3A_3789, %select_n3A_3777 : vector<8x1152xi1>, vector<8x1152xf32>
    %broadcast_in_dim3A_3791 = vector.broadcast %get3A_3237 : f32 to vector<8x1152xf32>
    %select_n3A_3792 = arith.select %eq3A_3784, %broadcast_in_dim3A_3791, %select_n3A_3779 : vector<8x1152xi1>, vector<8x1152xf32>
    %broadcast_in_dim3A_3793 = vector.broadcast %get3A_3269 : f32 to vector<8x1152xf32>
    %select_n3A_3794 = arith.select %eq3A_3784, %broadcast_in_dim3A_3793, %select_n3A_3781 : vector<8x1152xi1>, vector<8x1152xf32>
    %eq3A_3795 = arith.constant 7 : i32
    %eq3A_3796 = vector.broadcast %eq3A_3795 : i32 to vector<8x1152xi32>
    %eq3A_3797 = arith.cmpi eq, %select_n3A_3693, %eq3A_3796 : vector<8x1152xi32>
    %broadcast_in_dim3A_3798 = vector.broadcast %get3A_3145 : f32 to vector<8x1152xf32>
    %select_n3A_3799 = arith.select %eq3A_3797, %broadcast_in_dim3A_3798, %select_n3A_3786 : vector<8x1152xi1>, vector<8x1152xf32>
    %broadcast_in_dim3A_3800 = vector.broadcast %get3A_3177 : f32 to vector<8x1152xf32>
    %select_n3A_3801 = arith.select %eq3A_3797, %broadcast_in_dim3A_3800, %select_n3A_3788 : vector<8x1152xi1>, vector<8x1152xf32>
    %broadcast_in_dim3A_3802 = vector.broadcast %get3A_3209 : f32 to vector<8x1152xf32>
    %select_n3A_3803 = arith.select %eq3A_3797, %broadcast_in_dim3A_3802, %select_n3A_3790 : vector<8x1152xi1>, vector<8x1152xf32>
    %broadcast_in_dim3A_3804 = vector.broadcast %get3A_3241 : f32 to vector<8x1152xf32>
    %select_n3A_3805 = arith.select %eq3A_3797, %broadcast_in_dim3A_3804, %select_n3A_3792 : vector<8x1152xi1>, vector<8x1152xf32>
    %broadcast_in_dim3A_3806 = vector.broadcast %get3A_3273 : f32 to vector<8x1152xf32>
    %select_n3A_3807 = arith.select %eq3A_3797, %broadcast_in_dim3A_3806, %select_n3A_3794 : vector<8x1152xi1>, vector<8x1152xf32>
    %add3A_3808 = arith.constant 1.000000e+00 : f32
    %add3A_3809 = vector.broadcast %add3A_3808 : f32 to vector<8x1152xf32>
    %add3A_3810 = arith.addf %select_n3A_3807, %add3A_3809 : vector<8x1152xf32>
    %convert_element_type3A_3811 = arith.fptosi %add3A_3810 : vector<8x1152xf32> to vector<8x1152xi32>
    %lt3A_3812 = arith.constant 5.000000e-01 : f32
    %lt3A_3813 = vector.broadcast %lt3A_3812 : f32 to vector<8x1152xf32>
    %lt3A_3814 = arith.cmpf olt, %select_n3A_3690, %lt3A_3813 : vector<8x1152xf32>
    %jit3A_3815 = arith.constant 0 : i32
    %broadcast_in_dim3A_3816 = vector.broadcast %jit3A_3815 : i32 to vector<8x1152xi32>
    %select_n3A_3817 = arith.select %lt3A_3814, %broadcast_in_dim3A_3816, %convert_element_type3A_3811 : vector<8x1152xi1>, vector<8x1152xi32>
    %gt3A_3818 = arith.constant 0 : i32
    %gt3A_3819 = vector.broadcast %gt3A_3818 : i32 to vector<8x1152xi32>
    %gt3A_3820 = arith.cmpi sgt, %select_n3A_3817, %gt3A_3819 : vector<8x1152xi32>
    %convert_element_type3A_3821 = arith.extui %gt3A_3820 : vector<8x1152xi1> to vector<8x1152xi32>
    %convert_element_type3A_3822 = arith.sitofp %convert_element_type3A_3821 : vector<8x1152xi32> to vector<8x1152xf32>
    %add3A_3823 = arith.addf %select_n3A_3799, %select_n3A_3803 : vector<8x1152xf32>
    %mul3A_3824 = arith.constant 5.000000e-01 : f32
    %mul3A_3825 = vector.broadcast %mul3A_3824 : f32 to vector<8x1152xf32>
    %mul3A_3826 = arith.mulf %add3A_3823, %mul3A_3825 : vector<8x1152xf32>
    %sub3A_3827 = arith.subf %mul3A_3826, %get3A_3 : vector<8x1152xf32>
    %mul3A_3828 = arith.constant 1.000000e-01 : f32
    %mul3A_3829 = vector.broadcast %mul3A_3828 : f32 to vector<8x1152xf32>
    %mul3A_3830 = arith.mulf %mul3A_3829, %get3A_13 : vector<8x1152xf32>
    %div3A_3831 = arith.divf %sub3A_3827, %mul3A_3830 : vector<8x1152xf32>
    %add3A_3832 = arith.addf %select_n3A_3801, %select_n3A_3805 : vector<8x1152xf32>
    %mul3A_3833 = arith.constant 5.000000e-01 : f32
    %mul3A_3834 = vector.broadcast %mul3A_3833 : f32 to vector<8x1152xf32>
    %mul3A_3835 = arith.mulf %add3A_3832, %mul3A_3834 : vector<8x1152xf32>
    %sub3A_3836 = arith.subf %mul3A_3835, %get3A_8 : vector<8x1152xf32>
    %mul3A_3837 = arith.constant 1.000000e-01 : f32
    %mul3A_3838 = vector.broadcast %mul3A_3837 : f32 to vector<8x1152xf32>
    %mul3A_3839 = arith.mulf %mul3A_3838, %get3A_18 : vector<8x1152xf32>
    %div3A_3840 = arith.divf %sub3A_3836, %mul3A_3839 : vector<8x1152xf32>
    %sub3A_3841 = arith.subf %select_n3A_3803, %select_n3A_3799 : vector<8x1152xf32>
    %div3A_3842 = arith.divf %sub3A_3841, %get3A_13 : vector<8x1152xf32>
    %log3A_3843 = math.log %div3A_3842 : vector<8x1152xf32>
    %div3A_3844 = arith.constant 2.000000e-01 : f32
    %div3A_3845 = vector.broadcast %div3A_3844 : f32 to vector<8x1152xf32>
    %div3A_3846 = arith.divf %log3A_3843, %div3A_3845 : vector<8x1152xf32>
    %sub3A_3847 = arith.subf %select_n3A_3805, %select_n3A_3801 : vector<8x1152xf32>
    %div3A_3848 = arith.divf %sub3A_3847, %get3A_18 : vector<8x1152xf32>
    %log3A_3849 = math.log %div3A_3848 : vector<8x1152xf32>
    %div3A_3850 = arith.constant 2.000000e-01 : f32
    %div3A_3851 = vector.broadcast %div3A_3850 : f32 to vector<8x1152xf32>
    %div3A_3852 = arith.divf %log3A_3849, %div3A_3851 : vector<8x1152xf32>
    %get3A_3853 = arith.constant 3 : index
    %get3A_3854 = arith.constant 0 : index
    %get3A_3855 = arith.constant 0 : index
    %get3A_3856 = arith.constant 0 : index
    %get3A_3857 = vector.load %arg3[%get3A_3853, %get3A_3854, %get3A_3855, %get3A_3856] : memref<4x4x8x1152xf32, #tpu.memory_space<vmem>>, vector<1x1x8x1152xf32>
    %get3A_3858 = vector.shape_cast %get3A_3857 : vector<1x1x8x1152xf32> to vector<8x1152xf32>
    %sub3A_3859 = arith.subf %get3A_3858, %div3A_3831 : vector<8x1152xf32>
    %abs3A_3860 = math.absf %sub3A_3859 : vector<8x1152xf32>
    %lt3A_3861 = arith.constant 1.000000e+00 : f32
    %lt3A_3862 = vector.broadcast %lt3A_3861 : f32 to vector<8x1152xf32>
    %lt3A_3863 = arith.cmpf olt, %abs3A_3860, %lt3A_3862 : vector<8x1152xf32>
    %mul3A_3864 = arith.constant 5.000000e-01 : f32
    %mul3A_3865 = vector.broadcast %mul3A_3864 : f32 to vector<8x1152xf32>
    %mul3A_3866 = arith.mulf %mul3A_3865, %sub3A_3859 : vector<8x1152xf32>
    %mul3A_3867 = arith.mulf %mul3A_3866, %sub3A_3859 : vector<8x1152xf32>
    %sub3A_3868 = arith.constant 5.000000e-01 : f32
    %sub3A_3869 = vector.broadcast %sub3A_3868 : f32 to vector<8x1152xf32>
    %sub3A_3870 = arith.subf %abs3A_3860, %sub3A_3869 : vector<8x1152xf32>
    %select_n3A_3871 = arith.select %lt3A_3863, %mul3A_3867, %sub3A_3870 : vector<8x1152xi1>, vector<8x1152xf32>
    %mul3A_3872 = arith.mulf %select_n3A_3871, %convert_element_type3A_3822 : vector<8x1152xf32>
    %reduce_sum3A_3873 = vector.shape_cast %mul3A_3872 : vector<8x1152xf32> to vector<1x8x1152xf32>
    %reduce_sum3A_3874 = arith.constant dense<0.000000e+00> : vector<1xf32>
    %reduce_sum3A_3875 = vector.multi_reduction <add>, %reduce_sum3A_3873, %reduce_sum3A_3874 [1, 2] : vector<1x8x1152xf32> to vector<1xf32>
    %reduce_sum3A_3876 = vector.shape_cast %reduce_sum3A_3875 : vector<1xf32> to vector<1x1x1xf32>
    %reduce_sum3A_3877 = vector.extract %reduce_sum3A_3876[0, 0, 0] : f32 from vector<1x1x1xf32>
    %add3A_3878 = arith.constant 0.000000e+00 : f32
    %add3A_3879 = arith.addf %add3A_3878, %reduce_sum3A_3877 : f32
    %get3A_3880 = arith.constant 3 : index
    %get3A_3881 = arith.constant 1 : index
    %get3A_3882 = arith.constant 0 : index
    %get3A_3883 = arith.constant 0 : index
    %get3A_3884 = vector.load %arg3[%get3A_3880, %get3A_3881, %get3A_3882, %get3A_3883] : memref<4x4x8x1152xf32, #tpu.memory_space<vmem>>, vector<1x1x8x1152xf32>
    %get3A_3885 = vector.shape_cast %get3A_3884 : vector<1x1x8x1152xf32> to vector<8x1152xf32>
    %sub3A_3886 = arith.subf %get3A_3885, %div3A_3840 : vector<8x1152xf32>
    %abs3A_3887 = math.absf %sub3A_3886 : vector<8x1152xf32>
    %lt3A_3888 = arith.constant 1.000000e+00 : f32
    %lt3A_3889 = vector.broadcast %lt3A_3888 : f32 to vector<8x1152xf32>
    %lt3A_3890 = arith.cmpf olt, %abs3A_3887, %lt3A_3889 : vector<8x1152xf32>
    %mul3A_3891 = arith.constant 5.000000e-01 : f32
    %mul3A_3892 = vector.broadcast %mul3A_3891 : f32 to vector<8x1152xf32>
    %mul3A_3893 = arith.mulf %mul3A_3892, %sub3A_3886 : vector<8x1152xf32>
    %mul3A_3894 = arith.mulf %mul3A_3893, %sub3A_3886 : vector<8x1152xf32>
    %sub3A_3895 = arith.constant 5.000000e-01 : f32
    %sub3A_3896 = vector.broadcast %sub3A_3895 : f32 to vector<8x1152xf32>
    %sub3A_3897 = arith.subf %abs3A_3887, %sub3A_3896 : vector<8x1152xf32>
    %select_n3A_3898 = arith.select %lt3A_3890, %mul3A_3894, %sub3A_3897 : vector<8x1152xi1>, vector<8x1152xf32>
    %mul3A_3899 = arith.mulf %select_n3A_3898, %convert_element_type3A_3822 : vector<8x1152xf32>
    %reduce_sum3A_3900 = vector.shape_cast %mul3A_3899 : vector<8x1152xf32> to vector<1x8x1152xf32>
    %reduce_sum3A_3901 = arith.constant dense<0.000000e+00> : vector<1xf32>
    %reduce_sum3A_3902 = vector.multi_reduction <add>, %reduce_sum3A_3900, %reduce_sum3A_3901 [1, 2] : vector<1x8x1152xf32> to vector<1xf32>
    %reduce_sum3A_3903 = vector.shape_cast %reduce_sum3A_3902 : vector<1xf32> to vector<1x1x1xf32>
    %reduce_sum3A_3904 = vector.extract %reduce_sum3A_3903[0, 0, 0] : f32 from vector<1x1x1xf32>
    %add3A_3905 = arith.addf %add3A_3879, %reduce_sum3A_3904 : f32
    %get3A_3906 = arith.constant 3 : index
    %get3A_3907 = arith.constant 2 : index
    %get3A_3908 = arith.constant 0 : index
    %get3A_3909 = arith.constant 0 : index
    %get3A_3910 = vector.load %arg3[%get3A_3906, %get3A_3907, %get3A_3908, %get3A_3909] : memref<4x4x8x1152xf32, #tpu.memory_space<vmem>>, vector<1x1x8x1152xf32>
    %get3A_3911 = vector.shape_cast %get3A_3910 : vector<1x1x8x1152xf32> to vector<8x1152xf32>
    %sub3A_3912 = arith.subf %get3A_3911, %div3A_3846 : vector<8x1152xf32>
    %abs3A_3913 = math.absf %sub3A_3912 : vector<8x1152xf32>
    %lt3A_3914 = arith.constant 1.000000e+00 : f32
    %lt3A_3915 = vector.broadcast %lt3A_3914 : f32 to vector<8x1152xf32>
    %lt3A_3916 = arith.cmpf olt, %abs3A_3913, %lt3A_3915 : vector<8x1152xf32>
    %mul3A_3917 = arith.constant 5.000000e-01 : f32
    %mul3A_3918 = vector.broadcast %mul3A_3917 : f32 to vector<8x1152xf32>
    %mul3A_3919 = arith.mulf %mul3A_3918, %sub3A_3912 : vector<8x1152xf32>
    %mul3A_3920 = arith.mulf %mul3A_3919, %sub3A_3912 : vector<8x1152xf32>
    %sub3A_3921 = arith.constant 5.000000e-01 : f32
    %sub3A_3922 = vector.broadcast %sub3A_3921 : f32 to vector<8x1152xf32>
    %sub3A_3923 = arith.subf %abs3A_3913, %sub3A_3922 : vector<8x1152xf32>
    %select_n3A_3924 = arith.select %lt3A_3916, %mul3A_3920, %sub3A_3923 : vector<8x1152xi1>, vector<8x1152xf32>
    %mul3A_3925 = arith.mulf %select_n3A_3924, %convert_element_type3A_3822 : vector<8x1152xf32>
    %reduce_sum3A_3926 = vector.shape_cast %mul3A_3925 : vector<8x1152xf32> to vector<1x8x1152xf32>
    %reduce_sum3A_3927 = arith.constant dense<0.000000e+00> : vector<1xf32>
    %reduce_sum3A_3928 = vector.multi_reduction <add>, %reduce_sum3A_3926, %reduce_sum3A_3927 [1, 2] : vector<1x8x1152xf32> to vector<1xf32>
    %reduce_sum3A_3929 = vector.shape_cast %reduce_sum3A_3928 : vector<1xf32> to vector<1x1x1xf32>
    %reduce_sum3A_3930 = vector.extract %reduce_sum3A_3929[0, 0, 0] : f32 from vector<1x1x1xf32>
    %add3A_3931 = arith.addf %add3A_3905, %reduce_sum3A_3930 : f32
    %get3A_3932 = arith.constant 3 : index
    %get3A_3933 = arith.constant 3 : index
    %get3A_3934 = arith.constant 0 : index
    %get3A_3935 = arith.constant 0 : index
    %get3A_3936 = vector.load %arg3[%get3A_3932, %get3A_3933, %get3A_3934, %get3A_3935] : memref<4x4x8x1152xf32, #tpu.memory_space<vmem>>, vector<1x1x8x1152xf32>
    %get3A_3937 = vector.shape_cast %get3A_3936 : vector<1x1x8x1152xf32> to vector<8x1152xf32>
    %sub3A_3938 = arith.subf %get3A_3937, %div3A_3852 : vector<8x1152xf32>
    %abs3A_3939 = math.absf %sub3A_3938 : vector<8x1152xf32>
    %lt3A_3940 = arith.constant 1.000000e+00 : f32
    %lt3A_3941 = vector.broadcast %lt3A_3940 : f32 to vector<8x1152xf32>
    %lt3A_3942 = arith.cmpf olt, %abs3A_3939, %lt3A_3941 : vector<8x1152xf32>
    %mul3A_3943 = arith.constant 5.000000e-01 : f32
    %mul3A_3944 = vector.broadcast %mul3A_3943 : f32 to vector<8x1152xf32>
    %mul3A_3945 = arith.mulf %mul3A_3944, %sub3A_3938 : vector<8x1152xf32>
    %mul3A_3946 = arith.mulf %mul3A_3945, %sub3A_3938 : vector<8x1152xf32>
    %sub3A_3947 = arith.constant 5.000000e-01 : f32
    %sub3A_3948 = vector.broadcast %sub3A_3947 : f32 to vector<8x1152xf32>
    %sub3A_3949 = arith.subf %abs3A_3939, %sub3A_3948 : vector<8x1152xf32>
    %select_n3A_3950 = arith.select %lt3A_3942, %mul3A_3946, %sub3A_3949 : vector<8x1152xi1>, vector<8x1152xf32>
    %mul3A_3951 = arith.mulf %select_n3A_3950, %convert_element_type3A_3822 : vector<8x1152xf32>
    %reduce_sum3A_3952 = vector.shape_cast %mul3A_3951 : vector<8x1152xf32> to vector<1x8x1152xf32>
    %reduce_sum3A_3953 = arith.constant dense<0.000000e+00> : vector<1xf32>
    %reduce_sum3A_3954 = vector.multi_reduction <add>, %reduce_sum3A_3952, %reduce_sum3A_3953 [1, 2] : vector<1x8x1152xf32> to vector<1xf32>
    %reduce_sum3A_3955 = vector.shape_cast %reduce_sum3A_3954 : vector<1xf32> to vector<1x1x1xf32>
    %reduce_sum3A_3956 = vector.extract %reduce_sum3A_3955[0, 0, 0] : f32 from vector<1x1x1xf32>
    %add3A_3957 = arith.addf %add3A_3931, %reduce_sum3A_3956 : f32
    %get3A_3958 = arith.constant 3 : index
    %get3A_3959 = arith.constant 0 : index
    %get3A_3960 = arith.constant 0 : index
    %get3A_3961 = arith.constant 0 : index
    %get3A_3962 = vector.load %arg4[%get3A_3958, %get3A_3959, %get3A_3960, %get3A_3961] : memref<4x21x8x1152xf32, #tpu.memory_space<vmem>>, vector<1x21x8x1152xf32>
    %get3A_3963 = vector.shape_cast %get3A_3962 : vector<1x21x8x1152xf32> to vector<21x8x1152xf32>
    %exp3A_3964 = math.exp %get3A_3963 : vector<21x8x1152xf32>
    %reduce_sum3A_3965 = arith.constant dense<0.000000e+00> : vector<8x1152xf32>
    %reduce_sum3A_3966 = vector.multi_reduction <add>, %exp3A_3964, %reduce_sum3A_3965 [0] : vector<21x8x1152xf32> to vector<8x1152xf32>
    %log3A_3967 = math.log %reduce_sum3A_3966 : vector<8x1152xf32>
    %slice3A_3968 = vector.extract_strided_slice %get3A_3963 {offsets = [0, 0, 0], sizes = [1, 8, 1152], strides = [1, 1, 1]} : vector<21x8x1152xf32> to vector<1x8x1152xf32>
    %squeeze3A_3969 = vector.shape_cast %slice3A_3968 : vector<1x8x1152xf32> to vector<8x1152xf32>
    %lt3A_3970 = arith.constant 8732 : i32
    %lt3A_3971 = vector.broadcast %lt3A_3970 : i32 to vector<8x1152xi32>
    %lt3A_3972 = arith.cmpi slt, %add3A_39, %lt3A_3971 : vector<8x1152xi32>
    %not3A_3973 = arith.constant dense<true> : vector<8x1152xi1>
    %not3A_3974 = arith.xori %lt3A_3972, %not3A_3973 : vector<8x1152xi1>
    %or3A_3975 = arith.ori %gt3A_3820, %not3A_3974 : vector<8x1152xi1>
    %sub3A_3976 = arith.subf %log3A_3967, %squeeze3A_3969 : vector<8x1152xf32>
    %jit3A_3977 = arith.constant 0.000000e+00 : f32
    %broadcast_in_dim3A_3978 = vector.broadcast %jit3A_3977 : f32 to vector<8x1152xf32>
    %select_n3A_3979 = arith.select %or3A_3975, %broadcast_in_dim3A_3978, %sub3A_3976 : vector<8x1152xi1>, vector<8x1152xf32>
    %broadcast_in_dim3A_3980 = arith.constant 0.000000e+00 : f32
    %broadcast_in_dim3A_3981 = vector.broadcast %broadcast_in_dim3A_3980 : f32 to vector<8x1152xf32>
    %add3A_3982 = arith.constant 1.000000e+00 : f32
    %add3A_3983 = arith.addf %get3A_3245, %add3A_3982 : f32
    %convert_element_type3A_3984 = arith.fptosi %add3A_3983 : f32 to i32
    %get3A_3985 = arith.constant 3 : index
    %get3A_3986 = arith.index_cast %convert_element_type3A_3984 : i32 to index
    %get3A_3987 = arith.constant 0 : index
    %get3A_3988 = arith.constant 0 : index
    %get3A_3989 = vector.load %arg4[%get3A_3985, %get3A_3986, %get3A_3987, %get3A_3988] : memref<4x21x8x1152xf32, #tpu.memory_space<vmem>>, vector<1x1x8x1152xf32>
    %get3A_3990 = vector.shape_cast %get3A_3989 : vector<1x1x8x1152xf32> to vector<8x1152xf32>
    %eq3A_3991 = arith.constant 0 : i32
    %eq3A_3992 = vector.broadcast %eq3A_3991 : i32 to vector<8x1152xi32>
    %eq3A_3993 = arith.cmpi eq, %select_n3A_3693, %eq3A_3992 : vector<8x1152xi32>
    %and3A_3994 = arith.andi %gt3A_3820, %eq3A_3993 : vector<8x1152xi1>
    %select_n3A_3995 = arith.select %and3A_3994, %get3A_3990, %broadcast_in_dim3A_3981 : vector<8x1152xi1>, vector<8x1152xf32>
    %add3A_3996 = arith.constant 1.000000e+00 : f32
    %add3A_3997 = arith.addf %get3A_3249, %add3A_3996 : f32
    %convert_element_type3A_3998 = arith.fptosi %add3A_3997 : f32 to i32
    %get3A_3999 = arith.constant 3 : index
    %get3A_4000 = arith.index_cast %convert_element_type3A_3998 : i32 to index
    %get3A_4001 = arith.constant 0 : index
    %get3A_4002 = arith.constant 0 : index
    %get3A_4003 = vector.load %arg4[%get3A_3999, %get3A_4000, %get3A_4001, %get3A_4002] : memref<4x21x8x1152xf32, #tpu.memory_space<vmem>>, vector<1x1x8x1152xf32>
    %get3A_4004 = vector.shape_cast %get3A_4003 : vector<1x1x8x1152xf32> to vector<8x1152xf32>
    %eq3A_4005 = arith.constant 1 : i32
    %eq3A_4006 = vector.broadcast %eq3A_4005 : i32 to vector<8x1152xi32>
    %eq3A_4007 = arith.cmpi eq, %select_n3A_3693, %eq3A_4006 : vector<8x1152xi32>
    %and3A_4008 = arith.andi %gt3A_3820, %eq3A_4007 : vector<8x1152xi1>
    %select_n3A_4009 = arith.select %and3A_4008, %get3A_4004, %select_n3A_3995 : vector<8x1152xi1>, vector<8x1152xf32>
    %add3A_4010 = arith.constant 1.000000e+00 : f32
    %add3A_4011 = arith.addf %get3A_3253, %add3A_4010 : f32
    %convert_element_type3A_4012 = arith.fptosi %add3A_4011 : f32 to i32
    %get3A_4013 = arith.constant 3 : index
    %get3A_4014 = arith.index_cast %convert_element_type3A_4012 : i32 to index
    %get3A_4015 = arith.constant 0 : index
    %get3A_4016 = arith.constant 0 : index
    %get3A_4017 = vector.load %arg4[%get3A_4013, %get3A_4014, %get3A_4015, %get3A_4016] : memref<4x21x8x1152xf32, #tpu.memory_space<vmem>>, vector<1x1x8x1152xf32>
    %get3A_4018 = vector.shape_cast %get3A_4017 : vector<1x1x8x1152xf32> to vector<8x1152xf32>
    %eq3A_4019 = arith.constant 2 : i32
    %eq3A_4020 = vector.broadcast %eq3A_4019 : i32 to vector<8x1152xi32>
    %eq3A_4021 = arith.cmpi eq, %select_n3A_3693, %eq3A_4020 : vector<8x1152xi32>
    %and3A_4022 = arith.andi %gt3A_3820, %eq3A_4021 : vector<8x1152xi1>
    %select_n3A_4023 = arith.select %and3A_4022, %get3A_4018, %select_n3A_4009 : vector<8x1152xi1>, vector<8x1152xf32>
    %add3A_4024 = arith.constant 1.000000e+00 : f32
    %add3A_4025 = arith.addf %get3A_3257, %add3A_4024 : f32
    %convert_element_type3A_4026 = arith.fptosi %add3A_4025 : f32 to i32
    %get3A_4027 = arith.constant 3 : index
    %get3A_4028 = arith.index_cast %convert_element_type3A_4026 : i32 to index
    %get3A_4029 = arith.constant 0 : index
    %get3A_4030 = arith.constant 0 : index
    %get3A_4031 = vector.load %arg4[%get3A_4027, %get3A_4028, %get3A_4029, %get3A_4030] : memref<4x21x8x1152xf32, #tpu.memory_space<vmem>>, vector<1x1x8x1152xf32>
    %get3A_4032 = vector.shape_cast %get3A_4031 : vector<1x1x8x1152xf32> to vector<8x1152xf32>
    %eq3A_4033 = arith.constant 3 : i32
    %eq3A_4034 = vector.broadcast %eq3A_4033 : i32 to vector<8x1152xi32>
    %eq3A_4035 = arith.cmpi eq, %select_n3A_3693, %eq3A_4034 : vector<8x1152xi32>
    %and3A_4036 = arith.andi %gt3A_3820, %eq3A_4035 : vector<8x1152xi1>
    %select_n3A_4037 = arith.select %and3A_4036, %get3A_4032, %select_n3A_4023 : vector<8x1152xi1>, vector<8x1152xf32>
    %add3A_4038 = arith.constant 1.000000e+00 : f32
    %add3A_4039 = arith.addf %get3A_3261, %add3A_4038 : f32
    %convert_element_type3A_4040 = arith.fptosi %add3A_4039 : f32 to i32
    %get3A_4041 = arith.constant 3 : index
    %get3A_4042 = arith.index_cast %convert_element_type3A_4040 : i32 to index
    %get3A_4043 = arith.constant 0 : index
    %get3A_4044 = arith.constant 0 : index
    %get3A_4045 = vector.load %arg4[%get3A_4041, %get3A_4042, %get3A_4043, %get3A_4044] : memref<4x21x8x1152xf32, #tpu.memory_space<vmem>>, vector<1x1x8x1152xf32>
    %get3A_4046 = vector.shape_cast %get3A_4045 : vector<1x1x8x1152xf32> to vector<8x1152xf32>
    %eq3A_4047 = arith.constant 4 : i32
    %eq3A_4048 = vector.broadcast %eq3A_4047 : i32 to vector<8x1152xi32>
    %eq3A_4049 = arith.cmpi eq, %select_n3A_3693, %eq3A_4048 : vector<8x1152xi32>
    %and3A_4050 = arith.andi %gt3A_3820, %eq3A_4049 : vector<8x1152xi1>
    %select_n3A_4051 = arith.select %and3A_4050, %get3A_4046, %select_n3A_4037 : vector<8x1152xi1>, vector<8x1152xf32>
    %add3A_4052 = arith.constant 1.000000e+00 : f32
    %add3A_4053 = arith.addf %get3A_3265, %add3A_4052 : f32
    %convert_element_type3A_4054 = arith.fptosi %add3A_4053 : f32 to i32
    %get3A_4055 = arith.constant 3 : index
    %get3A_4056 = arith.index_cast %convert_element_type3A_4054 : i32 to index
    %get3A_4057 = arith.constant 0 : index
    %get3A_4058 = arith.constant 0 : index
    %get3A_4059 = vector.load %arg4[%get3A_4055, %get3A_4056, %get3A_4057, %get3A_4058] : memref<4x21x8x1152xf32, #tpu.memory_space<vmem>>, vector<1x1x8x1152xf32>
    %get3A_4060 = vector.shape_cast %get3A_4059 : vector<1x1x8x1152xf32> to vector<8x1152xf32>
    %eq3A_4061 = arith.constant 5 : i32
    %eq3A_4062 = vector.broadcast %eq3A_4061 : i32 to vector<8x1152xi32>
    %eq3A_4063 = arith.cmpi eq, %select_n3A_3693, %eq3A_4062 : vector<8x1152xi32>
    %and3A_4064 = arith.andi %gt3A_3820, %eq3A_4063 : vector<8x1152xi1>
    %select_n3A_4065 = arith.select %and3A_4064, %get3A_4060, %select_n3A_4051 : vector<8x1152xi1>, vector<8x1152xf32>
    %add3A_4066 = arith.constant 1.000000e+00 : f32
    %add3A_4067 = arith.addf %get3A_3269, %add3A_4066 : f32
    %convert_element_type3A_4068 = arith.fptosi %add3A_4067 : f32 to i32
    %get3A_4069 = arith.constant 3 : index
    %get3A_4070 = arith.index_cast %convert_element_type3A_4068 : i32 to index
    %get3A_4071 = arith.constant 0 : index
    %get3A_4072 = arith.constant 0 : index
    %get3A_4073 = vector.load %arg4[%get3A_4069, %get3A_4070, %get3A_4071, %get3A_4072] : memref<4x21x8x1152xf32, #tpu.memory_space<vmem>>, vector<1x1x8x1152xf32>
    %get3A_4074 = vector.shape_cast %get3A_4073 : vector<1x1x8x1152xf32> to vector<8x1152xf32>
    %eq3A_4075 = arith.constant 6 : i32
    %eq3A_4076 = vector.broadcast %eq3A_4075 : i32 to vector<8x1152xi32>
    %eq3A_4077 = arith.cmpi eq, %select_n3A_3693, %eq3A_4076 : vector<8x1152xi32>
    %and3A_4078 = arith.andi %gt3A_3820, %eq3A_4077 : vector<8x1152xi1>
    %select_n3A_4079 = arith.select %and3A_4078, %get3A_4074, %select_n3A_4065 : vector<8x1152xi1>, vector<8x1152xf32>
    %add3A_4080 = arith.constant 1.000000e+00 : f32
    %add3A_4081 = arith.addf %get3A_3273, %add3A_4080 : f32
    %convert_element_type3A_4082 = arith.fptosi %add3A_4081 : f32 to i32
    %get3A_4083 = arith.constant 3 : index
    %get3A_4084 = arith.index_cast %convert_element_type3A_4082 : i32 to index
    %get3A_4085 = arith.constant 0 : index
    %get3A_4086 = arith.constant 0 : index
    %get3A_4087 = vector.load %arg4[%get3A_4083, %get3A_4084, %get3A_4085, %get3A_4086] : memref<4x21x8x1152xf32, #tpu.memory_space<vmem>>, vector<1x1x8x1152xf32>
    %get3A_4088 = vector.shape_cast %get3A_4087 : vector<1x1x8x1152xf32> to vector<8x1152xf32>
    %eq3A_4089 = arith.constant 7 : i32
    %eq3A_4090 = vector.broadcast %eq3A_4089 : i32 to vector<8x1152xi32>
    %eq3A_4091 = arith.cmpi eq, %select_n3A_3693, %eq3A_4090 : vector<8x1152xi32>
    %and3A_4092 = arith.andi %gt3A_3820, %eq3A_4091 : vector<8x1152xi1>
    %select_n3A_4093 = arith.select %and3A_4092, %get3A_4088, %select_n3A_4079 : vector<8x1152xi1>, vector<8x1152xf32>
    %jit3A_4094 = arith.constant 0.000000e+00 : f32
    %broadcast_in_dim3A_4095 = vector.broadcast %jit3A_4094 : f32 to vector<8x1152xf32>
    %select_n3A_4096 = arith.select %gt3A_3820, %log3A_3967, %broadcast_in_dim3A_4095 : vector<8x1152xi1>, vector<8x1152xf32>
    %sub3A_4097 = arith.subf %select_n3A_4096, %select_n3A_4093 : vector<8x1152xf32>
    %reduce_sum3A_4098 = vector.shape_cast %sub3A_4097 : vector<8x1152xf32> to vector<1x8x1152xf32>
    %reduce_sum3A_4099 = arith.constant dense<0.000000e+00> : vector<1xf32>
    %reduce_sum3A_4100 = vector.multi_reduction <add>, %reduce_sum3A_4098, %reduce_sum3A_4099 [1, 2] : vector<1x8x1152xf32> to vector<1xf32>
    %reduce_sum3A_4101 = vector.shape_cast %reduce_sum3A_4100 : vector<1xf32> to vector<1x1x1xf32>
    %reduce_sum3A_4102 = vector.extract %reduce_sum3A_4101[0, 0, 0] : f32 from vector<1x1x1xf32>
    %gt3A_4103 = arith.constant 0 : i32
    %gt3A_4104 = vector.broadcast %gt3A_4103 : i32 to vector<8x1152xi32>
    %gt3A_4105 = arith.cmpi sgt, %select_n3A_3817, %gt3A_4104 : vector<8x1152xi32>
    %convert_element_type3A_4106 = arith.extui %gt3A_4105 : vector<8x1152xi1> to vector<8x1152xi32>
    %reduce_sum3A_4107 = vector.shape_cast %convert_element_type3A_4106 : vector<8x1152xi32> to vector<1x8x1152xi32>
    %reduce_sum3A_4108 = arith.constant dense<0> : vector<1xi32>
    %reduce_sum3A_4109 = vector.multi_reduction <add>, %reduce_sum3A_4107, %reduce_sum3A_4108 [1, 2] : vector<1x8x1152xi32> to vector<1xi32>
    %reduce_sum3A_4110 = vector.shape_cast %reduce_sum3A_4109 : vector<1xi32> to vector<1x1x1xi32>
    %reduce_sum3A_4111 = vector.extract %reduce_sum3A_4110[0, 0, 0] : i32 from vector<1x1x1xi32>
    %mul3A_4112 = arith.constant 3 : i32
    %mul3A_4113 = arith.muli %mul3A_4112, %reduce_sum3A_4111 : i32
    %min3A_4114 = arith.constant 8731 : i32
    %min3A_4115 = arith.minsi %mul3A_4113, %min3A_4114 : i32
    %mul3A_4116 = arith.constant 4 : i32
    %mul3A_4117 = arith.muli %arg0, %mul3A_4116 : i32
    %add3A_4118 = arith.constant 3 : i32
    %add3A_4119 = arith.addi %mul3A_4117, %add3A_4118 : i32
    %swap3A_4120 = arith.constant 3 : index
    %swap3A_4121 = arith.constant 0 : index
    %swap3A_4122 = arith.constant 0 : index
    %swap3A_4123 = vector.load %arg6[%swap3A_4120, %swap3A_4121, %swap3A_4122] : memref<4x8x1152xf32, #tpu.memory_space<vmem>>, vector<1x8x1152xf32>
    %swap3A_4124 = vector.shape_cast %swap3A_4123 : vector<1x8x1152xf32> to vector<8x1152xf32>
    %swap3A_4125 = vector.shape_cast %select_n3A_3979 : vector<8x1152xf32> to vector<1x8x1152xf32>
    tpu.vector_store %arg6[%swap3A_4120, %swap3A_4121, %swap3A_4122], %swap3A_4125 {strides = array<i32>} : memref<4x8x1152xf32, #tpu.memory_space<vmem>>, vector<1x8x1152xf32>,
    %convert_element_type3A_4126 = arith.sitofp %min3A_4115 : i32 to f32
    %broadcast_in_dim3A_4127 = vector.broadcast %convert_element_type3A_4126 : f32 to vector<1x16xf32>
    %swap3A_4128 = arith.constant 3 : index
    %swap3A_4129 = arith.constant 0 : index
    %swap3A_4130 = arith.constant 0 : index
    %swap3A_4131 = vector.load %arg7[%swap3A_4128, %swap3A_4129, %swap3A_4130] : memref<4x1x16xf32, #tpu.memory_space<vmem>>, vector<1x1x16xf32>
    %swap3A_4132 = vector.shape_cast %swap3A_4131 : vector<1x1x16xf32> to vector<1x16xf32>
    %swap3A_4133 = vector.shape_cast %broadcast_in_dim3A_4127 : vector<1x16xf32> to vector<1x1x16xf32>
    tpu.vector_store %arg7[%swap3A_4128, %swap3A_4129, %swap3A_4130], %swap3A_4133 {strides = array<i32>} : memref<4x1x16xf32, #tpu.memory_space<vmem>>, vector<1x1x16xf32>,
    %broadcast_in_dim3A_4134 = vector.broadcast %add3A_3957 : f32 to vector<1x1xf32>
    %swap3A_4135 = arith.index_cast %add3A_4119 : i32 to index
    %swap3A_4136 = arith.constant 0 : index
    %swap3A_4137 = vector.load %arg8[%swap3A_4135, %swap3A_4136] : memref<32x1xf32, #tpu.memory_space<vmem>>, vector<1x1xf32>
    tpu.vector_store %arg8[%swap3A_4135, %swap3A_4136], %broadcast_in_dim3A_4134 {strides = array<i32>} : memref<32x1xf32, #tpu.memory_space<vmem>>, vector<1x1xf32>,
    %broadcast_in_dim3A_4138 = vector.broadcast %reduce_sum3A_4102 : f32 to vector<1x1xf32>
    %swap3A_4139 = arith.index_cast %add3A_4119 : i32 to index
    %swap3A_4140 = arith.constant 0 : index
    %swap3A_4141 = vector.load %arg9[%swap3A_4139, %swap3A_4140] : memref<32x1xf32, #tpu.memory_space<vmem>>, vector<1x1xf32>
    tpu.vector_store %arg9[%swap3A_4139, %swap3A_4140], %broadcast_in_dim3A_4138 {strides = array<i32>} : memref<32x1xf32, #tpu.memory_space<vmem>>, vector<1x1xf32>,
    %broadcast_in_dim3A_4142 = vector.broadcast %reduce_sum3A_4111 : i32 to vector<1x1xi32>
    %swap3A_4143 = arith.index_cast %add3A_4119 : i32 to index
    %swap3A_4144 = arith.constant 0 : index
    %swap3A_4145 = vector.load %arg10[%swap3A_4143, %swap3A_4144] : memref<32x1xi32, #tpu.memory_space<vmem>>, vector<1x1xi32>
    tpu.vector_store %arg10[%swap3A_4143, %swap3A_4144], %broadcast_in_dim3A_4142 {strides = array<i32>} : memref<32x1xi32, #tpu.memory_space<vmem>>, vector<1x1xi32>,
    %eq3A_4146 = arith.constant 7 : i32
    %eq3A_4147 = arith.cmpi eq, %arg0, %eq3A_4146 : i32
    %convert_element_type3A_4148 = arith.extui %eq3A_4147 : i1 to i32
    %cond3A = arith.constant 0 : i32
    %cond3A_4149 = arith.cmpi ne, %convert_element_type3A_4148, %cond3A : i32
    scf.if %cond3A_4149 {
      %get3A_4150 = arith.constant 0 : index
      %get3A_4151 = arith.constant 0 : index
      %get3A_4152 = vector.load %arg8[%get3A_4150, %get3A_4151] : memref<32x1xf32, #tpu.memory_space<vmem>>, vector<32x1xf32>
      %reduce_sum3A_4153 = vector.shape_cast %get3A_4152 : vector<32x1xf32> to vector<1x32x1xf32>
      %reduce_sum3A_4154 = arith.constant dense<0.000000e+00> : vector<1xf32>
      %reduce_sum3A_4155 = vector.multi_reduction <add>, %reduce_sum3A_4153, %reduce_sum3A_4154 [1, 2] : vector<1x32x1xf32> to vector<1xf32>
      %reduce_sum3A_4156 = vector.shape_cast %reduce_sum3A_4155 : vector<1xf32> to vector<1x1x1xf32>
      %reduce_sum3A_4157 = vector.extract %reduce_sum3A_4156[0, 0, 0] : f32 from vector<1x1x1xf32>
      %swap3A_4158 = arith.constant 0 : index
      %swap3A_4159 = arith.constant 0 : index
      %swap3A_4160 = memref.load %arg5[%swap3A_4158, %swap3A_4159] : memref<1x3xf32, #tpu.memory_space<smem>>
      memref.store %reduce_sum3A_4157, %arg5[%swap3A_4158, %swap3A_4159] : memref<1x3xf32, #tpu.memory_space<smem>>
      %get3A_4161 = arith.constant 0 : index
      %get3A_4162 = arith.constant 0 : index
      %get3A_4163 = vector.load %arg9[%get3A_4161, %get3A_4162] : memref<32x1xf32, #tpu.memory_space<vmem>>, vector<32x1xf32>
      %reduce_sum3A_4164 = vector.shape_cast %get3A_4163 : vector<32x1xf32> to vector<1x32x1xf32>
      %reduce_sum3A_4165 = arith.constant dense<0.000000e+00> : vector<1xf32>
      %reduce_sum3A_4166 = vector.multi_reduction <add>, %reduce_sum3A_4164, %reduce_sum3A_4165 [1, 2] : vector<1x32x1xf32> to vector<1xf32>
      %reduce_sum3A_4167 = vector.shape_cast %reduce_sum3A_4166 : vector<1xf32> to vector<1x1x1xf32>
      %reduce_sum3A_4168 = vector.extract %reduce_sum3A_4167[0, 0, 0] : f32 from vector<1x1x1xf32>
      %swap3A_4169 = arith.constant 0 : index
      %swap3A_4170 = arith.constant 1 : index
      %swap3A_4171 = memref.load %arg5[%swap3A_4169, %swap3A_4170] : memref<1x3xf32, #tpu.memory_space<smem>>
      memref.store %reduce_sum3A_4168, %arg5[%swap3A_4169, %swap3A_4170] : memref<1x3xf32, #tpu.memory_space<smem>>
      %get3A_4172 = arith.constant 0 : index
      %get3A_4173 = arith.constant 0 : index
      %get3A_4174 = vector.load %arg10[%get3A_4172, %get3A_4173] : memref<32x1xi32, #tpu.memory_space<vmem>>, vector<32x1xi32>
      %convert_element_type3A_4175 = arith.sitofp %get3A_4174 : vector<32x1xi32> to vector<32x1xf32>
      %reduce_sum3A_4176 = vector.shape_cast %convert_element_type3A_4175 : vector<32x1xf32> to vector<1x32x1xf32>
      %reduce_sum3A_4177 = arith.constant dense<0.000000e+00> : vector<1xf32>
      %reduce_sum3A_4178 = vector.multi_reduction <add>, %reduce_sum3A_4176, %reduce_sum3A_4177 [1, 2] : vector<1x32x1xf32> to vector<1xf32>
      %reduce_sum3A_4179 = vector.shape_cast %reduce_sum3A_4178 : vector<1xf32> to vector<1x1x1xf32>
      %reduce_sum3A_4180 = vector.extract %reduce_sum3A_4179[0, 0, 0] : f32 from vector<1x1x1xf32>
      %swap3A_4181 = arith.constant 0 : index
      %swap3A_4182 = arith.constant 2 : index
      %swap3A_4183 = memref.load %arg5[%swap3A_4181, %swap3A_4182] : memref<1x3xf32, #tpu.memory_space<smem>>
      memref.store %reduce_sum3A_4180, %arg5[%swap3A_4181, %swap3A_4182] : memref<1x3xf32, #tpu.memory_space<smem>>
    } else {
    }
    return
  }
  func.func @transform_0(%arg0: i32) -> (i32, i32, i32) {
    %c0_i32 = arith.constant 0 : i32
    %c0_i32_0 = arith.constant 0 : i32
    %c0_i32_1 = arith.constant 0 : i32
    return %arg0, %c0_i32, %c0_i32_0 : i32, i32, i32
  }
  func.func @transform_1(%arg0: i32) -> (i32, i32, i32) {
    %c0_i32 = arith.constant 0 : i32
    %c0_i32_0 = arith.constant 0 : i32
    %c0_i32_1 = arith.constant 0 : i32
    %c0_i32_2 = arith.constant 0 : i32
    return %c0_i32, %c0_i32_0, %c0_i32_1 : i32, i32, i32
  }
  func.func @transform_2(%arg0: i32) -> (i32, i32, i32, i32) {
    %c0_i32 = arith.constant 0 : i32
    %c0_i32_0 = arith.constant 0 : i32
    %c0_i32_1 = arith.constant 0 : i32
    %c0_i32_2 = arith.constant 0 : i32
    return %arg0, %c0_i32, %c0_i32_0, %c0_i32_1 : i32, i32, i32, i32
  }
  func.func @transform_3(%arg0: i32) -> (i32, i32, i32, i32) {
    %c0_i32 = arith.constant 0 : i32
    %c0_i32_0 = arith.constant 0 : i32
    %c0_i32_1 = arith.constant 0 : i32
    %c0_i32_2 = arith.constant 0 : i32
    return %arg0, %c0_i32, %c0_i32_0, %c0_i32_1 : i32, i32, i32, i32
  }
  func.func @transform_4(%arg0: i32) -> (i32, i32) {
    %c0_i32 = arith.constant 0 : i32
    %c0_i32_0 = arith.constant 0 : i32
    %c0_i32_1 = arith.constant 0 : i32
    return %c0_i32, %c0_i32_0 : i32, i32
  }
  func.func @transform_5(%arg0: i32) -> (i32, i32, i32) {
    %c0_i32 = arith.constant 0 : i32
    %c0_i32_0 = arith.constant 0 : i32
    %c0_i32_1 = arith.constant 0 : i32
    return %arg0, %c0_i32, %c0_i32_0 : i32, i32, i32
  }
  func.func @transform_6(%arg0: i32) -> (i32, i32, i32) {
    %c0_i32 = arith.constant 0 : i32
    %c0_i32_0 = arith.constant 0 : i32
    %c0_i32_1 = arith.constant 0 : i32
    return %arg0, %c0_i32, %c0_i32_0 : i32, i32, i32
  }
}

</mosaic_0001>

<sc_bundles>
// kernel: kernel.4.cloned.1.call-start
scs
__scs_entry_jumppad:
0x0: {  	(pc) =	sbr.rel $0x88, $3  }
0x1: {  	(tag) =	ssettag $0x0;
	lr =	simm.s32 $0x1  }
0x2: {  	[smem:$0x3F9D] =	sst lr;
	_ =	strace $0xD0000000  }
0x3: {  	_ = 	snop  }
0x4: {  	_ = 	snop  }
0x5: {  	_ = 	snop  }
0x6: {  	_ = 	snop  }
0x7: {  	_ = 	snop  }
__scs_overlays_trampoline_lowered:
0x8: {  	[smem:$0x3FAC] =	sst s0  }
0x9: {  	[smem:$0x3FAD] =	sst s1  }
0xa: {  	[smem:$0x3FAE] =	sst s2  }
0xb: {  	[smem:$0x3FAF] =	sst s3  }
0xc: {  	[smem:$0x3FB0] =	sst s4  }
0xd: {  	[smem:$0x3FB1] =	sst s5  }
0xe: {  	[smem:$0x3FB2] =	sst s6  }
0xf: {  	[smem:$0x3FB3] =	sst s7  }
0x10: {  	[smem:$0x3FB4] =	sst s8  }
0x11: {  	[smem:$0x3FB5] =	sst s9;
	s0 =	simm.s32 @!p0 $0x0  }
0x12: {  	s1 =	sld [smem:$0x3F9B];
	s0 =	simm.s32 @p0 $0x1  }
0x13: {  	[smem:$0x3FB6] =	sst s0;
	s0 =	simm.s32 @!p1 $0x0  }
0x14: {  	s2 =	sld [smem:$0x3F9A];
	s0 =	simm.s32 @p1 $0x1  }
0x15: {  	[smem:$0x3FB7] =	sst s0;
	s0 =	simm.s32 @!p2 $0x0  }
0x16: {  	s3 =	sld [smem:$0x3FDB];
	s0 =	simm.s32 @p2 $0x1  }
0x17: {  	s4 =	simm.s32 $0x1BF5;
	[smem:$0x3FB9] =	sst s0  }
0x18: {  	s0 =	sld [smem:$0x3F9C];
	_ =	swait.ge [sflag:s4], $0x0  }
0x19: {  	s7 =	sld [smem:$0x3F9D]  }
0x1a: {  	s8 =	sadd.s32 $0xFFFFE003, lr  }
0x1b: {  	s9 =	sadd.s32 $0xFFFFFEF7, lr;
	s5 =	simm.s32 $0xFFFFFFFF;
	p2 =	slt.u32 s8, $0xFFFFF086  }
0x1c: {  	p1 =	slt.u32 s9, $0xF7A;
	s5 =	simm.s32 @!p2 $0x0  }
0x1d: {  	s5 =	simm.s32 @p1 $0x1;
	p0 =	seq.s32 s7, s2  }
0x1e: {  	s7 =	smul.u32 @!p0 $0xF7A, s2;
	p2 =	seq.s32 @!p0 s5, $0x0  }
0x1f: {  	s9 =	smul.u32 $0xF7A, s1;
	s8 =	simm.s32 @!p0 $0x1BF5;
	p2 =	por !p2, p0  }
0x20: {  	[sflag:s8] =	ssyncset.s32 @!p0 $0xFFFFF086;
	s6 =	sadd.s32 @!p0 s3, s7;
	s7 =	simm.s32 @!p0 $0x108  }
0x21: {  	s3 =	sadd.s32 s3, s9;
	s6 =	sadd.s32 @!p0 $0x88, s6;
	s7 =	simm.s32 @p2 $0x1082  }
0x22: {  	[simem:s7], [sflag:s8] =	dma.local @!p0 [hbm:s6], $0xF7A  }
0x23: {  	s9 =	sor.u32 $0xD0000000, s2;
	s6 =	simm.s32 $0x108;
	_ =	swait.ge @!p0 [sflag:s8], $0x0  }
0x24: {  	s3 =	sadd.s32 $0x88, s3;
	s6 =	simm.s32 @!p1 $0x1082;
	[sflag:s4] =	ssyncset.s32 $0xFFFFF086  }
0x25: {  	[simem:s6], [sflag:s4] =	dma.local [hbm:s3], $0xF7A  }
0x26: {  	[smem:$0x3F9D] =	sst s1;
	(tag) =	ssettag s2;
	_ =	strace s9  }
0x27: {  	s1 =	sld [smem:$0x3FAD]  }
0x28: {  	s2 =	sld [smem:$0x3FAE]  }
0x29: {  	s4 =	sld [smem:$0x3FB0]  }
0x2a: {  	p0 =	seq.s32 s5, $0x0;
	s5 =	sld [smem:$0x3FB1]  }
0x2b: {  	s6 =	sld [smem:$0x3FB2]  }
0x2c: {  	s7 =	sld [smem:$0x3FB3]  }
0x2d: {  	s3 =	simm.s32 $0x108;
	s8 =	sld [smem:$0x3FB4]  }
0x2e: {  	s3 =	simm.s32 @!p0 $0x1082;
	s9 =	sld [smem:$0x3FB5]  }
0x2f: {  	lr =	sadd.s32 s0, s3;
	s0 =	sld [smem:$0x3FAC]  }
0x30: {  	s3 =	sld [smem:$0x3FAF]  }
0x31: {  	[smem:$0x3FB8] =	sst s10  }
0x32: {  	s10 =	sld [smem:$0x3FB6];
	_ =	sdelay $0x3  }
0x33: {  	p0 =	seq.s32 s10, $0x1;
	s10 =	sld [smem:$0x3FB8];
	_ =	sdelay $0x3  }
0x34: {  	[smem:$0x3FB8] =	sst s10  }
0x35: {  	s10 =	sld [smem:$0x3FB7];
	_ =	sdelay $0x3  }
0x36: {  	p1 =	seq.s32 s10, $0x1;
	s10 =	sld [smem:$0x3FB8];
	_ =	sdelay $0x3  }
0x37: {  	[smem:$0x3FB8] =	sst s10  }
0x38: {  	s10 =	sld [smem:$0x3FB9]  }
0x39: {  	_ = 	snop;
	(pc) =	sbr.ind lr, $3  }
0x3a: {  	_ = 	snop  }
0x3b: {  	_ = 	snop  }
0x3c: {  	p2 =	seq.s32 s10, $0x1;
	s10 =	sld [smem:$0x3FB8]  }
0x3d: {  	_ =	shalt  }
0x3e: {  	_ =	shalt  }
0x3f: {  	_ =	shalt  }
0x40: {  	_ =	shalt  }
0x41: {  	_ =	shalt  }
0x42: {  	_ =	shalt  }
0x43: {  	_ =	shalt  }
0x44: {  	_ =	shalt  }
0x45: {  	_ =	shalt  }
0x46: {  	_ =	shalt  }
0x47: {  	_ =	shalt  }
0x48: {  	_ =	shalt  }
0x49: {  	_ =	shalt  }
0x4a: {  	_ =	shalt  }
0x4b: {  	_ =	shalt  }
0x4c: {  	_ =	shalt  }
0x4d: {  	_ =	shalt  }
0x4e: {  	_ =	shalt  }
0x4f: {  	_ =	shalt  }
0x50: {  	_ =	shalt  }
0x51: {  	_ =	shalt  }
0x52: {  	_ =	shalt  }
0x53: {  	_ =	shalt  }
0x54: {  	_ =	shalt  }
0x55: {  	_ =	shalt  }
0x56: {  	_ =	shalt  }
0x57: {  	_ =	shalt  }
0x58: {  	_ =	shalt  }
0x59: {  	_ =	shalt  }
0x5a: {  	_ =	shalt  }
0x5b: {  	_ =	shalt  }
0x5c: {  	_ =	shalt  }
0x5d: {  	_ =	shalt  }
0x5e: {  	_ =	shalt  }
0x5f: {  	_ =	shalt  }
0x60: {  	_ =	shalt  }
0x61: {  	_ =	shalt  }
0x62: {  	_ =	shalt  }
0x63: {  	_ =	shalt  }
0x64: {  	_ =	shalt  }
0x65: {  	_ =	shalt  }
0x66: {  	_ =	shalt  }
0x67: {  	_ =	shalt  }
0x68: {  	_ =	shalt  }
0x69: {  	_ =	shalt  }
0x6a: {  	_ =	shalt  }
0x6b: {  	_ =	shalt  }
0x6c: {  	_ =	shalt  }
0x6d: {  	_ =	shalt  }
0x6e: {  	_ =	shalt  }
0x6f: {  	_ =	shalt  }
0x70: {  	_ =	shalt  }
0x71: {  	_ =	shalt  }
0x72: {  	_ =	shalt  }
0x73: {  	_ =	shalt  }
0x74: {  	_ =	shalt  }
0x75: {  	_ =	shalt  }
0x76: {  	_ =	shalt  }
0x77: {  	_ =	shalt  }
0x78: {  	_ =	shalt  }
0x79: {  	_ =	shalt  }
0x7a: {  	_ =	shalt  }
0x7b: {  	_ =	shalt  }
0x7c: {  	_ =	shalt  }
0x7d: {  	_ =	shalt  }
0x7e: {  	_ =	shalt  }
0x7f: {  	_ =	shalt  }
0x80: {  	_ =	shalt  }
0x81: {  	_ =	shalt  }
0x82: {  	_ =	shalt  }
0x83: {  	_ =	shalt  }
0x84: {  	_ =	shalt  }
0x85: {  	_ =	shalt  }
0x86: {  	_ =	shalt  }
0x87: {  	_ =	shalt  }
.Lfunc_end0:
.L_simem_size_0:
called_computation_lowered:
.L_overlay_start_0:
0x88: {  	s2 =	sld [smem:$0x3FD9]  }
0x89: {  	s3 =	sld [smem:$0x3FFE];
	_ =	sdelay $0x1  }
0x8a: {  	s1 =	srdreg.scid  }
0x8b: {  	s0 =	sand.u32 $0x1, s1  }
0x8c: {  	s16 =	sshll.u32 s0, $0xA;
	s2 =	sadd.s32 s3, s2  }
0x8d: {  	s2 =	sadd.s32 s2, s16  }
0x8e: {  	[smem:$0x3FC4] =	sst s2  }
0x8f: {  	_ = 	snop  }
0x90: {  	(tm) =	ssettm $0x1  }
0x91: {  	s17 =	sld [smem:$0x3FFB];
	_ =	sdelay $0x3  }
0x92: {  	_ =	strace s17  }
0x93: {  	s2 =	sld [smem:$0x3FFC];
	_ =	sdelay $0x3  }
0x94: {  	_ =	strace s2  }
0x95: {  	s2 =	sld [smem:$0x3FFD];
	_ =	sdelay $0x3  }
0x96: {  	_ =	strace s2  }
0x97: {  	_ =	strace $0x8FFFFFFF  }
0x98: {  	s18 =	sld [smem:$0x3FDB];
	_ =	sdelay $0x1  }
0x99: {  	s19 =	simm.s32 $_scs_section_size  }
0x9a: {  	s4 =	simm.s32 $_size__tile_overlayer_lowered;
	s5 =	simm.s32 $_tile_overlayer_lowered  }
0x9b: {  	s22 =	simm.s32 $0x1BFF;
	s21 =	sshll.u32 s5, $0x1;
	s2 =	sadd.s32 s19, s18  }
0x9c: {  	s6 =	simm.s32 $0x0;
	s20 =	sshll.u32 s4, $0x1;
	s4 =	sadd.s32 s21, s2  }
0x9d: {  	[timem:s6], [sflag:s22] =	dma.local [hbm:s4], s20  }
0x9e: {  	_ =	swait.ge [sflag:s22], s20  }
0x9f: {  	s3 =	ssub.s32 $0x0, s20;
	[sflag:s22] =	ssyncset.done $0x0  }
0xa0: {  	[sflag:s22] =	ssyncadd.s32 s3;
	_ =	sdelay $0x1  }
0xa1: {  	s23 =	simm.s32 $0x1B8B  }
0xa2: {  	_ =	swait.ge [sflag:s23], $0x1  }
0xa3: {  	[sflag:s23] =	ssyncset.done $0x0  }
0xa4: {  	s25 =	simm.s32 $0x1B8E;
	s24 =	sld [smem:$0x3FFE];
	[sflag:s23] =	ssyncadd.s32 $0xFFFFFFFF  }
0xa5: {  	s26 =	simm.s32 $execute0_lowered;
	[smem:$0x3FD2] =	sst s25  }
0xa6: {  	s4 =	sshll.u32 s26, $0x1;
	_ =	strace $0x80000046;
	[dreg:$0x1] =	wrdreg $0xFFFFFFFF  }
0xa7: {  	s28 =	simm.s32 $_size_execute0_lowered;
	s2 =	sadd.s32 s2, s4;
	[dreg:$0x0] =	wrdreg $0x0  }
0xa8: {  	s4 =	sshll.u32 s28, $0x1;
	[dreg:$0x2] =	wrdreg s2  }
0xa9: {  	[dreg:$0x3] =	wrdreg s4  }
0xaa: {  	[dreg:$0x4] =	wrdreg $0xC0  }
0xab: {  	_ =	task [dreg:s6], $0x5FFFF  }
0xac: {  	[dreg:$0x1] =	wrdreg $0xFFFFFFFF  }
0xad: {  	[dreg:$0x0] =	wrdreg $0x60  }
0xae: {  	[dreg:$0x2] =	wrdreg s24  }
0xaf: {  	[dreg:$0x3] =	wrdreg $0x9  }
0xb0: {  	_ =	task.clear_ibuf [dreg:s6], $0x4FFFF;
	_ =	strace $0x90000046  }
0xb1: {  	s29 =	simm.s32 $0x9;
	_ =	strace $0x80000048  }
0xb2: {  	_ =	swait.ge [sflag:s29], $0x1  }
0xb3: {  	[sflag:s29] =	ssyncadd.s32 $0xFFFFFFFF  }
0xb4: {  	_ =	strace $0x90000048  }
0xb5: {  	_ =	sfence  }
0xb6: {  	s30 =	sld [smem:$0x0];
	_ =	sdelay $0x2  }
0xb7: {  	s31 =	sshll.u32 s1, $0xD;
	s1 =	sshrl.u32 s1, $0x2  }
0xb8: {  	s3 =	sand.u32 $0x4000, s31;
	s1 =	sadd.s32 s1, s30  }
0xb9: {  	s0 =	sor.u32 s3, s0;
	s1 =	sshll.u32 s1, $0x11  }
0xba: {  	s0 =	sor.u32 s1, s0  }
0xbb: {  	s0 =	sadd.s32 $0x8F2B, s0  }
0xbc: {  	[sflag:s0] =	ssyncadd.remote.s32 $0x1  }
0xbd: {  	_ =	sfence.sel $0xFFFF  }
0xbe: {  	[dreg:$0x0] =	wrdreg $0xFFFFFFFF;
	(pc) =	sbr.abs _section_cstart, $3  }
0xbf: {  	[dreg:$0x1] =	wrdreg $0xFFFFFFFF  }
0xc0: {  	_ =	task.clear_ibuf [dreg:s6], $0x2FFFF;
	_ =	strace $0x9FFFFFFF  }
0xc1: {  	(tm) =	ssettm $0x7FFFFFFF  }
tec
execute0_lowered:
.L_overlay_start_1:
0x0: {  	(tag) =	ssettag $0x1  }
0x1: {  	s3 =	rddreg [dreg:$0x0]  }
0x2: {  	s0 =	rddreg [dreg:$0x1];
	s2 =	simm.s32 $0x0  }
0x3: {  	s4 =	srdreg.scid;
	s1 =	stileid.u32;
	s9 =	simm.s32 $0x1  }
0x4: {  	s10 =	simm.s32 $0x2400;
	s11 =	simm.s32 $0x2480;
	[smem:$0x7FF] =	sst s2  }
0x5: {  	s4 =	sand.u32 $0x1, s4;
	s5 =	sshrl.u32 s1, $0x2;
	s6 =	sshll.u32 s1, $0x8  }
0x6: {  	s7 =	smul.u32 $0x12000, s5;
	s8 =	sshll.u32 s4, $0x7;
	s6 =	sand.u32 $0x300, s6  }
0x7: {  	s12 =	simm.s32 $0x0;
	_ =	strace $0x80000047;
	s6 =	sor.u32 s8, s6  }
0x8: {  	s5 =	sshll.u32 s5, $0xA;
	s4 =	ssub.s32 $0x2, s4;
	s7 =	sor.u32 s7, s6  }
0x9: {  	s31 =	sshrl.u32 s4, $0x1;
	s5 =	sor.u32 s5, s6;
	s30 =	sshrl.u32 s7, $0x3  }
0xa: {  	s8 =	simm.s32 $0x400;
	s5 =	sshrl.u32 s5, $0x3;
	s6 =	sadd.s32 s30, s3  }
0xb: {  	s7 =	ssub.s32 s4, s31;
	s3 =	sadd.s32 s3, s5;
	s4 =	sadd.s32 $0x200, s6  }
0xc: {  	v0 =	vimm.s32 $0x0;
	s5 =	sadd.s32 $0x9200, s3;
	s6 =	smax.u32 s7, $0x1;
	s7 =	simm.s32 $0x80  }
.LBB2_1:
0xd: {  	[tilespmem:s2], [sflag:$0x1] =	stream.strided.gather [hbm4b:s4+s7], $0x2400, s8, s7, $0x38;
	[tilespmem:$0x2580] =	vst v63  }
0xe: {  	_ =	swait.ge [sflag:s9], $0x2400  }
0xf: {  	[sflag:s9] =	ssyncset.done $0x0  }
0x10: {  	[sflag:s9] =	ssyncadd.s32 $0xFFFFDC00  }
0x11: {  	[tilespmem:s10], [sflag:$0x1] =	stream.linear.gather [hbm4b:s3+s2], $0x80, $0x38;
	[tilespmem:$0x2580] =	vst v63  }
0x12: {  	_ =	swait.ge [sflag:s9], $0x80  }
0x13: {  	[sflag:s9] =	ssyncset.done $0x0  }
0x14: {  	[sflag:s9] =	ssyncadd.s32 $0xFFFFFF80  }
0x15: {  	v1 =	vld [tilespmem:$0x2400];
	_ =	sdelay $0x4  }
0x16: {  	v1 =	vtrunc.f32 v1  }
0x17: {  	v3 =	vimm.s32 $0x7F7FFFFF;
	v2 =	vimm.s32 $0x0;
	s13 =	simm.s32 $0x0;
	v1 =	vcvt.f32.s32 v1  }
.LBB2_2:
0x18: {  	s15 =	simm.s32 $0x40  }
0x19: {  	v6 =	vld [tilespmem:s15+$0xFFFFFFC0]  }
0x1a: {  	v4 =	vsub.s32 v3, v2;
	v8 =	vld [tilespmem:s15+$0xFFFFFFD0]  }
0x1b: {  	v4 =	vadd.s32 $0x1, v4;
	v9 =	vld [tilespmem:s15+$0xFFFFFFE0]  }
0x1c: {  	v7 =	vld [tilespmem:s15+$0xFFFFFFF0];
	v4 =	vshrl.u32 v4, $0x1  }
0x1d: {  	v5 =	vld [tilespmem:s15+$0x0];
	v4 =	vadd.s32 v2, v4  }
0x1e: {  	vm0 =	vge.s32 v6, v4;
	v6 =	vld [tilespmem:s15+$0x10]  }
0x1f: {  	v10 =	vimm.s32 $0x0;
	v11 =	vsel vm0, $0x1, v0;
	vm0 =	vge.s32 v8, v4;
	v8 =	vld [tilespmem:s15+$0x20]  }
0x20: {  	s14 =	simm.s32 $0x0;
	v10 =	vadd.s32 v11, v10;
	v11 =	vsel vm0, $0x1, v0;
	vm0 =	vge.s32 v9, v4;
	v9 =	vld [tilespmem:s15+$0x30];
	s15 =	simm.s32 $0xC0  }
.LBB2_3:
0x21: {  	v12 =	vld [tilespmem:s15+$0xFFFFFFC0];
	s14 =	sadd.s32 $0x8, s14;
	v10 =	vadd.s32 v11, v10;
	v11 =	vsel vm0, $0x1, v0;
	vm0 =	vge.s32 v7, v4  }
0x22: {  	v13 =	vld [tilespmem:s15+$0xFFFFFFD0];
	p0 =	slt.u32 s14, $0x238;
	v7 =	vadd.s32 v11, v10;
	v10 =	vsel vm0, $0x1, v0;
	vm0 =	vge.s32 v5, v4  }
0x23: {  	v14 =	vld [tilespmem:s15+$0xFFFFFFE0];
	v5 =	vadd.s32 v10, v7;
	v10 =	vsel vm0, $0x1, v0;
	vm0 =	vge.s32 v6, v4  }
.Ltmp0:
0x24: {  	v7 =	vld [tilespmem:s15+$0xFFFFFFF0];
	v6 =	vadd.s32 v10, v5;
	v10 =	vsel vm0, $0x1, v0;
	vm0 =	vge.s32 v8, v4;
	(pc) =	sbr.rel @p0 .LBB2_3-.Ltmp0, $4  }
0x25: {  	v5 =	vld [tilespmem:s15+$0x0];
	v8 =	vadd.s32 v10, v6;
	v10 =	vsel vm0, $0x1, v0;
	vm0 =	vge.s32 v9, v4  }
0x26: {  	vm1 =	vge.s32 v12, v4;
	v6 =	vld [tilespmem:s15+$0x10];
	v9 =	vadd.s32 v10, v8;
	v10 =	vsel vm0, $0x1, v0  }
0x27: {  	v11 =	vsel vm1, $0x1, v0;
	vm0 =	vge.s32 v13, v4;
	v8 =	vld [tilespmem:s15+$0x20];
	v9 =	vadd.s32 v10, v9  }
0x28: {  	v10 =	vadd.s32 v11, v9;
	v11 =	vsel vm0, $0x1, v0;
	vm0 =	vge.s32 v14, v4;
	v9 =	vld [tilespmem:s15+$0x30];
	s15 =	sadd.s32 $0x80, s15  }
0x29: {  	v10 =	vadd.s32 v11, v10;
	v54 =	vsel vm0, $0x1, v0;
	vm10 =	vge.s32 v7, v4  }
0x2a: {  	v55 =	vadd.s32 v54, v10;
	v56 =	vsel vm10, $0x1, v0;
	vm11 =	vge.s32 v5, v4  }
0x2b: {  	v5 =	vadd.s32 v56, v55;
	v57 =	vsel vm11, $0x1, v0;
	vm12 =	vge.s32 v6, v4  }
0x2c: {  	v5 =	vadd.s32 v57, v5;
	v6 =	vsel vm12, $0x1, v0;
	vm13 =	vge.s32 v8, v4  }
0x2d: {  	v5 =	vadd.s32 v6, v5;
	v58 =	vsel vm13, $0x1, v0;
	vm14 =	vge.s32 v9, v4  }
0x2e: {  	v5 =	vadd.s32 v58, v5;
	v59 =	vsel vm14, $0x1, v0  }
0x2f: {  	v5 =	vadd.s32 v59, v5  }
0x30: {  	[tilespmem:$0x2500] =	vst v5  }
0x31: {  	[tilespmem:$0x2510] =	vst v5  }
0x32: {  	v60 =	vld [tilespmem:$0x2501];
	_ =	sdelay $0x4  }
0x33: {  	v5 =	vadd.s32 v5, v60  }
0x34: {  	[tilespmem:$0x2500] =	vst v5  }
0x35: {  	[tilespmem:$0x2510] =	vst v5  }
0x36: {  	v61 =	vld [tilespmem:$0x2502];
	_ =	sdelay $0x4  }
0x37: {  	v5 =	vadd.s32 v5, v61  }
0x38: {  	[tilespmem:$0x2500] =	vst v5  }
0x39: {  	[tilespmem:$0x2510] =	vst v5  }
0x3a: {  	v62 =	vld [tilespmem:$0x2504];
	_ =	sdelay $0x4  }
0x3b: {  	v5 =	vadd.s32 v5, v62  }
0x3c: {  	[tilespmem:$0x2500] =	vst v5  }
0x3d: {  	[tilespmem:$0x2510] =	vst v5  }
0x3e: {  	v63 =	vld [tilespmem:$0x2508]  }
0x3f: {  	s13 =	sadd.s32 $0x1, s13  }
0x40: {  	p0 =	sne.s32 s13, $0x1F  }
.Ltmp1:
0x41: {  	_ = 	snop;
	(pc) =	sbr.rel @p0 .LBB2_2-.Ltmp1, $4  }
0x42: {  	_ = 	snop  }
0x43: {  	v5 =	vadd.s32 v5, v63  }
0x44: {  	vm15 =	vlt.s32 v5, v1;
	v5 =	vadd.s32 $0xFFFFFFFF, v4  }
0x45: {  	v2 =	vsel vm15, v2, v4;
	v3 =	vsel vm15, v5, v3  }
0x46: {  	s13 =	simm.s32 $0x40  }
0x47: {  	v5 =	vld [tilespmem:s13+$0xFFFFFFC0];
	_ =	sdelay $0x1  }
0x48: {  	v6 =	vld [tilespmem:s13+$0xFFFFFFD0]  }
0x49: {  	v3 =	vld [tilespmem:s13+$0x30]  }
0x4a: {  	v7 =	vld [tilespmem:s13+$0xFFFFFFE0]  }
0x4b: {  	v9 =	vld [tilespmem:s13+$0xFFFFFFF0];
	vm4 =	vlt.s32 v2, v5  }
0x4c: {  	v8 =	vimm.f32 $0.0e+00;
	v4 =	vld [tilespmem:s13+$0x20];
	v5 =	vnsel vm4, $0x0, v5  }
0x4d: {  	v10 =	vld [tilespmem:s13+$0x0];
	vm5 =	vlt.s32 v2, v6;
	v8 =	vadd.f32 v5, v8  }
0x4e: {  	v6 =	vnsel vm5, $0x0, v6;
	v5 =	vld [tilespmem:s13+$0x10]  }
0x4f: {  	vm6 =	vlt.s32 v2, v7;
	v6 =	vadd.f32 v6, v8  }
0x50: {  	vm3 =	vlt.s32 v2, v9;
	v7 =	vnsel vm6, $0x0, v7  }
0x51: {  	vm0 =	vlt.s32 v2, v3;
	vm1 =	vlt.s32 v2, v4;
	v6 =	vadd.f32 v7, v6  }
0x52: {  	v8 =	vimm.s32 $0x0;
	v7 =	vnsel vm3, $0x0, v9;
	v9 =	vsel vm4, $0x1, v0  }
0x53: {  	vm4 =	vlt.s32 v2, v10;
	vm2 =	vlt.s32 v2, v5;
	v6 =	vadd.f32 v7, v6  }
0x54: {  	v7 =	vadd.s32 v9, v8;
	v8 =	vsel vm5, $0x1, v0;
	v9 =	vnsel vm4, $0x0, v10  }
0x55: {  	s14 =	simm.s32 $0xC0;
	s13 =	simm.s32 $0x0;
	v7 =	vadd.s32 v8, v7;
	v8 =	vsel vm6, $0x1, v0;
	v6 =	vadd.f32 v9, v6  }
.LBB2_6:
0x56: {  	v9 =	vld [tilespmem:s14+$0xFFFFFFC0];
	s13 =	sadd.s32 $0x8, s13;
	v7 =	vadd.s32 v8, v7;
	v8 =	vsel vm3, $0x1, v0;
	v5 =	vnsel vm2, $0x0, v5  }
0x57: {  	p0 =	slt.u32 s13, $0x238;
	v7 =	vadd.s32 v8, v7;
	v8 =	vsel vm4, $0x1, v0;
	v5 =	vadd.f32 v5, v6  }
0x58: {  	v4 =	vnsel vm1, $0x0, v4;
	v6 =	vld [tilespmem:s14+$0xFFFFFFD0];
	v7 =	vadd.s32 v8, v7;
	v8 =	vsel vm2, $0x1, v0  }
0x59: {  	v10 =	vld [tilespmem:s14+$0x30];
	v7 =	vadd.s32 v8, v7;
	v5 =	vadd.f32 v4, v5;
	v4 =	vsel vm1, $0x1, v0  }
0x5a: {  	v3 =	vnsel vm0, $0x0, v3;
	v11 =	vsel vm0, $0x1, v0;
	v8 =	vld [tilespmem:s14+$0xFFFFFFE0];
	v7 =	vadd.s32 v4, v7  }
0x5b: {  	vm4 =	vlt.s32 v2, v9;
	v4 =	vld [tilespmem:s14+$0x20];
	v13 =	vadd.f32 v3, v5;
	v7 =	vadd.s32 v11, v7  }
0x5c: {  	v5 =	vnsel vm4, $0x0, v9;
	v9 =	vld [tilespmem:s14+$0xFFFFFFF0]  }
0x5d: {  	v11 =	vadd.f32 v5, v13;
	vm5 =	vlt.s32 v2, v6;
	v5 =	vld [tilespmem:s14+$0x10]  }
0x5e: {  	v6 =	vnsel vm5, $0x0, v6;
	v12 =	vld [tilespmem:s14+$0x0];
	v3 =	vmov v10  }
0x5f: {  	v6 =	vadd.f32 v6, v11;
	vm6 =	vlt.s32 v2, v8  }
0x60: {  	v8 =	vnsel vm6, $0x0, v8  }
.Ltmp2:
0x61: {  	vm0 =	vlt.s32 v2, v3;
	v6 =	vadd.f32 v8, v6;
	vm3 =	vlt.s32 v2, v9;
	(pc) =	sbr.rel @p0 .LBB2_6-.Ltmp2, $4  }
0x62: {  	vm1 =	vlt.s32 v2, v4;
	v8 =	vnsel vm3, $0x0, v9;
	vm2 =	vlt.s32 v2, v5  }
0x63: {  	v9 =	vsel vm4, $0x1, v0;
	v6 =	vadd.f32 v8, v6;
	vm4 =	vlt.s32 v2, v12  }
0x64: {  	v7 =	vadd.s32 v9, v7;
	v8 =	vsel vm5, $0x1, v0;
	v9 =	vnsel vm4, $0x0, v12  }
0x65: {  	s14 =	sadd.s32 $0x80, s14;
	v7 =	vadd.s32 v8, v7;
	v8 =	vsel vm6, $0x1, v0;
	v6 =	vadd.f32 v9, v6  }
0x66: {  	v7 =	vadd.s32 v8, v7  }
0x67: {  	v57 =	vsel vm3, $0x1, v0;
	v5 =	vnsel vm2, $0x0, v5;
	v58 =	vsel vm4, $0x1, v0  }
0x68: {  	v60 =	vsel vm2, $0x1, v0;
	v7 =	vadd.s32 v57, v7;
	v5 =	vadd.f32 v5, v6  }
0x69: {  	v4 =	vnsel vm1, $0x0, v4;
	v61 =	vsel vm1, $0x1, v0;
	v59 =	vadd.s32 v58, v7  }
0x6a: {  	v3 =	vnsel vm0, $0x0, v3;
	v6 =	vadd.s32 v60, v59;
	v4 =	vadd.f32 v4, v5  }
0x6b: {  	v62 =	vsel vm0, $0x1, v0;
	vm15 =	vgt.s32 v1, $0x0;
	v5 =	vadd.s32 v61, v6  }
0x6c: {  	v1 =	vnsel vm15, $0x0, v2;
	v3 =	vadd.f32 v3, v4;
	v63 =	vadd.s32 v62, v5  }
0x6d: {  	s12 =	sadd.s32 $0x1, s12;
	[tilespmem:$0x24A0] =	vst v1;
	v4 =	vcvt.s32.f32 v63  }
0x6e: {  	p0 =	sne.s32 s12, s6;
	[tilespmem:$0x2480] =	vst v3  }
.Ltmp3:
0x6f: {  	[tilespmem:$0x2490] =	vst v4;
	(pc) =	sbr.rel @p0 .LBB2_1-.Ltmp3, $4  }
0x70: {  	[hbm4b:s5+s2] =	stream.linear.scatter [tilespmem:s11], [sflag:$0x1], $0x80, $0x38;
	[tilespmem:$0x2580] =	vst v63  }
0x71: {  	_ =	swait.ge [sflag:s9], $0x80  }
0x72: {  	[sflag:s9] =	ssyncset.done $0x0  }
0x73: {  	[sflag:s9] =	ssyncadd.s32 $0xFFFFFF80  }
0x74: {  	_ =	sfence.sel $0x180000  }
0x75: {  	[bflag:$0x0] =	sbarrier.arrive $0xFFFF  }
0x76: {  	p0 =	sne.s32 s1, $0x0;
	_ =	strace $0x90000047  }
0x77: {  	s0 =	sadd.s32 @!p0 $0x100000, s0;
	[bflag:$0x2] =	sbarrier.arrive $0xFFFF  }
0x78: {  	[sflag:s0] =	ssyncadd.tile.s32 @!p0 $0x1;
	_ =	shalt  }
.Lfunc_end2:
_tile_overlayer_lowered:
.L_overlay_start_2:
0x79: {  	(tag) =	ssettag $0x2  }
0x7a: {  	s0 =	rddreg [dreg:$0x0];
	s2 =	stileid.u32  }
0x7b: {  	s1 =	rddreg [dreg:$0x1];
	p0 =	sne.s32 s2, $0x0  }
0x7c: {  	s3 =	rddreg [dreg:$0x2];
	[bflag:$0x3] =	sbarrier.arrive $0xFFFF;
	s2 =	simm.s32 @!p0 $0x1C01  }
0x7d: {  	[timem:s3], [sflag:s2] =	dma.local @!p0 [hbm:s0], s1  }
0x7e: {  	s0 =	simm.s32 @!p0 $0x1  }
0x7f: {  	_ =	swait.ge @!p0 [sflag:s0], s1  }
0x80: {  	s1 =	ssub.s32 @!p0 $0x0, s1;
	[sflag:s0] =	ssyncset.done @!p0 $0x0  }
0x81: {  	[sflag:s0] =	ssyncadd.s32 @!p0 s1  }
0x82: {  	[bflag:$0x3] =	sbarrier.arrive $0xFFFF  }
0x83: {  	_ =	shalt  }

</sc_bundles>
